<compile_context>
chip_gen: v7x
topology: tpu7x:2x2x1
jax: 0.10.2.dev20260603
libtpu: 0.0.44.dev20260713+nightly
codegen_flags: <defaults>
</compile_context>

<pallas_src>
import jax
import jax.numpy as jnp
import numpy as np
from jax.experimental import pallas as pl
from jax.experimental.pallas import tpu as pltpu

_N, _L, _K = 128, 8192, 20
_BL = 2048
_SG = _BL // 128
_GL = _L // _BL
_TINY = np.float32(np.finfo(np.float32).tiny)


def _threefry_bits(cnt):
    ks = (np.uint32(0), np.uint32(1), np.uint32(0x1BD11BDB))
    rot = (13, 15, 26, 6, 17, 29, 16, 24)

    x0 = jnp.zeros_like(cnt)
    x1 = cnt + ks[1]

    def rotl(v, d):
        return jax.lax.shift_left(v, np.uint32(d)) | jax.lax.shift_right_logical(
            v, np.uint32(32 - d))

    for i in range(5):
        rs = rot[:4] if i % 2 == 0 else rot[4:]
        for r in rs:
            x0 = x0 + x1
            x1 = rotl(x1, r)
            x1 = x0 ^ x1
        x0 = x0 + ks[(i + 1) % 3]
        x1 = x1 + ks[(i + 2) % 3] + np.uint32(i + 1)
    return x0 ^ x1


def _fused_kernel(t_ref, ab_ref, x0_ref, m_ref, c_ref, xt_ref):
    i = pl.program_id(0)
    n = i // _GL

    ab = ab_ref[t_ref[n]]
    q = (1.0 - ab) / 20.0
    a = ab + q

    kio = jax.lax.broadcasted_iota(jnp.int32, (_K, 128), 0)
    lane20 = jax.lax.broadcasted_iota(jnp.uint32, (_K, 128), 1) * np.uint32(_K) \
        + kio.astype(jnp.uint32)
    base = jnp.uint32(i * (_BL * _K))

    for s in range(_SG):
        x0s = jnp.broadcast_to(x0_ref[s, :][None, :], (_K, 128))
        ms = jnp.broadcast_to(m_ref[s, :][None, :], (_K, 128)) != 0
        oh = x0s == kio
        c_like = jnp.where(
            ms, jnp.where(oh, a, q), jnp.where(oh, 1.0, 0.0)).astype(jnp.float32)

        c_ref[s * 128:(s + 1) * 128, :] = c_like.T

        logits = jnp.log(c_like + 1e-8)

        cnt = (base + np.uint32(s * 128 * _K)) + lane20
        bits = _threefry_bits(cnt)
        fb = jax.lax.shift_right_logical(bits, np.uint32(9)) | np.uint32(0x3F800000)
        f = jax.lax.bitcast_convert_type(fb, jnp.float32) - 1.0
        u = jnp.maximum(_TINY, f + _TINY)
        g = -jnp.log(-jnp.log(u))

        s_val = logits + g
        xt_ref[s, :] = jnp.argmax(s_val, axis=0).astype(jnp.int32)


@jax.jit
def kernel(x_0, mask_generate, t, alpha_bars):
    m_i32 = mask_generate.astype(jnp.int32)
    grid = (_N * _GL,)

    c_t, x_t = pl.pallas_call(
        _fused_kernel,
        grid=grid,
        in_specs=[
            pl.BlockSpec(memory_space=pltpu.SMEM),
            pl.BlockSpec(memory_space=pltpu.SMEM),
            pl.BlockSpec((_SG, 128), lambda i: (i, 0)),
            pl.BlockSpec((_SG, 128), lambda i: (i, 0)),
        ],
        out_specs=[
            pl.BlockSpec((_BL, _K), lambda i: (i, 0)),
            pl.BlockSpec((_SG, 128), lambda i: (i, 0)),
        ],
        out_shape=[
            jax.ShapeDtypeStruct((_N * _L, _K), jnp.float32),
            jax.ShapeDtypeStruct((_N * _L // 128, 128), jnp.int32),
        ],
        compiler_params=pltpu.CompilerParams(
            dimension_semantics=("parallel",),
        ),
    )(
        t.astype(jnp.int32),
        alpha_bars,
        x_0.reshape(_N * _L // 128, 128),
        m_i32.reshape(_N * _L // 128, 128),
    )
    return c_t.reshape(_N, _L, _K), x_t.reshape(_N, _L)

# --- scband reference (transcript-rebuilt; emitter-appended) ---
"""Pipeline reference for scband-aminoacid-categorical-transition-4904852652273 (READ-ONLY COPY).

The authoritative reference and input builder live on the scoring server;
editing this copy changes nothing except your own understanding.
"""

import jax, jax.numpy as jnp
import numpy as np

NUM_STEPS = 100
NUM_CLASSES = 20
S = 0.01
N, L = 128, 8192


def _make_alpha_bars():
    T = NUM_STEPS
    t = np.arange(0, T + 1, dtype=np.float64)
    f_t = np.cos(np.pi / 2 * (t / T + S) / (1 + S)) ** 2
    alpha_bars = f_t / f_t[0]
    return jnp.asarray(alpha_bars, dtype=jnp.float32)


def clampped_one_hot(x, num_classes):
    valid = ((x >= 0) & (x < num_classes)).astype(jnp.float32)
    xc = jnp.clip(x, 0, num_classes - 1)
    y = jax.nn.one_hot(xc, num_classes, dtype=jnp.float32)
    return y * valid[..., None]


def setup_inputs(seed: int = 0) -> dict:
    key = jax.random.key(seed)
    k1, k2, k3 = jax.random.split(key, 3)
    x_0 = jax.random.randint(k1, (N, L), 0, NUM_CLASSES)
    mask_generate = jax.random.randint(k2, (N, L), 0, 2).astype(bool)
    t = jax.random.randint(k3, (N,), 0, NUM_STEPS)
    alpha_bars = _make_alpha_bars()
    return {"x_0": x_0, "mask_generate": mask_generate, "t": t, "alpha_bars": alpha_bars}


def reference(x_0, mask_generate, t, alpha_bars):
    # add_noise(x_0, mask_generate, t) of AminoacidCategoricalTransition
    K = NUM_CLASSES
    c_0 = clampped_one_hot(x_0, K)                      # (N, L, K)
    ab = alpha_bars[t][:, None, None]                   # (N, 1, 1) gather from schedule
    c_noisy = ab * c_0 + (1.0 - ab) / K                 # (N, L, K)
    c_t = jnp.where(mask_generate[..., None], c_noisy, c_0)
    # _sample: multinomial over last dim -> categorical on log-probs
    n, l, k = c_t.shape
    c = c_t.reshape(n * l, k) + 1e-08
    x_t = jax.random.categorical(jax.random.key(1), jnp.log(c), axis=-1).reshape(n, l)
    return (c_t, x_t)

if __name__ == "__main__":
    import jax
    _d = setup_inputs()
    print(jax.jit(kernel)(*tuple(_d.values())))

</pallas_src>

<mosaic_0001>
module attributes {stable_mosaic.version = 14 : i64} {
  func.func @_fused_kernel(%arg0: i32, %arg1: memref<128xi32, #tpu.memory_space<smem>>, %arg2: memref<101xf32, #tpu.memory_space<smem>>, %arg3: memref<16x128xi32, #tpu.memory_space<vmem>>, %arg4: memref<16x128xi32, #tpu.memory_space<vmem>>, %arg5: memref<2048x20xf32, #tpu.memory_space<vmem>>, %arg6: memref<16x128xi32, #tpu.memory_space<vmem>>) attributes {dimension_semantics = [#tpu.dimension_semantics<parallel>], iteration_bounds = array<i64: 512>, scalar_prefetch = 0 : i64, scratch_operands = 0 : i64, tpu.core_type = #tpu.core_type<tc>, window_params = [{transform_indices = @transform_0, window_bounds = array<i64: 128>}, {transform_indices = @transform_1, window_bounds = array<i64: 101>}, {transform_indices = @transform_2, window_bounds = array<i64: 16, 128>}, {transform_indices = @transform_3, window_bounds = array<i64: 16, 128>}, {transform_indices = @transform_4, window_bounds = array<i64: 2048, 20>}, {transform_indices = @transform_5, window_bounds = array<i64: 16, 128>}]} {
    %jit3A = arith.constant 4 : i32
    %div3A = arith.divsi %arg0, %jit3A : i32
    %sign3A = arith.constant 0 : i32
    %sign3A_0 = arith.cmpi sgt, %arg0, %sign3A : i32
    %sign3A_1 = arith.extui %sign3A_0 : i1 to i32
    %sign3A_2 = arith.constant 0 : i32
    %sign3A_3 = arith.cmpi slt, %arg0, %sign3A_2 : i32
    %sign3A_4 = arith.extui %sign3A_3 : i1 to i32
    %sign3A_5 = arith.subi %sign3A_1, %sign3A_4 : i32
    %sign3A_6 = arith.constant 0 : i32
    %sign3A_7 = arith.cmpi sgt, %jit3A, %sign3A_6 : i32
    %sign3A_8 = arith.extui %sign3A_7 : i1 to i32
    %sign3A_9 = arith.constant 0 : i32
    %sign3A_10 = arith.cmpi slt, %jit3A, %sign3A_9 : i32
    %sign3A_11 = arith.extui %sign3A_10 : i1 to i32
    %sign3A_12 = arith.subi %sign3A_8, %sign3A_11 : i32
    %ne3A = arith.cmpi ne, %sign3A_5, %sign3A_12 : i32
    %rem3A = arith.remsi %arg0, %jit3A : i32
    %ne3A_13 = arith.constant 0 : i32
    %ne3A_14 = arith.cmpi ne, %rem3A, %ne3A_13 : i32
    %and3A = arith.andi %ne3A, %ne3A_14 : i1
    %sub3A = arith.constant 1 : i32
    %sub3A_15 = arith.subi %div3A, %sub3A : i32
    %select_n3A = arith.select %and3A, %sub3A_15, %div3A : i32
    %get3A = arith.index_cast %select_n3A : i32 to index
    %get3A_16 = memref.load %arg1[%get3A] : memref<128xi32, #tpu.memory_space<smem>>
    %get3A_17 = arith.index_cast %get3A_16 : i32 to index
    %get3A_18 = memref.load %arg2[%get3A_17] : memref<101xf32, #tpu.memory_space<smem>>
    %sub3A_19 = arith.constant 1.000000e+00 : f32
    %sub3A_20 = arith.subf %sub3A_19, %get3A_18 : f32
    %div3A_21 = arith.constant 2.000000e+01 : f32
    %div3A_22 = arith.divf %sub3A_20, %div3A_21 : f32
    %add3A = arith.addf %get3A_18, %div3A_22 : f32
    %iota3A = tpu.iota {dimensions = array<i32: 0>} : vector<20x128xi32>
    %iota3A_23 = tpu.iota {dimensions = array<i32: 1>} : vector<20x128xi32>
    %mul3A = arith.constant 20 : i32
    %mul3A_24 = vector.broadcast %mul3A : i32 to vector<20x128xi32>
    %mul3A_25 = arith.muli %iota3A_23, %mul3A_24 : vector<20x128xi32>
    %add3A_26 = arith.addi %mul3A_25, %iota3A : vector<20x128xi32>
    %mul3A_27 = arith.constant 40960 : i32
    %mul3A_28 = arith.muli %arg0, %mul3A_27 : i32
    %get3A_29 = arith.constant 0 : index
    %get3A_30 = arith.constant 0 : index
    %get3A_31 = vector.load %arg3[%get3A_29, %get3A_30] : memref<16x128xi32, #tpu.memory_space<vmem>>, vector<1x128xi32>
    %get3A_32 = vector.shape_cast %get3A_31 : vector<1x128xi32> to vector<128xi32>
    %broadcast_in_dim3A = vector.shape_cast %get3A_32 : vector<128xi32> to vector<1x128xi32>
    %broadcast_in_dim3A_33 = vector.shape_cast %broadcast_in_dim3A : vector<1x128xi32> to vector<1x128xi32>
    %broadcast_in_dim3A_34 = vector.broadcast %broadcast_in_dim3A_33 : vector<1x128xi32> to vector<20x128xi32>
    %get3A_35 = arith.constant 0 : index
    %get3A_36 = arith.constant 0 : index
    %get3A_37 = vector.load %arg4[%get3A_35, %get3A_36] : memref<16x128xi32, #tpu.memory_space<vmem>>, vector<1x128xi32>
    %get3A_38 = vector.shape_cast %get3A_37 : vector<1x128xi32> to vector<128xi32>
    %broadcast_in_dim3A_39 = vector.shape_cast %get3A_38 : vector<128xi32> to vector<1x128xi32>
    %broadcast_in_dim3A_40 = vector.shape_cast %broadcast_in_dim3A_39 : vector<1x128xi32> to vector<1x128xi32>
    %broadcast_in_dim3A_41 = vector.broadcast %broadcast_in_dim3A_40 : vector<1x128xi32> to vector<20x128xi32>
    %ne3A_42 = arith.constant 0 : i32
    %ne3A_43 = vector.broadcast %ne3A_42 : i32 to vector<20x128xi32>
    %ne3A_44 = arith.cmpi ne, %broadcast_in_dim3A_41, %ne3A_43 : vector<20x128xi32>
    %eq3A = arith.cmpi eq, %broadcast_in_dim3A_34, %iota3A : vector<20x128xi32>
    %broadcast_in_dim3A_45 = vector.broadcast %add3A : f32 to vector<20x128xf32>
    %broadcast_in_dim3A_46 = vector.broadcast %div3A_22 : f32 to vector<20x128xf32>
    %select_n3A_47 = arith.select %eq3A, %broadcast_in_dim3A_45, %broadcast_in_dim3A_46 : vector<20x128xi1>, vector<20x128xf32>
    %jit3A_48 = arith.constant 1.000000e+00 : f32
    %jit3A_49 = arith.constant 0.000000e+00 : f32
    %broadcast_in_dim3A_50 = vector.broadcast %jit3A_48 : f32 to vector<20x128xf32>
    %broadcast_in_dim3A_51 = vector.broadcast %jit3A_49 : f32 to vector<20x128xf32>
    %select_n3A_52 = arith.select %eq3A, %broadcast_in_dim3A_50, %broadcast_in_dim3A_51 : vector<20x128xi1>, vector<20x128xf32>
    %select_n3A_53 = arith.select %ne3A_44, %select_n3A_47, %select_n3A_52 : vector<20x128xi1>, vector<20x128xf32>
    %transpose3A = tpu.transpose %select_n3A_53, [1, 0] : vector<20x128xf32> -> vector<128x20xf32>
    %swap3A = arith.constant 0 : index
    %swap3A_54 = arith.constant 0 : index
    %swap3A_55 = vector.load %arg5[%swap3A, %swap3A_54] : memref<2048x20xf32, #tpu.memory_space<vmem>>, vector<128x20xf32>
    tpu.vector_store %arg5[%swap3A, %swap3A_54], %transpose3A {strides = array<i32>} : memref<2048x20xf32, #tpu.memory_space<vmem>>, vector<128x20xf32>,
    %add3A_56 = arith.constant 9.99999993E-9 : f32
    %add3A_57 = vector.broadcast %add3A_56 : f32 to vector<20x128xf32>
    %add3A_58 = arith.addf %select_n3A_53, %add3A_57 : vector<20x128xf32>
    %log3A = math.log %add3A_58 : vector<20x128xf32>
    %add3A_59 = arith.constant 0 : i32
    %add3A_60 = arith.addi %mul3A_28, %add3A_59 : i32
    %add3A_61 = vector.broadcast %add3A_60 : i32 to vector<20x128xi32>
    %add3A_62 = arith.addi %add3A_61, %add3A_26 : vector<20x128xi32>
    %broadcast_in_dim3A_63 = arith.constant 0 : i32
    %broadcast_in_dim3A_64 = vector.broadcast %broadcast_in_dim3A_63 : i32 to vector<20x128xi32>
    %add3A_65 = arith.constant 1 : i32
    %add3A_66 = vector.broadcast %add3A_65 : i32 to vector<20x128xi32>
    %add3A_67 = arith.addi %add3A_62, %add3A_66 : vector<20x128xi32>
    %add3A_68 = arith.addi %broadcast_in_dim3A_64, %add3A_67 : vector<20x128xi32>
    %shift_left3A = arith.constant 13 : i32
    %shift_left3A_69 = vector.broadcast %shift_left3A : i32 to vector<20x128xi32>
    %shift_left3A_70 = arith.shli %add3A_67, %shift_left3A_69 : vector<20x128xi32>
    %shift_right_logical3A = arith.constant 19 : i32
    %shift_right_logical3A_71 = vector.broadcast %shift_right_logical3A : i32 to vector<20x128xi32>
    %shift_right_logical3A_72 = arith.shrui %add3A_67, %shift_right_logical3A_71 : vector<20x128xi32>
    %or3A = arith.ori %shift_left3A_70, %shift_right_logical3A_72 : vector<20x128xi32>
    %xor3A = arith.xori %add3A_68, %or3A : vector<20x128xi32>
    %add3A_73 = arith.addi %add3A_68, %xor3A : vector<20x128xi32>
    %shift_left3A_74 = arith.constant 15 : i32
    %shift_left3A_75 = vector.broadcast %shift_left3A_74 : i32 to vector<20x128xi32>
    %shift_left3A_76 = arith.shli %xor3A, %shift_left3A_75 : vector<20x128xi32>
    %shift_right_logical3A_77 = arith.constant 17 : i32
    %shift_right_logical3A_78 = vector.broadcast %shift_right_logical3A_77 : i32 to vector<20x128xi32>
    %shift_right_logical3A_79 = arith.shrui %xor3A, %shift_right_logical3A_78 : vector<20x128xi32>
    %or3A_80 = arith.ori %shift_left3A_76, %shift_right_logical3A_79 : vector<20x128xi32>
    %xor3A_81 = arith.xori %add3A_73, %or3A_80 : vector<20x128xi32>
    %add3A_82 = arith.addi %add3A_73, %xor3A_81 : vector<20x128xi32>
    %shift_left3A_83 = arith.constant 26 : i32
    %shift_left3A_84 = vector.broadcast %shift_left3A_83 : i32 to vector<20x128xi32>
    %shift_left3A_85 = arith.shli %xor3A_81, %shift_left3A_84 : vector<20x128xi32>
    %shift_right_logical3A_86 = arith.constant 6 : i32
    %shift_right_logical3A_87 = vector.broadcast %shift_right_logical3A_86 : i32 to vector<20x128xi32>
    %shift_right_logical3A_88 = arith.shrui %xor3A_81, %shift_right_logical3A_87 : vector<20x128xi32>
    %or3A_89 = arith.ori %shift_left3A_85, %shift_right_logical3A_88 : vector<20x128xi32>
    %xor3A_90 = arith.xori %add3A_82, %or3A_89 : vector<20x128xi32>
    %add3A_91 = arith.addi %add3A_82, %xor3A_90 : vector<20x128xi32>
    %shift_left3A_92 = arith.constant 6 : i32
    %shift_left3A_93 = vector.broadcast %shift_left3A_92 : i32 to vector<20x128xi32>
    %shift_left3A_94 = arith.shli %xor3A_90, %shift_left3A_93 : vector<20x128xi32>
    %shift_right_logical3A_95 = arith.constant 26 : i32
    %shift_right_logical3A_96 = vector.broadcast %shift_right_logical3A_95 : i32 to vector<20x128xi32>
    %shift_right_logical3A_97 = arith.shrui %xor3A_90, %shift_right_logical3A_96 : vector<20x128xi32>
    %or3A_98 = arith.ori %shift_left3A_94, %shift_right_logical3A_97 : vector<20x128xi32>
    %xor3A_99 = arith.xori %add3A_91, %or3A_98 : vector<20x128xi32>
    %add3A_100 = arith.constant 1 : i32
    %add3A_101 = vector.broadcast %add3A_100 : i32 to vector<20x128xi32>
    %add3A_102 = arith.addi %add3A_91, %add3A_101 : vector<20x128xi32>
    %add3A_103 = arith.constant 466688987 : i32
    %add3A_104 = vector.broadcast %add3A_103 : i32 to vector<20x128xi32>
    %add3A_105 = arith.addi %xor3A_99, %add3A_104 : vector<20x128xi32>
    %add3A_106 = arith.constant 1 : i32
    %add3A_107 = vector.broadcast %add3A_106 : i32 to vector<20x128xi32>
    %add3A_108 = arith.addi %add3A_105, %add3A_107 : vector<20x128xi32>
    %add3A_109 = arith.addi %add3A_102, %add3A_108 : vector<20x128xi32>
    %shift_left3A_110 = arith.constant 17 : i32
    %shift_left3A_111 = vector.broadcast %shift_left3A_110 : i32 to vector<20x128xi32>
    %shift_left3A_112 = arith.shli %add3A_108, %shift_left3A_111 : vector<20x128xi32>
    %shift_right_logical3A_113 = arith.constant 15 : i32
    %shift_right_logical3A_114 = vector.broadcast %shift_right_logical3A_113 : i32 to vector<20x128xi32>
    %shift_right_logical3A_115 = arith.shrui %add3A_108, %shift_right_logical3A_114 : vector<20x128xi32>
    %or3A_116 = arith.ori %shift_left3A_112, %shift_right_logical3A_115 : vector<20x128xi32>
    %xor3A_117 = arith.xori %add3A_109, %or3A_116 : vector<20x128xi32>
    %add3A_118 = arith.addi %add3A_109, %xor3A_117 : vector<20x128xi32>
    %shift_left3A_119 = arith.constant 29 : i32
    %shift_left3A_120 = vector.broadcast %shift_left3A_119 : i32 to vector<20x128xi32>
    %shift_left3A_121 = arith.shli %xor3A_117, %shift_left3A_120 : vector<20x128xi32>
    %shift_right_logical3A_122 = arith.constant 3 : i32
    %shift_right_logical3A_123 = vector.broadcast %shift_right_logical3A_122 : i32 to vector<20x128xi32>
    %shift_right_logical3A_124 = arith.shrui %xor3A_117, %shift_right_logical3A_123 : vector<20x128xi32>
    %or3A_125 = arith.ori %shift_left3A_121, %shift_right_logical3A_124 : vector<20x128xi32>
    %xor3A_126 = arith.xori %add3A_118, %or3A_125 : vector<20x128xi32>
    %add3A_127 = arith.addi %add3A_118, %xor3A_126 : vector<20x128xi32>
    %shift_left3A_128 = arith.constant 16 : i32
    %shift_left3A_129 = vector.broadcast %shift_left3A_128 : i32 to vector<20x128xi32>
    %shift_left3A_130 = arith.shli %xor3A_126, %shift_left3A_129 : vector<20x128xi32>
    %shift_right_logical3A_131 = arith.constant 16 : i32
    %shift_right_logical3A_132 = vector.broadcast %shift_right_logical3A_131 : i32 to vector<20x128xi32>
    %shift_right_logical3A_133 = arith.shrui %xor3A_126, %shift_right_logical3A_132 : vector<20x128xi32>
    %or3A_134 = arith.ori %shift_left3A_130, %shift_right_logical3A_133 : vector<20x128xi32>
    %xor3A_135 = arith.xori %add3A_127, %or3A_134 : vector<20x128xi32>
    %add3A_136 = arith.addi %add3A_127, %xor3A_135 : vector<20x128xi32>
    %shift_left3A_137 = arith.constant 24 : i32
    %shift_left3A_138 = vector.broadcast %shift_left3A_137 : i32 to vector<20x128xi32>
    %shift_left3A_139 = arith.shli %xor3A_135, %shift_left3A_138 : vector<20x128xi32>
    %shift_right_logical3A_140 = arith.constant 8 : i32
    %shift_right_logical3A_141 = vector.broadcast %shift_right_logical3A_140 : i32 to vector<20x128xi32>
    %shift_right_logical3A_142 = arith.shrui %xor3A_135, %shift_right_logical3A_141 : vector<20x128xi32>
    %or3A_143 = arith.ori %shift_left3A_139, %shift_right_logical3A_142 : vector<20x128xi32>
    %xor3A_144 = arith.xori %add3A_136, %or3A_143 : vector<20x128xi32>
    %add3A_145 = arith.constant 466688987 : i32
    %add3A_146 = vector.broadcast %add3A_145 : i32 to vector<20x128xi32>
    %add3A_147 = arith.addi %add3A_136, %add3A_146 : vector<20x128xi32>
    %add3A_148 = arith.constant 0 : i32
    %add3A_149 = vector.broadcast %add3A_148 : i32 to vector<20x128xi32>
    %add3A_150 = arith.addi %xor3A_144, %add3A_149 : vector<20x128xi32>
    %add3A_151 = arith.constant 2 : i32
    %add3A_152 = vector.broadcast %add3A_151 : i32 to vector<20x128xi32>
    %add3A_153 = arith.addi %add3A_150, %add3A_152 : vector<20x128xi32>
    %add3A_154 = arith.addi %add3A_147, %add3A_153 : vector<20x128xi32>
    %shift_left3A_155 = arith.constant 13 : i32
    %shift_left3A_156 = vector.broadcast %shift_left3A_155 : i32 to vector<20x128xi32>
    %shift_left3A_157 = arith.shli %add3A_153, %shift_left3A_156 : vector<20x128xi32>
    %shift_right_logical3A_158 = arith.constant 19 : i32
    %shift_right_logical3A_159 = vector.broadcast %shift_right_logical3A_158 : i32 to vector<20x128xi32>
    %shift_right_logical3A_160 = arith.shrui %add3A_153, %shift_right_logical3A_159 : vector<20x128xi32>
    %or3A_161 = arith.ori %shift_left3A_157, %shift_right_logical3A_160 : vector<20x128xi32>
    %xor3A_162 = arith.xori %add3A_154, %or3A_161 : vector<20x128xi32>
    %add3A_163 = arith.addi %add3A_154, %xor3A_162 : vector<20x128xi32>
    %shift_left3A_164 = arith.constant 15 : i32
    %shift_left3A_165 = vector.broadcast %shift_left3A_164 : i32 to vector<20x128xi32>
    %shift_left3A_166 = arith.shli %xor3A_162, %shift_left3A_165 : vector<20x128xi32>
    %shift_right_logical3A_167 = arith.constant 17 : i32
    %shift_right_logical3A_168 = vector.broadcast %shift_right_logical3A_167 : i32 to vector<20x128xi32>
    %shift_right_logical3A_169 = arith.shrui %xor3A_162, %shift_right_logical3A_168 : vector<20x128xi32>
    %or3A_170 = arith.ori %shift_left3A_166, %shift_right_logical3A_169 : vector<20x128xi32>
    %xor3A_171 = arith.xori %add3A_163, %or3A_170 : vector<20x128xi32>
    %add3A_172 = arith.addi %add3A_163, %xor3A_171 : vector<20x128xi32>
    %shift_left3A_173 = arith.constant 26 : i32
    %shift_left3A_174 = vector.broadcast %shift_left3A_173 : i32 to vector<20x128xi32>
    %shift_left3A_175 = arith.shli %xor3A_171, %shift_left3A_174 : vector<20x128xi32>
    %shift_right_logical3A_176 = arith.constant 6 : i32
    %shift_right_logical3A_177 = vector.broadcast %shift_right_logical3A_176 : i32 to vector<20x128xi32>
    %shift_right_logical3A_178 = arith.shrui %xor3A_171, %shift_right_logical3A_177 : vector<20x128xi32>
    %or3A_179 = arith.ori %shift_left3A_175, %shift_right_logical3A_178 : vector<20x128xi32>
    %xor3A_180 = arith.xori %add3A_172, %or3A_179 : vector<20x128xi32>
    %add3A_181 = arith.addi %add3A_172, %xor3A_180 : vector<20x128xi32>
    %shift_left3A_182 = arith.constant 6 : i32
    %shift_left3A_183 = vector.broadcast %shift_left3A_182 : i32 to vector<20x128xi32>
    %shift_left3A_184 = arith.shli %xor3A_180, %shift_left3A_183 : vector<20x128xi32>
    %shift_right_logical3A_185 = arith.constant 26 : i32
    %shift_right_logical3A_186 = vector.broadcast %shift_right_logical3A_185 : i32 to vector<20x128xi32>
    %shift_right_logical3A_187 = arith.shrui %xor3A_180, %shift_right_logical3A_186 : vector<20x128xi32>
    %or3A_188 = arith.ori %shift_left3A_184, %shift_right_logical3A_187 : vector<20x128xi32>
    %xor3A_189 = arith.xori %add3A_181, %or3A_188 : vector<20x128xi32>
    %add3A_190 = arith.constant 0 : i32
    %add3A_191 = vector.broadcast %add3A_190 : i32 to vector<20x128xi32>
    %add3A_192 = arith.addi %add3A_181, %add3A_191 : vector<20x128xi32>
    %add3A_193 = arith.constant 1 : i32
    %add3A_194 = vector.broadcast %add3A_193 : i32 to vector<20x128xi32>
    %add3A_195 = arith.addi %xor3A_189, %add3A_194 : vector<20x128xi32>
    %add3A_196 = arith.constant 3 : i32
    %add3A_197 = vector.broadcast %add3A_196 : i32 to vector<20x128xi32>
    %add3A_198 = arith.addi %add3A_195, %add3A_197 : vector<20x128xi32>
    %add3A_199 = arith.addi %add3A_192, %add3A_198 : vector<20x128xi32>
    %shift_left3A_200 = arith.constant 17 : i32
    %shift_left3A_201 = vector.broadcast %shift_left3A_200 : i32 to vector<20x128xi32>
    %shift_left3A_202 = arith.shli %add3A_198, %shift_left3A_201 : vector<20x128xi32>
    %shift_right_logical3A_203 = arith.constant 15 : i32
    %shift_right_logical3A_204 = vector.broadcast %shift_right_logical3A_203 : i32 to vector<20x128xi32>
    %shift_right_logical3A_205 = arith.shrui %add3A_198, %shift_right_logical3A_204 : vector<20x128xi32>
    %or3A_206 = arith.ori %shift_left3A_202, %shift_right_logical3A_205 : vector<20x128xi32>
    %xor3A_207 = arith.xori %add3A_199, %or3A_206 : vector<20x128xi32>
    %add3A_208 = arith.addi %add3A_199, %xor3A_207 : vector<20x128xi32>
    %shift_left3A_209 = arith.constant 29 : i32
    %shift_left3A_210 = vector.broadcast %shift_left3A_209 : i32 to vector<20x128xi32>
    %shift_left3A_211 = arith.shli %xor3A_207, %shift_left3A_210 : vector<20x128xi32>
    %shift_right_logical3A_212 = arith.constant 3 : i32
    %shift_right_logical3A_213 = vector.broadcast %shift_right_logical3A_212 : i32 to vector<20x128xi32>
    %shift_right_logical3A_214 = arith.shrui %xor3A_207, %shift_right_logical3A_213 : vector<20x128xi32>
    %or3A_215 = arith.ori %shift_left3A_211, %shift_right_logical3A_214 : vector<20x128xi32>
    %xor3A_216 = arith.xori %add3A_208, %or3A_215 : vector<20x128xi32>
    %add3A_217 = arith.addi %add3A_208, %xor3A_216 : vector<20x128xi32>
    %shift_left3A_218 = arith.constant 16 : i32
    %shift_left3A_219 = vector.broadcast %shift_left3A_218 : i32 to vector<20x128xi32>
    %shift_left3A_220 = arith.shli %xor3A_216, %shift_left3A_219 : vector<20x128xi32>
    %shift_right_logical3A_221 = arith.constant 16 : i32
    %shift_right_logical3A_222 = vector.broadcast %shift_right_logical3A_221 : i32 to vector<20x128xi32>
    %shift_right_logical3A_223 = arith.shrui %xor3A_216, %shift_right_logical3A_222 : vector<20x128xi32>
    %or3A_224 = arith.ori %shift_left3A_220, %shift_right_logical3A_223 : vector<20x128xi32>
    %xor3A_225 = arith.xori %add3A_217, %or3A_224 : vector<20x128xi32>
    %add3A_226 = arith.addi %add3A_217, %xor3A_225 : vector<20x128xi32>
    %shift_left3A_227 = arith.constant 24 : i32
    %shift_left3A_228 = vector.broadcast %shift_left3A_227 : i32 to vector<20x128xi32>
    %shift_left3A_229 = arith.shli %xor3A_225, %shift_left3A_228 : vector<20x128xi32>
    %shift_right_logical3A_230 = arith.constant 8 : i32
    %shift_right_logical3A_231 = vector.broadcast %shift_right_logical3A_230 : i32 to vector<20x128xi32>
    %shift_right_logical3A_232 = arith.shrui %xor3A_225, %shift_right_logical3A_231 : vector<20x128xi32>
    %or3A_233 = arith.ori %shift_left3A_229, %shift_right_logical3A_232 : vector<20x128xi32>
    %xor3A_234 = arith.xori %add3A_226, %or3A_233 : vector<20x128xi32>
    %add3A_235 = arith.constant 1 : i32
    %add3A_236 = vector.broadcast %add3A_235 : i32 to vector<20x128xi32>
    %add3A_237 = arith.addi %add3A_226, %add3A_236 : vector<20x128xi32>
    %add3A_238 = arith.constant 466688987 : i32
    %add3A_239 = vector.broadcast %add3A_238 : i32 to vector<20x128xi32>
    %add3A_240 = arith.addi %xor3A_234, %add3A_239 : vector<20x128xi32>
    %add3A_241 = arith.constant 4 : i32
    %add3A_242 = vector.broadcast %add3A_241 : i32 to vector<20x128xi32>
    %add3A_243 = arith.addi %add3A_240, %add3A_242 : vector<20x128xi32>
    %add3A_244 = arith.addi %add3A_237, %add3A_243 : vector<20x128xi32>
    %shift_left3A_245 = arith.constant 13 : i32
    %shift_left3A_246 = vector.broadcast %shift_left3A_245 : i32 to vector<20x128xi32>
    %shift_left3A_247 = arith.shli %add3A_243, %shift_left3A_246 : vector<20x128xi32>
    %shift_right_logical3A_248 = arith.constant 19 : i32
    %shift_right_logical3A_249 = vector.broadcast %shift_right_logical3A_248 : i32 to vector<20x128xi32>
    %shift_right_logical3A_250 = arith.shrui %add3A_243, %shift_right_logical3A_249 : vector<20x128xi32>
    %or3A_251 = arith.ori %shift_left3A_247, %shift_right_logical3A_250 : vector<20x128xi32>
    %xor3A_252 = arith.xori %add3A_244, %or3A_251 : vector<20x128xi32>
    %add3A_253 = arith.addi %add3A_244, %xor3A_252 : vector<20x128xi32>
    %shift_left3A_254 = arith.constant 15 : i32
    %shift_left3A_255 = vector.broadcast %shift_left3A_254 : i32 to vector<20x128xi32>
    %shift_left3A_256 = arith.shli %xor3A_252, %shift_left3A_255 : vector<20x128xi32>
    %shift_right_logical3A_257 = arith.constant 17 : i32
    %shift_right_logical3A_258 = vector.broadcast %shift_right_logical3A_257 : i32 to vector<20x128xi32>
    %shift_right_logical3A_259 = arith.shrui %xor3A_252, %shift_right_logical3A_258 : vector<20x128xi32>
    %or3A_260 = arith.ori %shift_left3A_256, %shift_right_logical3A_259 : vector<20x128xi32>
    %xor3A_261 = arith.xori %add3A_253, %or3A_260 : vector<20x128xi32>
    %add3A_262 = arith.addi %add3A_253, %xor3A_261 : vector<20x128xi32>
    %shift_left3A_263 = arith.constant 26 : i32
    %shift_left3A_264 = vector.broadcast %shift_left3A_263 : i32 to vector<20x128xi32>
    %shift_left3A_265 = arith.shli %xor3A_261, %shift_left3A_264 : vector<20x128xi32>
    %shift_right_logical3A_266 = arith.constant 6 : i32
    %shift_right_logical3A_267 = vector.broadcast %shift_right_logical3A_266 : i32 to vector<20x128xi32>
    %shift_right_logical3A_268 = arith.shrui %xor3A_261, %shift_right_logical3A_267 : vector<20x128xi32>
    %or3A_269 = arith.ori %shift_left3A_265, %shift_right_logical3A_268 : vector<20x128xi32>
    %xor3A_270 = arith.xori %add3A_262, %or3A_269 : vector<20x128xi32>
    %add3A_271 = arith.addi %add3A_262, %xor3A_270 : vector<20x128xi32>
    %shift_left3A_272 = arith.constant 6 : i32
    %shift_left3A_273 = vector.broadcast %shift_left3A_272 : i32 to vector<20x128xi32>
    %shift_left3A_274 = arith.shli %xor3A_270, %shift_left3A_273 : vector<20x128xi32>
    %shift_right_logical3A_275 = arith.constant 26 : i32
    %shift_right_logical3A_276 = vector.broadcast %shift_right_logical3A_275 : i32 to vector<20x128xi32>
    %shift_right_logical3A_277 = arith.shrui %xor3A_270, %shift_right_logical3A_276 : vector<20x128xi32>
    %or3A_278 = arith.ori %shift_left3A_274, %shift_right_logical3A_277 : vector<20x128xi32>
    %xor3A_279 = arith.xori %add3A_271, %or3A_278 : vector<20x128xi32>
    %add3A_280 = arith.constant 466688987 : i32
    %add3A_281 = vector.broadcast %add3A_280 : i32 to vector<20x128xi32>
    %add3A_282 = arith.addi %add3A_271, %add3A_281 : vector<20x128xi32>
    %add3A_283 = arith.constant 0 : i32
    %add3A_284 = vector.broadcast %add3A_283 : i32 to vector<20x128xi32>
    %add3A_285 = arith.addi %xor3A_279, %add3A_284 : vector<20x128xi32>
    %add3A_286 = arith.constant 5 : i32
    %add3A_287 = vector.broadcast %add3A_286 : i32 to vector<20x128xi32>
    %add3A_288 = arith.addi %add3A_285, %add3A_287 : vector<20x128xi32>
    %xor3A_289 = arith.xori %add3A_282, %add3A_288 : vector<20x128xi32>
    %shift_right_logical3A_290 = arith.constant 9 : i32
    %shift_right_logical3A_291 = vector.broadcast %shift_right_logical3A_290 : i32 to vector<20x128xi32>
    %shift_right_logical3A_292 = arith.shrui %xor3A_289, %shift_right_logical3A_291 : vector<20x128xi32>
    %or3A_293 = arith.constant 1065353216 : i32
    %or3A_294 = vector.broadcast %or3A_293 : i32 to vector<20x128xi32>
    %or3A_295 = arith.ori %shift_right_logical3A_292, %or3A_294 : vector<20x128xi32>
    %bitcast_convert_type3A = tpu.bitcast %or3A_295 : vector<20x128xi32> -> vector<20x128xf32>
    %sub3A_296 = arith.constant 1.000000e+00 : f32
    %sub3A_297 = vector.broadcast %sub3A_296 : f32 to vector<20x128xf32>
    %sub3A_298 = arith.subf %bitcast_convert_type3A, %sub3A_297 : vector<20x128xf32>
    %add3A_299 = arith.constant 1.17549435E-38 : f32
    %add3A_300 = vector.broadcast %add3A_299 : f32 to vector<20x128xf32>
    %add3A_301 = arith.addf %sub3A_298, %add3A_300 : vector<20x128xf32>
    %max3A = arith.constant 1.17549435E-38 : f32
    %max3A_302 = vector.broadcast %max3A : f32 to vector<20x128xf32>
    %max3A_303 = arith.maximumf %max3A_302, %add3A_301 : vector<20x128xf32>
    %log3A_304 = math.log %max3A_303 : vector<20x128xf32>
    %neg3A = arith.constant 0.000000e+00 : f32
    %neg3A_305 = vector.broadcast %neg3A : f32 to vector<20x128xf32>
    %neg3A_306 = arith.subf %neg3A_305, %log3A_304 : vector<20x128xf32>
    %log3A_307 = math.log %neg3A_306 : vector<20x128xf32>
    %neg3A_308 = arith.constant 0.000000e+00 : f32
    %neg3A_309 = vector.broadcast %neg3A_308 : f32 to vector<20x128xf32>
    %neg3A_310 = arith.subf %neg3A_309, %log3A_307 : vector<20x128xf32>
    %add3A_311 = arith.addf %log3A, %neg3A_310 : vector<20x128xf32>
    %argmax3A = tpu.reduce_index %add3A_311 {axis = 0 : i32, kind = #tpu.reduction_kind<arg_max>} : vector<20x128xf32> -> vector<128xi32>
    %swap3A_312 = arith.constant 0 : index
    %swap3A_313 = arith.constant 0 : index
    %swap3A_314 = vector.load %arg6[%swap3A_312, %swap3A_313] : memref<16x128xi32, #tpu.memory_space<vmem>>, vector<1x128xi32>
    %swap3A_315 = vector.shape_cast %swap3A_314 : vector<1x128xi32> to vector<128xi32>
    %swap3A_316 = vector.shape_cast %argmax3A : vector<128xi32> to vector<1x128xi32>
    tpu.vector_store %arg6[%swap3A_312, %swap3A_313], %swap3A_316 {strides = array<i32>} : memref<16x128xi32, #tpu.memory_space<vmem>>, vector<1x128xi32>,
    %get3A_317 = arith.constant 1 : index
    %get3A_318 = arith.constant 0 : index
    %get3A_319 = vector.load %arg3[%get3A_317, %get3A_318] : memref<16x128xi32, #tpu.memory_space<vmem>>, vector<1x128xi32>
    %get3A_320 = vector.shape_cast %get3A_319 : vector<1x128xi32> to vector<128xi32>
    %broadcast_in_dim3A_321 = vector.shape_cast %get3A_320 : vector<128xi32> to vector<1x128xi32>
    %broadcast_in_dim3A_322 = vector.shape_cast %broadcast_in_dim3A_321 : vector<1x128xi32> to vector<1x128xi32>
    %broadcast_in_dim3A_323 = vector.broadcast %broadcast_in_dim3A_322 : vector<1x128xi32> to vector<20x128xi32>
    %get3A_324 = arith.constant 1 : index
    %get3A_325 = arith.constant 0 : index
    %get3A_326 = vector.load %arg4[%get3A_324, %get3A_325] : memref<16x128xi32, #tpu.memory_space<vmem>>, vector<1x128xi32>
    %get3A_327 = vector.shape_cast %get3A_326 : vector<1x128xi32> to vector<128xi32>
    %broadcast_in_dim3A_328 = vector.shape_cast %get3A_327 : vector<128xi32> to vector<1x128xi32>
    %broadcast_in_dim3A_329 = vector.shape_cast %broadcast_in_dim3A_328 : vector<1x128xi32> to vector<1x128xi32>
    %broadcast_in_dim3A_330 = vector.broadcast %broadcast_in_dim3A_329 : vector<1x128xi32> to vector<20x128xi32>
    %ne3A_331 = arith.constant 0 : i32
    %ne3A_332 = vector.broadcast %ne3A_331 : i32 to vector<20x128xi32>
    %ne3A_333 = arith.cmpi ne, %broadcast_in_dim3A_330, %ne3A_332 : vector<20x128xi32>
    %eq3A_334 = arith.cmpi eq, %broadcast_in_dim3A_323, %iota3A : vector<20x128xi32>
    %broadcast_in_dim3A_335 = vector.broadcast %add3A : f32 to vector<20x128xf32>
    %broadcast_in_dim3A_336 = vector.broadcast %div3A_22 : f32 to vector<20x128xf32>
    %select_n3A_337 = arith.select %eq3A_334, %broadcast_in_dim3A_335, %broadcast_in_dim3A_336 : vector<20x128xi1>, vector<20x128xf32>
    %jit3A_338 = arith.constant 1.000000e+00 : f32
    %jit3A_339 = arith.constant 0.000000e+00 : f32
    %broadcast_in_dim3A_340 = vector.broadcast %jit3A_338 : f32 to vector<20x128xf32>
    %broadcast_in_dim3A_341 = vector.broadcast %jit3A_339 : f32 to vector<20x128xf32>
    %select_n3A_342 = arith.select %eq3A_334, %broadcast_in_dim3A_340, %broadcast_in_dim3A_341 : vector<20x128xi1>, vector<20x128xf32>
    %select_n3A_343 = arith.select %ne3A_333, %select_n3A_337, %select_n3A_342 : vector<20x128xi1>, vector<20x128xf32>
    %transpose3A_344 = tpu.transpose %select_n3A_343, [1, 0] : vector<20x128xf32> -> vector<128x20xf32>
    %swap3A_345 = arith.constant 128 : index
    %swap3A_346 = arith.constant 0 : index
    %swap3A_347 = vector.load %arg5[%swap3A_345, %swap3A_346] : memref<2048x20xf32, #tpu.memory_space<vmem>>, vector<128x20xf32>
    tpu.vector_store %arg5[%swap3A_345, %swap3A_346], %transpose3A_344 {strides = array<i32>} : memref<2048x20xf32, #tpu.memory_space<vmem>>, vector<128x20xf32>,
    %add3A_348 = arith.constant 9.99999993E-9 : f32
    %add3A_349 = vector.broadcast %add3A_348 : f32 to vector<20x128xf32>
    %add3A_350 = arith.addf %select_n3A_343, %add3A_349 : vector<20x128xf32>
    %log3A_351 = math.log %add3A_350 : vector<20x128xf32>
    %add3A_352 = arith.constant 2560 : i32
    %add3A_353 = arith.addi %mul3A_28, %add3A_352 : i32
    %add3A_354 = vector.broadcast %add3A_353 : i32 to vector<20x128xi32>
    %add3A_355 = arith.addi %add3A_354, %add3A_26 : vector<20x128xi32>
    %broadcast_in_dim3A_356 = arith.constant 0 : i32
    %broadcast_in_dim3A_357 = vector.broadcast %broadcast_in_dim3A_356 : i32 to vector<20x128xi32>
    %add3A_358 = arith.constant 1 : i32
    %add3A_359 = vector.broadcast %add3A_358 : i32 to vector<20x128xi32>
    %add3A_360 = arith.addi %add3A_355, %add3A_359 : vector<20x128xi32>
    %add3A_361 = arith.addi %broadcast_in_dim3A_357, %add3A_360 : vector<20x128xi32>
    %shift_left3A_362 = arith.constant 13 : i32
    %shift_left3A_363 = vector.broadcast %shift_left3A_362 : i32 to vector<20x128xi32>
    %shift_left3A_364 = arith.shli %add3A_360, %shift_left3A_363 : vector<20x128xi32>
    %shift_right_logical3A_365 = arith.constant 19 : i32
    %shift_right_logical3A_366 = vector.broadcast %shift_right_logical3A_365 : i32 to vector<20x128xi32>
    %shift_right_logical3A_367 = arith.shrui %add3A_360, %shift_right_logical3A_366 : vector<20x128xi32>
    %or3A_368 = arith.ori %shift_left3A_364, %shift_right_logical3A_367 : vector<20x128xi32>
    %xor3A_369 = arith.xori %add3A_361, %or3A_368 : vector<20x128xi32>
    %add3A_370 = arith.addi %add3A_361, %xor3A_369 : vector<20x128xi32>
    %shift_left3A_371 = arith.constant 15 : i32
    %shift_left3A_372 = vector.broadcast %shift_left3A_371 : i32 to vector<20x128xi32>
    %shift_left3A_373 = arith.shli %xor3A_369, %shift_left3A_372 : vector<20x128xi32>
    %shift_right_logical3A_374 = arith.constant 17 : i32
    %shift_right_logical3A_375 = vector.broadcast %shift_right_logical3A_374 : i32 to vector<20x128xi32>
    %shift_right_logical3A_376 = arith.shrui %xor3A_369, %shift_right_logical3A_375 : vector<20x128xi32>
    %or3A_377 = arith.ori %shift_left3A_373, %shift_right_logical3A_376 : vector<20x128xi32>
    %xor3A_378 = arith.xori %add3A_370, %or3A_377 : vector<20x128xi32>
    %add3A_379 = arith.addi %add3A_370, %xor3A_378 : vector<20x128xi32>
    %shift_left3A_380 = arith.constant 26 : i32
    %shift_left3A_381 = vector.broadcast %shift_left3A_380 : i32 to vector<20x128xi32>
    %shift_left3A_382 = arith.shli %xor3A_378, %shift_left3A_381 : vector<20x128xi32>
    %shift_right_logical3A_383 = arith.constant 6 : i32
    %shift_right_logical3A_384 = vector.broadcast %shift_right_logical3A_383 : i32 to vector<20x128xi32>
    %shift_right_logical3A_385 = arith.shrui %xor3A_378, %shift_right_logical3A_384 : vector<20x128xi32>
    %or3A_386 = arith.ori %shift_left3A_382, %shift_right_logical3A_385 : vector<20x128xi32>
    %xor3A_387 = arith.xori %add3A_379, %or3A_386 : vector<20x128xi32>
    %add3A_388 = arith.addi %add3A_379, %xor3A_387 : vector<20x128xi32>
    %shift_left3A_389 = arith.constant 6 : i32
    %shift_left3A_390 = vector.broadcast %shift_left3A_389 : i32 to vector<20x128xi32>
    %shift_left3A_391 = arith.shli %xor3A_387, %shift_left3A_390 : vector<20x128xi32>
    %shift_right_logical3A_392 = arith.constant 26 : i32
    %shift_right_logical3A_393 = vector.broadcast %shift_right_logical3A_392 : i32 to vector<20x128xi32>
    %shift_right_logical3A_394 = arith.shrui %xor3A_387, %shift_right_logical3A_393 : vector<20x128xi32>
    %or3A_395 = arith.ori %shift_left3A_391, %shift_right_logical3A_394 : vector<20x128xi32>
    %xor3A_396 = arith.xori %add3A_388, %or3A_395 : vector<20x128xi32>
    %add3A_397 = arith.constant 1 : i32
    %add3A_398 = vector.broadcast %add3A_397 : i32 to vector<20x128xi32>
    %add3A_399 = arith.addi %add3A_388, %add3A_398 : vector<20x128xi32>
    %add3A_400 = arith.constant 466688987 : i32
    %add3A_401 = vector.broadcast %add3A_400 : i32 to vector<20x128xi32>
    %add3A_402 = arith.addi %xor3A_396, %add3A_401 : vector<20x128xi32>
    %add3A_403 = arith.constant 1 : i32
    %add3A_404 = vector.broadcast %add3A_403 : i32 to vector<20x128xi32>
    %add3A_405 = arith.addi %add3A_402, %add3A_404 : vector<20x128xi32>
    %add3A_406 = arith.addi %add3A_399, %add3A_405 : vector<20x128xi32>
    %shift_left3A_407 = arith.constant 17 : i32
    %shift_left3A_408 = vector.broadcast %shift_left3A_407 : i32 to vector<20x128xi32>
    %shift_left3A_409 = arith.shli %add3A_405, %shift_left3A_408 : vector<20x128xi32>
    %shift_right_logical3A_410 = arith.constant 15 : i32
    %shift_right_logical3A_411 = vector.broadcast %shift_right_logical3A_410 : i32 to vector<20x128xi32>
    %shift_right_logical3A_412 = arith.shrui %add3A_405, %shift_right_logical3A_411 : vector<20x128xi32>
    %or3A_413 = arith.ori %shift_left3A_409, %shift_right_logical3A_412 : vector<20x128xi32>
    %xor3A_414 = arith.xori %add3A_406, %or3A_413 : vector<20x128xi32>
    %add3A_415 = arith.addi %add3A_406, %xor3A_414 : vector<20x128xi32>
    %shift_left3A_416 = arith.constant 29 : i32
    %shift_left3A_417 = vector.broadcast %shift_left3A_416 : i32 to vector<20x128xi32>
    %shift_left3A_418 = arith.shli %xor3A_414, %shift_left3A_417 : vector<20x128xi32>
    %shift_right_logical3A_419 = arith.constant 3 : i32
    %shift_right_logical3A_420 = vector.broadcast %shift_right_logical3A_419 : i32 to vector<20x128xi32>
    %shift_right_logical3A_421 = arith.shrui %xor3A_414, %shift_right_logical3A_420 : vector<20x128xi32>
    %or3A_422 = arith.ori %shift_left3A_418, %shift_right_logical3A_421 : vector<20x128xi32>
    %xor3A_423 = arith.xori %add3A_415, %or3A_422 : vector<20x128xi32>
    %add3A_424 = arith.addi %add3A_415, %xor3A_423 : vector<20x128xi32>
    %shift_left3A_425 = arith.constant 16 : i32
    %shift_left3A_426 = vector.broadcast %shift_left3A_425 : i32 to vector<20x128xi32>
    %shift_left3A_427 = arith.shli %xor3A_423, %shift_left3A_426 : vector<20x128xi32>
    %shift_right_logical3A_428 = arith.constant 16 : i32
    %shift_right_logical3A_429 = vector.broadcast %shift_right_logical3A_428 : i32 to vector<20x128xi32>
    %shift_right_logical3A_430 = arith.shrui %xor3A_423, %shift_right_logical3A_429 : vector<20x128xi32>
    %or3A_431 = arith.ori %shift_left3A_427, %shift_right_logical3A_430 : vector<20x128xi32>
    %xor3A_432 = arith.xori %add3A_424, %or3A_431 : vector<20x128xi32>
    %add3A_433 = arith.addi %add3A_424, %xor3A_432 : vector<20x128xi32>
    %shift_left3A_434 = arith.constant 24 : i32
    %shift_left3A_435 = vector.broadcast %shift_left3A_434 : i32 to vector<20x128xi32>
    %shift_left3A_436 = arith.shli %xor3A_432, %shift_left3A_435 : vector<20x128xi32>
    %shift_right_logical3A_437 = arith.constant 8 : i32
    %shift_right_logical3A_438 = vector.broadcast %shift_right_logical3A_437 : i32 to vector<20x128xi32>
    %shift_right_logical3A_439 = arith.shrui %xor3A_432, %shift_right_logical3A_438 : vector<20x128xi32>
    %or3A_440 = arith.ori %shift_left3A_436, %shift_right_logical3A_439 : vector<20x128xi32>
    %xor3A_441 = arith.xori %add3A_433, %or3A_440 : vector<20x128xi32>
    %add3A_442 = arith.constant 466688987 : i32
    %add3A_443 = vector.broadcast %add3A_442 : i32 to vector<20x128xi32>
    %add3A_444 = arith.addi %add3A_433, %add3A_443 : vector<20x128xi32>
    %add3A_445 = arith.constant 0 : i32
    %add3A_446 = vector.broadcast %add3A_445 : i32 to vector<20x128xi32>
    %add3A_447 = arith.addi %xor3A_441, %add3A_446 : vector<20x128xi32>
    %add3A_448 = arith.constant 2 : i32
    %add3A_449 = vector.broadcast %add3A_448 : i32 to vector<20x128xi32>
    %add3A_450 = arith.addi %add3A_447, %add3A_449 : vector<20x128xi32>
    %add3A_451 = arith.addi %add3A_444, %add3A_450 : vector<20x128xi32>
    %shift_left3A_452 = arith.constant 13 : i32
    %shift_left3A_453 = vector.broadcast %shift_left3A_452 : i32 to vector<20x128xi32>
    %shift_left3A_454 = arith.shli %add3A_450, %shift_left3A_453 : vector<20x128xi32>
    %shift_right_logical3A_455 = arith.constant 19 : i32
    %shift_right_logical3A_456 = vector.broadcast %shift_right_logical3A_455 : i32 to vector<20x128xi32>
    %shift_right_logical3A_457 = arith.shrui %add3A_450, %shift_right_logical3A_456 : vector<20x128xi32>
    %or3A_458 = arith.ori %shift_left3A_454, %shift_right_logical3A_457 : vector<20x128xi32>
    %xor3A_459 = arith.xori %add3A_451, %or3A_458 : vector<20x128xi32>
    %add3A_460 = arith.addi %add3A_451, %xor3A_459 : vector<20x128xi32>
    %shift_left3A_461 = arith.constant 15 : i32
    %shift_left3A_462 = vector.broadcast %shift_left3A_461 : i32 to vector<20x128xi32>
    %shift_left3A_463 = arith.shli %xor3A_459, %shift_left3A_462 : vector<20x128xi32>
    %shift_right_logical3A_464 = arith.constant 17 : i32
    %shift_right_logical3A_465 = vector.broadcast %shift_right_logical3A_464 : i32 to vector<20x128xi32>
    %shift_right_logical3A_466 = arith.shrui %xor3A_459, %shift_right_logical3A_465 : vector<20x128xi32>
    %or3A_467 = arith.ori %shift_left3A_463, %shift_right_logical3A_466 : vector<20x128xi32>
    %xor3A_468 = arith.xori %add3A_460, %or3A_467 : vector<20x128xi32>
    %add3A_469 = arith.addi %add3A_460, %xor3A_468 : vector<20x128xi32>
    %shift_left3A_470 = arith.constant 26 : i32
    %shift_left3A_471 = vector.broadcast %shift_left3A_470 : i32 to vector<20x128xi32>
    %shift_left3A_472 = arith.shli %xor3A_468, %shift_left3A_471 : vector<20x128xi32>
    %shift_right_logical3A_473 = arith.constant 6 : i32
    %shift_right_logical3A_474 = vector.broadcast %shift_right_logical3A_473 : i32 to vector<20x128xi32>
    %shift_right_logical3A_475 = arith.shrui %xor3A_468, %shift_right_logical3A_474 : vector<20x128xi32>
    %or3A_476 = arith.ori %shift_left3A_472, %shift_right_logical3A_475 : vector<20x128xi32>
    %xor3A_477 = arith.xori %add3A_469, %or3A_476 : vector<20x128xi32>
    %add3A_478 = arith.addi %add3A_469, %xor3A_477 : vector<20x128xi32>
    %shift_left3A_479 = arith.constant 6 : i32
    %shift_left3A_480 = vector.broadcast %shift_left3A_479 : i32 to vector<20x128xi32>
    %shift_left3A_481 = arith.shli %xor3A_477, %shift_left3A_480 : vector<20x128xi32>
    %shift_right_logical3A_482 = arith.constant 26 : i32
    %shift_right_logical3A_483 = vector.broadcast %shift_right_logical3A_482 : i32 to vector<20x128xi32>
    %shift_right_logical3A_484 = arith.shrui %xor3A_477, %shift_right_logical3A_483 : vector<20x128xi32>
    %or3A_485 = arith.ori %shift_left3A_481, %shift_right_logical3A_484 : vector<20x128xi32>
    %xor3A_486 = arith.xori %add3A_478, %or3A_485 : vector<20x128xi32>
    %add3A_487 = arith.constant 0 : i32
    %add3A_488 = vector.broadcast %add3A_487 : i32 to vector<20x128xi32>
    %add3A_489 = arith.addi %add3A_478, %add3A_488 : vector<20x128xi32>
    %add3A_490 = arith.constant 1 : i32
    %add3A_491 = vector.broadcast %add3A_490 : i32 to vector<20x128xi32>
    %add3A_492 = arith.addi %xor3A_486, %add3A_491 : vector<20x128xi32>
    %add3A_493 = arith.constant 3 : i32
    %add3A_494 = vector.broadcast %add3A_493 : i32 to vector<20x128xi32>
    %add3A_495 = arith.addi %add3A_492, %add3A_494 : vector<20x128xi32>
    %add3A_496 = arith.addi %add3A_489, %add3A_495 : vector<20x128xi32>
    %shift_left3A_497 = arith.constant 17 : i32
    %shift_left3A_498 = vector.broadcast %shift_left3A_497 : i32 to vector<20x128xi32>
    %shift_left3A_499 = arith.shli %add3A_495, %shift_left3A_498 : vector<20x128xi32>
    %shift_right_logical3A_500 = arith.constant 15 : i32
    %shift_right_logical3A_501 = vector.broadcast %shift_right_logical3A_500 : i32 to vector<20x128xi32>
    %shift_right_logical3A_502 = arith.shrui %add3A_495, %shift_right_logical3A_501 : vector<20x128xi32>
    %or3A_503 = arith.ori %shift_left3A_499, %shift_right_logical3A_502 : vector<20x128xi32>
    %xor3A_504 = arith.xori %add3A_496, %or3A_503 : vector<20x128xi32>
    %add3A_505 = arith.addi %add3A_496, %xor3A_504 : vector<20x128xi32>
    %shift_left3A_506 = arith.constant 29 : i32
    %shift_left3A_507 = vector.broadcast %shift_left3A_506 : i32 to vector<20x128xi32>
    %shift_left3A_508 = arith.shli %xor3A_504, %shift_left3A_507 : vector<20x128xi32>
    %shift_right_logical3A_509 = arith.constant 3 : i32
    %shift_right_logical3A_510 = vector.broadcast %shift_right_logical3A_509 : i32 to vector<20x128xi32>
    %shift_right_logical3A_511 = arith.shrui %xor3A_504, %shift_right_logical3A_510 : vector<20x128xi32>
    %or3A_512 = arith.ori %shift_left3A_508, %shift_right_logical3A_511 : vector<20x128xi32>
    %xor3A_513 = arith.xori %add3A_505, %or3A_512 : vector<20x128xi32>
    %add3A_514 = arith.addi %add3A_505, %xor3A_513 : vector<20x128xi32>
    %shift_left3A_515 = arith.constant 16 : i32
    %shift_left3A_516 = vector.broadcast %shift_left3A_515 : i32 to vector<20x128xi32>
    %shift_left3A_517 = arith.shli %xor3A_513, %shift_left3A_516 : vector<20x128xi32>
    %shift_right_logical3A_518 = arith.constant 16 : i32
    %shift_right_logical3A_519 = vector.broadcast %shift_right_logical3A_518 : i32 to vector<20x128xi32>
    %shift_right_logical3A_520 = arith.shrui %xor3A_513, %shift_right_logical3A_519 : vector<20x128xi32>
    %or3A_521 = arith.ori %shift_left3A_517, %shift_right_logical3A_520 : vector<20x128xi32>
    %xor3A_522 = arith.xori %add3A_514, %or3A_521 : vector<20x128xi32>
    %add3A_523 = arith.addi %add3A_514, %xor3A_522 : vector<20x128xi32>
    %shift_left3A_524 = arith.constant 24 : i32
    %shift_left3A_525 = vector.broadcast %shift_left3A_524 : i32 to vector<20x128xi32>
    %shift_left3A_526 = arith.shli %xor3A_522, %shift_left3A_525 : vector<20x128xi32>
    %shift_right_logical3A_527 = arith.constant 8 : i32
    %shift_right_logical3A_528 = vector.broadcast %shift_right_logical3A_527 : i32 to vector<20x128xi32>
    %shift_right_logical3A_529 = arith.shrui %xor3A_522, %shift_right_logical3A_528 : vector<20x128xi32>
    %or3A_530 = arith.ori %shift_left3A_526, %shift_right_logical3A_529 : vector<20x128xi32>
    %xor3A_531 = arith.xori %add3A_523, %or3A_530 : vector<20x128xi32>
    %add3A_532 = arith.constant 1 : i32
    %add3A_533 = vector.broadcast %add3A_532 : i32 to vector<20x128xi32>
    %add3A_534 = arith.addi %add3A_523, %add3A_533 : vector<20x128xi32>
    %add3A_535 = arith.constant 466688987 : i32
    %add3A_536 = vector.broadcast %add3A_535 : i32 to vector<20x128xi32>
    %add3A_537 = arith.addi %xor3A_531, %add3A_536 : vector<20x128xi32>
    %add3A_538 = arith.constant 4 : i32
    %add3A_539 = vector.broadcast %add3A_538 : i32 to vector<20x128xi32>
    %add3A_540 = arith.addi %add3A_537, %add3A_539 : vector<20x128xi32>
    %add3A_541 = arith.addi %add3A_534, %add3A_540 : vector<20x128xi32>
    %shift_left3A_542 = arith.constant 13 : i32
    %shift_left3A_543 = vector.broadcast %shift_left3A_542 : i32 to vector<20x128xi32>
    %shift_left3A_544 = arith.shli %add3A_540, %shift_left3A_543 : vector<20x128xi32>
    %shift_right_logical3A_545 = arith.constant 19 : i32
    %shift_right_logical3A_546 = vector.broadcast %shift_right_logical3A_545 : i32 to vector<20x128xi32>
    %shift_right_logical3A_547 = arith.shrui %add3A_540, %shift_right_logical3A_546 : vector<20x128xi32>
    %or3A_548 = arith.ori %shift_left3A_544, %shift_right_logical3A_547 : vector<20x128xi32>
    %xor3A_549 = arith.xori %add3A_541, %or3A_548 : vector<20x128xi32>
    %add3A_550 = arith.addi %add3A_541, %xor3A_549 : vector<20x128xi32>
    %shift_left3A_551 = arith.constant 15 : i32
    %shift_left3A_552 = vector.broadcast %shift_left3A_551 : i32 to vector<20x128xi32>
    %shift_left3A_553 = arith.shli %xor3A_549, %shift_left3A_552 : vector<20x128xi32>
    %shift_right_logical3A_554 = arith.constant 17 : i32
    %shift_right_logical3A_555 = vector.broadcast %shift_right_logical3A_554 : i32 to vector<20x128xi32>
    %shift_right_logical3A_556 = arith.shrui %xor3A_549, %shift_right_logical3A_555 : vector<20x128xi32>
    %or3A_557 = arith.ori %shift_left3A_553, %shift_right_logical3A_556 : vector<20x128xi32>
    %xor3A_558 = arith.xori %add3A_550, %or3A_557 : vector<20x128xi32>
    %add3A_559 = arith.addi %add3A_550, %xor3A_558 : vector<20x128xi32>
    %shift_left3A_560 = arith.constant 26 : i32
    %shift_left3A_561 = vector.broadcast %shift_left3A_560 : i32 to vector<20x128xi32>
    %shift_left3A_562 = arith.shli %xor3A_558, %shift_left3A_561 : vector<20x128xi32>
    %shift_right_logical3A_563 = arith.constant 6 : i32
    %shift_right_logical3A_564 = vector.broadcast %shift_right_logical3A_563 : i32 to vector<20x128xi32>
    %shift_right_logical3A_565 = arith.shrui %xor3A_558, %shift_right_logical3A_564 : vector<20x128xi32>
    %or3A_566 = arith.ori %shift_left3A_562, %shift_right_logical3A_565 : vector<20x128xi32>
    %xor3A_567 = arith.xori %add3A_559, %or3A_566 : vector<20x128xi32>
    %add3A_568 = arith.addi %add3A_559, %xor3A_567 : vector<20x128xi32>
    %shift_left3A_569 = arith.constant 6 : i32
    %shift_left3A_570 = vector.broadcast %shift_left3A_569 : i32 to vector<20x128xi32>
    %shift_left3A_571 = arith.shli %xor3A_567, %shift_left3A_570 : vector<20x128xi32>
    %shift_right_logical3A_572 = arith.constant 26 : i32
    %shift_right_logical3A_573 = vector.broadcast %shift_right_logical3A_572 : i32 to vector<20x128xi32>
    %shift_right_logical3A_574 = arith.shrui %xor3A_567, %shift_right_logical3A_573 : vector<20x128xi32>
    %or3A_575 = arith.ori %shift_left3A_571, %shift_right_logical3A_574 : vector<20x128xi32>
    %xor3A_576 = arith.xori %add3A_568, %or3A_575 : vector<20x128xi32>
    %add3A_577 = arith.constant 466688987 : i32
    %add3A_578 = vector.broadcast %add3A_577 : i32 to vector<20x128xi32>
    %add3A_579 = arith.addi %add3A_568, %add3A_578 : vector<20x128xi32>
    %add3A_580 = arith.constant 0 : i32
    %add3A_581 = vector.broadcast %add3A_580 : i32 to vector<20x128xi32>
    %add3A_582 = arith.addi %xor3A_576, %add3A_581 : vector<20x128xi32>
    %add3A_583 = arith.constant 5 : i32
    %add3A_584 = vector.broadcast %add3A_583 : i32 to vector<20x128xi32>
    %add3A_585 = arith.addi %add3A_582, %add3A_584 : vector<20x128xi32>
    %xor3A_586 = arith.xori %add3A_579, %add3A_585 : vector<20x128xi32>
    %shift_right_logical3A_587 = arith.constant 9 : i32
    %shift_right_logical3A_588 = vector.broadcast %shift_right_logical3A_587 : i32 to vector<20x128xi32>
    %shift_right_logical3A_589 = arith.shrui %xor3A_586, %shift_right_logical3A_588 : vector<20x128xi32>
    %or3A_590 = arith.constant 1065353216 : i32
    %or3A_591 = vector.broadcast %or3A_590 : i32 to vector<20x128xi32>
    %or3A_592 = arith.ori %shift_right_logical3A_589, %or3A_591 : vector<20x128xi32>
    %bitcast_convert_type3A_593 = tpu.bitcast %or3A_592 : vector<20x128xi32> -> vector<20x128xf32>
    %sub3A_594 = arith.constant 1.000000e+00 : f32
    %sub3A_595 = vector.broadcast %sub3A_594 : f32 to vector<20x128xf32>
    %sub3A_596 = arith.subf %bitcast_convert_type3A_593, %sub3A_595 : vector<20x128xf32>
    %add3A_597 = arith.constant 1.17549435E-38 : f32
    %add3A_598 = vector.broadcast %add3A_597 : f32 to vector<20x128xf32>
    %add3A_599 = arith.addf %sub3A_596, %add3A_598 : vector<20x128xf32>
    %max3A_600 = arith.constant 1.17549435E-38 : f32
    %max3A_601 = vector.broadcast %max3A_600 : f32 to vector<20x128xf32>
    %max3A_602 = arith.maximumf %max3A_601, %add3A_599 : vector<20x128xf32>
    %log3A_603 = math.log %max3A_602 : vector<20x128xf32>
    %neg3A_604 = arith.constant 0.000000e+00 : f32
    %neg3A_605 = vector.broadcast %neg3A_604 : f32 to vector<20x128xf32>
    %neg3A_606 = arith.subf %neg3A_605, %log3A_603 : vector<20x128xf32>
    %log3A_607 = math.log %neg3A_606 : vector<20x128xf32>
    %neg3A_608 = arith.constant 0.000000e+00 : f32
    %neg3A_609 = vector.broadcast %neg3A_608 : f32 to vector<20x128xf32>
    %neg3A_610 = arith.subf %neg3A_609, %log3A_607 : vector<20x128xf32>
    %add3A_611 = arith.addf %log3A_351, %neg3A_610 : vector<20x128xf32>
    %argmax3A_612 = tpu.reduce_index %add3A_611 {axis = 0 : i32, kind = #tpu.reduction_kind<arg_max>} : vector<20x128xf32> -> vector<128xi32>
    %swap3A_613 = arith.constant 1 : index
    %swap3A_614 = arith.constant 0 : index
    %swap3A_615 = vector.load %arg6[%swap3A_613, %swap3A_614] : memref<16x128xi32, #tpu.memory_space<vmem>>, vector<1x128xi32>
    %swap3A_616 = vector.shape_cast %swap3A_615 : vector<1x128xi32> to vector<128xi32>
    %swap3A_617 = vector.shape_cast %argmax3A_612 : vector<128xi32> to vector<1x128xi32>
    tpu.vector_store %arg6[%swap3A_613, %swap3A_614], %swap3A_617 {strides = array<i32>} : memref<16x128xi32, #tpu.memory_space<vmem>>, vector<1x128xi32>,
    %get3A_618 = arith.constant 2 : index
    %get3A_619 = arith.constant 0 : index
    %get3A_620 = vector.load %arg3[%get3A_618, %get3A_619] : memref<16x128xi32, #tpu.memory_space<vmem>>, vector<1x128xi32>
    %get3A_621 = vector.shape_cast %get3A_620 : vector<1x128xi32> to vector<128xi32>
    %broadcast_in_dim3A_622 = vector.shape_cast %get3A_621 : vector<128xi32> to vector<1x128xi32>
    %broadcast_in_dim3A_623 = vector.shape_cast %broadcast_in_dim3A_622 : vector<1x128xi32> to vector<1x128xi32>
    %broadcast_in_dim3A_624 = vector.broadcast %broadcast_in_dim3A_623 : vector<1x128xi32> to vector<20x128xi32>
    %get3A_625 = arith.constant 2 : index
    %get3A_626 = arith.constant 0 : index
    %get3A_627 = vector.load %arg4[%get3A_625, %get3A_626] : memref<16x128xi32, #tpu.memory_space<vmem>>, vector<1x128xi32>
    %get3A_628 = vector.shape_cast %get3A_627 : vector<1x128xi32> to vector<128xi32>
    %broadcast_in_dim3A_629 = vector.shape_cast %get3A_628 : vector<128xi32> to vector<1x128xi32>
    %broadcast_in_dim3A_630 = vector.shape_cast %broadcast_in_dim3A_629 : vector<1x128xi32> to vector<1x128xi32>
    %broadcast_in_dim3A_631 = vector.broadcast %broadcast_in_dim3A_630 : vector<1x128xi32> to vector<20x128xi32>
    %ne3A_632 = arith.constant 0 : i32
    %ne3A_633 = vector.broadcast %ne3A_632 : i32 to vector<20x128xi32>
    %ne3A_634 = arith.cmpi ne, %broadcast_in_dim3A_631, %ne3A_633 : vector<20x128xi32>
    %eq3A_635 = arith.cmpi eq, %broadcast_in_dim3A_624, %iota3A : vector<20x128xi32>
    %broadcast_in_dim3A_636 = vector.broadcast %add3A : f32 to vector<20x128xf32>
    %broadcast_in_dim3A_637 = vector.broadcast %div3A_22 : f32 to vector<20x128xf32>
    %select_n3A_638 = arith.select %eq3A_635, %broadcast_in_dim3A_636, %broadcast_in_dim3A_637 : vector<20x128xi1>, vector<20x128xf32>
    %jit3A_639 = arith.constant 1.000000e+00 : f32
    %jit3A_640 = arith.constant 0.000000e+00 : f32
    %broadcast_in_dim3A_641 = vector.broadcast %jit3A_639 : f32 to vector<20x128xf32>
    %broadcast_in_dim3A_642 = vector.broadcast %jit3A_640 : f32 to vector<20x128xf32>
    %select_n3A_643 = arith.select %eq3A_635, %broadcast_in_dim3A_641, %broadcast_in_dim3A_642 : vector<20x128xi1>, vector<20x128xf32>
    %select_n3A_644 = arith.select %ne3A_634, %select_n3A_638, %select_n3A_643 : vector<20x128xi1>, vector<20x128xf32>
    %transpose3A_645 = tpu.transpose %select_n3A_644, [1, 0] : vector<20x128xf32> -> vector<128x20xf32>
    %swap3A_646 = arith.constant 256 : index
    %swap3A_647 = arith.constant 0 : index
    %swap3A_648 = vector.load %arg5[%swap3A_646, %swap3A_647] : memref<2048x20xf32, #tpu.memory_space<vmem>>, vector<128x20xf32>
    tpu.vector_store %arg5[%swap3A_646, %swap3A_647], %transpose3A_645 {strides = array<i32>} : memref<2048x20xf32, #tpu.memory_space<vmem>>, vector<128x20xf32>,
    %add3A_649 = arith.constant 9.99999993E-9 : f32
    %add3A_650 = vector.broadcast %add3A_649 : f32 to vector<20x128xf32>
    %add3A_651 = arith.addf %select_n3A_644, %add3A_650 : vector<20x128xf32>
    %log3A_652 = math.log %add3A_651 : vector<20x128xf32>
    %add3A_653 = arith.constant 5120 : i32
    %add3A_654 = arith.addi %mul3A_28, %add3A_653 : i32
    %add3A_655 = vector.broadcast %add3A_654 : i32 to vector<20x128xi32>
    %add3A_656 = arith.addi %add3A_655, %add3A_26 : vector<20x128xi32>
    %broadcast_in_dim3A_657 = arith.constant 0 : i32
    %broadcast_in_dim3A_658 = vector.broadcast %broadcast_in_dim3A_657 : i32 to vector<20x128xi32>
    %add3A_659 = arith.constant 1 : i32
    %add3A_660 = vector.broadcast %add3A_659 : i32 to vector<20x128xi32>
    %add3A_661 = arith.addi %add3A_656, %add3A_660 : vector<20x128xi32>
    %add3A_662 = arith.addi %broadcast_in_dim3A_658, %add3A_661 : vector<20x128xi32>
    %shift_left3A_663 = arith.constant 13 : i32
    %shift_left3A_664 = vector.broadcast %shift_left3A_663 : i32 to vector<20x128xi32>
    %shift_left3A_665 = arith.shli %add3A_661, %shift_left3A_664 : vector<20x128xi32>
    %shift_right_logical3A_666 = arith.constant 19 : i32
    %shift_right_logical3A_667 = vector.broadcast %shift_right_logical3A_666 : i32 to vector<20x128xi32>
    %shift_right_logical3A_668 = arith.shrui %add3A_661, %shift_right_logical3A_667 : vector<20x128xi32>
    %or3A_669 = arith.ori %shift_left3A_665, %shift_right_logical3A_668 : vector<20x128xi32>
    %xor3A_670 = arith.xori %add3A_662, %or3A_669 : vector<20x128xi32>
    %add3A_671 = arith.addi %add3A_662, %xor3A_670 : vector<20x128xi32>
    %shift_left3A_672 = arith.constant 15 : i32
    %shift_left3A_673 = vector.broadcast %shift_left3A_672 : i32 to vector<20x128xi32>
    %shift_left3A_674 = arith.shli %xor3A_670, %shift_left3A_673 : vector<20x128xi32>
    %shift_right_logical3A_675 = arith.constant 17 : i32
    %shift_right_logical3A_676 = vector.broadcast %shift_right_logical3A_675 : i32 to vector<20x128xi32>
    %shift_right_logical3A_677 = arith.shrui %xor3A_670, %shift_right_logical3A_676 : vector<20x128xi32>
    %or3A_678 = arith.ori %shift_left3A_674, %shift_right_logical3A_677 : vector<20x128xi32>
    %xor3A_679 = arith.xori %add3A_671, %or3A_678 : vector<20x128xi32>
    %add3A_680 = arith.addi %add3A_671, %xor3A_679 : vector<20x128xi32>
    %shift_left3A_681 = arith.constant 26 : i32
    %shift_left3A_682 = vector.broadcast %shift_left3A_681 : i32 to vector<20x128xi32>
    %shift_left3A_683 = arith.shli %xor3A_679, %shift_left3A_682 : vector<20x128xi32>
    %shift_right_logical3A_684 = arith.constant 6 : i32
    %shift_right_logical3A_685 = vector.broadcast %shift_right_logical3A_684 : i32 to vector<20x128xi32>
    %shift_right_logical3A_686 = arith.shrui %xor3A_679, %shift_right_logical3A_685 : vector<20x128xi32>
    %or3A_687 = arith.ori %shift_left3A_683, %shift_right_logical3A_686 : vector<20x128xi32>
    %xor3A_688 = arith.xori %add3A_680, %or3A_687 : vector<20x128xi32>
    %add3A_689 = arith.addi %add3A_680, %xor3A_688 : vector<20x128xi32>
    %shift_left3A_690 = arith.constant 6 : i32
    %shift_left3A_691 = vector.broadcast %shift_left3A_690 : i32 to vector<20x128xi32>
    %shift_left3A_692 = arith.shli %xor3A_688, %shift_left3A_691 : vector<20x128xi32>
    %shift_right_logical3A_693 = arith.constant 26 : i32
    %shift_right_logical3A_694 = vector.broadcast %shift_right_logical3A_693 : i32 to vector<20x128xi32>
    %shift_right_logical3A_695 = arith.shrui %xor3A_688, %shift_right_logical3A_694 : vector<20x128xi32>
    %or3A_696 = arith.ori %shift_left3A_692, %shift_right_logical3A_695 : vector<20x128xi32>
    %xor3A_697 = arith.xori %add3A_689, %or3A_696 : vector<20x128xi32>
    %add3A_698 = arith.constant 1 : i32
    %add3A_699 = vector.broadcast %add3A_698 : i32 to vector<20x128xi32>
    %add3A_700 = arith.addi %add3A_689, %add3A_699 : vector<20x128xi32>
    %add3A_701 = arith.constant 466688987 : i32
    %add3A_702 = vector.broadcast %add3A_701 : i32 to vector<20x128xi32>
    %add3A_703 = arith.addi %xor3A_697, %add3A_702 : vector<20x128xi32>
    %add3A_704 = arith.constant 1 : i32
    %add3A_705 = vector.broadcast %add3A_704 : i32 to vector<20x128xi32>
    %add3A_706 = arith.addi %add3A_703, %add3A_705 : vector<20x128xi32>
    %add3A_707 = arith.addi %add3A_700, %add3A_706 : vector<20x128xi32>
    %shift_left3A_708 = arith.constant 17 : i32
    %shift_left3A_709 = vector.broadcast %shift_left3A_708 : i32 to vector<20x128xi32>
    %shift_left3A_710 = arith.shli %add3A_706, %shift_left3A_709 : vector<20x128xi32>
    %shift_right_logical3A_711 = arith.constant 15 : i32
    %shift_right_logical3A_712 = vector.broadcast %shift_right_logical3A_711 : i32 to vector<20x128xi32>
    %shift_right_logical3A_713 = arith.shrui %add3A_706, %shift_right_logical3A_712 : vector<20x128xi32>
    %or3A_714 = arith.ori %shift_left3A_710, %shift_right_logical3A_713 : vector<20x128xi32>
    %xor3A_715 = arith.xori %add3A_707, %or3A_714 : vector<20x128xi32>
    %add3A_716 = arith.addi %add3A_707, %xor3A_715 : vector<20x128xi32>
    %shift_left3A_717 = arith.constant 29 : i32
    %shift_left3A_718 = vector.broadcast %shift_left3A_717 : i32 to vector<20x128xi32>
    %shift_left3A_719 = arith.shli %xor3A_715, %shift_left3A_718 : vector<20x128xi32>
    %shift_right_logical3A_720 = arith.constant 3 : i32
    %shift_right_logical3A_721 = vector.broadcast %shift_right_logical3A_720 : i32 to vector<20x128xi32>
    %shift_right_logical3A_722 = arith.shrui %xor3A_715, %shift_right_logical3A_721 : vector<20x128xi32>
    %or3A_723 = arith.ori %shift_left3A_719, %shift_right_logical3A_722 : vector<20x128xi32>
    %xor3A_724 = arith.xori %add3A_716, %or3A_723 : vector<20x128xi32>
    %add3A_725 = arith.addi %add3A_716, %xor3A_724 : vector<20x128xi32>
    %shift_left3A_726 = arith.constant 16 : i32
    %shift_left3A_727 = vector.broadcast %shift_left3A_726 : i32 to vector<20x128xi32>
    %shift_left3A_728 = arith.shli %xor3A_724, %shift_left3A_727 : vector<20x128xi32>
    %shift_right_logical3A_729 = arith.constant 16 : i32
    %shift_right_logical3A_730 = vector.broadcast %shift_right_logical3A_729 : i32 to vector<20x128xi32>
    %shift_right_logical3A_731 = arith.shrui %xor3A_724, %shift_right_logical3A_730 : vector<20x128xi32>
    %or3A_732 = arith.ori %shift_left3A_728, %shift_right_logical3A_731 : vector<20x128xi32>
    %xor3A_733 = arith.xori %add3A_725, %or3A_732 : vector<20x128xi32>
    %add3A_734 = arith.addi %add3A_725, %xor3A_733 : vector<20x128xi32>
    %shift_left3A_735 = arith.constant 24 : i32
    %shift_left3A_736 = vector.broadcast %shift_left3A_735 : i32 to vector<20x128xi32>
    %shift_left3A_737 = arith.shli %xor3A_733, %shift_left3A_736 : vector<20x128xi32>
    %shift_right_logical3A_738 = arith.constant 8 : i32
    %shift_right_logical3A_739 = vector.broadcast %shift_right_logical3A_738 : i32 to vector<20x128xi32>
    %shift_right_logical3A_740 = arith.shrui %xor3A_733, %shift_right_logical3A_739 : vector<20x128xi32>
    %or3A_741 = arith.ori %shift_left3A_737, %shift_right_logical3A_740 : vector<20x128xi32>
    %xor3A_742 = arith.xori %add3A_734, %or3A_741 : vector<20x128xi32>
    %add3A_743 = arith.constant 466688987 : i32
    %add3A_744 = vector.broadcast %add3A_743 : i32 to vector<20x128xi32>
    %add3A_745 = arith.addi %add3A_734, %add3A_744 : vector<20x128xi32>
    %add3A_746 = arith.constant 0 : i32
    %add3A_747 = vector.broadcast %add3A_746 : i32 to vector<20x128xi32>
    %add3A_748 = arith.addi %xor3A_742, %add3A_747 : vector<20x128xi32>
    %add3A_749 = arith.constant 2 : i32
    %add3A_750 = vector.broadcast %add3A_749 : i32 to vector<20x128xi32>
    %add3A_751 = arith.addi %add3A_748, %add3A_750 : vector<20x128xi32>
    %add3A_752 = arith.addi %add3A_745, %add3A_751 : vector<20x128xi32>
    %shift_left3A_753 = arith.constant 13 : i32
    %shift_left3A_754 = vector.broadcast %shift_left3A_753 : i32 to vector<20x128xi32>
    %shift_left3A_755 = arith.shli %add3A_751, %shift_left3A_754 : vector<20x128xi32>
    %shift_right_logical3A_756 = arith.constant 19 : i32
    %shift_right_logical3A_757 = vector.broadcast %shift_right_logical3A_756 : i32 to vector<20x128xi32>
    %shift_right_logical3A_758 = arith.shrui %add3A_751, %shift_right_logical3A_757 : vector<20x128xi32>
    %or3A_759 = arith.ori %shift_left3A_755, %shift_right_logical3A_758 : vector<20x128xi32>
    %xor3A_760 = arith.xori %add3A_752, %or3A_759 : vector<20x128xi32>
    %add3A_761 = arith.addi %add3A_752, %xor3A_760 : vector<20x128xi32>
    %shift_left3A_762 = arith.constant 15 : i32
    %shift_left3A_763 = vector.broadcast %shift_left3A_762 : i32 to vector<20x128xi32>
    %shift_left3A_764 = arith.shli %xor3A_760, %shift_left3A_763 : vector<20x128xi32>
    %shift_right_logical3A_765 = arith.constant 17 : i32
    %shift_right_logical3A_766 = vector.broadcast %shift_right_logical3A_765 : i32 to vector<20x128xi32>
    %shift_right_logical3A_767 = arith.shrui %xor3A_760, %shift_right_logical3A_766 : vector<20x128xi32>
    %or3A_768 = arith.ori %shift_left3A_764, %shift_right_logical3A_767 : vector<20x128xi32>
    %xor3A_769 = arith.xori %add3A_761, %or3A_768 : vector<20x128xi32>
    %add3A_770 = arith.addi %add3A_761, %xor3A_769 : vector<20x128xi32>
    %shift_left3A_771 = arith.constant 26 : i32
    %shift_left3A_772 = vector.broadcast %shift_left3A_771 : i32 to vector<20x128xi32>
    %shift_left3A_773 = arith.shli %xor3A_769, %shift_left3A_772 : vector<20x128xi32>
    %shift_right_logical3A_774 = arith.constant 6 : i32
    %shift_right_logical3A_775 = vector.broadcast %shift_right_logical3A_774 : i32 to vector<20x128xi32>
    %shift_right_logical3A_776 = arith.shrui %xor3A_769, %shift_right_logical3A_775 : vector<20x128xi32>
    %or3A_777 = arith.ori %shift_left3A_773, %shift_right_logical3A_776 : vector<20x128xi32>
    %xor3A_778 = arith.xori %add3A_770, %or3A_777 : vector<20x128xi32>
    %add3A_779 = arith.addi %add3A_770, %xor3A_778 : vector<20x128xi32>
    %shift_left3A_780 = arith.constant 6 : i32
    %shift_left3A_781 = vector.broadcast %shift_left3A_780 : i32 to vector<20x128xi32>
    %shift_left3A_782 = arith.shli %xor3A_778, %shift_left3A_781 : vector<20x128xi32>
    %shift_right_logical3A_783 = arith.constant 26 : i32
    %shift_right_logical3A_784 = vector.broadcast %shift_right_logical3A_783 : i32 to vector<20x128xi32>
    %shift_right_logical3A_785 = arith.shrui %xor3A_778, %shift_right_logical3A_784 : vector<20x128xi32>
    %or3A_786 = arith.ori %shift_left3A_782, %shift_right_logical3A_785 : vector<20x128xi32>
    %xor3A_787 = arith.xori %add3A_779, %or3A_786 : vector<20x128xi32>
    %add3A_788 = arith.constant 0 : i32
    %add3A_789 = vector.broadcast %add3A_788 : i32 to vector<20x128xi32>
    %add3A_790 = arith.addi %add3A_779, %add3A_789 : vector<20x128xi32>
    %add3A_791 = arith.constant 1 : i32
    %add3A_792 = vector.broadcast %add3A_791 : i32 to vector<20x128xi32>
    %add3A_793 = arith.addi %xor3A_787, %add3A_792 : vector<20x128xi32>
    %add3A_794 = arith.constant 3 : i32
    %add3A_795 = vector.broadcast %add3A_794 : i32 to vector<20x128xi32>
    %add3A_796 = arith.addi %add3A_793, %add3A_795 : vector<20x128xi32>
    %add3A_797 = arith.addi %add3A_790, %add3A_796 : vector<20x128xi32>
    %shift_left3A_798 = arith.constant 17 : i32
    %shift_left3A_799 = vector.broadcast %shift_left3A_798 : i32 to vector<20x128xi32>
    %shift_left3A_800 = arith.shli %add3A_796, %shift_left3A_799 : vector<20x128xi32>
    %shift_right_logical3A_801 = arith.constant 15 : i32
    %shift_right_logical3A_802 = vector.broadcast %shift_right_logical3A_801 : i32 to vector<20x128xi32>
    %shift_right_logical3A_803 = arith.shrui %add3A_796, %shift_right_logical3A_802 : vector<20x128xi32>
    %or3A_804 = arith.ori %shift_left3A_800, %shift_right_logical3A_803 : vector<20x128xi32>
    %xor3A_805 = arith.xori %add3A_797, %or3A_804 : vector<20x128xi32>
    %add3A_806 = arith.addi %add3A_797, %xor3A_805 : vector<20x128xi32>
    %shift_left3A_807 = arith.constant 29 : i32
    %shift_left3A_808 = vector.broadcast %shift_left3A_807 : i32 to vector<20x128xi32>
    %shift_left3A_809 = arith.shli %xor3A_805, %shift_left3A_808 : vector<20x128xi32>
    %shift_right_logical3A_810 = arith.constant 3 : i32
    %shift_right_logical3A_811 = vector.broadcast %shift_right_logical3A_810 : i32 to vector<20x128xi32>
    %shift_right_logical3A_812 = arith.shrui %xor3A_805, %shift_right_logical3A_811 : vector<20x128xi32>
    %or3A_813 = arith.ori %shift_left3A_809, %shift_right_logical3A_812 : vector<20x128xi32>
    %xor3A_814 = arith.xori %add3A_806, %or3A_813 : vector<20x128xi32>
    %add3A_815 = arith.addi %add3A_806, %xor3A_814 : vector<20x128xi32>
    %shift_left3A_816 = arith.constant 16 : i32
    %shift_left3A_817 = vector.broadcast %shift_left3A_816 : i32 to vector<20x128xi32>
    %shift_left3A_818 = arith.shli %xor3A_814, %shift_left3A_817 : vector<20x128xi32>
    %shift_right_logical3A_819 = arith.constant 16 : i32
    %shift_right_logical3A_820 = vector.broadcast %shift_right_logical3A_819 : i32 to vector<20x128xi32>
    %shift_right_logical3A_821 = arith.shrui %xor3A_814, %shift_right_logical3A_820 : vector<20x128xi32>
    %or3A_822 = arith.ori %shift_left3A_818, %shift_right_logical3A_821 : vector<20x128xi32>
    %xor3A_823 = arith.xori %add3A_815, %or3A_822 : vector<20x128xi32>
    %add3A_824 = arith.addi %add3A_815, %xor3A_823 : vector<20x128xi32>
    %shift_left3A_825 = arith.constant 24 : i32
    %shift_left3A_826 = vector.broadcast %shift_left3A_825 : i32 to vector<20x128xi32>
    %shift_left3A_827 = arith.shli %xor3A_823, %shift_left3A_826 : vector<20x128xi32>
    %shift_right_logical3A_828 = arith.constant 8 : i32
    %shift_right_logical3A_829 = vector.broadcast %shift_right_logical3A_828 : i32 to vector<20x128xi32>
    %shift_right_logical3A_830 = arith.shrui %xor3A_823, %shift_right_logical3A_829 : vector<20x128xi32>
    %or3A_831 = arith.ori %shift_left3A_827, %shift_right_logical3A_830 : vector<20x128xi32>
    %xor3A_832 = arith.xori %add3A_824, %or3A_831 : vector<20x128xi32>
    %add3A_833 = arith.constant 1 : i32
    %add3A_834 = vector.broadcast %add3A_833 : i32 to vector<20x128xi32>
    %add3A_835 = arith.addi %add3A_824, %add3A_834 : vector<20x128xi32>
    %add3A_836 = arith.constant 466688987 : i32
    %add3A_837 = vector.broadcast %add3A_836 : i32 to vector<20x128xi32>
    %add3A_838 = arith.addi %xor3A_832, %add3A_837 : vector<20x128xi32>
    %add3A_839 = arith.constant 4 : i32
    %add3A_840 = vector.broadcast %add3A_839 : i32 to vector<20x128xi32>
    %add3A_841 = arith.addi %add3A_838, %add3A_840 : vector<20x128xi32>
    %add3A_842 = arith.addi %add3A_835, %add3A_841 : vector<20x128xi32>
    %shift_left3A_843 = arith.constant 13 : i32
    %shift_left3A_844 = vector.broadcast %shift_left3A_843 : i32 to vector<20x128xi32>
    %shift_left3A_845 = arith.shli %add3A_841, %shift_left3A_844 : vector<20x128xi32>
    %shift_right_logical3A_846 = arith.constant 19 : i32
    %shift_right_logical3A_847 = vector.broadcast %shift_right_logical3A_846 : i32 to vector<20x128xi32>
    %shift_right_logical3A_848 = arith.shrui %add3A_841, %shift_right_logical3A_847 : vector<20x128xi32>
    %or3A_849 = arith.ori %shift_left3A_845, %shift_right_logical3A_848 : vector<20x128xi32>
    %xor3A_850 = arith.xori %add3A_842, %or3A_849 : vector<20x128xi32>
    %add3A_851 = arith.addi %add3A_842, %xor3A_850 : vector<20x128xi32>
    %shift_left3A_852 = arith.constant 15 : i32
    %shift_left3A_853 = vector.broadcast %shift_left3A_852 : i32 to vector<20x128xi32>
    %shift_left3A_854 = arith.shli %xor3A_850, %shift_left3A_853 : vector<20x128xi32>
    %shift_right_logical3A_855 = arith.constant 17 : i32
    %shift_right_logical3A_856 = vector.broadcast %shift_right_logical3A_855 : i32 to vector<20x128xi32>
    %shift_right_logical3A_857 = arith.shrui %xor3A_850, %shift_right_logical3A_856 : vector<20x128xi32>
    %or3A_858 = arith.ori %shift_left3A_854, %shift_right_logical3A_857 : vector<20x128xi32>
    %xor3A_859 = arith.xori %add3A_851, %or3A_858 : vector<20x128xi32>
    %add3A_860 = arith.addi %add3A_851, %xor3A_859 : vector<20x128xi32>
    %shift_left3A_861 = arith.constant 26 : i32
    %shift_left3A_862 = vector.broadcast %shift_left3A_861 : i32 to vector<20x128xi32>
    %shift_left3A_863 = arith.shli %xor3A_859, %shift_left3A_862 : vector<20x128xi32>
    %shift_right_logical3A_864 = arith.constant 6 : i32
    %shift_right_logical3A_865 = vector.broadcast %shift_right_logical3A_864 : i32 to vector<20x128xi32>
    %shift_right_logical3A_866 = arith.shrui %xor3A_859, %shift_right_logical3A_865 : vector<20x128xi32>
    %or3A_867 = arith.ori %shift_left3A_863, %shift_right_logical3A_866 : vector<20x128xi32>
    %xor3A_868 = arith.xori %add3A_860, %or3A_867 : vector<20x128xi32>
    %add3A_869 = arith.addi %add3A_860, %xor3A_868 : vector<20x128xi32>
    %shift_left3A_870 = arith.constant 6 : i32
    %shift_left3A_871 = vector.broadcast %shift_left3A_870 : i32 to vector<20x128xi32>
    %shift_left3A_872 = arith.shli %xor3A_868, %shift_left3A_871 : vector<20x128xi32>
    %shift_right_logical3A_873 = arith.constant 26 : i32
    %shift_right_logical3A_874 = vector.broadcast %shift_right_logical3A_873 : i32 to vector<20x128xi32>
    %shift_right_logical3A_875 = arith.shrui %xor3A_868, %shift_right_logical3A_874 : vector<20x128xi32>
    %or3A_876 = arith.ori %shift_left3A_872, %shift_right_logical3A_875 : vector<20x128xi32>
    %xor3A_877 = arith.xori %add3A_869, %or3A_876 : vector<20x128xi32>
    %add3A_878 = arith.constant 466688987 : i32
    %add3A_879 = vector.broadcast %add3A_878 : i32 to vector<20x128xi32>
    %add3A_880 = arith.addi %add3A_869, %add3A_879 : vector<20x128xi32>
    %add3A_881 = arith.constant 0 : i32
    %add3A_882 = vector.broadcast %add3A_881 : i32 to vector<20x128xi32>
    %add3A_883 = arith.addi %xor3A_877, %add3A_882 : vector<20x128xi32>
    %add3A_884 = arith.constant 5 : i32
    %add3A_885 = vector.broadcast %add3A_884 : i32 to vector<20x128xi32>
    %add3A_886 = arith.addi %add3A_883, %add3A_885 : vector<20x128xi32>
    %xor3A_887 = arith.xori %add3A_880, %add3A_886 : vector<20x128xi32>
    %shift_right_logical3A_888 = arith.constant 9 : i32
    %shift_right_logical3A_889 = vector.broadcast %shift_right_logical3A_888 : i32 to vector<20x128xi32>
    %shift_right_logical3A_890 = arith.shrui %xor3A_887, %shift_right_logical3A_889 : vector<20x128xi32>
    %or3A_891 = arith.constant 1065353216 : i32
    %or3A_892 = vector.broadcast %or3A_891 : i32 to vector<20x128xi32>
    %or3A_893 = arith.ori %shift_right_logical3A_890, %or3A_892 : vector<20x128xi32>
    %bitcast_convert_type3A_894 = tpu.bitcast %or3A_893 : vector<20x128xi32> -> vector<20x128xf32>
    %sub3A_895 = arith.constant 1.000000e+00 : f32
    %sub3A_896 = vector.broadcast %sub3A_895 : f32 to vector<20x128xf32>
    %sub3A_897 = arith.subf %bitcast_convert_type3A_894, %sub3A_896 : vector<20x128xf32>
    %add3A_898 = arith.constant 1.17549435E-38 : f32
    %add3A_899 = vector.broadcast %add3A_898 : f32 to vector<20x128xf32>
    %add3A_900 = arith.addf %sub3A_897, %add3A_899 : vector<20x128xf32>
    %max3A_901 = arith.constant 1.17549435E-38 : f32
    %max3A_902 = vector.broadcast %max3A_901 : f32 to vector<20x128xf32>
    %max3A_903 = arith.maximumf %max3A_902, %add3A_900 : vector<20x128xf32>
    %log3A_904 = math.log %max3A_903 : vector<20x128xf32>
    %neg3A_905 = arith.constant 0.000000e+00 : f32
    %neg3A_906 = vector.broadcast %neg3A_905 : f32 to vector<20x128xf32>
    %neg3A_907 = arith.subf %neg3A_906, %log3A_904 : vector<20x128xf32>
    %log3A_908 = math.log %neg3A_907 : vector<20x128xf32>
    %neg3A_909 = arith.constant 0.000000e+00 : f32
    %neg3A_910 = vector.broadcast %neg3A_909 : f32 to vector<20x128xf32>
    %neg3A_911 = arith.subf %neg3A_910, %log3A_908 : vector<20x128xf32>
    %add3A_912 = arith.addf %log3A_652, %neg3A_911 : vector<20x128xf32>
    %argmax3A_913 = tpu.reduce_index %add3A_912 {axis = 0 : i32, kind = #tpu.reduction_kind<arg_max>} : vector<20x128xf32> -> vector<128xi32>
    %swap3A_914 = arith.constant 2 : index
    %swap3A_915 = arith.constant 0 : index
    %swap3A_916 = vector.load %arg6[%swap3A_914, %swap3A_915] : memref<16x128xi32, #tpu.memory_space<vmem>>, vector<1x128xi32>
    %swap3A_917 = vector.shape_cast %swap3A_916 : vector<1x128xi32> to vector<128xi32>
    %swap3A_918 = vector.shape_cast %argmax3A_913 : vector<128xi32> to vector<1x128xi32>
    tpu.vector_store %arg6[%swap3A_914, %swap3A_915], %swap3A_918 {strides = array<i32>} : memref<16x128xi32, #tpu.memory_space<vmem>>, vector<1x128xi32>,
    %get3A_919 = arith.constant 3 : index
    %get3A_920 = arith.constant 0 : index
    %get3A_921 = vector.load %arg3[%get3A_919, %get3A_920] : memref<16x128xi32, #tpu.memory_space<vmem>>, vector<1x128xi32>
    %get3A_922 = vector.shape_cast %get3A_921 : vector<1x128xi32> to vector<128xi32>
    %broadcast_in_dim3A_923 = vector.shape_cast %get3A_922 : vector<128xi32> to vector<1x128xi32>
    %broadcast_in_dim3A_924 = vector.shape_cast %broadcast_in_dim3A_923 : vector<1x128xi32> to vector<1x128xi32>
    %broadcast_in_dim3A_925 = vector.broadcast %broadcast_in_dim3A_924 : vector<1x128xi32> to vector<20x128xi32>
    %get3A_926 = arith.constant 3 : index
    %get3A_927 = arith.constant 0 : index
    %get3A_928 = vector.load %arg4[%get3A_926, %get3A_927] : memref<16x128xi32, #tpu.memory_space<vmem>>, vector<1x128xi32>
    %get3A_929 = vector.shape_cast %get3A_928 : vector<1x128xi32> to vector<128xi32>
    %broadcast_in_dim3A_930 = vector.shape_cast %get3A_929 : vector<128xi32> to vector<1x128xi32>
    %broadcast_in_dim3A_931 = vector.shape_cast %broadcast_in_dim3A_930 : vector<1x128xi32> to vector<1x128xi32>
    %broadcast_in_dim3A_932 = vector.broadcast %broadcast_in_dim3A_931 : vector<1x128xi32> to vector<20x128xi32>
    %ne3A_933 = arith.constant 0 : i32
    %ne3A_934 = vector.broadcast %ne3A_933 : i32 to vector<20x128xi32>
    %ne3A_935 = arith.cmpi ne, %broadcast_in_dim3A_932, %ne3A_934 : vector<20x128xi32>
    %eq3A_936 = arith.cmpi eq, %broadcast_in_dim3A_925, %iota3A : vector<20x128xi32>
    %broadcast_in_dim3A_937 = vector.broadcast %add3A : f32 to vector<20x128xf32>
    %broadcast_in_dim3A_938 = vector.broadcast %div3A_22 : f32 to vector<20x128xf32>
    %select_n3A_939 = arith.select %eq3A_936, %broadcast_in_dim3A_937, %broadcast_in_dim3A_938 : vector<20x128xi1>, vector<20x128xf32>
    %jit3A_940 = arith.constant 1.000000e+00 : f32
    %jit3A_941 = arith.constant 0.000000e+00 : f32
    %broadcast_in_dim3A_942 = vector.broadcast %jit3A_940 : f32 to vector<20x128xf32>
    %broadcast_in_dim3A_943 = vector.broadcast %jit3A_941 : f32 to vector<20x128xf32>
    %select_n3A_944 = arith.select %eq3A_936, %broadcast_in_dim3A_942, %broadcast_in_dim3A_943 : vector<20x128xi1>, vector<20x128xf32>
    %select_n3A_945 = arith.select %ne3A_935, %select_n3A_939, %select_n3A_944 : vector<20x128xi1>, vector<20x128xf32>
    %transpose3A_946 = tpu.transpose %select_n3A_945, [1, 0] : vector<20x128xf32> -> vector<128x20xf32>
    %swap3A_947 = arith.constant 384 : index
    %swap3A_948 = arith.constant 0 : index
    %swap3A_949 = vector.load %arg5[%swap3A_947, %swap3A_948] : memref<2048x20xf32, #tpu.memory_space<vmem>>, vector<128x20xf32>
    tpu.vector_store %arg5[%swap3A_947, %swap3A_948], %transpose3A_946 {strides = array<i32>} : memref<2048x20xf32, #tpu.memory_space<vmem>>, vector<128x20xf32>,
    %add3A_950 = arith.constant 9.99999993E-9 : f32
    %add3A_951 = vector.broadcast %add3A_950 : f32 to vector<20x128xf32>
    %add3A_952 = arith.addf %select_n3A_945, %add3A_951 : vector<20x128xf32>
    %log3A_953 = math.log %add3A_952 : vector<20x128xf32>
    %add3A_954 = arith.constant 7680 : i32
    %add3A_955 = arith.addi %mul3A_28, %add3A_954 : i32
    %add3A_956 = vector.broadcast %add3A_955 : i32 to vector<20x128xi32>
    %add3A_957 = arith.addi %add3A_956, %add3A_26 : vector<20x128xi32>
    %broadcast_in_dim3A_958 = arith.constant 0 : i32
    %broadcast_in_dim3A_959 = vector.broadcast %broadcast_in_dim3A_958 : i32 to vector<20x128xi32>
    %add3A_960 = arith.constant 1 : i32
    %add3A_961 = vector.broadcast %add3A_960 : i32 to vector<20x128xi32>
    %add3A_962 = arith.addi %add3A_957, %add3A_961 : vector<20x128xi32>
    %add3A_963 = arith.addi %broadcast_in_dim3A_959, %add3A_962 : vector<20x128xi32>
    %shift_left3A_964 = arith.constant 13 : i32
    %shift_left3A_965 = vector.broadcast %shift_left3A_964 : i32 to vector<20x128xi32>
    %shift_left3A_966 = arith.shli %add3A_962, %shift_left3A_965 : vector<20x128xi32>
    %shift_right_logical3A_967 = arith.constant 19 : i32
    %shift_right_logical3A_968 = vector.broadcast %shift_right_logical3A_967 : i32 to vector<20x128xi32>
    %shift_right_logical3A_969 = arith.shrui %add3A_962, %shift_right_logical3A_968 : vector<20x128xi32>
    %or3A_970 = arith.ori %shift_left3A_966, %shift_right_logical3A_969 : vector<20x128xi32>
    %xor3A_971 = arith.xori %add3A_963, %or3A_970 : vector<20x128xi32>
    %add3A_972 = arith.addi %add3A_963, %xor3A_971 : vector<20x128xi32>
    %shift_left3A_973 = arith.constant 15 : i32
    %shift_left3A_974 = vector.broadcast %shift_left3A_973 : i32 to vector<20x128xi32>
    %shift_left3A_975 = arith.shli %xor3A_971, %shift_left3A_974 : vector<20x128xi32>
    %shift_right_logical3A_976 = arith.constant 17 : i32
    %shift_right_logical3A_977 = vector.broadcast %shift_right_logical3A_976 : i32 to vector<20x128xi32>
    %shift_right_logical3A_978 = arith.shrui %xor3A_971, %shift_right_logical3A_977 : vector<20x128xi32>
    %or3A_979 = arith.ori %shift_left3A_975, %shift_right_logical3A_978 : vector<20x128xi32>
    %xor3A_980 = arith.xori %add3A_972, %or3A_979 : vector<20x128xi32>
    %add3A_981 = arith.addi %add3A_972, %xor3A_980 : vector<20x128xi32>
    %shift_left3A_982 = arith.constant 26 : i32
    %shift_left3A_983 = vector.broadcast %shift_left3A_982 : i32 to vector<20x128xi32>
    %shift_left3A_984 = arith.shli %xor3A_980, %shift_left3A_983 : vector<20x128xi32>
    %shift_right_logical3A_985 = arith.constant 6 : i32
    %shift_right_logical3A_986 = vector.broadcast %shift_right_logical3A_985 : i32 to vector<20x128xi32>
    %shift_right_logical3A_987 = arith.shrui %xor3A_980, %shift_right_logical3A_986 : vector<20x128xi32>
    %or3A_988 = arith.ori %shift_left3A_984, %shift_right_logical3A_987 : vector<20x128xi32>
    %xor3A_989 = arith.xori %add3A_981, %or3A_988 : vector<20x128xi32>
    %add3A_990 = arith.addi %add3A_981, %xor3A_989 : vector<20x128xi32>
    %shift_left3A_991 = arith.constant 6 : i32
    %shift_left3A_992 = vector.broadcast %shift_left3A_991 : i32 to vector<20x128xi32>
    %shift_left3A_993 = arith.shli %xor3A_989, %shift_left3A_992 : vector<20x128xi32>
    %shift_right_logical3A_994 = arith.constant 26 : i32
    %shift_right_logical3A_995 = vector.broadcast %shift_right_logical3A_994 : i32 to vector<20x128xi32>
    %shift_right_logical3A_996 = arith.shrui %xor3A_989, %shift_right_logical3A_995 : vector<20x128xi32>
    %or3A_997 = arith.ori %shift_left3A_993, %shift_right_logical3A_996 : vector<20x128xi32>
    %xor3A_998 = arith.xori %add3A_990, %or3A_997 : vector<20x128xi32>
    %add3A_999 = arith.constant 1 : i32
    %add3A_1000 = vector.broadcast %add3A_999 : i32 to vector<20x128xi32>
    %add3A_1001 = arith.addi %add3A_990, %add3A_1000 : vector<20x128xi32>
    %add3A_1002 = arith.constant 466688987 : i32
    %add3A_1003 = vector.broadcast %add3A_1002 : i32 to vector<20x128xi32>
    %add3A_1004 = arith.addi %xor3A_998, %add3A_1003 : vector<20x128xi32>
    %add3A_1005 = arith.constant 1 : i32
    %add3A_1006 = vector.broadcast %add3A_1005 : i32 to vector<20x128xi32>
    %add3A_1007 = arith.addi %add3A_1004, %add3A_1006 : vector<20x128xi32>
    %add3A_1008 = arith.addi %add3A_1001, %add3A_1007 : vector<20x128xi32>
    %shift_left3A_1009 = arith.constant 17 : i32
    %shift_left3A_1010 = vector.broadcast %shift_left3A_1009 : i32 to vector<20x128xi32>
    %shift_left3A_1011 = arith.shli %add3A_1007, %shift_left3A_1010 : vector<20x128xi32>
    %shift_right_logical3A_1012 = arith.constant 15 : i32
    %shift_right_logical3A_1013 = vector.broadcast %shift_right_logical3A_1012 : i32 to vector<20x128xi32>
    %shift_right_logical3A_1014 = arith.shrui %add3A_1007, %shift_right_logical3A_1013 : vector<20x128xi32>
    %or3A_1015 = arith.ori %shift_left3A_1011, %shift_right_logical3A_1014 : vector<20x128xi32>
    %xor3A_1016 = arith.xori %add3A_1008, %or3A_1015 : vector<20x128xi32>
    %add3A_1017 = arith.addi %add3A_1008, %xor3A_1016 : vector<20x128xi32>
    %shift_left3A_1018 = arith.constant 29 : i32
    %shift_left3A_1019 = vector.broadcast %shift_left3A_1018 : i32 to vector<20x128xi32>
    %shift_left3A_1020 = arith.shli %xor3A_1016, %shift_left3A_1019 : vector<20x128xi32>
    %shift_right_logical3A_1021 = arith.constant 3 : i32
    %shift_right_logical3A_1022 = vector.broadcast %shift_right_logical3A_1021 : i32 to vector<20x128xi32>
    %shift_right_logical3A_1023 = arith.shrui %xor3A_1016, %shift_right_logical3A_1022 : vector<20x128xi32>
    %or3A_1024 = arith.ori %shift_left3A_1020, %shift_right_logical3A_1023 : vector<20x128xi32>
    %xor3A_1025 = arith.xori %add3A_1017, %or3A_1024 : vector<20x128xi32>
    %add3A_1026 = arith.addi %add3A_1017, %xor3A_1025 : vector<20x128xi32>
    %shift_left3A_1027 = arith.constant 16 : i32
    %shift_left3A_1028 = vector.broadcast %shift_left3A_1027 : i32 to vector<20x128xi32>
    %shift_left3A_1029 = arith.shli %xor3A_1025, %shift_left3A_1028 : vector<20x128xi32>
    %shift_right_logical3A_1030 = arith.constant 16 : i32
    %shift_right_logical3A_1031 = vector.broadcast %shift_right_logical3A_1030 : i32 to vector<20x128xi32>
    %shift_right_logical3A_1032 = arith.shrui %xor3A_1025, %shift_right_logical3A_1031 : vector<20x128xi32>
    %or3A_1033 = arith.ori %shift_left3A_1029, %shift_right_logical3A_1032 : vector<20x128xi32>
    %xor3A_1034 = arith.xori %add3A_1026, %or3A_1033 : vector<20x128xi32>
    %add3A_1035 = arith.addi %add3A_1026, %xor3A_1034 : vector<20x128xi32>
    %shift_left3A_1036 = arith.constant 24 : i32
    %shift_left3A_1037 = vector.broadcast %shift_left3A_1036 : i32 to vector<20x128xi32>
    %shift_left3A_1038 = arith.shli %xor3A_1034, %shift_left3A_1037 : vector<20x128xi32>
    %shift_right_logical3A_1039 = arith.constant 8 : i32
    %shift_right_logical3A_1040 = vector.broadcast %shift_right_logical3A_1039 : i32 to vector<20x128xi32>
    %shift_right_logical3A_1041 = arith.shrui %xor3A_1034, %shift_right_logical3A_1040 : vector<20x128xi32>
    %or3A_1042 = arith.ori %shift_left3A_1038, %shift_right_logical3A_1041 : vector<20x128xi32>
    %xor3A_1043 = arith.xori %add3A_1035, %or3A_1042 : vector<20x128xi32>
    %add3A_1044 = arith.constant 466688987 : i32
    %add3A_1045 = vector.broadcast %add3A_1044 : i32 to vector<20x128xi32>
    %add3A_1046 = arith.addi %add3A_1035, %add3A_1045 : vector<20x128xi32>
    %add3A_1047 = arith.constant 0 : i32
    %add3A_1048 = vector.broadcast %add3A_1047 : i32 to vector<20x128xi32>
    %add3A_1049 = arith.addi %xor3A_1043, %add3A_1048 : vector<20x128xi32>
    %add3A_1050 = arith.constant 2 : i32
    %add3A_1051 = vector.broadcast %add3A_1050 : i32 to vector<20x128xi32>
    %add3A_1052 = arith.addi %add3A_1049, %add3A_1051 : vector<20x128xi32>
    %add3A_1053 = arith.addi %add3A_1046, %add3A_1052 : vector<20x128xi32>
    %shift_left3A_1054 = arith.constant 13 : i32
    %shift_left3A_1055 = vector.broadcast %shift_left3A_1054 : i32 to vector<20x128xi32>
    %shift_left3A_1056 = arith.shli %add3A_1052, %shift_left3A_1055 : vector<20x128xi32>
    %shift_right_logical3A_1057 = arith.constant 19 : i32
    %shift_right_logical3A_1058 = vector.broadcast %shift_right_logical3A_1057 : i32 to vector<20x128xi32>
    %shift_right_logical3A_1059 = arith.shrui %add3A_1052, %shift_right_logical3A_1058 : vector<20x128xi32>
    %or3A_1060 = arith.ori %shift_left3A_1056, %shift_right_logical3A_1059 : vector<20x128xi32>
    %xor3A_1061 = arith.xori %add3A_1053, %or3A_1060 : vector<20x128xi32>
    %add3A_1062 = arith.addi %add3A_1053, %xor3A_1061 : vector<20x128xi32>
    %shift_left3A_1063 = arith.constant 15 : i32
    %shift_left3A_1064 = vector.broadcast %shift_left3A_1063 : i32 to vector<20x128xi32>
    %shift_left3A_1065 = arith.shli %xor3A_1061, %shift_left3A_1064 : vector<20x128xi32>
    %shift_right_logical3A_1066 = arith.constant 17 : i32
    %shift_right_logical3A_1067 = vector.broadcast %shift_right_logical3A_1066 : i32 to vector<20x128xi32>
    %shift_right_logical3A_1068 = arith.shrui %xor3A_1061, %shift_right_logical3A_1067 : vector<20x128xi32>
    %or3A_1069 = arith.ori %shift_left3A_1065, %shift_right_logical3A_1068 : vector<20x128xi32>
    %xor3A_1070 = arith.xori %add3A_1062, %or3A_1069 : vector<20x128xi32>
    %add3A_1071 = arith.addi %add3A_1062, %xor3A_1070 : vector<20x128xi32>
    %shift_left3A_1072 = arith.constant 26 : i32
    %shift_left3A_1073 = vector.broadcast %shift_left3A_1072 : i32 to vector<20x128xi32>
    %shift_left3A_1074 = arith.shli %xor3A_1070, %shift_left3A_1073 : vector<20x128xi32>
    %shift_right_logical3A_1075 = arith.constant 6 : i32
    %shift_right_logical3A_1076 = vector.broadcast %shift_right_logical3A_1075 : i32 to vector<20x128xi32>
    %shift_right_logical3A_1077 = arith.shrui %xor3A_1070, %shift_right_logical3A_1076 : vector<20x128xi32>
    %or3A_1078 = arith.ori %shift_left3A_1074, %shift_right_logical3A_1077 : vector<20x128xi32>
    %xor3A_1079 = arith.xori %add3A_1071, %or3A_1078 : vector<20x128xi32>
    %add3A_1080 = arith.addi %add3A_1071, %xor3A_1079 : vector<20x128xi32>
    %shift_left3A_1081 = arith.constant 6 : i32
    %shift_left3A_1082 = vector.broadcast %shift_left3A_1081 : i32 to vector<20x128xi32>
    %shift_left3A_1083 = arith.shli %xor3A_1079, %shift_left3A_1082 : vector<20x128xi32>
    %shift_right_logical3A_1084 = arith.constant 26 : i32
    %shift_right_logical3A_1085 = vector.broadcast %shift_right_logical3A_1084 : i32 to vector<20x128xi32>
    %shift_right_logical3A_1086 = arith.shrui %xor3A_1079, %shift_right_logical3A_1085 : vector<20x128xi32>
    %or3A_1087 = arith.ori %shift_left3A_1083, %shift_right_logical3A_1086 : vector<20x128xi32>
    %xor3A_1088 = arith.xori %add3A_1080, %or3A_1087 : vector<20x128xi32>
    %add3A_1089 = arith.constant 0 : i32
    %add3A_1090 = vector.broadcast %add3A_1089 : i32 to vector<20x128xi32>
    %add3A_1091 = arith.addi %add3A_1080, %add3A_1090 : vector<20x128xi32>
    %add3A_1092 = arith.constant 1 : i32
    %add3A_1093 = vector.broadcast %add3A_1092 : i32 to vector<20x128xi32>
    %add3A_1094 = arith.addi %xor3A_1088, %add3A_1093 : vector<20x128xi32>
    %add3A_1095 = arith.constant 3 : i32
    %add3A_1096 = vector.broadcast %add3A_1095 : i32 to vector<20x128xi32>
    %add3A_1097 = arith.addi %add3A_1094, %add3A_1096 : vector<20x128xi32>
    %add3A_1098 = arith.addi %add3A_1091, %add3A_1097 : vector<20x128xi32>
    %shift_left3A_1099 = arith.constant 17 : i32
    %shift_left3A_1100 = vector.broadcast %shift_left3A_1099 : i32 to vector<20x128xi32>
    %shift_left3A_1101 = arith.shli %add3A_1097, %shift_left3A_1100 : vector<20x128xi32>
    %shift_right_logical3A_1102 = arith.constant 15 : i32
    %shift_right_logical3A_1103 = vector.broadcast %shift_right_logical3A_1102 : i32 to vector<20x128xi32>
    %shift_right_logical3A_1104 = arith.shrui %add3A_1097, %shift_right_logical3A_1103 : vector<20x128xi32>
    %or3A_1105 = arith.ori %shift_left3A_1101, %shift_right_logical3A_1104 : vector<20x128xi32>
    %xor3A_1106 = arith.xori %add3A_1098, %or3A_1105 : vector<20x128xi32>
    %add3A_1107 = arith.addi %add3A_1098, %xor3A_1106 : vector<20x128xi32>
    %shift_left3A_1108 = arith.constant 29 : i32
    %shift_left3A_1109 = vector.broadcast %shift_left3A_1108 : i32 to vector<20x128xi32>
    %shift_left3A_1110 = arith.shli %xor3A_1106, %shift_left3A_1109 : vector<20x128xi32>
    %shift_right_logical3A_1111 = arith.constant 3 : i32
    %shift_right_logical3A_1112 = vector.broadcast %shift_right_logical3A_1111 : i32 to vector<20x128xi32>
    %shift_right_logical3A_1113 = arith.shrui %xor3A_1106, %shift_right_logical3A_1112 : vector<20x128xi32>
    %or3A_1114 = arith.ori %shift_left3A_1110, %shift_right_logical3A_1113 : vector<20x128xi32>
    %xor3A_1115 = arith.xori %add3A_1107, %or3A_1114 : vector<20x128xi32>
    %add3A_1116 = arith.addi %add3A_1107, %xor3A_1115 : vector<20x128xi32>
    %shift_left3A_1117 = arith.constant 16 : i32
    %shift_left3A_1118 = vector.broadcast %shift_left3A_1117 : i32 to vector<20x128xi32>
    %shift_left3A_1119 = arith.shli %xor3A_1115, %shift_left3A_1118 : vector<20x128xi32>
    %shift_right_logical3A_1120 = arith.constant 16 : i32
    %shift_right_logical3A_1121 = vector.broadcast %shift_right_logical3A_1120 : i32 to vector<20x128xi32>
    %shift_right_logical3A_1122 = arith.shrui %xor3A_1115, %shift_right_logical3A_1121 : vector<20x128xi32>
    %or3A_1123 = arith.ori %shift_left3A_1119, %shift_right_logical3A_1122 : vector<20x128xi32>
    %xor3A_1124 = arith.xori %add3A_1116, %or3A_1123 : vector<20x128xi32>
    %add3A_1125 = arith.addi %add3A_1116, %xor3A_1124 : vector<20x128xi32>
    %shift_left3A_1126 = arith.constant 24 : i32
    %shift_left3A_1127 = vector.broadcast %shift_left3A_1126 : i32 to vector<20x128xi32>
    %shift_left3A_1128 = arith.shli %xor3A_1124, %shift_left3A_1127 : vector<20x128xi32>
    %shift_right_logical3A_1129 = arith.constant 8 : i32
    %shift_right_logical3A_1130 = vector.broadcast %shift_right_logical3A_1129 : i32 to vector<20x128xi32>
    %shift_right_logical3A_1131 = arith.shrui %xor3A_1124, %shift_right_logical3A_1130 : vector<20x128xi32>
    %or3A_1132 = arith.ori %shift_left3A_1128, %shift_right_logical3A_1131 : vector<20x128xi32>
    %xor3A_1133 = arith.xori %add3A_1125, %or3A_1132 : vector<20x128xi32>
    %add3A_1134 = arith.constant 1 : i32
    %add3A_1135 = vector.broadcast %add3A_1134 : i32 to vector<20x128xi32>
    %add3A_1136 = arith.addi %add3A_1125, %add3A_1135 : vector<20x128xi32>
    %add3A_1137 = arith.constant 466688987 : i32
    %add3A_1138 = vector.broadcast %add3A_1137 : i32 to vector<20x128xi32>
    %add3A_1139 = arith.addi %xor3A_1133, %add3A_1138 : vector<20x128xi32>
    %add3A_1140 = arith.constant 4 : i32
    %add3A_1141 = vector.broadcast %add3A_1140 : i32 to vector<20x128xi32>
    %add3A_1142 = arith.addi %add3A_1139, %add3A_1141 : vector<20x128xi32>
    %add3A_1143 = arith.addi %add3A_1136, %add3A_1142 : vector<20x128xi32>
    %shift_left3A_1144 = arith.constant 13 : i32
    %shift_left3A_1145 = vector.broadcast %shift_left3A_1144 : i32 to vector<20x128xi32>
    %shift_left3A_1146 = arith.shli %add3A_1142, %shift_left3A_1145 : vector<20x128xi32>
    %shift_right_logical3A_1147 = arith.constant 19 : i32
    %shift_right_logical3A_1148 = vector.broadcast %shift_right_logical3A_1147 : i32 to vector<20x128xi32>
    %shift_right_logical3A_1149 = arith.shrui %add3A_1142, %shift_right_logical3A_1148 : vector<20x128xi32>
    %or3A_1150 = arith.ori %shift_left3A_1146, %shift_right_logical3A_1149 : vector<20x128xi32>
    %xor3A_1151 = arith.xori %add3A_1143, %or3A_1150 : vector<20x128xi32>
    %add3A_1152 = arith.addi %add3A_1143, %xor3A_1151 : vector<20x128xi32>
    %shift_left3A_1153 = arith.constant 15 : i32
    %shift_left3A_1154 = vector.broadcast %shift_left3A_1153 : i32 to vector<20x128xi32>
    %shift_left3A_1155 = arith.shli %xor3A_1151, %shift_left3A_1154 : vector<20x128xi32>
    %shift_right_logical3A_1156 = arith.constant 17 : i32
    %shift_right_logical3A_1157 = vector.broadcast %shift_right_logical3A_1156 : i32 to vector<20x128xi32>
    %shift_right_logical3A_1158 = arith.shrui %xor3A_1151, %shift_right_logical3A_1157 : vector<20x128xi32>
    %or3A_1159 = arith.ori %shift_left3A_1155, %shift_right_logical3A_1158 : vector<20x128xi32>
    %xor3A_1160 = arith.xori %add3A_1152, %or3A_1159 : vector<20x128xi32>
    %add3A_1161 = arith.addi %add3A_1152, %xor3A_1160 : vector<20x128xi32>
    %shift_left3A_1162 = arith.constant 26 : i32
    %shift_left3A_1163 = vector.broadcast %shift_left3A_1162 : i32 to vector<20x128xi32>
    %shift_left3A_1164 = arith.shli %xor3A_1160, %shift_left3A_1163 : vector<20x128xi32>
    %shift_right_logical3A_1165 = arith.constant 6 : i32
    %shift_right_logical3A_1166 = vector.broadcast %shift_right_logical3A_1165 : i32 to vector<20x128xi32>
    %shift_right_logical3A_1167 = arith.shrui %xor3A_1160, %shift_right_logical3A_1166 : vector<20x128xi32>
    %or3A_1168 = arith.ori %shift_left3A_1164, %shift_right_logical3A_1167 : vector<20x128xi32>
    %xor3A_1169 = arith.xori %add3A_1161, %or3A_1168 : vector<20x128xi32>
    %add3A_1170 = arith.addi %add3A_1161, %xor3A_1169 : vector<20x128xi32>
    %shift_left3A_1171 = arith.constant 6 : i32
    %shift_left3A_1172 = vector.broadcast %shift_left3A_1171 : i32 to vector<20x128xi32>
    %shift_left3A_1173 = arith.shli %xor3A_1169, %shift_left3A_1172 : vector<20x128xi32>
    %shift_right_logical3A_1174 = arith.constant 26 : i32
    %shift_right_logical3A_1175 = vector.broadcast %shift_right_logical3A_1174 : i32 to vector<20x128xi32>
    %shift_right_logical3A_1176 = arith.shrui %xor3A_1169, %shift_right_logical3A_1175 : vector<20x128xi32>
    %or3A_1177 = arith.ori %shift_left3A_1173, %shift_right_logical3A_1176 : vector<20x128xi32>
    %xor3A_1178 = arith.xori %add3A_1170, %or3A_1177 : vector<20x128xi32>
    %add3A_1179 = arith.constant 466688987 : i32
    %add3A_1180 = vector.broadcast %add3A_1179 : i32 to vector<20x128xi32>
    %add3A_1181 = arith.addi %add3A_1170, %add3A_1180 : vector<20x128xi32>
    %add3A_1182 = arith.constant 0 : i32
    %add3A_1183 = vector.broadcast %add3A_1182 : i32 to vector<20x128xi32>
    %add3A_1184 = arith.addi %xor3A_1178, %add3A_1183 : vector<20x128xi32>
    %add3A_1185 = arith.constant 5 : i32
    %add3A_1186 = vector.broadcast %add3A_1185 : i32 to vector<20x128xi32>
    %add3A_1187 = arith.addi %add3A_1184, %add3A_1186 : vector<20x128xi32>
    %xor3A_1188 = arith.xori %add3A_1181, %add3A_1187 : vector<20x128xi32>
    %shift_right_logical3A_1189 = arith.constant 9 : i32
    %shift_right_logical3A_1190 = vector.broadcast %shift_right_logical3A_1189 : i32 to vector<20x128xi32>
    %shift_right_logical3A_1191 = arith.shrui %xor3A_1188, %shift_right_logical3A_1190 : vector<20x128xi32>
    %or3A_1192 = arith.constant 1065353216 : i32
    %or3A_1193 = vector.broadcast %or3A_1192 : i32 to vector<20x128xi32>
    %or3A_1194 = arith.ori %shift_right_logical3A_1191, %or3A_1193 : vector<20x128xi32>
    %bitcast_convert_type3A_1195 = tpu.bitcast %or3A_1194 : vector<20x128xi32> -> vector<20x128xf32>
    %sub3A_1196 = arith.constant 1.000000e+00 : f32
    %sub3A_1197 = vector.broadcast %sub3A_1196 : f32 to vector<20x128xf32>
    %sub3A_1198 = arith.subf %bitcast_convert_type3A_1195, %sub3A_1197 : vector<20x128xf32>
    %add3A_1199 = arith.constant 1.17549435E-38 : f32
    %add3A_1200 = vector.broadcast %add3A_1199 : f32 to vector<20x128xf32>
    %add3A_1201 = arith.addf %sub3A_1198, %add3A_1200 : vector<20x128xf32>
    %max3A_1202 = arith.constant 1.17549435E-38 : f32
    %max3A_1203 = vector.broadcast %max3A_1202 : f32 to vector<20x128xf32>
    %max3A_1204 = arith.maximumf %max3A_1203, %add3A_1201 : vector<20x128xf32>
    %log3A_1205 = math.log %max3A_1204 : vector<20x128xf32>
    %neg3A_1206 = arith.constant 0.000000e+00 : f32
    %neg3A_1207 = vector.broadcast %neg3A_1206 : f32 to vector<20x128xf32>
    %neg3A_1208 = arith.subf %neg3A_1207, %log3A_1205 : vector<20x128xf32>
    %log3A_1209 = math.log %neg3A_1208 : vector<20x128xf32>
    %neg3A_1210 = arith.constant 0.000000e+00 : f32
    %neg3A_1211 = vector.broadcast %neg3A_1210 : f32 to vector<20x128xf32>
    %neg3A_1212 = arith.subf %neg3A_1211, %log3A_1209 : vector<20x128xf32>
    %add3A_1213 = arith.addf %log3A_953, %neg3A_1212 : vector<20x128xf32>
    %argmax3A_1214 = tpu.reduce_index %add3A_1213 {axis = 0 : i32, kind = #tpu.reduction_kind<arg_max>} : vector<20x128xf32> -> vector<128xi32>
    %swap3A_1215 = arith.constant 3 : index
    %swap3A_1216 = arith.constant 0 : index
    %swap3A_1217 = vector.load %arg6[%swap3A_1215, %swap3A_1216] : memref<16x128xi32, #tpu.memory_space<vmem>>, vector<1x128xi32>
    %swap3A_1218 = vector.shape_cast %swap3A_1217 : vector<1x128xi32> to vector<128xi32>
    %swap3A_1219 = vector.shape_cast %argmax3A_1214 : vector<128xi32> to vector<1x128xi32>
    tpu.vector_store %arg6[%swap3A_1215, %swap3A_1216], %swap3A_1219 {strides = array<i32>} : memref<16x128xi32, #tpu.memory_space<vmem>>, vector<1x128xi32>,
    %get3A_1220 = arith.constant 4 : index
    %get3A_1221 = arith.constant 0 : index
    %get3A_1222 = vector.load %arg3[%get3A_1220, %get3A_1221] : memref<16x128xi32, #tpu.memory_space<vmem>>, vector<1x128xi32>
    %get3A_1223 = vector.shape_cast %get3A_1222 : vector<1x128xi32> to vector<128xi32>
    %broadcast_in_dim3A_1224 = vector.shape_cast %get3A_1223 : vector<128xi32> to vector<1x128xi32>
    %broadcast_in_dim3A_1225 = vector.shape_cast %broadcast_in_dim3A_1224 : vector<1x128xi32> to vector<1x128xi32>
    %broadcast_in_dim3A_1226 = vector.broadcast %broadcast_in_dim3A_1225 : vector<1x128xi32> to vector<20x128xi32>
    %get3A_1227 = arith.constant 4 : index
    %get3A_1228 = arith.constant 0 : index
    %get3A_1229 = vector.load %arg4[%get3A_1227, %get3A_1228] : memref<16x128xi32, #tpu.memory_space<vmem>>, vector<1x128xi32>
    %get3A_1230 = vector.shape_cast %get3A_1229 : vector<1x128xi32> to vector<128xi32>
    %broadcast_in_dim3A_1231 = vector.shape_cast %get3A_1230 : vector<128xi32> to vector<1x128xi32>
    %broadcast_in_dim3A_1232 = vector.shape_cast %broadcast_in_dim3A_1231 : vector<1x128xi32> to vector<1x128xi32>
    %broadcast_in_dim3A_1233 = vector.broadcast %broadcast_in_dim3A_1232 : vector<1x128xi32> to vector<20x128xi32>
    %ne3A_1234 = arith.constant 0 : i32
    %ne3A_1235 = vector.broadcast %ne3A_1234 : i32 to vector<20x128xi32>
    %ne3A_1236 = arith.cmpi ne, %broadcast_in_dim3A_1233, %ne3A_1235 : vector<20x128xi32>
    %eq3A_1237 = arith.cmpi eq, %broadcast_in_dim3A_1226, %iota3A : vector<20x128xi32>
    %broadcast_in_dim3A_1238 = vector.broadcast %add3A : f32 to vector<20x128xf32>
    %broadcast_in_dim3A_1239 = vector.broadcast %div3A_22 : f32 to vector<20x128xf32>
    %select_n3A_1240 = arith.select %eq3A_1237, %broadcast_in_dim3A_1238, %broadcast_in_dim3A_1239 : vector<20x128xi1>, vector<20x128xf32>
    %jit3A_1241 = arith.constant 1.000000e+00 : f32
    %jit3A_1242 = arith.constant 0.000000e+00 : f32
    %broadcast_in_dim3A_1243 = vector.broadcast %jit3A_1241 : f32 to vector<20x128xf32>
    %broadcast_in_dim3A_1244 = vector.broadcast %jit3A_1242 : f32 to vector<20x128xf32>
    %select_n3A_1245 = arith.select %eq3A_1237, %broadcast_in_dim3A_1243, %broadcast_in_dim3A_1244 : vector<20x128xi1>, vector<20x128xf32>
    %select_n3A_1246 = arith.select %ne3A_1236, %select_n3A_1240, %select_n3A_1245 : vector<20x128xi1>, vector<20x128xf32>
    %transpose3A_1247 = tpu.transpose %select_n3A_1246, [1, 0] : vector<20x128xf32> -> vector<128x20xf32>
    %swap3A_1248 = arith.constant 512 : index
    %swap3A_1249 = arith.constant 0 : index
    %swap3A_1250 = vector.load %arg5[%swap3A_1248, %swap3A_1249] : memref<2048x20xf32, #tpu.memory_space<vmem>>, vector<128x20xf32>
    tpu.vector_store %arg5[%swap3A_1248, %swap3A_1249], %transpose3A_1247 {strides = array<i32>} : memref<2048x20xf32, #tpu.memory_space<vmem>>, vector<128x20xf32>,
    %add3A_1251 = arith.constant 9.99999993E-9 : f32
    %add3A_1252 = vector.broadcast %add3A_1251 : f32 to vector<20x128xf32>
    %add3A_1253 = arith.addf %select_n3A_1246, %add3A_1252 : vector<20x128xf32>
    %log3A_1254 = math.log %add3A_1253 : vector<20x128xf32>
    %add3A_1255 = arith.constant 10240 : i32
    %add3A_1256 = arith.addi %mul3A_28, %add3A_1255 : i32
    %add3A_1257 = vector.broadcast %add3A_1256 : i32 to vector<20x128xi32>
    %add3A_1258 = arith.addi %add3A_1257, %add3A_26 : vector<20x128xi32>
    %broadcast_in_dim3A_1259 = arith.constant 0 : i32
    %broadcast_in_dim3A_1260 = vector.broadcast %broadcast_in_dim3A_1259 : i32 to vector<20x128xi32>
    %add3A_1261 = arith.constant 1 : i32
    %add3A_1262 = vector.broadcast %add3A_1261 : i32 to vector<20x128xi32>
    %add3A_1263 = arith.addi %add3A_1258, %add3A_1262 : vector<20x128xi32>
    %add3A_1264 = arith.addi %broadcast_in_dim3A_1260, %add3A_1263 : vector<20x128xi32>
    %shift_left3A_1265 = arith.constant 13 : i32
    %shift_left3A_1266 = vector.broadcast %shift_left3A_1265 : i32 to vector<20x128xi32>
    %shift_left3A_1267 = arith.shli %add3A_1263, %shift_left3A_1266 : vector<20x128xi32>
    %shift_right_logical3A_1268 = arith.constant 19 : i32
    %shift_right_logical3A_1269 = vector.broadcast %shift_right_logical3A_1268 : i32 to vector<20x128xi32>
    %shift_right_logical3A_1270 = arith.shrui %add3A_1263, %shift_right_logical3A_1269 : vector<20x128xi32>
    %or3A_1271 = arith.ori %shift_left3A_1267, %shift_right_logical3A_1270 : vector<20x128xi32>
    %xor3A_1272 = arith.xori %add3A_1264, %or3A_1271 : vector<20x128xi32>
    %add3A_1273 = arith.addi %add3A_1264, %xor3A_1272 : vector<20x128xi32>
    %shift_left3A_1274 = arith.constant 15 : i32
    %shift_left3A_1275 = vector.broadcast %shift_left3A_1274 : i32 to vector<20x128xi32>
    %shift_left3A_1276 = arith.shli %xor3A_1272, %shift_left3A_1275 : vector<20x128xi32>
    %shift_right_logical3A_1277 = arith.constant 17 : i32
    %shift_right_logical3A_1278 = vector.broadcast %shift_right_logical3A_1277 : i32 to vector<20x128xi32>
    %shift_right_logical3A_1279 = arith.shrui %xor3A_1272, %shift_right_logical3A_1278 : vector<20x128xi32>
    %or3A_1280 = arith.ori %shift_left3A_1276, %shift_right_logical3A_1279 : vector<20x128xi32>
    %xor3A_1281 = arith.xori %add3A_1273, %or3A_1280 : vector<20x128xi32>
    %add3A_1282 = arith.addi %add3A_1273, %xor3A_1281 : vector<20x128xi32>
    %shift_left3A_1283 = arith.constant 26 : i32
    %shift_left3A_1284 = vector.broadcast %shift_left3A_1283 : i32 to vector<20x128xi32>
    %shift_left3A_1285 = arith.shli %xor3A_1281, %shift_left3A_1284 : vector<20x128xi32>
    %shift_right_logical3A_1286 = arith.constant 6 : i32
    %shift_right_logical3A_1287 = vector.broadcast %shift_right_logical3A_1286 : i32 to vector<20x128xi32>
    %shift_right_logical3A_1288 = arith.shrui %xor3A_1281, %shift_right_logical3A_1287 : vector<20x128xi32>
    %or3A_1289 = arith.ori %shift_left3A_1285, %shift_right_logical3A_1288 : vector<20x128xi32>
    %xor3A_1290 = arith.xori %add3A_1282, %or3A_1289 : vector<20x128xi32>
    %add3A_1291 = arith.addi %add3A_1282, %xor3A_1290 : vector<20x128xi32>
    %shift_left3A_1292 = arith.constant 6 : i32
    %shift_left3A_1293 = vector.broadcast %shift_left3A_1292 : i32 to vector<20x128xi32>
    %shift_left3A_1294 = arith.shli %xor3A_1290, %shift_left3A_1293 : vector<20x128xi32>
    %shift_right_logical3A_1295 = arith.constant 26 : i32
    %shift_right_logical3A_1296 = vector.broadcast %shift_right_logical3A_1295 : i32 to vector<20x128xi32>
    %shift_right_logical3A_1297 = arith.shrui %xor3A_1290, %shift_right_logical3A_1296 : vector<20x128xi32>
    %or3A_1298 = arith.ori %shift_left3A_1294, %shift_right_logical3A_1297 : vector<20x128xi32>
    %xor3A_1299 = arith.xori %add3A_1291, %or3A_1298 : vector<20x128xi32>
    %add3A_1300 = arith.constant 1 : i32
    %add3A_1301 = vector.broadcast %add3A_1300 : i32 to vector<20x128xi32>
    %add3A_1302 = arith.addi %add3A_1291, %add3A_1301 : vector<20x128xi32>
    %add3A_1303 = arith.constant 466688987 : i32
    %add3A_1304 = vector.broadcast %add3A_1303 : i32 to vector<20x128xi32>
    %add3A_1305 = arith.addi %xor3A_1299, %add3A_1304 : vector<20x128xi32>
    %add3A_1306 = arith.constant 1 : i32
    %add3A_1307 = vector.broadcast %add3A_1306 : i32 to vector<20x128xi32>
    %add3A_1308 = arith.addi %add3A_1305, %add3A_1307 : vector<20x128xi32>
    %add3A_1309 = arith.addi %add3A_1302, %add3A_1308 : vector<20x128xi32>
    %shift_left3A_1310 = arith.constant 17 : i32
    %shift_left3A_1311 = vector.broadcast %shift_left3A_1310 : i32 to vector<20x128xi32>
    %shift_left3A_1312 = arith.shli %add3A_1308, %shift_left3A_1311 : vector<20x128xi32>
    %shift_right_logical3A_1313 = arith.constant 15 : i32
    %shift_right_logical3A_1314 = vector.broadcast %shift_right_logical3A_1313 : i32 to vector<20x128xi32>
    %shift_right_logical3A_1315 = arith.shrui %add3A_1308, %shift_right_logical3A_1314 : vector<20x128xi32>
    %or3A_1316 = arith.ori %shift_left3A_1312, %shift_right_logical3A_1315 : vector<20x128xi32>
    %xor3A_1317 = arith.xori %add3A_1309, %or3A_1316 : vector<20x128xi32>
    %add3A_1318 = arith.addi %add3A_1309, %xor3A_1317 : vector<20x128xi32>
    %shift_left3A_1319 = arith.constant 29 : i32
    %shift_left3A_1320 = vector.broadcast %shift_left3A_1319 : i32 to vector<20x128xi32>
    %shift_left3A_1321 = arith.shli %xor3A_1317, %shift_left3A_1320 : vector<20x128xi32>
    %shift_right_logical3A_1322 = arith.constant 3 : i32
    %shift_right_logical3A_1323 = vector.broadcast %shift_right_logical3A_1322 : i32 to vector<20x128xi32>
    %shift_right_logical3A_1324 = arith.shrui %xor3A_1317, %shift_right_logical3A_1323 : vector<20x128xi32>
    %or3A_1325 = arith.ori %shift_left3A_1321, %shift_right_logical3A_1324 : vector<20x128xi32>
    %xor3A_1326 = arith.xori %add3A_1318, %or3A_1325 : vector<20x128xi32>
    %add3A_1327 = arith.addi %add3A_1318, %xor3A_1326 : vector<20x128xi32>
    %shift_left3A_1328 = arith.constant 16 : i32
    %shift_left3A_1329 = vector.broadcast %shift_left3A_1328 : i32 to vector<20x128xi32>
    %shift_left3A_1330 = arith.shli %xor3A_1326, %shift_left3A_1329 : vector<20x128xi32>
    %shift_right_logical3A_1331 = arith.constant 16 : i32
    %shift_right_logical3A_1332 = vector.broadcast %shift_right_logical3A_1331 : i32 to vector<20x128xi32>
    %shift_right_logical3A_1333 = arith.shrui %xor3A_1326, %shift_right_logical3A_1332 : vector<20x128xi32>
    %or3A_1334 = arith.ori %shift_left3A_1330, %shift_right_logical3A_1333 : vector<20x128xi32>
    %xor3A_1335 = arith.xori %add3A_1327, %or3A_1334 : vector<20x128xi32>
    %add3A_1336 = arith.addi %add3A_1327, %xor3A_1335 : vector<20x128xi32>
    %shift_left3A_1337 = arith.constant 24 : i32
    %shift_left3A_1338 = vector.broadcast %shift_left3A_1337 : i32 to vector<20x128xi32>
    %shift_left3A_1339 = arith.shli %xor3A_1335, %shift_left3A_1338 : vector<20x128xi32>
    %shift_right_logical3A_1340 = arith.constant 8 : i32
    %shift_right_logical3A_1341 = vector.broadcast %shift_right_logical3A_1340 : i32 to vector<20x128xi32>
    %shift_right_logical3A_1342 = arith.shrui %xor3A_1335, %shift_right_logical3A_1341 : vector<20x128xi32>
    %or3A_1343 = arith.ori %shift_left3A_1339, %shift_right_logical3A_1342 : vector<20x128xi32>
    %xor3A_1344 = arith.xori %add3A_1336, %or3A_1343 : vector<20x128xi32>
    %add3A_1345 = arith.constant 466688987 : i32
    %add3A_1346 = vector.broadcast %add3A_1345 : i32 to vector<20x128xi32>
    %add3A_1347 = arith.addi %add3A_1336, %add3A_1346 : vector<20x128xi32>
    %add3A_1348 = arith.constant 0 : i32
    %add3A_1349 = vector.broadcast %add3A_1348 : i32 to vector<20x128xi32>
    %add3A_1350 = arith.addi %xor3A_1344, %add3A_1349 : vector<20x128xi32>
    %add3A_1351 = arith.constant 2 : i32
    %add3A_1352 = vector.broadcast %add3A_1351 : i32 to vector<20x128xi32>
    %add3A_1353 = arith.addi %add3A_1350, %add3A_1352 : vector<20x128xi32>
    %add3A_1354 = arith.addi %add3A_1347, %add3A_1353 : vector<20x128xi32>
    %shift_left3A_1355 = arith.constant 13 : i32
    %shift_left3A_1356 = vector.broadcast %shift_left3A_1355 : i32 to vector<20x128xi32>
    %shift_left3A_1357 = arith.shli %add3A_1353, %shift_left3A_1356 : vector<20x128xi32>
    %shift_right_logical3A_1358 = arith.constant 19 : i32
    %shift_right_logical3A_1359 = vector.broadcast %shift_right_logical3A_1358 : i32 to vector<20x128xi32>
    %shift_right_logical3A_1360 = arith.shrui %add3A_1353, %shift_right_logical3A_1359 : vector<20x128xi32>
    %or3A_1361 = arith.ori %shift_left3A_1357, %shift_right_logical3A_1360 : vector<20x128xi32>
    %xor3A_1362 = arith.xori %add3A_1354, %or3A_1361 : vector<20x128xi32>
    %add3A_1363 = arith.addi %add3A_1354, %xor3A_1362 : vector<20x128xi32>
    %shift_left3A_1364 = arith.constant 15 : i32
    %shift_left3A_1365 = vector.broadcast %shift_left3A_1364 : i32 to vector<20x128xi32>
    %shift_left3A_1366 = arith.shli %xor3A_1362, %shift_left3A_1365 : vector<20x128xi32>
    %shift_right_logical3A_1367 = arith.constant 17 : i32
    %shift_right_logical3A_1368 = vector.broadcast %shift_right_logical3A_1367 : i32 to vector<20x128xi32>
    %shift_right_logical3A_1369 = arith.shrui %xor3A_1362, %shift_right_logical3A_1368 : vector<20x128xi32>
    %or3A_1370 = arith.ori %shift_left3A_1366, %shift_right_logical3A_1369 : vector<20x128xi32>
    %xor3A_1371 = arith.xori %add3A_1363, %or3A_1370 : vector<20x128xi32>
    %add3A_1372 = arith.addi %add3A_1363, %xor3A_1371 : vector<20x128xi32>
    %shift_left3A_1373 = arith.constant 26 : i32
    %shift_left3A_1374 = vector.broadcast %shift_left3A_1373 : i32 to vector<20x128xi32>
    %shift_left3A_1375 = arith.shli %xor3A_1371, %shift_left3A_1374 : vector<20x128xi32>
    %shift_right_logical3A_1376 = arith.constant 6 : i32
    %shift_right_logical3A_1377 = vector.broadcast %shift_right_logical3A_1376 : i32 to vector<20x128xi32>
    %shift_right_logical3A_1378 = arith.shrui %xor3A_1371, %shift_right_logical3A_1377 : vector<20x128xi32>
    %or3A_1379 = arith.ori %shift_left3A_1375, %shift_right_logical3A_1378 : vector<20x128xi32>
    %xor3A_1380 = arith.xori %add3A_1372, %or3A_1379 : vector<20x128xi32>
    %add3A_1381 = arith.addi %add3A_1372, %xor3A_1380 : vector<20x128xi32>
    %shift_left3A_1382 = arith.constant 6 : i32
    %shift_left3A_1383 = vector.broadcast %shift_left3A_1382 : i32 to vector<20x128xi32>
    %shift_left3A_1384 = arith.shli %xor3A_1380, %shift_left3A_1383 : vector<20x128xi32>
    %shift_right_logical3A_1385 = arith.constant 26 : i32
    %shift_right_logical3A_1386 = vector.broadcast %shift_right_logical3A_1385 : i32 to vector<20x128xi32>
    %shift_right_logical3A_1387 = arith.shrui %xor3A_1380, %shift_right_logical3A_1386 : vector<20x128xi32>
    %or3A_1388 = arith.ori %shift_left3A_1384, %shift_right_logical3A_1387 : vector<20x128xi32>
    %xor3A_1389 = arith.xori %add3A_1381, %or3A_1388 : vector<20x128xi32>
    %add3A_1390 = arith.constant 0 : i32
    %add3A_1391 = vector.broadcast %add3A_1390 : i32 to vector<20x128xi32>
    %add3A_1392 = arith.addi %add3A_1381, %add3A_1391 : vector<20x128xi32>
    %add3A_1393 = arith.constant 1 : i32
    %add3A_1394 = vector.broadcast %add3A_1393 : i32 to vector<20x128xi32>
    %add3A_1395 = arith.addi %xor3A_1389, %add3A_1394 : vector<20x128xi32>
    %add3A_1396 = arith.constant 3 : i32
    %add3A_1397 = vector.broadcast %add3A_1396 : i32 to vector<20x128xi32>
    %add3A_1398 = arith.addi %add3A_1395, %add3A_1397 : vector<20x128xi32>
    %add3A_1399 = arith.addi %add3A_1392, %add3A_1398 : vector<20x128xi32>
    %shift_left3A_1400 = arith.constant 17 : i32
    %shift_left3A_1401 = vector.broadcast %shift_left3A_1400 : i32 to vector<20x128xi32>
    %shift_left3A_1402 = arith.shli %add3A_1398, %shift_left3A_1401 : vector<20x128xi32>
    %shift_right_logical3A_1403 = arith.constant 15 : i32
    %shift_right_logical3A_1404 = vector.broadcast %shift_right_logical3A_1403 : i32 to vector<20x128xi32>
    %shift_right_logical3A_1405 = arith.shrui %add3A_1398, %shift_right_logical3A_1404 : vector<20x128xi32>
    %or3A_1406 = arith.ori %shift_left3A_1402, %shift_right_logical3A_1405 : vector<20x128xi32>
    %xor3A_1407 = arith.xori %add3A_1399, %or3A_1406 : vector<20x128xi32>
    %add3A_1408 = arith.addi %add3A_1399, %xor3A_1407 : vector<20x128xi32>
    %shift_left3A_1409 = arith.constant 29 : i32
    %shift_left3A_1410 = vector.broadcast %shift_left3A_1409 : i32 to vector<20x128xi32>
    %shift_left3A_1411 = arith.shli %xor3A_1407, %shift_left3A_1410 : vector<20x128xi32>
    %shift_right_logical3A_1412 = arith.constant 3 : i32
    %shift_right_logical3A_1413 = vector.broadcast %shift_right_logical3A_1412 : i32 to vector<20x128xi32>
    %shift_right_logical3A_1414 = arith.shrui %xor3A_1407, %shift_right_logical3A_1413 : vector<20x128xi32>
    %or3A_1415 = arith.ori %shift_left3A_1411, %shift_right_logical3A_1414 : vector<20x128xi32>
    %xor3A_1416 = arith.xori %add3A_1408, %or3A_1415 : vector<20x128xi32>
    %add3A_1417 = arith.addi %add3A_1408, %xor3A_1416 : vector<20x128xi32>
    %shift_left3A_1418 = arith.constant 16 : i32
    %shift_left3A_1419 = vector.broadcast %shift_left3A_1418 : i32 to vector<20x128xi32>
    %shift_left3A_1420 = arith.shli %xor3A_1416, %shift_left3A_1419 : vector<20x128xi32>
    %shift_right_logical3A_1421 = arith.constant 16 : i32
    %shift_right_logical3A_1422 = vector.broadcast %shift_right_logical3A_1421 : i32 to vector<20x128xi32>
    %shift_right_logical3A_1423 = arith.shrui %xor3A_1416, %shift_right_logical3A_1422 : vector<20x128xi32>
    %or3A_1424 = arith.ori %shift_left3A_1420, %shift_right_logical3A_1423 : vector<20x128xi32>
    %xor3A_1425 = arith.xori %add3A_1417, %or3A_1424 : vector<20x128xi32>
    %add3A_1426 = arith.addi %add3A_1417, %xor3A_1425 : vector<20x128xi32>
    %shift_left3A_1427 = arith.constant 24 : i32
    %shift_left3A_1428 = vector.broadcast %shift_left3A_1427 : i32 to vector<20x128xi32>
    %shift_left3A_1429 = arith.shli %xor3A_1425, %shift_left3A_1428 : vector<20x128xi32>
    %shift_right_logical3A_1430 = arith.constant 8 : i32
    %shift_right_logical3A_1431 = vector.broadcast %shift_right_logical3A_1430 : i32 to vector<20x128xi32>
    %shift_right_logical3A_1432 = arith.shrui %xor3A_1425, %shift_right_logical3A_1431 : vector<20x128xi32>
    %or3A_1433 = arith.ori %shift_left3A_1429, %shift_right_logical3A_1432 : vector<20x128xi32>
    %xor3A_1434 = arith.xori %add3A_1426, %or3A_1433 : vector<20x128xi32>
    %add3A_1435 = arith.constant 1 : i32
    %add3A_1436 = vector.broadcast %add3A_1435 : i32 to vector<20x128xi32>
    %add3A_1437 = arith.addi %add3A_1426, %add3A_1436 : vector<20x128xi32>
    %add3A_1438 = arith.constant 466688987 : i32
    %add3A_1439 = vector.broadcast %add3A_1438 : i32 to vector<20x128xi32>
    %add3A_1440 = arith.addi %xor3A_1434, %add3A_1439 : vector<20x128xi32>
    %add3A_1441 = arith.constant 4 : i32
    %add3A_1442 = vector.broadcast %add3A_1441 : i32 to vector<20x128xi32>
    %add3A_1443 = arith.addi %add3A_1440, %add3A_1442 : vector<20x128xi32>
    %add3A_1444 = arith.addi %add3A_1437, %add3A_1443 : vector<20x128xi32>
    %shift_left3A_1445 = arith.constant 13 : i32
    %shift_left3A_1446 = vector.broadcast %shift_left3A_1445 : i32 to vector<20x128xi32>
    %shift_left3A_1447 = arith.shli %add3A_1443, %shift_left3A_1446 : vector<20x128xi32>
    %shift_right_logical3A_1448 = arith.constant 19 : i32
    %shift_right_logical3A_1449 = vector.broadcast %shift_right_logical3A_1448 : i32 to vector<20x128xi32>
    %shift_right_logical3A_1450 = arith.shrui %add3A_1443, %shift_right_logical3A_1449 : vector<20x128xi32>
    %or3A_1451 = arith.ori %shift_left3A_1447, %shift_right_logical3A_1450 : vector<20x128xi32>
    %xor3A_1452 = arith.xori %add3A_1444, %or3A_1451 : vector<20x128xi32>
    %add3A_1453 = arith.addi %add3A_1444, %xor3A_1452 : vector<20x128xi32>
    %shift_left3A_1454 = arith.constant 15 : i32
    %shift_left3A_1455 = vector.broadcast %shift_left3A_1454 : i32 to vector<20x128xi32>
    %shift_left3A_1456 = arith.shli %xor3A_1452, %shift_left3A_1455 : vector<20x128xi32>
    %shift_right_logical3A_1457 = arith.constant 17 : i32
    %shift_right_logical3A_1458 = vector.broadcast %shift_right_logical3A_1457 : i32 to vector<20x128xi32>
    %shift_right_logical3A_1459 = arith.shrui %xor3A_1452, %shift_right_logical3A_1458 : vector<20x128xi32>
    %or3A_1460 = arith.ori %shift_left3A_1456, %shift_right_logical3A_1459 : vector<20x128xi32>
    %xor3A_1461 = arith.xori %add3A_1453, %or3A_1460 : vector<20x128xi32>
    %add3A_1462 = arith.addi %add3A_1453, %xor3A_1461 : vector<20x128xi32>
    %shift_left3A_1463 = arith.constant 26 : i32
    %shift_left3A_1464 = vector.broadcast %shift_left3A_1463 : i32 to vector<20x128xi32>
    %shift_left3A_1465 = arith.shli %xor3A_1461, %shift_left3A_1464 : vector<20x128xi32>
    %shift_right_logical3A_1466 = arith.constant 6 : i32
    %shift_right_logical3A_1467 = vector.broadcast %shift_right_logical3A_1466 : i32 to vector<20x128xi32>
    %shift_right_logical3A_1468 = arith.shrui %xor3A_1461, %shift_right_logical3A_1467 : vector<20x128xi32>
    %or3A_1469 = arith.ori %shift_left3A_1465, %shift_right_logical3A_1468 : vector<20x128xi32>
    %xor3A_1470 = arith.xori %add3A_1462, %or3A_1469 : vector<20x128xi32>
    %add3A_1471 = arith.addi %add3A_1462, %xor3A_1470 : vector<20x128xi32>
    %shift_left3A_1472 = arith.constant 6 : i32
    %shift_left3A_1473 = vector.broadcast %shift_left3A_1472 : i32 to vector<20x128xi32>
    %shift_left3A_1474 = arith.shli %xor3A_1470, %shift_left3A_1473 : vector<20x128xi32>
    %shift_right_logical3A_1475 = arith.constant 26 : i32
    %shift_right_logical3A_1476 = vector.broadcast %shift_right_logical3A_1475 : i32 to vector<20x128xi32>
    %shift_right_logical3A_1477 = arith.shrui %xor3A_1470, %shift_right_logical3A_1476 : vector<20x128xi32>
    %or3A_1478 = arith.ori %shift_left3A_1474, %shift_right_logical3A_1477 : vector<20x128xi32>
    %xor3A_1479 = arith.xori %add3A_1471, %or3A_1478 : vector<20x128xi32>
    %add3A_1480 = arith.constant 466688987 : i32
    %add3A_1481 = vector.broadcast %add3A_1480 : i32 to vector<20x128xi32>
    %add3A_1482 = arith.addi %add3A_1471, %add3A_1481 : vector<20x128xi32>
    %add3A_1483 = arith.constant 0 : i32
    %add3A_1484 = vector.broadcast %add3A_1483 : i32 to vector<20x128xi32>
    %add3A_1485 = arith.addi %xor3A_1479, %add3A_1484 : vector<20x128xi32>
    %add3A_1486 = arith.constant 5 : i32
    %add3A_1487 = vector.broadcast %add3A_1486 : i32 to vector<20x128xi32>
    %add3A_1488 = arith.addi %add3A_1485, %add3A_1487 : vector<20x128xi32>
    %xor3A_1489 = arith.xori %add3A_1482, %add3A_1488 : vector<20x128xi32>
    %shift_right_logical3A_1490 = arith.constant 9 : i32
    %shift_right_logical3A_1491 = vector.broadcast %shift_right_logical3A_1490 : i32 to vector<20x128xi32>
    %shift_right_logical3A_1492 = arith.shrui %xor3A_1489, %shift_right_logical3A_1491 : vector<20x128xi32>
    %or3A_1493 = arith.constant 1065353216 : i32
    %or3A_1494 = vector.broadcast %or3A_1493 : i32 to vector<20x128xi32>
    %or3A_1495 = arith.ori %shift_right_logical3A_1492, %or3A_1494 : vector<20x128xi32>
    %bitcast_convert_type3A_1496 = tpu.bitcast %or3A_1495 : vector<20x128xi32> -> vector<20x128xf32>
    %sub3A_1497 = arith.constant 1.000000e+00 : f32
    %sub3A_1498 = vector.broadcast %sub3A_1497 : f32 to vector<20x128xf32>
    %sub3A_1499 = arith.subf %bitcast_convert_type3A_1496, %sub3A_1498 : vector<20x128xf32>
    %add3A_1500 = arith.constant 1.17549435E-38 : f32
    %add3A_1501 = vector.broadcast %add3A_1500 : f32 to vector<20x128xf32>
    %add3A_1502 = arith.addf %sub3A_1499, %add3A_1501 : vector<20x128xf32>
    %max3A_1503 = arith.constant 1.17549435E-38 : f32
    %max3A_1504 = vector.broadcast %max3A_1503 : f32 to vector<20x128xf32>
    %max3A_1505 = arith.maximumf %max3A_1504, %add3A_1502 : vector<20x128xf32>
    %log3A_1506 = math.log %max3A_1505 : vector<20x128xf32>
    %neg3A_1507 = arith.constant 0.000000e+00 : f32
    %neg3A_1508 = vector.broadcast %neg3A_1507 : f32 to vector<20x128xf32>
    %neg3A_1509 = arith.subf %neg3A_1508, %log3A_1506 : vector<20x128xf32>
    %log3A_1510 = math.log %neg3A_1509 : vector<20x128xf32>
    %neg3A_1511 = arith.constant 0.000000e+00 : f32
    %neg3A_1512 = vector.broadcast %neg3A_1511 : f32 to vector<20x128xf32>
    %neg3A_1513 = arith.subf %neg3A_1512, %log3A_1510 : vector<20x128xf32>
    %add3A_1514 = arith.addf %log3A_1254, %neg3A_1513 : vector<20x128xf32>
    %argmax3A_1515 = tpu.reduce_index %add3A_1514 {axis = 0 : i32, kind = #tpu.reduction_kind<arg_max>} : vector<20x128xf32> -> vector<128xi32>
    %swap3A_1516 = arith.constant 4 : index
    %swap3A_1517 = arith.constant 0 : index
    %swap3A_1518 = vector.load %arg6[%swap3A_1516, %swap3A_1517] : memref<16x128xi32, #tpu.memory_space<vmem>>, vector<1x128xi32>
    %swap3A_1519 = vector.shape_cast %swap3A_1518 : vector<1x128xi32> to vector<128xi32>
    %swap3A_1520 = vector.shape_cast %argmax3A_1515 : vector<128xi32> to vector<1x128xi32>
    tpu.vector_store %arg6[%swap3A_1516, %swap3A_1517], %swap3A_1520 {strides = array<i32>} : memref<16x128xi32, #tpu.memory_space<vmem>>, vector<1x128xi32>,
    %get3A_1521 = arith.constant 5 : index
    %get3A_1522 = arith.constant 0 : index
    %get3A_1523 = vector.load %arg3[%get3A_1521, %get3A_1522] : memref<16x128xi32, #tpu.memory_space<vmem>>, vector<1x128xi32>
    %get3A_1524 = vector.shape_cast %get3A_1523 : vector<1x128xi32> to vector<128xi32>
    %broadcast_in_dim3A_1525 = vector.shape_cast %get3A_1524 : vector<128xi32> to vector<1x128xi32>
    %broadcast_in_dim3A_1526 = vector.shape_cast %broadcast_in_dim3A_1525 : vector<1x128xi32> to vector<1x128xi32>
    %broadcast_in_dim3A_1527 = vector.broadcast %broadcast_in_dim3A_1526 : vector<1x128xi32> to vector<20x128xi32>
    %get3A_1528 = arith.constant 5 : index
    %get3A_1529 = arith.constant 0 : index
    %get3A_1530 = vector.load %arg4[%get3A_1528, %get3A_1529] : memref<16x128xi32, #tpu.memory_space<vmem>>, vector<1x128xi32>
    %get3A_1531 = vector.shape_cast %get3A_1530 : vector<1x128xi32> to vector<128xi32>
    %broadcast_in_dim3A_1532 = vector.shape_cast %get3A_1531 : vector<128xi32> to vector<1x128xi32>
    %broadcast_in_dim3A_1533 = vector.shape_cast %broadcast_in_dim3A_1532 : vector<1x128xi32> to vector<1x128xi32>
    %broadcast_in_dim3A_1534 = vector.broadcast %broadcast_in_dim3A_1533 : vector<1x128xi32> to vector<20x128xi32>
    %ne3A_1535 = arith.constant 0 : i32
    %ne3A_1536 = vector.broadcast %ne3A_1535 : i32 to vector<20x128xi32>
    %ne3A_1537 = arith.cmpi ne, %broadcast_in_dim3A_1534, %ne3A_1536 : vector<20x128xi32>
    %eq3A_1538 = arith.cmpi eq, %broadcast_in_dim3A_1527, %iota3A : vector<20x128xi32>
    %broadcast_in_dim3A_1539 = vector.broadcast %add3A : f32 to vector<20x128xf32>
    %broadcast_in_dim3A_1540 = vector.broadcast %div3A_22 : f32 to vector<20x128xf32>
    %select_n3A_1541 = arith.select %eq3A_1538, %broadcast_in_dim3A_1539, %broadcast_in_dim3A_1540 : vector<20x128xi1>, vector<20x128xf32>
    %jit3A_1542 = arith.constant 1.000000e+00 : f32
    %jit3A_1543 = arith.constant 0.000000e+00 : f32
    %broadcast_in_dim3A_1544 = vector.broadcast %jit3A_1542 : f32 to vector<20x128xf32>
    %broadcast_in_dim3A_1545 = vector.broadcast %jit3A_1543 : f32 to vector<20x128xf32>
    %select_n3A_1546 = arith.select %eq3A_1538, %broadcast_in_dim3A_1544, %broadcast_in_dim3A_1545 : vector<20x128xi1>, vector<20x128xf32>
    %select_n3A_1547 = arith.select %ne3A_1537, %select_n3A_1541, %select_n3A_1546 : vector<20x128xi1>, vector<20x128xf32>
    %transpose3A_1548 = tpu.transpose %select_n3A_1547, [1, 0] : vector<20x128xf32> -> vector<128x20xf32>
    %swap3A_1549 = arith.constant 640 : index
    %swap3A_1550 = arith.constant 0 : index
    %swap3A_1551 = vector.load %arg5[%swap3A_1549, %swap3A_1550] : memref<2048x20xf32, #tpu.memory_space<vmem>>, vector<128x20xf32>
    tpu.vector_store %arg5[%swap3A_1549, %swap3A_1550], %transpose3A_1548 {strides = array<i32>} : memref<2048x20xf32, #tpu.memory_space<vmem>>, vector<128x20xf32>,
    %add3A_1552 = arith.constant 9.99999993E-9 : f32
    %add3A_1553 = vector.broadcast %add3A_1552 : f32 to vector<20x128xf32>
    %add3A_1554 = arith.addf %select_n3A_1547, %add3A_1553 : vector<20x128xf32>
    %log3A_1555 = math.log %add3A_1554 : vector<20x128xf32>
    %add3A_1556 = arith.constant 12800 : i32
    %add3A_1557 = arith.addi %mul3A_28, %add3A_1556 : i32
    %add3A_1558 = vector.broadcast %add3A_1557 : i32 to vector<20x128xi32>
    %add3A_1559 = arith.addi %add3A_1558, %add3A_26 : vector<20x128xi32>
    %broadcast_in_dim3A_1560 = arith.constant 0 : i32
    %broadcast_in_dim3A_1561 = vector.broadcast %broadcast_in_dim3A_1560 : i32 to vector<20x128xi32>
    %add3A_1562 = arith.constant 1 : i32
    %add3A_1563 = vector.broadcast %add3A_1562 : i32 to vector<20x128xi32>
    %add3A_1564 = arith.addi %add3A_1559, %add3A_1563 : vector<20x128xi32>
    %add3A_1565 = arith.addi %broadcast_in_dim3A_1561, %add3A_1564 : vector<20x128xi32>
    %shift_left3A_1566 = arith.constant 13 : i32
    %shift_left3A_1567 = vector.broadcast %shift_left3A_1566 : i32 to vector<20x128xi32>
    %shift_left3A_1568 = arith.shli %add3A_1564, %shift_left3A_1567 : vector<20x128xi32>
    %shift_right_logical3A_1569 = arith.constant 19 : i32
    %shift_right_logical3A_1570 = vector.broadcast %shift_right_logical3A_1569 : i32 to vector<20x128xi32>
    %shift_right_logical3A_1571 = arith.shrui %add3A_1564, %shift_right_logical3A_1570 : vector<20x128xi32>
    %or3A_1572 = arith.ori %shift_left3A_1568, %shift_right_logical3A_1571 : vector<20x128xi32>
    %xor3A_1573 = arith.xori %add3A_1565, %or3A_1572 : vector<20x128xi32>
    %add3A_1574 = arith.addi %add3A_1565, %xor3A_1573 : vector<20x128xi32>
    %shift_left3A_1575 = arith.constant 15 : i32
    %shift_left3A_1576 = vector.broadcast %shift_left3A_1575 : i32 to vector<20x128xi32>
    %shift_left3A_1577 = arith.shli %xor3A_1573, %shift_left3A_1576 : vector<20x128xi32>
    %shift_right_logical3A_1578 = arith.constant 17 : i32
    %shift_right_logical3A_1579 = vector.broadcast %shift_right_logical3A_1578 : i32 to vector<20x128xi32>
    %shift_right_logical3A_1580 = arith.shrui %xor3A_1573, %shift_right_logical3A_1579 : vector<20x128xi32>
    %or3A_1581 = arith.ori %shift_left3A_1577, %shift_right_logical3A_1580 : vector<20x128xi32>
    %xor3A_1582 = arith.xori %add3A_1574, %or3A_1581 : vector<20x128xi32>
    %add3A_1583 = arith.addi %add3A_1574, %xor3A_1582 : vector<20x128xi32>
    %shift_left3A_1584 = arith.constant 26 : i32
    %shift_left3A_1585 = vector.broadcast %shift_left3A_1584 : i32 to vector<20x128xi32>
    %shift_left3A_1586 = arith.shli %xor3A_1582, %shift_left3A_1585 : vector<20x128xi32>
    %shift_right_logical3A_1587 = arith.constant 6 : i32
    %shift_right_logical3A_1588 = vector.broadcast %shift_right_logical3A_1587 : i32 to vector<20x128xi32>
    %shift_right_logical3A_1589 = arith.shrui %xor3A_1582, %shift_right_logical3A_1588 : vector<20x128xi32>
    %or3A_1590 = arith.ori %shift_left3A_1586, %shift_right_logical3A_1589 : vector<20x128xi32>
    %xor3A_1591 = arith.xori %add3A_1583, %or3A_1590 : vector<20x128xi32>
    %add3A_1592 = arith.addi %add3A_1583, %xor3A_1591 : vector<20x128xi32>
    %shift_left3A_1593 = arith.constant 6 : i32
    %shift_left3A_1594 = vector.broadcast %shift_left3A_1593 : i32 to vector<20x128xi32>
    %shift_left3A_1595 = arith.shli %xor3A_1591, %shift_left3A_1594 : vector<20x128xi32>
    %shift_right_logical3A_1596 = arith.constant 26 : i32
    %shift_right_logical3A_1597 = vector.broadcast %shift_right_logical3A_1596 : i32 to vector<20x128xi32>
    %shift_right_logical3A_1598 = arith.shrui %xor3A_1591, %shift_right_logical3A_1597 : vector<20x128xi32>
    %or3A_1599 = arith.ori %shift_left3A_1595, %shift_right_logical3A_1598 : vector<20x128xi32>
    %xor3A_1600 = arith.xori %add3A_1592, %or3A_1599 : vector<20x128xi32>
    %add3A_1601 = arith.constant 1 : i32
    %add3A_1602 = vector.broadcast %add3A_1601 : i32 to vector<20x128xi32>
    %add3A_1603 = arith.addi %add3A_1592, %add3A_1602 : vector<20x128xi32>
    %add3A_1604 = arith.constant 466688987 : i32
    %add3A_1605 = vector.broadcast %add3A_1604 : i32 to vector<20x128xi32>
    %add3A_1606 = arith.addi %xor3A_1600, %add3A_1605 : vector<20x128xi32>
    %add3A_1607 = arith.constant 1 : i32
    %add3A_1608 = vector.broadcast %add3A_1607 : i32 to vector<20x128xi32>
    %add3A_1609 = arith.addi %add3A_1606, %add3A_1608 : vector<20x128xi32>
    %add3A_1610 = arith.addi %add3A_1603, %add3A_1609 : vector<20x128xi32>
    %shift_left3A_1611 = arith.constant 17 : i32
    %shift_left3A_1612 = vector.broadcast %shift_left3A_1611 : i32 to vector<20x128xi32>
    %shift_left3A_1613 = arith.shli %add3A_1609, %shift_left3A_1612 : vector<20x128xi32>
    %shift_right_logical3A_1614 = arith.constant 15 : i32
    %shift_right_logical3A_1615 = vector.broadcast %shift_right_logical3A_1614 : i32 to vector<20x128xi32>
    %shift_right_logical3A_1616 = arith.shrui %add3A_1609, %shift_right_logical3A_1615 : vector<20x128xi32>
    %or3A_1617 = arith.ori %shift_left3A_1613, %shift_right_logical3A_1616 : vector<20x128xi32>
    %xor3A_1618 = arith.xori %add3A_1610, %or3A_1617 : vector<20x128xi32>
    %add3A_1619 = arith.addi %add3A_1610, %xor3A_1618 : vector<20x128xi32>
    %shift_left3A_1620 = arith.constant 29 : i32
    %shift_left3A_1621 = vector.broadcast %shift_left3A_1620 : i32 to vector<20x128xi32>
    %shift_left3A_1622 = arith.shli %xor3A_1618, %shift_left3A_1621 : vector<20x128xi32>
    %shift_right_logical3A_1623 = arith.constant 3 : i32
    %shift_right_logical3A_1624 = vector.broadcast %shift_right_logical3A_1623 : i32 to vector<20x128xi32>
    %shift_right_logical3A_1625 = arith.shrui %xor3A_1618, %shift_right_logical3A_1624 : vector<20x128xi32>
    %or3A_1626 = arith.ori %shift_left3A_1622, %shift_right_logical3A_1625 : vector<20x128xi32>
    %xor3A_1627 = arith.xori %add3A_1619, %or3A_1626 : vector<20x128xi32>
    %add3A_1628 = arith.addi %add3A_1619, %xor3A_1627 : vector<20x128xi32>
    %shift_left3A_1629 = arith.constant 16 : i32
    %shift_left3A_1630 = vector.broadcast %shift_left3A_1629 : i32 to vector<20x128xi32>
    %shift_left3A_1631 = arith.shli %xor3A_1627, %shift_left3A_1630 : vector<20x128xi32>
    %shift_right_logical3A_1632 = arith.constant 16 : i32
    %shift_right_logical3A_1633 = vector.broadcast %shift_right_logical3A_1632 : i32 to vector<20x128xi32>
    %shift_right_logical3A_1634 = arith.shrui %xor3A_1627, %shift_right_logical3A_1633 : vector<20x128xi32>
    %or3A_1635 = arith.ori %shift_left3A_1631, %shift_right_logical3A_1634 : vector<20x128xi32>
    %xor3A_1636 = arith.xori %add3A_1628, %or3A_1635 : vector<20x128xi32>
    %add3A_1637 = arith.addi %add3A_1628, %xor3A_1636 : vector<20x128xi32>
    %shift_left3A_1638 = arith.constant 24 : i32
    %shift_left3A_1639 = vector.broadcast %shift_left3A_1638 : i32 to vector<20x128xi32>
    %shift_left3A_1640 = arith.shli %xor3A_1636, %shift_left3A_1639 : vector<20x128xi32>
    %shift_right_logical3A_1641 = arith.constant 8 : i32
    %shift_right_logical3A_1642 = vector.broadcast %shift_right_logical3A_1641 : i32 to vector<20x128xi32>
    %shift_right_logical3A_1643 = arith.shrui %xor3A_1636, %shift_right_logical3A_1642 : vector<20x128xi32>
    %or3A_1644 = arith.ori %shift_left3A_1640, %shift_right_logical3A_1643 : vector<20x128xi32>
    %xor3A_1645 = arith.xori %add3A_1637, %or3A_1644 : vector<20x128xi32>
    %add3A_1646 = arith.constant 466688987 : i32
    %add3A_1647 = vector.broadcast %add3A_1646 : i32 to vector<20x128xi32>
    %add3A_1648 = arith.addi %add3A_1637, %add3A_1647 : vector<20x128xi32>
    %add3A_1649 = arith.constant 0 : i32
    %add3A_1650 = vector.broadcast %add3A_1649 : i32 to vector<20x128xi32>
    %add3A_1651 = arith.addi %xor3A_1645, %add3A_1650 : vector<20x128xi32>
    %add3A_1652 = arith.constant 2 : i32
    %add3A_1653 = vector.broadcast %add3A_1652 : i32 to vector<20x128xi32>
    %add3A_1654 = arith.addi %add3A_1651, %add3A_1653 : vector<20x128xi32>
    %add3A_1655 = arith.addi %add3A_1648, %add3A_1654 : vector<20x128xi32>
    %shift_left3A_1656 = arith.constant 13 : i32
    %shift_left3A_1657 = vector.broadcast %shift_left3A_1656 : i32 to vector<20x128xi32>
    %shift_left3A_1658 = arith.shli %add3A_1654, %shift_left3A_1657 : vector<20x128xi32>
    %shift_right_logical3A_1659 = arith.constant 19 : i32
    %shift_right_logical3A_1660 = vector.broadcast %shift_right_logical3A_1659 : i32 to vector<20x128xi32>
    %shift_right_logical3A_1661 = arith.shrui %add3A_1654, %shift_right_logical3A_1660 : vector<20x128xi32>
    %or3A_1662 = arith.ori %shift_left3A_1658, %shift_right_logical3A_1661 : vector<20x128xi32>
    %xor3A_1663 = arith.xori %add3A_1655, %or3A_1662 : vector<20x128xi32>
    %add3A_1664 = arith.addi %add3A_1655, %xor3A_1663 : vector<20x128xi32>
    %shift_left3A_1665 = arith.constant 15 : i32
    %shift_left3A_1666 = vector.broadcast %shift_left3A_1665 : i32 to vector<20x128xi32>
    %shift_left3A_1667 = arith.shli %xor3A_1663, %shift_left3A_1666 : vector<20x128xi32>
    %shift_right_logical3A_1668 = arith.constant 17 : i32
    %shift_right_logical3A_1669 = vector.broadcast %shift_right_logical3A_1668 : i32 to vector<20x128xi32>
    %shift_right_logical3A_1670 = arith.shrui %xor3A_1663, %shift_right_logical3A_1669 : vector<20x128xi32>
    %or3A_1671 = arith.ori %shift_left3A_1667, %shift_right_logical3A_1670 : vector<20x128xi32>
    %xor3A_1672 = arith.xori %add3A_1664, %or3A_1671 : vector<20x128xi32>
    %add3A_1673 = arith.addi %add3A_1664, %xor3A_1672 : vector<20x128xi32>
    %shift_left3A_1674 = arith.constant 26 : i32
    %shift_left3A_1675 = vector.broadcast %shift_left3A_1674 : i32 to vector<20x128xi32>
    %shift_left3A_1676 = arith.shli %xor3A_1672, %shift_left3A_1675 : vector<20x128xi32>
    %shift_right_logical3A_1677 = arith.constant 6 : i32
    %shift_right_logical3A_1678 = vector.broadcast %shift_right_logical3A_1677 : i32 to vector<20x128xi32>
    %shift_right_logical3A_1679 = arith.shrui %xor3A_1672, %shift_right_logical3A_1678 : vector<20x128xi32>
    %or3A_1680 = arith.ori %shift_left3A_1676, %shift_right_logical3A_1679 : vector<20x128xi32>
    %xor3A_1681 = arith.xori %add3A_1673, %or3A_1680 : vector<20x128xi32>
    %add3A_1682 = arith.addi %add3A_1673, %xor3A_1681 : vector<20x128xi32>
    %shift_left3A_1683 = arith.constant 6 : i32
    %shift_left3A_1684 = vector.broadcast %shift_left3A_1683 : i32 to vector<20x128xi32>
    %shift_left3A_1685 = arith.shli %xor3A_1681, %shift_left3A_1684 : vector<20x128xi32>
    %shift_right_logical3A_1686 = arith.constant 26 : i32
    %shift_right_logical3A_1687 = vector.broadcast %shift_right_logical3A_1686 : i32 to vector<20x128xi32>
    %shift_right_logical3A_1688 = arith.shrui %xor3A_1681, %shift_right_logical3A_1687 : vector<20x128xi32>
    %or3A_1689 = arith.ori %shift_left3A_1685, %shift_right_logical3A_1688 : vector<20x128xi32>
    %xor3A_1690 = arith.xori %add3A_1682, %or3A_1689 : vector<20x128xi32>
    %add3A_1691 = arith.constant 0 : i32
    %add3A_1692 = vector.broadcast %add3A_1691 : i32 to vector<20x128xi32>
    %add3A_1693 = arith.addi %add3A_1682, %add3A_1692 : vector<20x128xi32>
    %add3A_1694 = arith.constant 1 : i32
    %add3A_1695 = vector.broadcast %add3A_1694 : i32 to vector<20x128xi32>
    %add3A_1696 = arith.addi %xor3A_1690, %add3A_1695 : vector<20x128xi32>
    %add3A_1697 = arith.constant 3 : i32
    %add3A_1698 = vector.broadcast %add3A_1697 : i32 to vector<20x128xi32>
    %add3A_1699 = arith.addi %add3A_1696, %add3A_1698 : vector<20x128xi32>
    %add3A_1700 = arith.addi %add3A_1693, %add3A_1699 : vector<20x128xi32>
    %shift_left3A_1701 = arith.constant 17 : i32
    %shift_left3A_1702 = vector.broadcast %shift_left3A_1701 : i32 to vector<20x128xi32>
    %shift_left3A_1703 = arith.shli %add3A_1699, %shift_left3A_1702 : vector<20x128xi32>
    %shift_right_logical3A_1704 = arith.constant 15 : i32
    %shift_right_logical3A_1705 = vector.broadcast %shift_right_logical3A_1704 : i32 to vector<20x128xi32>
    %shift_right_logical3A_1706 = arith.shrui %add3A_1699, %shift_right_logical3A_1705 : vector<20x128xi32>
    %or3A_1707 = arith.ori %shift_left3A_1703, %shift_right_logical3A_1706 : vector<20x128xi32>
    %xor3A_1708 = arith.xori %add3A_1700, %or3A_1707 : vector<20x128xi32>
    %add3A_1709 = arith.addi %add3A_1700, %xor3A_1708 : vector<20x128xi32>
    %shift_left3A_1710 = arith.constant 29 : i32
    %shift_left3A_1711 = vector.broadcast %shift_left3A_1710 : i32 to vector<20x128xi32>
    %shift_left3A_1712 = arith.shli %xor3A_1708, %shift_left3A_1711 : vector<20x128xi32>
    %shift_right_logical3A_1713 = arith.constant 3 : i32
    %shift_right_logical3A_1714 = vector.broadcast %shift_right_logical3A_1713 : i32 to vector<20x128xi32>
    %shift_right_logical3A_1715 = arith.shrui %xor3A_1708, %shift_right_logical3A_1714 : vector<20x128xi32>
    %or3A_1716 = arith.ori %shift_left3A_1712, %shift_right_logical3A_1715 : vector<20x128xi32>
    %xor3A_1717 = arith.xori %add3A_1709, %or3A_1716 : vector<20x128xi32>
    %add3A_1718 = arith.addi %add3A_1709, %xor3A_1717 : vector<20x128xi32>
    %shift_left3A_1719 = arith.constant 16 : i32
    %shift_left3A_1720 = vector.broadcast %shift_left3A_1719 : i32 to vector<20x128xi32>
    %shift_left3A_1721 = arith.shli %xor3A_1717, %shift_left3A_1720 : vector<20x128xi32>
    %shift_right_logical3A_1722 = arith.constant 16 : i32
    %shift_right_logical3A_1723 = vector.broadcast %shift_right_logical3A_1722 : i32 to vector<20x128xi32>
    %shift_right_logical3A_1724 = arith.shrui %xor3A_1717, %shift_right_logical3A_1723 : vector<20x128xi32>
    %or3A_1725 = arith.ori %shift_left3A_1721, %shift_right_logical3A_1724 : vector<20x128xi32>
    %xor3A_1726 = arith.xori %add3A_1718, %or3A_1725 : vector<20x128xi32>
    %add3A_1727 = arith.addi %add3A_1718, %xor3A_1726 : vector<20x128xi32>
    %shift_left3A_1728 = arith.constant 24 : i32
    %shift_left3A_1729 = vector.broadcast %shift_left3A_1728 : i32 to vector<20x128xi32>
    %shift_left3A_1730 = arith.shli %xor3A_1726, %shift_left3A_1729 : vector<20x128xi32>
    %shift_right_logical3A_1731 = arith.constant 8 : i32
    %shift_right_logical3A_1732 = vector.broadcast %shift_right_logical3A_1731 : i32 to vector<20x128xi32>
    %shift_right_logical3A_1733 = arith.shrui %xor3A_1726, %shift_right_logical3A_1732 : vector<20x128xi32>
    %or3A_1734 = arith.ori %shift_left3A_1730, %shift_right_logical3A_1733 : vector<20x128xi32>
    %xor3A_1735 = arith.xori %add3A_1727, %or3A_1734 : vector<20x128xi32>
    %add3A_1736 = arith.constant 1 : i32
    %add3A_1737 = vector.broadcast %add3A_1736 : i32 to vector<20x128xi32>
    %add3A_1738 = arith.addi %add3A_1727, %add3A_1737 : vector<20x128xi32>
    %add3A_1739 = arith.constant 466688987 : i32
    %add3A_1740 = vector.broadcast %add3A_1739 : i32 to vector<20x128xi32>
    %add3A_1741 = arith.addi %xor3A_1735, %add3A_1740 : vector<20x128xi32>
    %add3A_1742 = arith.constant 4 : i32
    %add3A_1743 = vector.broadcast %add3A_1742 : i32 to vector<20x128xi32>
    %add3A_1744 = arith.addi %add3A_1741, %add3A_1743 : vector<20x128xi32>
    %add3A_1745 = arith.addi %add3A_1738, %add3A_1744 : vector<20x128xi32>
    %shift_left3A_1746 = arith.constant 13 : i32
    %shift_left3A_1747 = vector.broadcast %shift_left3A_1746 : i32 to vector<20x128xi32>
    %shift_left3A_1748 = arith.shli %add3A_1744, %shift_left3A_1747 : vector<20x128xi32>
    %shift_right_logical3A_1749 = arith.constant 19 : i32
    %shift_right_logical3A_1750 = vector.broadcast %shift_right_logical3A_1749 : i32 to vector<20x128xi32>
    %shift_right_logical3A_1751 = arith.shrui %add3A_1744, %shift_right_logical3A_1750 : vector<20x128xi32>
    %or3A_1752 = arith.ori %shift_left3A_1748, %shift_right_logical3A_1751 : vector<20x128xi32>
    %xor3A_1753 = arith.xori %add3A_1745, %or3A_1752 : vector<20x128xi32>
    %add3A_1754 = arith.addi %add3A_1745, %xor3A_1753 : vector<20x128xi32>
    %shift_left3A_1755 = arith.constant 15 : i32
    %shift_left3A_1756 = vector.broadcast %shift_left3A_1755 : i32 to vector<20x128xi32>
    %shift_left3A_1757 = arith.shli %xor3A_1753, %shift_left3A_1756 : vector<20x128xi32>
    %shift_right_logical3A_1758 = arith.constant 17 : i32
    %shift_right_logical3A_1759 = vector.broadcast %shift_right_logical3A_1758 : i32 to vector<20x128xi32>
    %shift_right_logical3A_1760 = arith.shrui %xor3A_1753, %shift_right_logical3A_1759 : vector<20x128xi32>
    %or3A_1761 = arith.ori %shift_left3A_1757, %shift_right_logical3A_1760 : vector<20x128xi32>
    %xor3A_1762 = arith.xori %add3A_1754, %or3A_1761 : vector<20x128xi32>
    %add3A_1763 = arith.addi %add3A_1754, %xor3A_1762 : vector<20x128xi32>
    %shift_left3A_1764 = arith.constant 26 : i32
    %shift_left3A_1765 = vector.broadcast %shift_left3A_1764 : i32 to vector<20x128xi32>
    %shift_left3A_1766 = arith.shli %xor3A_1762, %shift_left3A_1765 : vector<20x128xi32>
    %shift_right_logical3A_1767 = arith.constant 6 : i32
    %shift_right_logical3A_1768 = vector.broadcast %shift_right_logical3A_1767 : i32 to vector<20x128xi32>
    %shift_right_logical3A_1769 = arith.shrui %xor3A_1762, %shift_right_logical3A_1768 : vector<20x128xi32>
    %or3A_1770 = arith.ori %shift_left3A_1766, %shift_right_logical3A_1769 : vector<20x128xi32>
    %xor3A_1771 = arith.xori %add3A_1763, %or3A_1770 : vector<20x128xi32>
    %add3A_1772 = arith.addi %add3A_1763, %xor3A_1771 : vector<20x128xi32>
    %shift_left3A_1773 = arith.constant 6 : i32
    %shift_left3A_1774 = vector.broadcast %shift_left3A_1773 : i32 to vector<20x128xi32>
    %shift_left3A_1775 = arith.shli %xor3A_1771, %shift_left3A_1774 : vector<20x128xi32>
    %shift_right_logical3A_1776 = arith.constant 26 : i32
    %shift_right_logical3A_1777 = vector.broadcast %shift_right_logical3A_1776 : i32 to vector<20x128xi32>
    %shift_right_logical3A_1778 = arith.shrui %xor3A_1771, %shift_right_logical3A_1777 : vector<20x128xi32>
    %or3A_1779 = arith.ori %shift_left3A_1775, %shift_right_logical3A_1778 : vector<20x128xi32>
    %xor3A_1780 = arith.xori %add3A_1772, %or3A_1779 : vector<20x128xi32>
    %add3A_1781 = arith.constant 466688987 : i32
    %add3A_1782 = vector.broadcast %add3A_1781 : i32 to vector<20x128xi32>
    %add3A_1783 = arith.addi %add3A_1772, %add3A_1782 : vector<20x128xi32>
    %add3A_1784 = arith.constant 0 : i32
    %add3A_1785 = vector.broadcast %add3A_1784 : i32 to vector<20x128xi32>
    %add3A_1786 = arith.addi %xor3A_1780, %add3A_1785 : vector<20x128xi32>
    %add3A_1787 = arith.constant 5 : i32
    %add3A_1788 = vector.broadcast %add3A_1787 : i32 to vector<20x128xi32>
    %add3A_1789 = arith.addi %add3A_1786, %add3A_1788 : vector<20x128xi32>
    %xor3A_1790 = arith.xori %add3A_1783, %add3A_1789 : vector<20x128xi32>
    %shift_right_logical3A_1791 = arith.constant 9 : i32
    %shift_right_logical3A_1792 = vector.broadcast %shift_right_logical3A_1791 : i32 to vector<20x128xi32>
    %shift_right_logical3A_1793 = arith.shrui %xor3A_1790, %shift_right_logical3A_1792 : vector<20x128xi32>
    %or3A_1794 = arith.constant 1065353216 : i32
    %or3A_1795 = vector.broadcast %or3A_1794 : i32 to vector<20x128xi32>
    %or3A_1796 = arith.ori %shift_right_logical3A_1793, %or3A_1795 : vector<20x128xi32>
    %bitcast_convert_type3A_1797 = tpu.bitcast %or3A_1796 : vector<20x128xi32> -> vector<20x128xf32>
    %sub3A_1798 = arith.constant 1.000000e+00 : f32
    %sub3A_1799 = vector.broadcast %sub3A_1798 : f32 to vector<20x128xf32>
    %sub3A_1800 = arith.subf %bitcast_convert_type3A_1797, %sub3A_1799 : vector<20x128xf32>
    %add3A_1801 = arith.constant 1.17549435E-38 : f32
    %add3A_1802 = vector.broadcast %add3A_1801 : f32 to vector<20x128xf32>
    %add3A_1803 = arith.addf %sub3A_1800, %add3A_1802 : vector<20x128xf32>
    %max3A_1804 = arith.constant 1.17549435E-38 : f32
    %max3A_1805 = vector.broadcast %max3A_1804 : f32 to vector<20x128xf32>
    %max3A_1806 = arith.maximumf %max3A_1805, %add3A_1803 : vector<20x128xf32>
    %log3A_1807 = math.log %max3A_1806 : vector<20x128xf32>
    %neg3A_1808 = arith.constant 0.000000e+00 : f32
    %neg3A_1809 = vector.broadcast %neg3A_1808 : f32 to vector<20x128xf32>
    %neg3A_1810 = arith.subf %neg3A_1809, %log3A_1807 : vector<20x128xf32>
    %log3A_1811 = math.log %neg3A_1810 : vector<20x128xf32>
    %neg3A_1812 = arith.constant 0.000000e+00 : f32
    %neg3A_1813 = vector.broadcast %neg3A_1812 : f32 to vector<20x128xf32>
    %neg3A_1814 = arith.subf %neg3A_1813, %log3A_1811 : vector<20x128xf32>
    %add3A_1815 = arith.addf %log3A_1555, %neg3A_1814 : vector<20x128xf32>
    %argmax3A_1816 = tpu.reduce_index %add3A_1815 {axis = 0 : i32, kind = #tpu.reduction_kind<arg_max>} : vector<20x128xf32> -> vector<128xi32>
    %swap3A_1817 = arith.constant 5 : index
    %swap3A_1818 = arith.constant 0 : index
    %swap3A_1819 = vector.load %arg6[%swap3A_1817, %swap3A_1818] : memref<16x128xi32, #tpu.memory_space<vmem>>, vector<1x128xi32>
    %swap3A_1820 = vector.shape_cast %swap3A_1819 : vector<1x128xi32> to vector<128xi32>
    %swap3A_1821 = vector.shape_cast %argmax3A_1816 : vector<128xi32> to vector<1x128xi32>
    tpu.vector_store %arg6[%swap3A_1817, %swap3A_1818], %swap3A_1821 {strides = array<i32>} : memref<16x128xi32, #tpu.memory_space<vmem>>, vector<1x128xi32>,
    %get3A_1822 = arith.constant 6 : index
    %get3A_1823 = arith.constant 0 : index
    %get3A_1824 = vector.load %arg3[%get3A_1822, %get3A_1823] : memref<16x128xi32, #tpu.memory_space<vmem>>, vector<1x128xi32>
    %get3A_1825 = vector.shape_cast %get3A_1824 : vector<1x128xi32> to vector<128xi32>
    %broadcast_in_dim3A_1826 = vector.shape_cast %get3A_1825 : vector<128xi32> to vector<1x128xi32>
    %broadcast_in_dim3A_1827 = vector.shape_cast %broadcast_in_dim3A_1826 : vector<1x128xi32> to vector<1x128xi32>
    %broadcast_in_dim3A_1828 = vector.broadcast %broadcast_in_dim3A_1827 : vector<1x128xi32> to vector<20x128xi32>
    %get3A_1829 = arith.constant 6 : index
    %get3A_1830 = arith.constant 0 : index
    %get3A_1831 = vector.load %arg4[%get3A_1829, %get3A_1830] : memref<16x128xi32, #tpu.memory_space<vmem>>, vector<1x128xi32>
    %get3A_1832 = vector.shape_cast %get3A_1831 : vector<1x128xi32> to vector<128xi32>
    %broadcast_in_dim3A_1833 = vector.shape_cast %get3A_1832 : vector<128xi32> to vector<1x128xi32>
    %broadcast_in_dim3A_1834 = vector.shape_cast %broadcast_in_dim3A_1833 : vector<1x128xi32> to vector<1x128xi32>
    %broadcast_in_dim3A_1835 = vector.broadcast %broadcast_in_dim3A_1834 : vector<1x128xi32> to vector<20x128xi32>
    %ne3A_1836 = arith.constant 0 : i32
    %ne3A_1837 = vector.broadcast %ne3A_1836 : i32 to vector<20x128xi32>
    %ne3A_1838 = arith.cmpi ne, %broadcast_in_dim3A_1835, %ne3A_1837 : vector<20x128xi32>
    %eq3A_1839 = arith.cmpi eq, %broadcast_in_dim3A_1828, %iota3A : vector<20x128xi32>
    %broadcast_in_dim3A_1840 = vector.broadcast %add3A : f32 to vector<20x128xf32>
    %broadcast_in_dim3A_1841 = vector.broadcast %div3A_22 : f32 to vector<20x128xf32>
    %select_n3A_1842 = arith.select %eq3A_1839, %broadcast_in_dim3A_1840, %broadcast_in_dim3A_1841 : vector<20x128xi1>, vector<20x128xf32>
    %jit3A_1843 = arith.constant 1.000000e+00 : f32
    %jit3A_1844 = arith.constant 0.000000e+00 : f32
    %broadcast_in_dim3A_1845 = vector.broadcast %jit3A_1843 : f32 to vector<20x128xf32>
    %broadcast_in_dim3A_1846 = vector.broadcast %jit3A_1844 : f32 to vector<20x128xf32>
    %select_n3A_1847 = arith.select %eq3A_1839, %broadcast_in_dim3A_1845, %broadcast_in_dim3A_1846 : vector<20x128xi1>, vector<20x128xf32>
    %select_n3A_1848 = arith.select %ne3A_1838, %select_n3A_1842, %select_n3A_1847 : vector<20x128xi1>, vector<20x128xf32>
    %transpose3A_1849 = tpu.transpose %select_n3A_1848, [1, 0] : vector<20x128xf32> -> vector<128x20xf32>
    %swap3A_1850 = arith.constant 768 : index
    %swap3A_1851 = arith.constant 0 : index
    %swap3A_1852 = vector.load %arg5[%swap3A_1850, %swap3A_1851] : memref<2048x20xf32, #tpu.memory_space<vmem>>, vector<128x20xf32>
    tpu.vector_store %arg5[%swap3A_1850, %swap3A_1851], %transpose3A_1849 {strides = array<i32>} : memref<2048x20xf32, #tpu.memory_space<vmem>>, vector<128x20xf32>,
    %add3A_1853 = arith.constant 9.99999993E-9 : f32
    %add3A_1854 = vector.broadcast %add3A_1853 : f32 to vector<20x128xf32>
    %add3A_1855 = arith.addf %select_n3A_1848, %add3A_1854 : vector<20x128xf32>
    %log3A_1856 = math.log %add3A_1855 : vector<20x128xf32>
    %add3A_1857 = arith.constant 15360 : i32
    %add3A_1858 = arith.addi %mul3A_28, %add3A_1857 : i32
    %add3A_1859 = vector.broadcast %add3A_1858 : i32 to vector<20x128xi32>
    %add3A_1860 = arith.addi %add3A_1859, %add3A_26 : vector<20x128xi32>
    %broadcast_in_dim3A_1861 = arith.constant 0 : i32
    %broadcast_in_dim3A_1862 = vector.broadcast %broadcast_in_dim3A_1861 : i32 to vector<20x128xi32>
    %add3A_1863 = arith.constant 1 : i32
    %add3A_1864 = vector.broadcast %add3A_1863 : i32 to vector<20x128xi32>
    %add3A_1865 = arith.addi %add3A_1860, %add3A_1864 : vector<20x128xi32>
    %add3A_1866 = arith.addi %broadcast_in_dim3A_1862, %add3A_1865 : vector<20x128xi32>
    %shift_left3A_1867 = arith.constant 13 : i32
    %shift_left3A_1868 = vector.broadcast %shift_left3A_1867 : i32 to vector<20x128xi32>
    %shift_left3A_1869 = arith.shli %add3A_1865, %shift_left3A_1868 : vector<20x128xi32>
    %shift_right_logical3A_1870 = arith.constant 19 : i32
    %shift_right_logical3A_1871 = vector.broadcast %shift_right_logical3A_1870 : i32 to vector<20x128xi32>
    %shift_right_logical3A_1872 = arith.shrui %add3A_1865, %shift_right_logical3A_1871 : vector<20x128xi32>
    %or3A_1873 = arith.ori %shift_left3A_1869, %shift_right_logical3A_1872 : vector<20x128xi32>
    %xor3A_1874 = arith.xori %add3A_1866, %or3A_1873 : vector<20x128xi32>
    %add3A_1875 = arith.addi %add3A_1866, %xor3A_1874 : vector<20x128xi32>
    %shift_left3A_1876 = arith.constant 15 : i32
    %shift_left3A_1877 = vector.broadcast %shift_left3A_1876 : i32 to vector<20x128xi32>
    %shift_left3A_1878 = arith.shli %xor3A_1874, %shift_left3A_1877 : vector<20x128xi32>
    %shift_right_logical3A_1879 = arith.constant 17 : i32
    %shift_right_logical3A_1880 = vector.broadcast %shift_right_logical3A_1879 : i32 to vector<20x128xi32>
    %shift_right_logical3A_1881 = arith.shrui %xor3A_1874, %shift_right_logical3A_1880 : vector<20x128xi32>
    %or3A_1882 = arith.ori %shift_left3A_1878, %shift_right_logical3A_1881 : vector<20x128xi32>
    %xor3A_1883 = arith.xori %add3A_1875, %or3A_1882 : vector<20x128xi32>
    %add3A_1884 = arith.addi %add3A_1875, %xor3A_1883 : vector<20x128xi32>
    %shift_left3A_1885 = arith.constant 26 : i32
    %shift_left3A_1886 = vector.broadcast %shift_left3A_1885 : i32 to vector<20x128xi32>
    %shift_left3A_1887 = arith.shli %xor3A_1883, %shift_left3A_1886 : vector<20x128xi32>
    %shift_right_logical3A_1888 = arith.constant 6 : i32
    %shift_right_logical3A_1889 = vector.broadcast %shift_right_logical3A_1888 : i32 to vector<20x128xi32>
    %shift_right_logical3A_1890 = arith.shrui %xor3A_1883, %shift_right_logical3A_1889 : vector<20x128xi32>
    %or3A_1891 = arith.ori %shift_left3A_1887, %shift_right_logical3A_1890 : vector<20x128xi32>
    %xor3A_1892 = arith.xori %add3A_1884, %or3A_1891 : vector<20x128xi32>
    %add3A_1893 = arith.addi %add3A_1884, %xor3A_1892 : vector<20x128xi32>
    %shift_left3A_1894 = arith.constant 6 : i32
    %shift_left3A_1895 = vector.broadcast %shift_left3A_1894 : i32 to vector<20x128xi32>
    %shift_left3A_1896 = arith.shli %xor3A_1892, %shift_left3A_1895 : vector<20x128xi32>
    %shift_right_logical3A_1897 = arith.constant 26 : i32
    %shift_right_logical3A_1898 = vector.broadcast %shift_right_logical3A_1897 : i32 to vector<20x128xi32>
    %shift_right_logical3A_1899 = arith.shrui %xor3A_1892, %shift_right_logical3A_1898 : vector<20x128xi32>
    %or3A_1900 = arith.ori %shift_left3A_1896, %shift_right_logical3A_1899 : vector<20x128xi32>
    %xor3A_1901 = arith.xori %add3A_1893, %or3A_1900 : vector<20x128xi32>
    %add3A_1902 = arith.constant 1 : i32
    %add3A_1903 = vector.broadcast %add3A_1902 : i32 to vector<20x128xi32>
    %add3A_1904 = arith.addi %add3A_1893, %add3A_1903 : vector<20x128xi32>
    %add3A_1905 = arith.constant 466688987 : i32
    %add3A_1906 = vector.broadcast %add3A_1905 : i32 to vector<20x128xi32>
    %add3A_1907 = arith.addi %xor3A_1901, %add3A_1906 : vector<20x128xi32>
    %add3A_1908 = arith.constant 1 : i32
    %add3A_1909 = vector.broadcast %add3A_1908 : i32 to vector<20x128xi32>
    %add3A_1910 = arith.addi %add3A_1907, %add3A_1909 : vector<20x128xi32>
    %add3A_1911 = arith.addi %add3A_1904, %add3A_1910 : vector<20x128xi32>
    %shift_left3A_1912 = arith.constant 17 : i32
    %shift_left3A_1913 = vector.broadcast %shift_left3A_1912 : i32 to vector<20x128xi32>
    %shift_left3A_1914 = arith.shli %add3A_1910, %shift_left3A_1913 : vector<20x128xi32>
    %shift_right_logical3A_1915 = arith.constant 15 : i32
    %shift_right_logical3A_1916 = vector.broadcast %shift_right_logical3A_1915 : i32 to vector<20x128xi32>
    %shift_right_logical3A_1917 = arith.shrui %add3A_1910, %shift_right_logical3A_1916 : vector<20x128xi32>
    %or3A_1918 = arith.ori %shift_left3A_1914, %shift_right_logical3A_1917 : vector<20x128xi32>
    %xor3A_1919 = arith.xori %add3A_1911, %or3A_1918 : vector<20x128xi32>
    %add3A_1920 = arith.addi %add3A_1911, %xor3A_1919 : vector<20x128xi32>
    %shift_left3A_1921 = arith.constant 29 : i32
    %shift_left3A_1922 = vector.broadcast %shift_left3A_1921 : i32 to vector<20x128xi32>
    %shift_left3A_1923 = arith.shli %xor3A_1919, %shift_left3A_1922 : vector<20x128xi32>
    %shift_right_logical3A_1924 = arith.constant 3 : i32
    %shift_right_logical3A_1925 = vector.broadcast %shift_right_logical3A_1924 : i32 to vector<20x128xi32>
    %shift_right_logical3A_1926 = arith.shrui %xor3A_1919, %shift_right_logical3A_1925 : vector<20x128xi32>
    %or3A_1927 = arith.ori %shift_left3A_1923, %shift_right_logical3A_1926 : vector<20x128xi32>
    %xor3A_1928 = arith.xori %add3A_1920, %or3A_1927 : vector<20x128xi32>
    %add3A_1929 = arith.addi %add3A_1920, %xor3A_1928 : vector<20x128xi32>
    %shift_left3A_1930 = arith.constant 16 : i32
    %shift_left3A_1931 = vector.broadcast %shift_left3A_1930 : i32 to vector<20x128xi32>
    %shift_left3A_1932 = arith.shli %xor3A_1928, %shift_left3A_1931 : vector<20x128xi32>
    %shift_right_logical3A_1933 = arith.constant 16 : i32
    %shift_right_logical3A_1934 = vector.broadcast %shift_right_logical3A_1933 : i32 to vector<20x128xi32>
    %shift_right_logical3A_1935 = arith.shrui %xor3A_1928, %shift_right_logical3A_1934 : vector<20x128xi32>
    %or3A_1936 = arith.ori %shift_left3A_1932, %shift_right_logical3A_1935 : vector<20x128xi32>
    %xor3A_1937 = arith.xori %add3A_1929, %or3A_1936 : vector<20x128xi32>
    %add3A_1938 = arith.addi %add3A_1929, %xor3A_1937 : vector<20x128xi32>
    %shift_left3A_1939 = arith.constant 24 : i32
    %shift_left3A_1940 = vector.broadcast %shift_left3A_1939 : i32 to vector<20x128xi32>
    %shift_left3A_1941 = arith.shli %xor3A_1937, %shift_left3A_1940 : vector<20x128xi32>
    %shift_right_logical3A_1942 = arith.constant 8 : i32
    %shift_right_logical3A_1943 = vector.broadcast %shift_right_logical3A_1942 : i32 to vector<20x128xi32>
    %shift_right_logical3A_1944 = arith.shrui %xor3A_1937, %shift_right_logical3A_1943 : vector<20x128xi32>
    %or3A_1945 = arith.ori %shift_left3A_1941, %shift_right_logical3A_1944 : vector<20x128xi32>
    %xor3A_1946 = arith.xori %add3A_1938, %or3A_1945 : vector<20x128xi32>
    %add3A_1947 = arith.constant 466688987 : i32
    %add3A_1948 = vector.broadcast %add3A_1947 : i32 to vector<20x128xi32>
    %add3A_1949 = arith.addi %add3A_1938, %add3A_1948 : vector<20x128xi32>
    %add3A_1950 = arith.constant 0 : i32
    %add3A_1951 = vector.broadcast %add3A_1950 : i32 to vector<20x128xi32>
    %add3A_1952 = arith.addi %xor3A_1946, %add3A_1951 : vector<20x128xi32>
    %add3A_1953 = arith.constant 2 : i32
    %add3A_1954 = vector.broadcast %add3A_1953 : i32 to vector<20x128xi32>
    %add3A_1955 = arith.addi %add3A_1952, %add3A_1954 : vector<20x128xi32>
    %add3A_1956 = arith.addi %add3A_1949, %add3A_1955 : vector<20x128xi32>
    %shift_left3A_1957 = arith.constant 13 : i32
    %shift_left3A_1958 = vector.broadcast %shift_left3A_1957 : i32 to vector<20x128xi32>
    %shift_left3A_1959 = arith.shli %add3A_1955, %shift_left3A_1958 : vector<20x128xi32>
    %shift_right_logical3A_1960 = arith.constant 19 : i32
    %shift_right_logical3A_1961 = vector.broadcast %shift_right_logical3A_1960 : i32 to vector<20x128xi32>
    %shift_right_logical3A_1962 = arith.shrui %add3A_1955, %shift_right_logical3A_1961 : vector<20x128xi32>
    %or3A_1963 = arith.ori %shift_left3A_1959, %shift_right_logical3A_1962 : vector<20x128xi32>
    %xor3A_1964 = arith.xori %add3A_1956, %or3A_1963 : vector<20x128xi32>
    %add3A_1965 = arith.addi %add3A_1956, %xor3A_1964 : vector<20x128xi32>
    %shift_left3A_1966 = arith.constant 15 : i32
    %shift_left3A_1967 = vector.broadcast %shift_left3A_1966 : i32 to vector<20x128xi32>
    %shift_left3A_1968 = arith.shli %xor3A_1964, %shift_left3A_1967 : vector<20x128xi32>
    %shift_right_logical3A_1969 = arith.constant 17 : i32
    %shift_right_logical3A_1970 = vector.broadcast %shift_right_logical3A_1969 : i32 to vector<20x128xi32>
    %shift_right_logical3A_1971 = arith.shrui %xor3A_1964, %shift_right_logical3A_1970 : vector<20x128xi32>
    %or3A_1972 = arith.ori %shift_left3A_1968, %shift_right_logical3A_1971 : vector<20x128xi32>
    %xor3A_1973 = arith.xori %add3A_1965, %or3A_1972 : vector<20x128xi32>
    %add3A_1974 = arith.addi %add3A_1965, %xor3A_1973 : vector<20x128xi32>
    %shift_left3A_1975 = arith.constant 26 : i32
    %shift_left3A_1976 = vector.broadcast %shift_left3A_1975 : i32 to vector<20x128xi32>
    %shift_left3A_1977 = arith.shli %xor3A_1973, %shift_left3A_1976 : vector<20x128xi32>
    %shift_right_logical3A_1978 = arith.constant 6 : i32
    %shift_right_logical3A_1979 = vector.broadcast %shift_right_logical3A_1978 : i32 to vector<20x128xi32>
    %shift_right_logical3A_1980 = arith.shrui %xor3A_1973, %shift_right_logical3A_1979 : vector<20x128xi32>
    %or3A_1981 = arith.ori %shift_left3A_1977, %shift_right_logical3A_1980 : vector<20x128xi32>
    %xor3A_1982 = arith.xori %add3A_1974, %or3A_1981 : vector<20x128xi32>
    %add3A_1983 = arith.addi %add3A_1974, %xor3A_1982 : vector<20x128xi32>
    %shift_left3A_1984 = arith.constant 6 : i32
    %shift_left3A_1985 = vector.broadcast %shift_left3A_1984 : i32 to vector<20x128xi32>
    %shift_left3A_1986 = arith.shli %xor3A_1982, %shift_left3A_1985 : vector<20x128xi32>
    %shift_right_logical3A_1987 = arith.constant 26 : i32
    %shift_right_logical3A_1988 = vector.broadcast %shift_right_logical3A_1987 : i32 to vector<20x128xi32>
    %shift_right_logical3A_1989 = arith.shrui %xor3A_1982, %shift_right_logical3A_1988 : vector<20x128xi32>
    %or3A_1990 = arith.ori %shift_left3A_1986, %shift_right_logical3A_1989 : vector<20x128xi32>
    %xor3A_1991 = arith.xori %add3A_1983, %or3A_1990 : vector<20x128xi32>
    %add3A_1992 = arith.constant 0 : i32
    %add3A_1993 = vector.broadcast %add3A_1992 : i32 to vector<20x128xi32>
    %add3A_1994 = arith.addi %add3A_1983, %add3A_1993 : vector<20x128xi32>
    %add3A_1995 = arith.constant 1 : i32
    %add3A_1996 = vector.broadcast %add3A_1995 : i32 to vector<20x128xi32>
    %add3A_1997 = arith.addi %xor3A_1991, %add3A_1996 : vector<20x128xi32>
    %add3A_1998 = arith.constant 3 : i32
    %add3A_1999 = vector.broadcast %add3A_1998 : i32 to vector<20x128xi32>
    %add3A_2000 = arith.addi %add3A_1997, %add3A_1999 : vector<20x128xi32>
    %add3A_2001 = arith.addi %add3A_1994, %add3A_2000 : vector<20x128xi32>
    %shift_left3A_2002 = arith.constant 17 : i32
    %shift_left3A_2003 = vector.broadcast %shift_left3A_2002 : i32 to vector<20x128xi32>
    %shift_left3A_2004 = arith.shli %add3A_2000, %shift_left3A_2003 : vector<20x128xi32>
    %shift_right_logical3A_2005 = arith.constant 15 : i32
    %shift_right_logical3A_2006 = vector.broadcast %shift_right_logical3A_2005 : i32 to vector<20x128xi32>
    %shift_right_logical3A_2007 = arith.shrui %add3A_2000, %shift_right_logical3A_2006 : vector<20x128xi32>
    %or3A_2008 = arith.ori %shift_left3A_2004, %shift_right_logical3A_2007 : vector<20x128xi32>
    %xor3A_2009 = arith.xori %add3A_2001, %or3A_2008 : vector<20x128xi32>
    %add3A_2010 = arith.addi %add3A_2001, %xor3A_2009 : vector<20x128xi32>
    %shift_left3A_2011 = arith.constant 29 : i32
    %shift_left3A_2012 = vector.broadcast %shift_left3A_2011 : i32 to vector<20x128xi32>
    %shift_left3A_2013 = arith.shli %xor3A_2009, %shift_left3A_2012 : vector<20x128xi32>
    %shift_right_logical3A_2014 = arith.constant 3 : i32
    %shift_right_logical3A_2015 = vector.broadcast %shift_right_logical3A_2014 : i32 to vector<20x128xi32>
    %shift_right_logical3A_2016 = arith.shrui %xor3A_2009, %shift_right_logical3A_2015 : vector<20x128xi32>
    %or3A_2017 = arith.ori %shift_left3A_2013, %shift_right_logical3A_2016 : vector<20x128xi32>
    %xor3A_2018 = arith.xori %add3A_2010, %or3A_2017 : vector<20x128xi32>
    %add3A_2019 = arith.addi %add3A_2010, %xor3A_2018 : vector<20x128xi32>
    %shift_left3A_2020 = arith.constant 16 : i32
    %shift_left3A_2021 = vector.broadcast %shift_left3A_2020 : i32 to vector<20x128xi32>
    %shift_left3A_2022 = arith.shli %xor3A_2018, %shift_left3A_2021 : vector<20x128xi32>
    %shift_right_logical3A_2023 = arith.constant 16 : i32
    %shift_right_logical3A_2024 = vector.broadcast %shift_right_logical3A_2023 : i32 to vector<20x128xi32>
    %shift_right_logical3A_2025 = arith.shrui %xor3A_2018, %shift_right_logical3A_2024 : vector<20x128xi32>
    %or3A_2026 = arith.ori %shift_left3A_2022, %shift_right_logical3A_2025 : vector<20x128xi32>
    %xor3A_2027 = arith.xori %add3A_2019, %or3A_2026 : vector<20x128xi32>
    %add3A_2028 = arith.addi %add3A_2019, %xor3A_2027 : vector<20x128xi32>
    %shift_left3A_2029 = arith.constant 24 : i32
    %shift_left3A_2030 = vector.broadcast %shift_left3A_2029 : i32 to vector<20x128xi32>
    %shift_left3A_2031 = arith.shli %xor3A_2027, %shift_left3A_2030 : vector<20x128xi32>
    %shift_right_logical3A_2032 = arith.constant 8 : i32
    %shift_right_logical3A_2033 = vector.broadcast %shift_right_logical3A_2032 : i32 to vector<20x128xi32>
    %shift_right_logical3A_2034 = arith.shrui %xor3A_2027, %shift_right_logical3A_2033 : vector<20x128xi32>
    %or3A_2035 = arith.ori %shift_left3A_2031, %shift_right_logical3A_2034 : vector<20x128xi32>
    %xor3A_2036 = arith.xori %add3A_2028, %or3A_2035 : vector<20x128xi32>
    %add3A_2037 = arith.constant 1 : i32
    %add3A_2038 = vector.broadcast %add3A_2037 : i32 to vector<20x128xi32>
    %add3A_2039 = arith.addi %add3A_2028, %add3A_2038 : vector<20x128xi32>
    %add3A_2040 = arith.constant 466688987 : i32
    %add3A_2041 = vector.broadcast %add3A_2040 : i32 to vector<20x128xi32>
    %add3A_2042 = arith.addi %xor3A_2036, %add3A_2041 : vector<20x128xi32>
    %add3A_2043 = arith.constant 4 : i32
    %add3A_2044 = vector.broadcast %add3A_2043 : i32 to vector<20x128xi32>
    %add3A_2045 = arith.addi %add3A_2042, %add3A_2044 : vector<20x128xi32>
    %add3A_2046 = arith.addi %add3A_2039, %add3A_2045 : vector<20x128xi32>
    %shift_left3A_2047 = arith.constant 13 : i32
    %shift_left3A_2048 = vector.broadcast %shift_left3A_2047 : i32 to vector<20x128xi32>
    %shift_left3A_2049 = arith.shli %add3A_2045, %shift_left3A_2048 : vector<20x128xi32>
    %shift_right_logical3A_2050 = arith.constant 19 : i32
    %shift_right_logical3A_2051 = vector.broadcast %shift_right_logical3A_2050 : i32 to vector<20x128xi32>
    %shift_right_logical3A_2052 = arith.shrui %add3A_2045, %shift_right_logical3A_2051 : vector<20x128xi32>
    %or3A_2053 = arith.ori %shift_left3A_2049, %shift_right_logical3A_2052 : vector<20x128xi32>
    %xor3A_2054 = arith.xori %add3A_2046, %or3A_2053 : vector<20x128xi32>
    %add3A_2055 = arith.addi %add3A_2046, %xor3A_2054 : vector<20x128xi32>
    %shift_left3A_2056 = arith.constant 15 : i32
    %shift_left3A_2057 = vector.broadcast %shift_left3A_2056 : i32 to vector<20x128xi32>
    %shift_left3A_2058 = arith.shli %xor3A_2054, %shift_left3A_2057 : vector<20x128xi32>
    %shift_right_logical3A_2059 = arith.constant 17 : i32
    %shift_right_logical3A_2060 = vector.broadcast %shift_right_logical3A_2059 : i32 to vector<20x128xi32>
    %shift_right_logical3A_2061 = arith.shrui %xor3A_2054, %shift_right_logical3A_2060 : vector<20x128xi32>
    %or3A_2062 = arith.ori %shift_left3A_2058, %shift_right_logical3A_2061 : vector<20x128xi32>
    %xor3A_2063 = arith.xori %add3A_2055, %or3A_2062 : vector<20x128xi32>
    %add3A_2064 = arith.addi %add3A_2055, %xor3A_2063 : vector<20x128xi32>
    %shift_left3A_2065 = arith.constant 26 : i32
    %shift_left3A_2066 = vector.broadcast %shift_left3A_2065 : i32 to vector<20x128xi32>
    %shift_left3A_2067 = arith.shli %xor3A_2063, %shift_left3A_2066 : vector<20x128xi32>
    %shift_right_logical3A_2068 = arith.constant 6 : i32
    %shift_right_logical3A_2069 = vector.broadcast %shift_right_logical3A_2068 : i32 to vector<20x128xi32>
    %shift_right_logical3A_2070 = arith.shrui %xor3A_2063, %shift_right_logical3A_2069 : vector<20x128xi32>
    %or3A_2071 = arith.ori %shift_left3A_2067, %shift_right_logical3A_2070 : vector<20x128xi32>
    %xor3A_2072 = arith.xori %add3A_2064, %or3A_2071 : vector<20x128xi32>
    %add3A_2073 = arith.addi %add3A_2064, %xor3A_2072 : vector<20x128xi32>
    %shift_left3A_2074 = arith.constant 6 : i32
    %shift_left3A_2075 = vector.broadcast %shift_left3A_2074 : i32 to vector<20x128xi32>
    %shift_left3A_2076 = arith.shli %xor3A_2072, %shift_left3A_2075 : vector<20x128xi32>
    %shift_right_logical3A_2077 = arith.constant 26 : i32
    %shift_right_logical3A_2078 = vector.broadcast %shift_right_logical3A_2077 : i32 to vector<20x128xi32>
    %shift_right_logical3A_2079 = arith.shrui %xor3A_2072, %shift_right_logical3A_2078 : vector<20x128xi32>
    %or3A_2080 = arith.ori %shift_left3A_2076, %shift_right_logical3A_2079 : vector<20x128xi32>
    %xor3A_2081 = arith.xori %add3A_2073, %or3A_2080 : vector<20x128xi32>
    %add3A_2082 = arith.constant 466688987 : i32
    %add3A_2083 = vector.broadcast %add3A_2082 : i32 to vector<20x128xi32>
    %add3A_2084 = arith.addi %add3A_2073, %add3A_2083 : vector<20x128xi32>
    %add3A_2085 = arith.constant 0 : i32
    %add3A_2086 = vector.broadcast %add3A_2085 : i32 to vector<20x128xi32>
    %add3A_2087 = arith.addi %xor3A_2081, %add3A_2086 : vector<20x128xi32>
    %add3A_2088 = arith.constant 5 : i32
    %add3A_2089 = vector.broadcast %add3A_2088 : i32 to vector<20x128xi32>
    %add3A_2090 = arith.addi %add3A_2087, %add3A_2089 : vector<20x128xi32>
    %xor3A_2091 = arith.xori %add3A_2084, %add3A_2090 : vector<20x128xi32>
    %shift_right_logical3A_2092 = arith.constant 9 : i32
    %shift_right_logical3A_2093 = vector.broadcast %shift_right_logical3A_2092 : i32 to vector<20x128xi32>
    %shift_right_logical3A_2094 = arith.shrui %xor3A_2091, %shift_right_logical3A_2093 : vector<20x128xi32>
    %or3A_2095 = arith.constant 1065353216 : i32
    %or3A_2096 = vector.broadcast %or3A_2095 : i32 to vector<20x128xi32>
    %or3A_2097 = arith.ori %shift_right_logical3A_2094, %or3A_2096 : vector<20x128xi32>
    %bitcast_convert_type3A_2098 = tpu.bitcast %or3A_2097 : vector<20x128xi32> -> vector<20x128xf32>
    %sub3A_2099 = arith.constant 1.000000e+00 : f32
    %sub3A_2100 = vector.broadcast %sub3A_2099 : f32 to vector<20x128xf32>
    %sub3A_2101 = arith.subf %bitcast_convert_type3A_2098, %sub3A_2100 : vector<20x128xf32>
    %add3A_2102 = arith.constant 1.17549435E-38 : f32
    %add3A_2103 = vector.broadcast %add3A_2102 : f32 to vector<20x128xf32>
    %add3A_2104 = arith.addf %sub3A_2101, %add3A_2103 : vector<20x128xf32>
    %max3A_2105 = arith.constant 1.17549435E-38 : f32
    %max3A_2106 = vector.broadcast %max3A_2105 : f32 to vector<20x128xf32>
    %max3A_2107 = arith.maximumf %max3A_2106, %add3A_2104 : vector<20x128xf32>
    %log3A_2108 = math.log %max3A_2107 : vector<20x128xf32>
    %neg3A_2109 = arith.constant 0.000000e+00 : f32
    %neg3A_2110 = vector.broadcast %neg3A_2109 : f32 to vector<20x128xf32>
    %neg3A_2111 = arith.subf %neg3A_2110, %log3A_2108 : vector<20x128xf32>
    %log3A_2112 = math.log %neg3A_2111 : vector<20x128xf32>
    %neg3A_2113 = arith.constant 0.000000e+00 : f32
    %neg3A_2114 = vector.broadcast %neg3A_2113 : f32 to vector<20x128xf32>
    %neg3A_2115 = arith.subf %neg3A_2114, %log3A_2112 : vector<20x128xf32>
    %add3A_2116 = arith.addf %log3A_1856, %neg3A_2115 : vector<20x128xf32>
    %argmax3A_2117 = tpu.reduce_index %add3A_2116 {axis = 0 : i32, kind = #tpu.reduction_kind<arg_max>} : vector<20x128xf32> -> vector<128xi32>
    %swap3A_2118 = arith.constant 6 : index
    %swap3A_2119 = arith.constant 0 : index
    %swap3A_2120 = vector.load %arg6[%swap3A_2118, %swap3A_2119] : memref<16x128xi32, #tpu.memory_space<vmem>>, vector<1x128xi32>
    %swap3A_2121 = vector.shape_cast %swap3A_2120 : vector<1x128xi32> to vector<128xi32>
    %swap3A_2122 = vector.shape_cast %argmax3A_2117 : vector<128xi32> to vector<1x128xi32>
    tpu.vector_store %arg6[%swap3A_2118, %swap3A_2119], %swap3A_2122 {strides = array<i32>} : memref<16x128xi32, #tpu.memory_space<vmem>>, vector<1x128xi32>,
    %get3A_2123 = arith.constant 7 : index
    %get3A_2124 = arith.constant 0 : index
    %get3A_2125 = vector.load %arg3[%get3A_2123, %get3A_2124] : memref<16x128xi32, #tpu.memory_space<vmem>>, vector<1x128xi32>
    %get3A_2126 = vector.shape_cast %get3A_2125 : vector<1x128xi32> to vector<128xi32>
    %broadcast_in_dim3A_2127 = vector.shape_cast %get3A_2126 : vector<128xi32> to vector<1x128xi32>
    %broadcast_in_dim3A_2128 = vector.shape_cast %broadcast_in_dim3A_2127 : vector<1x128xi32> to vector<1x128xi32>
    %broadcast_in_dim3A_2129 = vector.broadcast %broadcast_in_dim3A_2128 : vector<1x128xi32> to vector<20x128xi32>
    %get3A_2130 = arith.constant 7 : index
    %get3A_2131 = arith.constant 0 : index
    %get3A_2132 = vector.load %arg4[%get3A_2130, %get3A_2131] : memref<16x128xi32, #tpu.memory_space<vmem>>, vector<1x128xi32>
    %get3A_2133 = vector.shape_cast %get3A_2132 : vector<1x128xi32> to vector<128xi32>
    %broadcast_in_dim3A_2134 = vector.shape_cast %get3A_2133 : vector<128xi32> to vector<1x128xi32>
    %broadcast_in_dim3A_2135 = vector.shape_cast %broadcast_in_dim3A_2134 : vector<1x128xi32> to vector<1x128xi32>
    %broadcast_in_dim3A_2136 = vector.broadcast %broadcast_in_dim3A_2135 : vector<1x128xi32> to vector<20x128xi32>
    %ne3A_2137 = arith.constant 0 : i32
    %ne3A_2138 = vector.broadcast %ne3A_2137 : i32 to vector<20x128xi32>
    %ne3A_2139 = arith.cmpi ne, %broadcast_in_dim3A_2136, %ne3A_2138 : vector<20x128xi32>
    %eq3A_2140 = arith.cmpi eq, %broadcast_in_dim3A_2129, %iota3A : vector<20x128xi32>
    %broadcast_in_dim3A_2141 = vector.broadcast %add3A : f32 to vector<20x128xf32>
    %broadcast_in_dim3A_2142 = vector.broadcast %div3A_22 : f32 to vector<20x128xf32>
    %select_n3A_2143 = arith.select %eq3A_2140, %broadcast_in_dim3A_2141, %broadcast_in_dim3A_2142 : vector<20x128xi1>, vector<20x128xf32>
    %jit3A_2144 = arith.constant 1.000000e+00 : f32
    %jit3A_2145 = arith.constant 0.000000e+00 : f32
    %broadcast_in_dim3A_2146 = vector.broadcast %jit3A_2144 : f32 to vector<20x128xf32>
    %broadcast_in_dim3A_2147 = vector.broadcast %jit3A_2145 : f32 to vector<20x128xf32>
    %select_n3A_2148 = arith.select %eq3A_2140, %broadcast_in_dim3A_2146, %broadcast_in_dim3A_2147 : vector<20x128xi1>, vector<20x128xf32>
    %select_n3A_2149 = arith.select %ne3A_2139, %select_n3A_2143, %select_n3A_2148 : vector<20x128xi1>, vector<20x128xf32>
    %transpose3A_2150 = tpu.transpose %select_n3A_2149, [1, 0] : vector<20x128xf32> -> vector<128x20xf32>
    %swap3A_2151 = arith.constant 896 : index
    %swap3A_2152 = arith.constant 0 : index
    %swap3A_2153 = vector.load %arg5[%swap3A_2151, %swap3A_2152] : memref<2048x20xf32, #tpu.memory_space<vmem>>, vector<128x20xf32>
    tpu.vector_store %arg5[%swap3A_2151, %swap3A_2152], %transpose3A_2150 {strides = array<i32>} : memref<2048x20xf32, #tpu.memory_space<vmem>>, vector<128x20xf32>,
    %add3A_2154 = arith.constant 9.99999993E-9 : f32
    %add3A_2155 = vector.broadcast %add3A_2154 : f32 to vector<20x128xf32>
    %add3A_2156 = arith.addf %select_n3A_2149, %add3A_2155 : vector<20x128xf32>
    %log3A_2157 = math.log %add3A_2156 : vector<20x128xf32>
    %add3A_2158 = arith.constant 17920 : i32
    %add3A_2159 = arith.addi %mul3A_28, %add3A_2158 : i32
    %add3A_2160 = vector.broadcast %add3A_2159 : i32 to vector<20x128xi32>
    %add3A_2161 = arith.addi %add3A_2160, %add3A_26 : vector<20x128xi32>
    %broadcast_in_dim3A_2162 = arith.constant 0 : i32
    %broadcast_in_dim3A_2163 = vector.broadcast %broadcast_in_dim3A_2162 : i32 to vector<20x128xi32>
    %add3A_2164 = arith.constant 1 : i32
    %add3A_2165 = vector.broadcast %add3A_2164 : i32 to vector<20x128xi32>
    %add3A_2166 = arith.addi %add3A_2161, %add3A_2165 : vector<20x128xi32>
    %add3A_2167 = arith.addi %broadcast_in_dim3A_2163, %add3A_2166 : vector<20x128xi32>
    %shift_left3A_2168 = arith.constant 13 : i32
    %shift_left3A_2169 = vector.broadcast %shift_left3A_2168 : i32 to vector<20x128xi32>
    %shift_left3A_2170 = arith.shli %add3A_2166, %shift_left3A_2169 : vector<20x128xi32>
    %shift_right_logical3A_2171 = arith.constant 19 : i32
    %shift_right_logical3A_2172 = vector.broadcast %shift_right_logical3A_2171 : i32 to vector<20x128xi32>
    %shift_right_logical3A_2173 = arith.shrui %add3A_2166, %shift_right_logical3A_2172 : vector<20x128xi32>
    %or3A_2174 = arith.ori %shift_left3A_2170, %shift_right_logical3A_2173 : vector<20x128xi32>
    %xor3A_2175 = arith.xori %add3A_2167, %or3A_2174 : vector<20x128xi32>
    %add3A_2176 = arith.addi %add3A_2167, %xor3A_2175 : vector<20x128xi32>
    %shift_left3A_2177 = arith.constant 15 : i32
    %shift_left3A_2178 = vector.broadcast %shift_left3A_2177 : i32 to vector<20x128xi32>
    %shift_left3A_2179 = arith.shli %xor3A_2175, %shift_left3A_2178 : vector<20x128xi32>
    %shift_right_logical3A_2180 = arith.constant 17 : i32
    %shift_right_logical3A_2181 = vector.broadcast %shift_right_logical3A_2180 : i32 to vector<20x128xi32>
    %shift_right_logical3A_2182 = arith.shrui %xor3A_2175, %shift_right_logical3A_2181 : vector<20x128xi32>
    %or3A_2183 = arith.ori %shift_left3A_2179, %shift_right_logical3A_2182 : vector<20x128xi32>
    %xor3A_2184 = arith.xori %add3A_2176, %or3A_2183 : vector<20x128xi32>
    %add3A_2185 = arith.addi %add3A_2176, %xor3A_2184 : vector<20x128xi32>
    %shift_left3A_2186 = arith.constant 26 : i32
    %shift_left3A_2187 = vector.broadcast %shift_left3A_2186 : i32 to vector<20x128xi32>
    %shift_left3A_2188 = arith.shli %xor3A_2184, %shift_left3A_2187 : vector<20x128xi32>
    %shift_right_logical3A_2189 = arith.constant 6 : i32
    %shift_right_logical3A_2190 = vector.broadcast %shift_right_logical3A_2189 : i32 to vector<20x128xi32>
    %shift_right_logical3A_2191 = arith.shrui %xor3A_2184, %shift_right_logical3A_2190 : vector<20x128xi32>
    %or3A_2192 = arith.ori %shift_left3A_2188, %shift_right_logical3A_2191 : vector<20x128xi32>
    %xor3A_2193 = arith.xori %add3A_2185, %or3A_2192 : vector<20x128xi32>
    %add3A_2194 = arith.addi %add3A_2185, %xor3A_2193 : vector<20x128xi32>
    %shift_left3A_2195 = arith.constant 6 : i32
    %shift_left3A_2196 = vector.broadcast %shift_left3A_2195 : i32 to vector<20x128xi32>
    %shift_left3A_2197 = arith.shli %xor3A_2193, %shift_left3A_2196 : vector<20x128xi32>
    %shift_right_logical3A_2198 = arith.constant 26 : i32
    %shift_right_logical3A_2199 = vector.broadcast %shift_right_logical3A_2198 : i32 to vector<20x128xi32>
    %shift_right_logical3A_2200 = arith.shrui %xor3A_2193, %shift_right_logical3A_2199 : vector<20x128xi32>
    %or3A_2201 = arith.ori %shift_left3A_2197, %shift_right_logical3A_2200 : vector<20x128xi32>
    %xor3A_2202 = arith.xori %add3A_2194, %or3A_2201 : vector<20x128xi32>
    %add3A_2203 = arith.constant 1 : i32
    %add3A_2204 = vector.broadcast %add3A_2203 : i32 to vector<20x128xi32>
    %add3A_2205 = arith.addi %add3A_2194, %add3A_2204 : vector<20x128xi32>
    %add3A_2206 = arith.constant 466688987 : i32
    %add3A_2207 = vector.broadcast %add3A_2206 : i32 to vector<20x128xi32>
    %add3A_2208 = arith.addi %xor3A_2202, %add3A_2207 : vector<20x128xi32>
    %add3A_2209 = arith.constant 1 : i32
    %add3A_2210 = vector.broadcast %add3A_2209 : i32 to vector<20x128xi32>
    %add3A_2211 = arith.addi %add3A_2208, %add3A_2210 : vector<20x128xi32>
    %add3A_2212 = arith.addi %add3A_2205, %add3A_2211 : vector<20x128xi32>
    %shift_left3A_2213 = arith.constant 17 : i32
    %shift_left3A_2214 = vector.broadcast %shift_left3A_2213 : i32 to vector<20x128xi32>
    %shift_left3A_2215 = arith.shli %add3A_2211, %shift_left3A_2214 : vector<20x128xi32>
    %shift_right_logical3A_2216 = arith.constant 15 : i32
    %shift_right_logical3A_2217 = vector.broadcast %shift_right_logical3A_2216 : i32 to vector<20x128xi32>
    %shift_right_logical3A_2218 = arith.shrui %add3A_2211, %shift_right_logical3A_2217 : vector<20x128xi32>
    %or3A_2219 = arith.ori %shift_left3A_2215, %shift_right_logical3A_2218 : vector<20x128xi32>
    %xor3A_2220 = arith.xori %add3A_2212, %or3A_2219 : vector<20x128xi32>
    %add3A_2221 = arith.addi %add3A_2212, %xor3A_2220 : vector<20x128xi32>
    %shift_left3A_2222 = arith.constant 29 : i32
    %shift_left3A_2223 = vector.broadcast %shift_left3A_2222 : i32 to vector<20x128xi32>
    %shift_left3A_2224 = arith.shli %xor3A_2220, %shift_left3A_2223 : vector<20x128xi32>
    %shift_right_logical3A_2225 = arith.constant 3 : i32
    %shift_right_logical3A_2226 = vector.broadcast %shift_right_logical3A_2225 : i32 to vector<20x128xi32>
    %shift_right_logical3A_2227 = arith.shrui %xor3A_2220, %shift_right_logical3A_2226 : vector<20x128xi32>
    %or3A_2228 = arith.ori %shift_left3A_2224, %shift_right_logical3A_2227 : vector<20x128xi32>
    %xor3A_2229 = arith.xori %add3A_2221, %or3A_2228 : vector<20x128xi32>
    %add3A_2230 = arith.addi %add3A_2221, %xor3A_2229 : vector<20x128xi32>
    %shift_left3A_2231 = arith.constant 16 : i32
    %shift_left3A_2232 = vector.broadcast %shift_left3A_2231 : i32 to vector<20x128xi32>
    %shift_left3A_2233 = arith.shli %xor3A_2229, %shift_left3A_2232 : vector<20x128xi32>
    %shift_right_logical3A_2234 = arith.constant 16 : i32
    %shift_right_logical3A_2235 = vector.broadcast %shift_right_logical3A_2234 : i32 to vector<20x128xi32>
    %shift_right_logical3A_2236 = arith.shrui %xor3A_2229, %shift_right_logical3A_2235 : vector<20x128xi32>
    %or3A_2237 = arith.ori %shift_left3A_2233, %shift_right_logical3A_2236 : vector<20x128xi32>
    %xor3A_2238 = arith.xori %add3A_2230, %or3A_2237 : vector<20x128xi32>
    %add3A_2239 = arith.addi %add3A_2230, %xor3A_2238 : vector<20x128xi32>
    %shift_left3A_2240 = arith.constant 24 : i32
    %shift_left3A_2241 = vector.broadcast %shift_left3A_2240 : i32 to vector<20x128xi32>
    %shift_left3A_2242 = arith.shli %xor3A_2238, %shift_left3A_2241 : vector<20x128xi32>
    %shift_right_logical3A_2243 = arith.constant 8 : i32
    %shift_right_logical3A_2244 = vector.broadcast %shift_right_logical3A_2243 : i32 to vector<20x128xi32>
    %shift_right_logical3A_2245 = arith.shrui %xor3A_2238, %shift_right_logical3A_2244 : vector<20x128xi32>
    %or3A_2246 = arith.ori %shift_left3A_2242, %shift_right_logical3A_2245 : vector<20x128xi32>
    %xor3A_2247 = arith.xori %add3A_2239, %or3A_2246 : vector<20x128xi32>
    %add3A_2248 = arith.constant 466688987 : i32
    %add3A_2249 = vector.broadcast %add3A_2248 : i32 to vector<20x128xi32>
    %add3A_2250 = arith.addi %add3A_2239, %add3A_2249 : vector<20x128xi32>
    %add3A_2251 = arith.constant 0 : i32
    %add3A_2252 = vector.broadcast %add3A_2251 : i32 to vector<20x128xi32>
    %add3A_2253 = arith.addi %xor3A_2247, %add3A_2252 : vector<20x128xi32>
    %add3A_2254 = arith.constant 2 : i32
    %add3A_2255 = vector.broadcast %add3A_2254 : i32 to vector<20x128xi32>
    %add3A_2256 = arith.addi %add3A_2253, %add3A_2255 : vector<20x128xi32>
    %add3A_2257 = arith.addi %add3A_2250, %add3A_2256 : vector<20x128xi32>
    %shift_left3A_2258 = arith.constant 13 : i32
    %shift_left3A_2259 = vector.broadcast %shift_left3A_2258 : i32 to vector<20x128xi32>
    %shift_left3A_2260 = arith.shli %add3A_2256, %shift_left3A_2259 : vector<20x128xi32>
    %shift_right_logical3A_2261 = arith.constant 19 : i32
    %shift_right_logical3A_2262 = vector.broadcast %shift_right_logical3A_2261 : i32 to vector<20x128xi32>
    %shift_right_logical3A_2263 = arith.shrui %add3A_2256, %shift_right_logical3A_2262 : vector<20x128xi32>
    %or3A_2264 = arith.ori %shift_left3A_2260, %shift_right_logical3A_2263 : vector<20x128xi32>
    %xor3A_2265 = arith.xori %add3A_2257, %or3A_2264 : vector<20x128xi32>
    %add3A_2266 = arith.addi %add3A_2257, %xor3A_2265 : vector<20x128xi32>
    %shift_left3A_2267 = arith.constant 15 : i32
    %shift_left3A_2268 = vector.broadcast %shift_left3A_2267 : i32 to vector<20x128xi32>
    %shift_left3A_2269 = arith.shli %xor3A_2265, %shift_left3A_2268 : vector<20x128xi32>
    %shift_right_logical3A_2270 = arith.constant 17 : i32
    %shift_right_logical3A_2271 = vector.broadcast %shift_right_logical3A_2270 : i32 to vector<20x128xi32>
    %shift_right_logical3A_2272 = arith.shrui %xor3A_2265, %shift_right_logical3A_2271 : vector<20x128xi32>
    %or3A_2273 = arith.ori %shift_left3A_2269, %shift_right_logical3A_2272 : vector<20x128xi32>
    %xor3A_2274 = arith.xori %add3A_2266, %or3A_2273 : vector<20x128xi32>
    %add3A_2275 = arith.addi %add3A_2266, %xor3A_2274 : vector<20x128xi32>
    %shift_left3A_2276 = arith.constant 26 : i32
    %shift_left3A_2277 = vector.broadcast %shift_left3A_2276 : i32 to vector<20x128xi32>
    %shift_left3A_2278 = arith.shli %xor3A_2274, %shift_left3A_2277 : vector<20x128xi32>
    %shift_right_logical3A_2279 = arith.constant 6 : i32
    %shift_right_logical3A_2280 = vector.broadcast %shift_right_logical3A_2279 : i32 to vector<20x128xi32>
    %shift_right_logical3A_2281 = arith.shrui %xor3A_2274, %shift_right_logical3A_2280 : vector<20x128xi32>
    %or3A_2282 = arith.ori %shift_left3A_2278, %shift_right_logical3A_2281 : vector<20x128xi32>
    %xor3A_2283 = arith.xori %add3A_2275, %or3A_2282 : vector<20x128xi32>
    %add3A_2284 = arith.addi %add3A_2275, %xor3A_2283 : vector<20x128xi32>
    %shift_left3A_2285 = arith.constant 6 : i32
    %shift_left3A_2286 = vector.broadcast %shift_left3A_2285 : i32 to vector<20x128xi32>
    %shift_left3A_2287 = arith.shli %xor3A_2283, %shift_left3A_2286 : vector<20x128xi32>
    %shift_right_logical3A_2288 = arith.constant 26 : i32
    %shift_right_logical3A_2289 = vector.broadcast %shift_right_logical3A_2288 : i32 to vector<20x128xi32>
    %shift_right_logical3A_2290 = arith.shrui %xor3A_2283, %shift_right_logical3A_2289 : vector<20x128xi32>
    %or3A_2291 = arith.ori %shift_left3A_2287, %shift_right_logical3A_2290 : vector<20x128xi32>
    %xor3A_2292 = arith.xori %add3A_2284, %or3A_2291 : vector<20x128xi32>
    %add3A_2293 = arith.constant 0 : i32
    %add3A_2294 = vector.broadcast %add3A_2293 : i32 to vector<20x128xi32>
    %add3A_2295 = arith.addi %add3A_2284, %add3A_2294 : vector<20x128xi32>
    %add3A_2296 = arith.constant 1 : i32
    %add3A_2297 = vector.broadcast %add3A_2296 : i32 to vector<20x128xi32>
    %add3A_2298 = arith.addi %xor3A_2292, %add3A_2297 : vector<20x128xi32>
    %add3A_2299 = arith.constant 3 : i32
    %add3A_2300 = vector.broadcast %add3A_2299 : i32 to vector<20x128xi32>
    %add3A_2301 = arith.addi %add3A_2298, %add3A_2300 : vector<20x128xi32>
    %add3A_2302 = arith.addi %add3A_2295, %add3A_2301 : vector<20x128xi32>
    %shift_left3A_2303 = arith.constant 17 : i32
    %shift_left3A_2304 = vector.broadcast %shift_left3A_2303 : i32 to vector<20x128xi32>
    %shift_left3A_2305 = arith.shli %add3A_2301, %shift_left3A_2304 : vector<20x128xi32>
    %shift_right_logical3A_2306 = arith.constant 15 : i32
    %shift_right_logical3A_2307 = vector.broadcast %shift_right_logical3A_2306 : i32 to vector<20x128xi32>
    %shift_right_logical3A_2308 = arith.shrui %add3A_2301, %shift_right_logical3A_2307 : vector<20x128xi32>
    %or3A_2309 = arith.ori %shift_left3A_2305, %shift_right_logical3A_2308 : vector<20x128xi32>
    %xor3A_2310 = arith.xori %add3A_2302, %or3A_2309 : vector<20x128xi32>
    %add3A_2311 = arith.addi %add3A_2302, %xor3A_2310 : vector<20x128xi32>
    %shift_left3A_2312 = arith.constant 29 : i32
    %shift_left3A_2313 = vector.broadcast %shift_left3A_2312 : i32 to vector<20x128xi32>
    %shift_left3A_2314 = arith.shli %xor3A_2310, %shift_left3A_2313 : vector<20x128xi32>
    %shift_right_logical3A_2315 = arith.constant 3 : i32
    %shift_right_logical3A_2316 = vector.broadcast %shift_right_logical3A_2315 : i32 to vector<20x128xi32>
    %shift_right_logical3A_2317 = arith.shrui %xor3A_2310, %shift_right_logical3A_2316 : vector<20x128xi32>
    %or3A_2318 = arith.ori %shift_left3A_2314, %shift_right_logical3A_2317 : vector<20x128xi32>
    %xor3A_2319 = arith.xori %add3A_2311, %or3A_2318 : vector<20x128xi32>
    %add3A_2320 = arith.addi %add3A_2311, %xor3A_2319 : vector<20x128xi32>
    %shift_left3A_2321 = arith.constant 16 : i32
    %shift_left3A_2322 = vector.broadcast %shift_left3A_2321 : i32 to vector<20x128xi32>
    %shift_left3A_2323 = arith.shli %xor3A_2319, %shift_left3A_2322 : vector<20x128xi32>
    %shift_right_logical3A_2324 = arith.constant 16 : i32
    %shift_right_logical3A_2325 = vector.broadcast %shift_right_logical3A_2324 : i32 to vector<20x128xi32>
    %shift_right_logical3A_2326 = arith.shrui %xor3A_2319, %shift_right_logical3A_2325 : vector<20x128xi32>
    %or3A_2327 = arith.ori %shift_left3A_2323, %shift_right_logical3A_2326 : vector<20x128xi32>
    %xor3A_2328 = arith.xori %add3A_2320, %or3A_2327 : vector<20x128xi32>
    %add3A_2329 = arith.addi %add3A_2320, %xor3A_2328 : vector<20x128xi32>
    %shift_left3A_2330 = arith.constant 24 : i32
    %shift_left3A_2331 = vector.broadcast %shift_left3A_2330 : i32 to vector<20x128xi32>
    %shift_left3A_2332 = arith.shli %xor3A_2328, %shift_left3A_2331 : vector<20x128xi32>
    %shift_right_logical3A_2333 = arith.constant 8 : i32
    %shift_right_logical3A_2334 = vector.broadcast %shift_right_logical3A_2333 : i32 to vector<20x128xi32>
    %shift_right_logical3A_2335 = arith.shrui %xor3A_2328, %shift_right_logical3A_2334 : vector<20x128xi32>
    %or3A_2336 = arith.ori %shift_left3A_2332, %shift_right_logical3A_2335 : vector<20x128xi32>
    %xor3A_2337 = arith.xori %add3A_2329, %or3A_2336 : vector<20x128xi32>
    %add3A_2338 = arith.constant 1 : i32
    %add3A_2339 = vector.broadcast %add3A_2338 : i32 to vector<20x128xi32>
    %add3A_2340 = arith.addi %add3A_2329, %add3A_2339 : vector<20x128xi32>
    %add3A_2341 = arith.constant 466688987 : i32
    %add3A_2342 = vector.broadcast %add3A_2341 : i32 to vector<20x128xi32>
    %add3A_2343 = arith.addi %xor3A_2337, %add3A_2342 : vector<20x128xi32>
    %add3A_2344 = arith.constant 4 : i32
    %add3A_2345 = vector.broadcast %add3A_2344 : i32 to vector<20x128xi32>
    %add3A_2346 = arith.addi %add3A_2343, %add3A_2345 : vector<20x128xi32>
    %add3A_2347 = arith.addi %add3A_2340, %add3A_2346 : vector<20x128xi32>
    %shift_left3A_2348 = arith.constant 13 : i32
    %shift_left3A_2349 = vector.broadcast %shift_left3A_2348 : i32 to vector<20x128xi32>
    %shift_left3A_2350 = arith.shli %add3A_2346, %shift_left3A_2349 : vector<20x128xi32>
    %shift_right_logical3A_2351 = arith.constant 19 : i32
    %shift_right_logical3A_2352 = vector.broadcast %shift_right_logical3A_2351 : i32 to vector<20x128xi32>
    %shift_right_logical3A_2353 = arith.shrui %add3A_2346, %shift_right_logical3A_2352 : vector<20x128xi32>
    %or3A_2354 = arith.ori %shift_left3A_2350, %shift_right_logical3A_2353 : vector<20x128xi32>
    %xor3A_2355 = arith.xori %add3A_2347, %or3A_2354 : vector<20x128xi32>
    %add3A_2356 = arith.addi %add3A_2347, %xor3A_2355 : vector<20x128xi32>
    %shift_left3A_2357 = arith.constant 15 : i32
    %shift_left3A_2358 = vector.broadcast %shift_left3A_2357 : i32 to vector<20x128xi32>
    %shift_left3A_2359 = arith.shli %xor3A_2355, %shift_left3A_2358 : vector<20x128xi32>
    %shift_right_logical3A_2360 = arith.constant 17 : i32
    %shift_right_logical3A_2361 = vector.broadcast %shift_right_logical3A_2360 : i32 to vector<20x128xi32>
    %shift_right_logical3A_2362 = arith.shrui %xor3A_2355, %shift_right_logical3A_2361 : vector<20x128xi32>
    %or3A_2363 = arith.ori %shift_left3A_2359, %shift_right_logical3A_2362 : vector<20x128xi32>
    %xor3A_2364 = arith.xori %add3A_2356, %or3A_2363 : vector<20x128xi32>
    %add3A_2365 = arith.addi %add3A_2356, %xor3A_2364 : vector<20x128xi32>
    %shift_left3A_2366 = arith.constant 26 : i32
    %shift_left3A_2367 = vector.broadcast %shift_left3A_2366 : i32 to vector<20x128xi32>
    %shift_left3A_2368 = arith.shli %xor3A_2364, %shift_left3A_2367 : vector<20x128xi32>
    %shift_right_logical3A_2369 = arith.constant 6 : i32
    %shift_right_logical3A_2370 = vector.broadcast %shift_right_logical3A_2369 : i32 to vector<20x128xi32>
    %shift_right_logical3A_2371 = arith.shrui %xor3A_2364, %shift_right_logical3A_2370 : vector<20x128xi32>
    %or3A_2372 = arith.ori %shift_left3A_2368, %shift_right_logical3A_2371 : vector<20x128xi32>
    %xor3A_2373 = arith.xori %add3A_2365, %or3A_2372 : vector<20x128xi32>
    %add3A_2374 = arith.addi %add3A_2365, %xor3A_2373 : vector<20x128xi32>
    %shift_left3A_2375 = arith.constant 6 : i32
    %shift_left3A_2376 = vector.broadcast %shift_left3A_2375 : i32 to vector<20x128xi32>
    %shift_left3A_2377 = arith.shli %xor3A_2373, %shift_left3A_2376 : vector<20x128xi32>
    %shift_right_logical3A_2378 = arith.constant 26 : i32
    %shift_right_logical3A_2379 = vector.broadcast %shift_right_logical3A_2378 : i32 to vector<20x128xi32>
    %shift_right_logical3A_2380 = arith.shrui %xor3A_2373, %shift_right_logical3A_2379 : vector<20x128xi32>
    %or3A_2381 = arith.ori %shift_left3A_2377, %shift_right_logical3A_2380 : vector<20x128xi32>
    %xor3A_2382 = arith.xori %add3A_2374, %or3A_2381 : vector<20x128xi32>
    %add3A_2383 = arith.constant 466688987 : i32
    %add3A_2384 = vector.broadcast %add3A_2383 : i32 to vector<20x128xi32>
    %add3A_2385 = arith.addi %add3A_2374, %add3A_2384 : vector<20x128xi32>
    %add3A_2386 = arith.constant 0 : i32
    %add3A_2387 = vector.broadcast %add3A_2386 : i32 to vector<20x128xi32>
    %add3A_2388 = arith.addi %xor3A_2382, %add3A_2387 : vector<20x128xi32>
    %add3A_2389 = arith.constant 5 : i32
    %add3A_2390 = vector.broadcast %add3A_2389 : i32 to vector<20x128xi32>
    %add3A_2391 = arith.addi %add3A_2388, %add3A_2390 : vector<20x128xi32>
    %xor3A_2392 = arith.xori %add3A_2385, %add3A_2391 : vector<20x128xi32>
    %shift_right_logical3A_2393 = arith.constant 9 : i32
    %shift_right_logical3A_2394 = vector.broadcast %shift_right_logical3A_2393 : i32 to vector<20x128xi32>
    %shift_right_logical3A_2395 = arith.shrui %xor3A_2392, %shift_right_logical3A_2394 : vector<20x128xi32>
    %or3A_2396 = arith.constant 1065353216 : i32
    %or3A_2397 = vector.broadcast %or3A_2396 : i32 to vector<20x128xi32>
    %or3A_2398 = arith.ori %shift_right_logical3A_2395, %or3A_2397 : vector<20x128xi32>
    %bitcast_convert_type3A_2399 = tpu.bitcast %or3A_2398 : vector<20x128xi32> -> vector<20x128xf32>
    %sub3A_2400 = arith.constant 1.000000e+00 : f32
    %sub3A_2401 = vector.broadcast %sub3A_2400 : f32 to vector<20x128xf32>
    %sub3A_2402 = arith.subf %bitcast_convert_type3A_2399, %sub3A_2401 : vector<20x128xf32>
    %add3A_2403 = arith.constant 1.17549435E-38 : f32
    %add3A_2404 = vector.broadcast %add3A_2403 : f32 to vector<20x128xf32>
    %add3A_2405 = arith.addf %sub3A_2402, %add3A_2404 : vector<20x128xf32>
    %max3A_2406 = arith.constant 1.17549435E-38 : f32
    %max3A_2407 = vector.broadcast %max3A_2406 : f32 to vector<20x128xf32>
    %max3A_2408 = arith.maximumf %max3A_2407, %add3A_2405 : vector<20x128xf32>
    %log3A_2409 = math.log %max3A_2408 : vector<20x128xf32>
    %neg3A_2410 = arith.constant 0.000000e+00 : f32
    %neg3A_2411 = vector.broadcast %neg3A_2410 : f32 to vector<20x128xf32>
    %neg3A_2412 = arith.subf %neg3A_2411, %log3A_2409 : vector<20x128xf32>
    %log3A_2413 = math.log %neg3A_2412 : vector<20x128xf32>
    %neg3A_2414 = arith.constant 0.000000e+00 : f32
    %neg3A_2415 = vector.broadcast %neg3A_2414 : f32 to vector<20x128xf32>
    %neg3A_2416 = arith.subf %neg3A_2415, %log3A_2413 : vector<20x128xf32>
    %add3A_2417 = arith.addf %log3A_2157, %neg3A_2416 : vector<20x128xf32>
    %argmax3A_2418 = tpu.reduce_index %add3A_2417 {axis = 0 : i32, kind = #tpu.reduction_kind<arg_max>} : vector<20x128xf32> -> vector<128xi32>
    %swap3A_2419 = arith.constant 7 : index
    %swap3A_2420 = arith.constant 0 : index
    %swap3A_2421 = vector.load %arg6[%swap3A_2419, %swap3A_2420] : memref<16x128xi32, #tpu.memory_space<vmem>>, vector<1x128xi32>
    %swap3A_2422 = vector.shape_cast %swap3A_2421 : vector<1x128xi32> to vector<128xi32>
    %swap3A_2423 = vector.shape_cast %argmax3A_2418 : vector<128xi32> to vector<1x128xi32>
    tpu.vector_store %arg6[%swap3A_2419, %swap3A_2420], %swap3A_2423 {strides = array<i32>} : memref<16x128xi32, #tpu.memory_space<vmem>>, vector<1x128xi32>,
    %get3A_2424 = arith.constant 8 : index
    %get3A_2425 = arith.constant 0 : index
    %get3A_2426 = vector.load %arg3[%get3A_2424, %get3A_2425] : memref<16x128xi32, #tpu.memory_space<vmem>>, vector<1x128xi32>
    %get3A_2427 = vector.shape_cast %get3A_2426 : vector<1x128xi32> to vector<128xi32>
    %broadcast_in_dim3A_2428 = vector.shape_cast %get3A_2427 : vector<128xi32> to vector<1x128xi32>
    %broadcast_in_dim3A_2429 = vector.shape_cast %broadcast_in_dim3A_2428 : vector<1x128xi32> to vector<1x128xi32>
    %broadcast_in_dim3A_2430 = vector.broadcast %broadcast_in_dim3A_2429 : vector<1x128xi32> to vector<20x128xi32>
    %get3A_2431 = arith.constant 8 : index
    %get3A_2432 = arith.constant 0 : index
    %get3A_2433 = vector.load %arg4[%get3A_2431, %get3A_2432] : memref<16x128xi32, #tpu.memory_space<vmem>>, vector<1x128xi32>
    %get3A_2434 = vector.shape_cast %get3A_2433 : vector<1x128xi32> to vector<128xi32>
    %broadcast_in_dim3A_2435 = vector.shape_cast %get3A_2434 : vector<128xi32> to vector<1x128xi32>
    %broadcast_in_dim3A_2436 = vector.shape_cast %broadcast_in_dim3A_2435 : vector<1x128xi32> to vector<1x128xi32>
    %broadcast_in_dim3A_2437 = vector.broadcast %broadcast_in_dim3A_2436 : vector<1x128xi32> to vector<20x128xi32>
    %ne3A_2438 = arith.constant 0 : i32
    %ne3A_2439 = vector.broadcast %ne3A_2438 : i32 to vector<20x128xi32>
    %ne3A_2440 = arith.cmpi ne, %broadcast_in_dim3A_2437, %ne3A_2439 : vector<20x128xi32>
    %eq3A_2441 = arith.cmpi eq, %broadcast_in_dim3A_2430, %iota3A : vector<20x128xi32>
    %broadcast_in_dim3A_2442 = vector.broadcast %add3A : f32 to vector<20x128xf32>
    %broadcast_in_dim3A_2443 = vector.broadcast %div3A_22 : f32 to vector<20x128xf32>
    %select_n3A_2444 = arith.select %eq3A_2441, %broadcast_in_dim3A_2442, %broadcast_in_dim3A_2443 : vector<20x128xi1>, vector<20x128xf32>
    %jit3A_2445 = arith.constant 1.000000e+00 : f32
    %jit3A_2446 = arith.constant 0.000000e+00 : f32
    %broadcast_in_dim3A_2447 = vector.broadcast %jit3A_2445 : f32 to vector<20x128xf32>
    %broadcast_in_dim3A_2448 = vector.broadcast %jit3A_2446 : f32 to vector<20x128xf32>
    %select_n3A_2449 = arith.select %eq3A_2441, %broadcast_in_dim3A_2447, %broadcast_in_dim3A_2448 : vector<20x128xi1>, vector<20x128xf32>
    %select_n3A_2450 = arith.select %ne3A_2440, %select_n3A_2444, %select_n3A_2449 : vector<20x128xi1>, vector<20x128xf32>
    %transpose3A_2451 = tpu.transpose %select_n3A_2450, [1, 0] : vector<20x128xf32> -> vector<128x20xf32>
    %swap3A_2452 = arith.constant 1024 : index
    %swap3A_2453 = arith.constant 0 : index
    %swap3A_2454 = vector.load %arg5[%swap3A_2452, %swap3A_2453] : memref<2048x20xf32, #tpu.memory_space<vmem>>, vector<128x20xf32>
    tpu.vector_store %arg5[%swap3A_2452, %swap3A_2453], %transpose3A_2451 {strides = array<i32>} : memref<2048x20xf32, #tpu.memory_space<vmem>>, vector<128x20xf32>,
    %add3A_2455 = arith.constant 9.99999993E-9 : f32
    %add3A_2456 = vector.broadcast %add3A_2455 : f32 to vector<20x128xf32>
    %add3A_2457 = arith.addf %select_n3A_2450, %add3A_2456 : vector<20x128xf32>
    %log3A_2458 = math.log %add3A_2457 : vector<20x128xf32>
    %add3A_2459 = arith.constant 20480 : i32
    %add3A_2460 = arith.addi %mul3A_28, %add3A_2459 : i32
    %add3A_2461 = vector.broadcast %add3A_2460 : i32 to vector<20x128xi32>
    %add3A_2462 = arith.addi %add3A_2461, %add3A_26 : vector<20x128xi32>
    %broadcast_in_dim3A_2463 = arith.constant 0 : i32
    %broadcast_in_dim3A_2464 = vector.broadcast %broadcast_in_dim3A_2463 : i32 to vector<20x128xi32>
    %add3A_2465 = arith.constant 1 : i32
    %add3A_2466 = vector.broadcast %add3A_2465 : i32 to vector<20x128xi32>
    %add3A_2467 = arith.addi %add3A_2462, %add3A_2466 : vector<20x128xi32>
    %add3A_2468 = arith.addi %broadcast_in_dim3A_2464, %add3A_2467 : vector<20x128xi32>
    %shift_left3A_2469 = arith.constant 13 : i32
    %shift_left3A_2470 = vector.broadcast %shift_left3A_2469 : i32 to vector<20x128xi32>
    %shift_left3A_2471 = arith.shli %add3A_2467, %shift_left3A_2470 : vector<20x128xi32>
    %shift_right_logical3A_2472 = arith.constant 19 : i32
    %shift_right_logical3A_2473 = vector.broadcast %shift_right_logical3A_2472 : i32 to vector<20x128xi32>
    %shift_right_logical3A_2474 = arith.shrui %add3A_2467, %shift_right_logical3A_2473 : vector<20x128xi32>
    %or3A_2475 = arith.ori %shift_left3A_2471, %shift_right_logical3A_2474 : vector<20x128xi32>
    %xor3A_2476 = arith.xori %add3A_2468, %or3A_2475 : vector<20x128xi32>
    %add3A_2477 = arith.addi %add3A_2468, %xor3A_2476 : vector<20x128xi32>
    %shift_left3A_2478 = arith.constant 15 : i32
    %shift_left3A_2479 = vector.broadcast %shift_left3A_2478 : i32 to vector<20x128xi32>
    %shift_left3A_2480 = arith.shli %xor3A_2476, %shift_left3A_2479 : vector<20x128xi32>
    %shift_right_logical3A_2481 = arith.constant 17 : i32
    %shift_right_logical3A_2482 = vector.broadcast %shift_right_logical3A_2481 : i32 to vector<20x128xi32>
    %shift_right_logical3A_2483 = arith.shrui %xor3A_2476, %shift_right_logical3A_2482 : vector<20x128xi32>
    %or3A_2484 = arith.ori %shift_left3A_2480, %shift_right_logical3A_2483 : vector<20x128xi32>
    %xor3A_2485 = arith.xori %add3A_2477, %or3A_2484 : vector<20x128xi32>
    %add3A_2486 = arith.addi %add3A_2477, %xor3A_2485 : vector<20x128xi32>
    %shift_left3A_2487 = arith.constant 26 : i32
    %shift_left3A_2488 = vector.broadcast %shift_left3A_2487 : i32 to vector<20x128xi32>
    %shift_left3A_2489 = arith.shli %xor3A_2485, %shift_left3A_2488 : vector<20x128xi32>
    %shift_right_logical3A_2490 = arith.constant 6 : i32
    %shift_right_logical3A_2491 = vector.broadcast %shift_right_logical3A_2490 : i32 to vector<20x128xi32>
    %shift_right_logical3A_2492 = arith.shrui %xor3A_2485, %shift_right_logical3A_2491 : vector<20x128xi32>
    %or3A_2493 = arith.ori %shift_left3A_2489, %shift_right_logical3A_2492 : vector<20x128xi32>
    %xor3A_2494 = arith.xori %add3A_2486, %or3A_2493 : vector<20x128xi32>
    %add3A_2495 = arith.addi %add3A_2486, %xor3A_2494 : vector<20x128xi32>
    %shift_left3A_2496 = arith.constant 6 : i32
    %shift_left3A_2497 = vector.broadcast %shift_left3A_2496 : i32 to vector<20x128xi32>
    %shift_left3A_2498 = arith.shli %xor3A_2494, %shift_left3A_2497 : vector<20x128xi32>
    %shift_right_logical3A_2499 = arith.constant 26 : i32
    %shift_right_logical3A_2500 = vector.broadcast %shift_right_logical3A_2499 : i32 to vector<20x128xi32>
    %shift_right_logical3A_2501 = arith.shrui %xor3A_2494, %shift_right_logical3A_2500 : vector<20x128xi32>
    %or3A_2502 = arith.ori %shift_left3A_2498, %shift_right_logical3A_2501 : vector<20x128xi32>
    %xor3A_2503 = arith.xori %add3A_2495, %or3A_2502 : vector<20x128xi32>
    %add3A_2504 = arith.constant 1 : i32
    %add3A_2505 = vector.broadcast %add3A_2504 : i32 to vector<20x128xi32>
    %add3A_2506 = arith.addi %add3A_2495, %add3A_2505 : vector<20x128xi32>
    %add3A_2507 = arith.constant 466688987 : i32
    %add3A_2508 = vector.broadcast %add3A_2507 : i32 to vector<20x128xi32>
    %add3A_2509 = arith.addi %xor3A_2503, %add3A_2508 : vector<20x128xi32>
    %add3A_2510 = arith.constant 1 : i32
    %add3A_2511 = vector.broadcast %add3A_2510 : i32 to vector<20x128xi32>
    %add3A_2512 = arith.addi %add3A_2509, %add3A_2511 : vector<20x128xi32>
    %add3A_2513 = arith.addi %add3A_2506, %add3A_2512 : vector<20x128xi32>
    %shift_left3A_2514 = arith.constant 17 : i32
    %shift_left3A_2515 = vector.broadcast %shift_left3A_2514 : i32 to vector<20x128xi32>
    %shift_left3A_2516 = arith.shli %add3A_2512, %shift_left3A_2515 : vector<20x128xi32>
    %shift_right_logical3A_2517 = arith.constant 15 : i32
    %shift_right_logical3A_2518 = vector.broadcast %shift_right_logical3A_2517 : i32 to vector<20x128xi32>
    %shift_right_logical3A_2519 = arith.shrui %add3A_2512, %shift_right_logical3A_2518 : vector<20x128xi32>
    %or3A_2520 = arith.ori %shift_left3A_2516, %shift_right_logical3A_2519 : vector<20x128xi32>
    %xor3A_2521 = arith.xori %add3A_2513, %or3A_2520 : vector<20x128xi32>
    %add3A_2522 = arith.addi %add3A_2513, %xor3A_2521 : vector<20x128xi32>
    %shift_left3A_2523 = arith.constant 29 : i32
    %shift_left3A_2524 = vector.broadcast %shift_left3A_2523 : i32 to vector<20x128xi32>
    %shift_left3A_2525 = arith.shli %xor3A_2521, %shift_left3A_2524 : vector<20x128xi32>
    %shift_right_logical3A_2526 = arith.constant 3 : i32
    %shift_right_logical3A_2527 = vector.broadcast %shift_right_logical3A_2526 : i32 to vector<20x128xi32>
    %shift_right_logical3A_2528 = arith.shrui %xor3A_2521, %shift_right_logical3A_2527 : vector<20x128xi32>
    %or3A_2529 = arith.ori %shift_left3A_2525, %shift_right_logical3A_2528 : vector<20x128xi32>
    %xor3A_2530 = arith.xori %add3A_2522, %or3A_2529 : vector<20x128xi32>
    %add3A_2531 = arith.addi %add3A_2522, %xor3A_2530 : vector<20x128xi32>
    %shift_left3A_2532 = arith.constant 16 : i32
    %shift_left3A_2533 = vector.broadcast %shift_left3A_2532 : i32 to vector<20x128xi32>
    %shift_left3A_2534 = arith.shli %xor3A_2530, %shift_left3A_2533 : vector<20x128xi32>
    %shift_right_logical3A_2535 = arith.constant 16 : i32
    %shift_right_logical3A_2536 = vector.broadcast %shift_right_logical3A_2535 : i32 to vector<20x128xi32>
    %shift_right_logical3A_2537 = arith.shrui %xor3A_2530, %shift_right_logical3A_2536 : vector<20x128xi32>
    %or3A_2538 = arith.ori %shift_left3A_2534, %shift_right_logical3A_2537 : vector<20x128xi32>
    %xor3A_2539 = arith.xori %add3A_2531, %or3A_2538 : vector<20x128xi32>
    %add3A_2540 = arith.addi %add3A_2531, %xor3A_2539 : vector<20x128xi32>
    %shift_left3A_2541 = arith.constant 24 : i32
    %shift_left3A_2542 = vector.broadcast %shift_left3A_2541 : i32 to vector<20x128xi32>
    %shift_left3A_2543 = arith.shli %xor3A_2539, %shift_left3A_2542 : vector<20x128xi32>
    %shift_right_logical3A_2544 = arith.constant 8 : i32
    %shift_right_logical3A_2545 = vector.broadcast %shift_right_logical3A_2544 : i32 to vector<20x128xi32>
    %shift_right_logical3A_2546 = arith.shrui %xor3A_2539, %shift_right_logical3A_2545 : vector<20x128xi32>
    %or3A_2547 = arith.ori %shift_left3A_2543, %shift_right_logical3A_2546 : vector<20x128xi32>
    %xor3A_2548 = arith.xori %add3A_2540, %or3A_2547 : vector<20x128xi32>
    %add3A_2549 = arith.constant 466688987 : i32
    %add3A_2550 = vector.broadcast %add3A_2549 : i32 to vector<20x128xi32>
    %add3A_2551 = arith.addi %add3A_2540, %add3A_2550 : vector<20x128xi32>
    %add3A_2552 = arith.constant 0 : i32
    %add3A_2553 = vector.broadcast %add3A_2552 : i32 to vector<20x128xi32>
    %add3A_2554 = arith.addi %xor3A_2548, %add3A_2553 : vector<20x128xi32>
    %add3A_2555 = arith.constant 2 : i32
    %add3A_2556 = vector.broadcast %add3A_2555 : i32 to vector<20x128xi32>
    %add3A_2557 = arith.addi %add3A_2554, %add3A_2556 : vector<20x128xi32>
    %add3A_2558 = arith.addi %add3A_2551, %add3A_2557 : vector<20x128xi32>
    %shift_left3A_2559 = arith.constant 13 : i32
    %shift_left3A_2560 = vector.broadcast %shift_left3A_2559 : i32 to vector<20x128xi32>
    %shift_left3A_2561 = arith.shli %add3A_2557, %shift_left3A_2560 : vector<20x128xi32>
    %shift_right_logical3A_2562 = arith.constant 19 : i32
    %shift_right_logical3A_2563 = vector.broadcast %shift_right_logical3A_2562 : i32 to vector<20x128xi32>
    %shift_right_logical3A_2564 = arith.shrui %add3A_2557, %shift_right_logical3A_2563 : vector<20x128xi32>
    %or3A_2565 = arith.ori %shift_left3A_2561, %shift_right_logical3A_2564 : vector<20x128xi32>
    %xor3A_2566 = arith.xori %add3A_2558, %or3A_2565 : vector<20x128xi32>
    %add3A_2567 = arith.addi %add3A_2558, %xor3A_2566 : vector<20x128xi32>
    %shift_left3A_2568 = arith.constant 15 : i32
    %shift_left3A_2569 = vector.broadcast %shift_left3A_2568 : i32 to vector<20x128xi32>
    %shift_left3A_2570 = arith.shli %xor3A_2566, %shift_left3A_2569 : vector<20x128xi32>
    %shift_right_logical3A_2571 = arith.constant 17 : i32
    %shift_right_logical3A_2572 = vector.broadcast %shift_right_logical3A_2571 : i32 to vector<20x128xi32>
    %shift_right_logical3A_2573 = arith.shrui %xor3A_2566, %shift_right_logical3A_2572 : vector<20x128xi32>
    %or3A_2574 = arith.ori %shift_left3A_2570, %shift_right_logical3A_2573 : vector<20x128xi32>
    %xor3A_2575 = arith.xori %add3A_2567, %or3A_2574 : vector<20x128xi32>
    %add3A_2576 = arith.addi %add3A_2567, %xor3A_2575 : vector<20x128xi32>
    %shift_left3A_2577 = arith.constant 26 : i32
    %shift_left3A_2578 = vector.broadcast %shift_left3A_2577 : i32 to vector<20x128xi32>
    %shift_left3A_2579 = arith.shli %xor3A_2575, %shift_left3A_2578 : vector<20x128xi32>
    %shift_right_logical3A_2580 = arith.constant 6 : i32
    %shift_right_logical3A_2581 = vector.broadcast %shift_right_logical3A_2580 : i32 to vector<20x128xi32>
    %shift_right_logical3A_2582 = arith.shrui %xor3A_2575, %shift_right_logical3A_2581 : vector<20x128xi32>
    %or3A_2583 = arith.ori %shift_left3A_2579, %shift_right_logical3A_2582 : vector<20x128xi32>
    %xor3A_2584 = arith.xori %add3A_2576, %or3A_2583 : vector<20x128xi32>
    %add3A_2585 = arith.addi %add3A_2576, %xor3A_2584 : vector<20x128xi32>
    %shift_left3A_2586 = arith.constant 6 : i32
    %shift_left3A_2587 = vector.broadcast %shift_left3A_2586 : i32 to vector<20x128xi32>
    %shift_left3A_2588 = arith.shli %xor3A_2584, %shift_left3A_2587 : vector<20x128xi32>
    %shift_right_logical3A_2589 = arith.constant 26 : i32
    %shift_right_logical3A_2590 = vector.broadcast %shift_right_logical3A_2589 : i32 to vector<20x128xi32>
    %shift_right_logical3A_2591 = arith.shrui %xor3A_2584, %shift_right_logical3A_2590 : vector<20x128xi32>
    %or3A_2592 = arith.ori %shift_left3A_2588, %shift_right_logical3A_2591 : vector<20x128xi32>
    %xor3A_2593 = arith.xori %add3A_2585, %or3A_2592 : vector<20x128xi32>
    %add3A_2594 = arith.constant 0 : i32
    %add3A_2595 = vector.broadcast %add3A_2594 : i32 to vector<20x128xi32>
    %add3A_2596 = arith.addi %add3A_2585, %add3A_2595 : vector<20x128xi32>
    %add3A_2597 = arith.constant 1 : i32
    %add3A_2598 = vector.broadcast %add3A_2597 : i32 to vector<20x128xi32>
    %add3A_2599 = arith.addi %xor3A_2593, %add3A_2598 : vector<20x128xi32>
    %add3A_2600 = arith.constant 3 : i32
    %add3A_2601 = vector.broadcast %add3A_2600 : i32 to vector<20x128xi32>
    %add3A_2602 = arith.addi %add3A_2599, %add3A_2601 : vector<20x128xi32>
    %add3A_2603 = arith.addi %add3A_2596, %add3A_2602 : vector<20x128xi32>
    %shift_left3A_2604 = arith.constant 17 : i32
    %shift_left3A_2605 = vector.broadcast %shift_left3A_2604 : i32 to vector<20x128xi32>
    %shift_left3A_2606 = arith.shli %add3A_2602, %shift_left3A_2605 : vector<20x128xi32>
    %shift_right_logical3A_2607 = arith.constant 15 : i32
    %shift_right_logical3A_2608 = vector.broadcast %shift_right_logical3A_2607 : i32 to vector<20x128xi32>
    %shift_right_logical3A_2609 = arith.shrui %add3A_2602, %shift_right_logical3A_2608 : vector<20x128xi32>
    %or3A_2610 = arith.ori %shift_left3A_2606, %shift_right_logical3A_2609 : vector<20x128xi32>
    %xor3A_2611 = arith.xori %add3A_2603, %or3A_2610 : vector<20x128xi32>
    %add3A_2612 = arith.addi %add3A_2603, %xor3A_2611 : vector<20x128xi32>
    %shift_left3A_2613 = arith.constant 29 : i32
    %shift_left3A_2614 = vector.broadcast %shift_left3A_2613 : i32 to vector<20x128xi32>
    %shift_left3A_2615 = arith.shli %xor3A_2611, %shift_left3A_2614 : vector<20x128xi32>
    %shift_right_logical3A_2616 = arith.constant 3 : i32
    %shift_right_logical3A_2617 = vector.broadcast %shift_right_logical3A_2616 : i32 to vector<20x128xi32>
    %shift_right_logical3A_2618 = arith.shrui %xor3A_2611, %shift_right_logical3A_2617 : vector<20x128xi32>
    %or3A_2619 = arith.ori %shift_left3A_2615, %shift_right_logical3A_2618 : vector<20x128xi32>
    %xor3A_2620 = arith.xori %add3A_2612, %or3A_2619 : vector<20x128xi32>
    %add3A_2621 = arith.addi %add3A_2612, %xor3A_2620 : vector<20x128xi32>
    %shift_left3A_2622 = arith.constant 16 : i32
    %shift_left3A_2623 = vector.broadcast %shift_left3A_2622 : i32 to vector<20x128xi32>
    %shift_left3A_2624 = arith.shli %xor3A_2620, %shift_left3A_2623 : vector<20x128xi32>
    %shift_right_logical3A_2625 = arith.constant 16 : i32
    %shift_right_logical3A_2626 = vector.broadcast %shift_right_logical3A_2625 : i32 to vector<20x128xi32>
    %shift_right_logical3A_2627 = arith.shrui %xor3A_2620, %shift_right_logical3A_2626 : vector<20x128xi32>
    %or3A_2628 = arith.ori %shift_left3A_2624, %shift_right_logical3A_2627 : vector<20x128xi32>
    %xor3A_2629 = arith.xori %add3A_2621, %or3A_2628 : vector<20x128xi32>
    %add3A_2630 = arith.addi %add3A_2621, %xor3A_2629 : vector<20x128xi32>
    %shift_left3A_2631 = arith.constant 24 : i32
    %shift_left3A_2632 = vector.broadcast %shift_left3A_2631 : i32 to vector<20x128xi32>
    %shift_left3A_2633 = arith.shli %xor3A_2629, %shift_left3A_2632 : vector<20x128xi32>
    %shift_right_logical3A_2634 = arith.constant 8 : i32
    %shift_right_logical3A_2635 = vector.broadcast %shift_right_logical3A_2634 : i32 to vector<20x128xi32>
    %shift_right_logical3A_2636 = arith.shrui %xor3A_2629, %shift_right_logical3A_2635 : vector<20x128xi32>
    %or3A_2637 = arith.ori %shift_left3A_2633, %shift_right_logical3A_2636 : vector<20x128xi32>
    %xor3A_2638 = arith.xori %add3A_2630, %or3A_2637 : vector<20x128xi32>
    %add3A_2639 = arith.constant 1 : i32
    %add3A_2640 = vector.broadcast %add3A_2639 : i32 to vector<20x128xi32>
    %add3A_2641 = arith.addi %add3A_2630, %add3A_2640 : vector<20x128xi32>
    %add3A_2642 = arith.constant 466688987 : i32
    %add3A_2643 = vector.broadcast %add3A_2642 : i32 to vector<20x128xi32>
    %add3A_2644 = arith.addi %xor3A_2638, %add3A_2643 : vector<20x128xi32>
    %add3A_2645 = arith.constant 4 : i32
    %add3A_2646 = vector.broadcast %add3A_2645 : i32 to vector<20x128xi32>
    %add3A_2647 = arith.addi %add3A_2644, %add3A_2646 : vector<20x128xi32>
    %add3A_2648 = arith.addi %add3A_2641, %add3A_2647 : vector<20x128xi32>
    %shift_left3A_2649 = arith.constant 13 : i32
    %shift_left3A_2650 = vector.broadcast %shift_left3A_2649 : i32 to vector<20x128xi32>
    %shift_left3A_2651 = arith.shli %add3A_2647, %shift_left3A_2650 : vector<20x128xi32>
    %shift_right_logical3A_2652 = arith.constant 19 : i32
    %shift_right_logical3A_2653 = vector.broadcast %shift_right_logical3A_2652 : i32 to vector<20x128xi32>
    %shift_right_logical3A_2654 = arith.shrui %add3A_2647, %shift_right_logical3A_2653 : vector<20x128xi32>
    %or3A_2655 = arith.ori %shift_left3A_2651, %shift_right_logical3A_2654 : vector<20x128xi32>
    %xor3A_2656 = arith.xori %add3A_2648, %or3A_2655 : vector<20x128xi32>
    %add3A_2657 = arith.addi %add3A_2648, %xor3A_2656 : vector<20x128xi32>
    %shift_left3A_2658 = arith.constant 15 : i32
    %shift_left3A_2659 = vector.broadcast %shift_left3A_2658 : i32 to vector<20x128xi32>
    %shift_left3A_2660 = arith.shli %xor3A_2656, %shift_left3A_2659 : vector<20x128xi32>
    %shift_right_logical3A_2661 = arith.constant 17 : i32
    %shift_right_logical3A_2662 = vector.broadcast %shift_right_logical3A_2661 : i32 to vector<20x128xi32>
    %shift_right_logical3A_2663 = arith.shrui %xor3A_2656, %shift_right_logical3A_2662 : vector<20x128xi32>
    %or3A_2664 = arith.ori %shift_left3A_2660, %shift_right_logical3A_2663 : vector<20x128xi32>
    %xor3A_2665 = arith.xori %add3A_2657, %or3A_2664 : vector<20x128xi32>
    %add3A_2666 = arith.addi %add3A_2657, %xor3A_2665 : vector<20x128xi32>
    %shift_left3A_2667 = arith.constant 26 : i32
    %shift_left3A_2668 = vector.broadcast %shift_left3A_2667 : i32 to vector<20x128xi32>
    %shift_left3A_2669 = arith.shli %xor3A_2665, %shift_left3A_2668 : vector<20x128xi32>
    %shift_right_logical3A_2670 = arith.constant 6 : i32
    %shift_right_logical3A_2671 = vector.broadcast %shift_right_logical3A_2670 : i32 to vector<20x128xi32>
    %shift_right_logical3A_2672 = arith.shrui %xor3A_2665, %shift_right_logical3A_2671 : vector<20x128xi32>
    %or3A_2673 = arith.ori %shift_left3A_2669, %shift_right_logical3A_2672 : vector<20x128xi32>
    %xor3A_2674 = arith.xori %add3A_2666, %or3A_2673 : vector<20x128xi32>
    %add3A_2675 = arith.addi %add3A_2666, %xor3A_2674 : vector<20x128xi32>
    %shift_left3A_2676 = arith.constant 6 : i32
    %shift_left3A_2677 = vector.broadcast %shift_left3A_2676 : i32 to vector<20x128xi32>
    %shift_left3A_2678 = arith.shli %xor3A_2674, %shift_left3A_2677 : vector<20x128xi32>
    %shift_right_logical3A_2679 = arith.constant 26 : i32
    %shift_right_logical3A_2680 = vector.broadcast %shift_right_logical3A_2679 : i32 to vector<20x128xi32>
    %shift_right_logical3A_2681 = arith.shrui %xor3A_2674, %shift_right_logical3A_2680 : vector<20x128xi32>
    %or3A_2682 = arith.ori %shift_left3A_2678, %shift_right_logical3A_2681 : vector<20x128xi32>
    %xor3A_2683 = arith.xori %add3A_2675, %or3A_2682 : vector<20x128xi32>
    %add3A_2684 = arith.constant 466688987 : i32
    %add3A_2685 = vector.broadcast %add3A_2684 : i32 to vector<20x128xi32>
    %add3A_2686 = arith.addi %add3A_2675, %add3A_2685 : vector<20x128xi32>
    %add3A_2687 = arith.constant 0 : i32
    %add3A_2688 = vector.broadcast %add3A_2687 : i32 to vector<20x128xi32>
    %add3A_2689 = arith.addi %xor3A_2683, %add3A_2688 : vector<20x128xi32>
    %add3A_2690 = arith.constant 5 : i32
    %add3A_2691 = vector.broadcast %add3A_2690 : i32 to vector<20x128xi32>
    %add3A_2692 = arith.addi %add3A_2689, %add3A_2691 : vector<20x128xi32>
    %xor3A_2693 = arith.xori %add3A_2686, %add3A_2692 : vector<20x128xi32>
    %shift_right_logical3A_2694 = arith.constant 9 : i32
    %shift_right_logical3A_2695 = vector.broadcast %shift_right_logical3A_2694 : i32 to vector<20x128xi32>
    %shift_right_logical3A_2696 = arith.shrui %xor3A_2693, %shift_right_logical3A_2695 : vector<20x128xi32>
    %or3A_2697 = arith.constant 1065353216 : i32
    %or3A_2698 = vector.broadcast %or3A_2697 : i32 to vector<20x128xi32>
    %or3A_2699 = arith.ori %shift_right_logical3A_2696, %or3A_2698 : vector<20x128xi32>
    %bitcast_convert_type3A_2700 = tpu.bitcast %or3A_2699 : vector<20x128xi32> -> vector<20x128xf32>
    %sub3A_2701 = arith.constant 1.000000e+00 : f32
    %sub3A_2702 = vector.broadcast %sub3A_2701 : f32 to vector<20x128xf32>
    %sub3A_2703 = arith.subf %bitcast_convert_type3A_2700, %sub3A_2702 : vector<20x128xf32>
    %add3A_2704 = arith.constant 1.17549435E-38 : f32
    %add3A_2705 = vector.broadcast %add3A_2704 : f32 to vector<20x128xf32>
    %add3A_2706 = arith.addf %sub3A_2703, %add3A_2705 : vector<20x128xf32>
    %max3A_2707 = arith.constant 1.17549435E-38 : f32
    %max3A_2708 = vector.broadcast %max3A_2707 : f32 to vector<20x128xf32>
    %max3A_2709 = arith.maximumf %max3A_2708, %add3A_2706 : vector<20x128xf32>
    %log3A_2710 = math.log %max3A_2709 : vector<20x128xf32>
    %neg3A_2711 = arith.constant 0.000000e+00 : f32
    %neg3A_2712 = vector.broadcast %neg3A_2711 : f32 to vector<20x128xf32>
    %neg3A_2713 = arith.subf %neg3A_2712, %log3A_2710 : vector<20x128xf32>
    %log3A_2714 = math.log %neg3A_2713 : vector<20x128xf32>
    %neg3A_2715 = arith.constant 0.000000e+00 : f32
    %neg3A_2716 = vector.broadcast %neg3A_2715 : f32 to vector<20x128xf32>
    %neg3A_2717 = arith.subf %neg3A_2716, %log3A_2714 : vector<20x128xf32>
    %add3A_2718 = arith.addf %log3A_2458, %neg3A_2717 : vector<20x128xf32>
    %argmax3A_2719 = tpu.reduce_index %add3A_2718 {axis = 0 : i32, kind = #tpu.reduction_kind<arg_max>} : vector<20x128xf32> -> vector<128xi32>
    %swap3A_2720 = arith.constant 8 : index
    %swap3A_2721 = arith.constant 0 : index
    %swap3A_2722 = vector.load %arg6[%swap3A_2720, %swap3A_2721] : memref<16x128xi32, #tpu.memory_space<vmem>>, vector<1x128xi32>
    %swap3A_2723 = vector.shape_cast %swap3A_2722 : vector<1x128xi32> to vector<128xi32>
    %swap3A_2724 = vector.shape_cast %argmax3A_2719 : vector<128xi32> to vector<1x128xi32>
    tpu.vector_store %arg6[%swap3A_2720, %swap3A_2721], %swap3A_2724 {strides = array<i32>} : memref<16x128xi32, #tpu.memory_space<vmem>>, vector<1x128xi32>,
    %get3A_2725 = arith.constant 9 : index
    %get3A_2726 = arith.constant 0 : index
    %get3A_2727 = vector.load %arg3[%get3A_2725, %get3A_2726] : memref<16x128xi32, #tpu.memory_space<vmem>>, vector<1x128xi32>
    %get3A_2728 = vector.shape_cast %get3A_2727 : vector<1x128xi32> to vector<128xi32>
    %broadcast_in_dim3A_2729 = vector.shape_cast %get3A_2728 : vector<128xi32> to vector<1x128xi32>
    %broadcast_in_dim3A_2730 = vector.shape_cast %broadcast_in_dim3A_2729 : vector<1x128xi32> to vector<1x128xi32>
    %broadcast_in_dim3A_2731 = vector.broadcast %broadcast_in_dim3A_2730 : vector<1x128xi32> to vector<20x128xi32>
    %get3A_2732 = arith.constant 9 : index
    %get3A_2733 = arith.constant 0 : index
    %get3A_2734 = vector.load %arg4[%get3A_2732, %get3A_2733] : memref<16x128xi32, #tpu.memory_space<vmem>>, vector<1x128xi32>
    %get3A_2735 = vector.shape_cast %get3A_2734 : vector<1x128xi32> to vector<128xi32>
    %broadcast_in_dim3A_2736 = vector.shape_cast %get3A_2735 : vector<128xi32> to vector<1x128xi32>
    %broadcast_in_dim3A_2737 = vector.shape_cast %broadcast_in_dim3A_2736 : vector<1x128xi32> to vector<1x128xi32>
    %broadcast_in_dim3A_2738 = vector.broadcast %broadcast_in_dim3A_2737 : vector<1x128xi32> to vector<20x128xi32>
    %ne3A_2739 = arith.constant 0 : i32
    %ne3A_2740 = vector.broadcast %ne3A_2739 : i32 to vector<20x128xi32>
    %ne3A_2741 = arith.cmpi ne, %broadcast_in_dim3A_2738, %ne3A_2740 : vector<20x128xi32>
    %eq3A_2742 = arith.cmpi eq, %broadcast_in_dim3A_2731, %iota3A : vector<20x128xi32>
    %broadcast_in_dim3A_2743 = vector.broadcast %add3A : f32 to vector<20x128xf32>
    %broadcast_in_dim3A_2744 = vector.broadcast %div3A_22 : f32 to vector<20x128xf32>
    %select_n3A_2745 = arith.select %eq3A_2742, %broadcast_in_dim3A_2743, %broadcast_in_dim3A_2744 : vector<20x128xi1>, vector<20x128xf32>
    %jit3A_2746 = arith.constant 1.000000e+00 : f32
    %jit3A_2747 = arith.constant 0.000000e+00 : f32
    %broadcast_in_dim3A_2748 = vector.broadcast %jit3A_2746 : f32 to vector<20x128xf32>
    %broadcast_in_dim3A_2749 = vector.broadcast %jit3A_2747 : f32 to vector<20x128xf32>
    %select_n3A_2750 = arith.select %eq3A_2742, %broadcast_in_dim3A_2748, %broadcast_in_dim3A_2749 : vector<20x128xi1>, vector<20x128xf32>
    %select_n3A_2751 = arith.select %ne3A_2741, %select_n3A_2745, %select_n3A_2750 : vector<20x128xi1>, vector<20x128xf32>
    %transpose3A_2752 = tpu.transpose %select_n3A_2751, [1, 0] : vector<20x128xf32> -> vector<128x20xf32>
    %swap3A_2753 = arith.constant 1152 : index
    %swap3A_2754 = arith.constant 0 : index
    %swap3A_2755 = vector.load %arg5[%swap3A_2753, %swap3A_2754] : memref<2048x20xf32, #tpu.memory_space<vmem>>, vector<128x20xf32>
    tpu.vector_store %arg5[%swap3A_2753, %swap3A_2754], %transpose3A_2752 {strides = array<i32>} : memref<2048x20xf32, #tpu.memory_space<vmem>>, vector<128x20xf32>,
    %add3A_2756 = arith.constant 9.99999993E-9 : f32
    %add3A_2757 = vector.broadcast %add3A_2756 : f32 to vector<20x128xf32>
    %add3A_2758 = arith.addf %select_n3A_2751, %add3A_2757 : vector<20x128xf32>
    %log3A_2759 = math.log %add3A_2758 : vector<20x128xf32>
    %add3A_2760 = arith.constant 23040 : i32
    %add3A_2761 = arith.addi %mul3A_28, %add3A_2760 : i32
    %add3A_2762 = vector.broadcast %add3A_2761 : i32 to vector<20x128xi32>
    %add3A_2763 = arith.addi %add3A_2762, %add3A_26 : vector<20x128xi32>
    %broadcast_in_dim3A_2764 = arith.constant 0 : i32
    %broadcast_in_dim3A_2765 = vector.broadcast %broadcast_in_dim3A_2764 : i32 to vector<20x128xi32>
    %add3A_2766 = arith.constant 1 : i32
    %add3A_2767 = vector.broadcast %add3A_2766 : i32 to vector<20x128xi32>
    %add3A_2768 = arith.addi %add3A_2763, %add3A_2767 : vector<20x128xi32>
    %add3A_2769 = arith.addi %broadcast_in_dim3A_2765, %add3A_2768 : vector<20x128xi32>
    %shift_left3A_2770 = arith.constant 13 : i32
    %shift_left3A_2771 = vector.broadcast %shift_left3A_2770 : i32 to vector<20x128xi32>
    %shift_left3A_2772 = arith.shli %add3A_2768, %shift_left3A_2771 : vector<20x128xi32>
    %shift_right_logical3A_2773 = arith.constant 19 : i32
    %shift_right_logical3A_2774 = vector.broadcast %shift_right_logical3A_2773 : i32 to vector<20x128xi32>
    %shift_right_logical3A_2775 = arith.shrui %add3A_2768, %shift_right_logical3A_2774 : vector<20x128xi32>
    %or3A_2776 = arith.ori %shift_left3A_2772, %shift_right_logical3A_2775 : vector<20x128xi32>
    %xor3A_2777 = arith.xori %add3A_2769, %or3A_2776 : vector<20x128xi32>
    %add3A_2778 = arith.addi %add3A_2769, %xor3A_2777 : vector<20x128xi32>
    %shift_left3A_2779 = arith.constant 15 : i32
    %shift_left3A_2780 = vector.broadcast %shift_left3A_2779 : i32 to vector<20x128xi32>
    %shift_left3A_2781 = arith.shli %xor3A_2777, %shift_left3A_2780 : vector<20x128xi32>
    %shift_right_logical3A_2782 = arith.constant 17 : i32
    %shift_right_logical3A_2783 = vector.broadcast %shift_right_logical3A_2782 : i32 to vector<20x128xi32>
    %shift_right_logical3A_2784 = arith.shrui %xor3A_2777, %shift_right_logical3A_2783 : vector<20x128xi32>
    %or3A_2785 = arith.ori %shift_left3A_2781, %shift_right_logical3A_2784 : vector<20x128xi32>
    %xor3A_2786 = arith.xori %add3A_2778, %or3A_2785 : vector<20x128xi32>
    %add3A_2787 = arith.addi %add3A_2778, %xor3A_2786 : vector<20x128xi32>
    %shift_left3A_2788 = arith.constant 26 : i32
    %shift_left3A_2789 = vector.broadcast %shift_left3A_2788 : i32 to vector<20x128xi32>
    %shift_left3A_2790 = arith.shli %xor3A_2786, %shift_left3A_2789 : vector<20x128xi32>
    %shift_right_logical3A_2791 = arith.constant 6 : i32
    %shift_right_logical3A_2792 = vector.broadcast %shift_right_logical3A_2791 : i32 to vector<20x128xi32>
    %shift_right_logical3A_2793 = arith.shrui %xor3A_2786, %shift_right_logical3A_2792 : vector<20x128xi32>
    %or3A_2794 = arith.ori %shift_left3A_2790, %shift_right_logical3A_2793 : vector<20x128xi32>
    %xor3A_2795 = arith.xori %add3A_2787, %or3A_2794 : vector<20x128xi32>
    %add3A_2796 = arith.addi %add3A_2787, %xor3A_2795 : vector<20x128xi32>
    %shift_left3A_2797 = arith.constant 6 : i32
    %shift_left3A_2798 = vector.broadcast %shift_left3A_2797 : i32 to vector<20x128xi32>
    %shift_left3A_2799 = arith.shli %xor3A_2795, %shift_left3A_2798 : vector<20x128xi32>
    %shift_right_logical3A_2800 = arith.constant 26 : i32
    %shift_right_logical3A_2801 = vector.broadcast %shift_right_logical3A_2800 : i32 to vector<20x128xi32>
    %shift_right_logical3A_2802 = arith.shrui %xor3A_2795, %shift_right_logical3A_2801 : vector<20x128xi32>
    %or3A_2803 = arith.ori %shift_left3A_2799, %shift_right_logical3A_2802 : vector<20x128xi32>
    %xor3A_2804 = arith.xori %add3A_2796, %or3A_2803 : vector<20x128xi32>
    %add3A_2805 = arith.constant 1 : i32
    %add3A_2806 = vector.broadcast %add3A_2805 : i32 to vector<20x128xi32>
    %add3A_2807 = arith.addi %add3A_2796, %add3A_2806 : vector<20x128xi32>
    %add3A_2808 = arith.constant 466688987 : i32
    %add3A_2809 = vector.broadcast %add3A_2808 : i32 to vector<20x128xi32>
    %add3A_2810 = arith.addi %xor3A_2804, %add3A_2809 : vector<20x128xi32>
    %add3A_2811 = arith.constant 1 : i32
    %add3A_2812 = vector.broadcast %add3A_2811 : i32 to vector<20x128xi32>
    %add3A_2813 = arith.addi %add3A_2810, %add3A_2812 : vector<20x128xi32>
    %add3A_2814 = arith.addi %add3A_2807, %add3A_2813 : vector<20x128xi32>
    %shift_left3A_2815 = arith.constant 17 : i32
    %shift_left3A_2816 = vector.broadcast %shift_left3A_2815 : i32 to vector<20x128xi32>
    %shift_left3A_2817 = arith.shli %add3A_2813, %shift_left3A_2816 : vector<20x128xi32>
    %shift_right_logical3A_2818 = arith.constant 15 : i32
    %shift_right_logical3A_2819 = vector.broadcast %shift_right_logical3A_2818 : i32 to vector<20x128xi32>
    %shift_right_logical3A_2820 = arith.shrui %add3A_2813, %shift_right_logical3A_2819 : vector<20x128xi32>
    %or3A_2821 = arith.ori %shift_left3A_2817, %shift_right_logical3A_2820 : vector<20x128xi32>
    %xor3A_2822 = arith.xori %add3A_2814, %or3A_2821 : vector<20x128xi32>
    %add3A_2823 = arith.addi %add3A_2814, %xor3A_2822 : vector<20x128xi32>
    %shift_left3A_2824 = arith.constant 29 : i32
    %shift_left3A_2825 = vector.broadcast %shift_left3A_2824 : i32 to vector<20x128xi32>
    %shift_left3A_2826 = arith.shli %xor3A_2822, %shift_left3A_2825 : vector<20x128xi32>
    %shift_right_logical3A_2827 = arith.constant 3 : i32
    %shift_right_logical3A_2828 = vector.broadcast %shift_right_logical3A_2827 : i32 to vector<20x128xi32>
    %shift_right_logical3A_2829 = arith.shrui %xor3A_2822, %shift_right_logical3A_2828 : vector<20x128xi32>
    %or3A_2830 = arith.ori %shift_left3A_2826, %shift_right_logical3A_2829 : vector<20x128xi32>
    %xor3A_2831 = arith.xori %add3A_2823, %or3A_2830 : vector<20x128xi32>
    %add3A_2832 = arith.addi %add3A_2823, %xor3A_2831 : vector<20x128xi32>
    %shift_left3A_2833 = arith.constant 16 : i32
    %shift_left3A_2834 = vector.broadcast %shift_left3A_2833 : i32 to vector<20x128xi32>
    %shift_left3A_2835 = arith.shli %xor3A_2831, %shift_left3A_2834 : vector<20x128xi32>
    %shift_right_logical3A_2836 = arith.constant 16 : i32
    %shift_right_logical3A_2837 = vector.broadcast %shift_right_logical3A_2836 : i32 to vector<20x128xi32>
    %shift_right_logical3A_2838 = arith.shrui %xor3A_2831, %shift_right_logical3A_2837 : vector<20x128xi32>
    %or3A_2839 = arith.ori %shift_left3A_2835, %shift_right_logical3A_2838 : vector<20x128xi32>
    %xor3A_2840 = arith.xori %add3A_2832, %or3A_2839 : vector<20x128xi32>
    %add3A_2841 = arith.addi %add3A_2832, %xor3A_2840 : vector<20x128xi32>
    %shift_left3A_2842 = arith.constant 24 : i32
    %shift_left3A_2843 = vector.broadcast %shift_left3A_2842 : i32 to vector<20x128xi32>
    %shift_left3A_2844 = arith.shli %xor3A_2840, %shift_left3A_2843 : vector<20x128xi32>
    %shift_right_logical3A_2845 = arith.constant 8 : i32
    %shift_right_logical3A_2846 = vector.broadcast %shift_right_logical3A_2845 : i32 to vector<20x128xi32>
    %shift_right_logical3A_2847 = arith.shrui %xor3A_2840, %shift_right_logical3A_2846 : vector<20x128xi32>
    %or3A_2848 = arith.ori %shift_left3A_2844, %shift_right_logical3A_2847 : vector<20x128xi32>
    %xor3A_2849 = arith.xori %add3A_2841, %or3A_2848 : vector<20x128xi32>
    %add3A_2850 = arith.constant 466688987 : i32
    %add3A_2851 = vector.broadcast %add3A_2850 : i32 to vector<20x128xi32>
    %add3A_2852 = arith.addi %add3A_2841, %add3A_2851 : vector<20x128xi32>
    %add3A_2853 = arith.constant 0 : i32
    %add3A_2854 = vector.broadcast %add3A_2853 : i32 to vector<20x128xi32>
    %add3A_2855 = arith.addi %xor3A_2849, %add3A_2854 : vector<20x128xi32>
    %add3A_2856 = arith.constant 2 : i32
    %add3A_2857 = vector.broadcast %add3A_2856 : i32 to vector<20x128xi32>
    %add3A_2858 = arith.addi %add3A_2855, %add3A_2857 : vector<20x128xi32>
    %add3A_2859 = arith.addi %add3A_2852, %add3A_2858 : vector<20x128xi32>
    %shift_left3A_2860 = arith.constant 13 : i32
    %shift_left3A_2861 = vector.broadcast %shift_left3A_2860 : i32 to vector<20x128xi32>
    %shift_left3A_2862 = arith.shli %add3A_2858, %shift_left3A_2861 : vector<20x128xi32>
    %shift_right_logical3A_2863 = arith.constant 19 : i32
    %shift_right_logical3A_2864 = vector.broadcast %shift_right_logical3A_2863 : i32 to vector<20x128xi32>
    %shift_right_logical3A_2865 = arith.shrui %add3A_2858, %shift_right_logical3A_2864 : vector<20x128xi32>
    %or3A_2866 = arith.ori %shift_left3A_2862, %shift_right_logical3A_2865 : vector<20x128xi32>
    %xor3A_2867 = arith.xori %add3A_2859, %or3A_2866 : vector<20x128xi32>
    %add3A_2868 = arith.addi %add3A_2859, %xor3A_2867 : vector<20x128xi32>
    %shift_left3A_2869 = arith.constant 15 : i32
    %shift_left3A_2870 = vector.broadcast %shift_left3A_2869 : i32 to vector<20x128xi32>
    %shift_left3A_2871 = arith.shli %xor3A_2867, %shift_left3A_2870 : vector<20x128xi32>
    %shift_right_logical3A_2872 = arith.constant 17 : i32
    %shift_right_logical3A_2873 = vector.broadcast %shift_right_logical3A_2872 : i32 to vector<20x128xi32>
    %shift_right_logical3A_2874 = arith.shrui %xor3A_2867, %shift_right_logical3A_2873 : vector<20x128xi32>
    %or3A_2875 = arith.ori %shift_left3A_2871, %shift_right_logical3A_2874 : vector<20x128xi32>
    %xor3A_2876 = arith.xori %add3A_2868, %or3A_2875 : vector<20x128xi32>
    %add3A_2877 = arith.addi %add3A_2868, %xor3A_2876 : vector<20x128xi32>
    %shift_left3A_2878 = arith.constant 26 : i32
    %shift_left3A_2879 = vector.broadcast %shift_left3A_2878 : i32 to vector<20x128xi32>
    %shift_left3A_2880 = arith.shli %xor3A_2876, %shift_left3A_2879 : vector<20x128xi32>
    %shift_right_logical3A_2881 = arith.constant 6 : i32
    %shift_right_logical3A_2882 = vector.broadcast %shift_right_logical3A_2881 : i32 to vector<20x128xi32>
    %shift_right_logical3A_2883 = arith.shrui %xor3A_2876, %shift_right_logical3A_2882 : vector<20x128xi32>
    %or3A_2884 = arith.ori %shift_left3A_2880, %shift_right_logical3A_2883 : vector<20x128xi32>
    %xor3A_2885 = arith.xori %add3A_2877, %or3A_2884 : vector<20x128xi32>
    %add3A_2886 = arith.addi %add3A_2877, %xor3A_2885 : vector<20x128xi32>
    %shift_left3A_2887 = arith.constant 6 : i32
    %shift_left3A_2888 = vector.broadcast %shift_left3A_2887 : i32 to vector<20x128xi32>
    %shift_left3A_2889 = arith.shli %xor3A_2885, %shift_left3A_2888 : vector<20x128xi32>
    %shift_right_logical3A_2890 = arith.constant 26 : i32
    %shift_right_logical3A_2891 = vector.broadcast %shift_right_logical3A_2890 : i32 to vector<20x128xi32>
    %shift_right_logical3A_2892 = arith.shrui %xor3A_2885, %shift_right_logical3A_2891 : vector<20x128xi32>
    %or3A_2893 = arith.ori %shift_left3A_2889, %shift_right_logical3A_2892 : vector<20x128xi32>
    %xor3A_2894 = arith.xori %add3A_2886, %or3A_2893 : vector<20x128xi32>
    %add3A_2895 = arith.constant 0 : i32
    %add3A_2896 = vector.broadcast %add3A_2895 : i32 to vector<20x128xi32>
    %add3A_2897 = arith.addi %add3A_2886, %add3A_2896 : vector<20x128xi32>
    %add3A_2898 = arith.constant 1 : i32
    %add3A_2899 = vector.broadcast %add3A_2898 : i32 to vector<20x128xi32>
    %add3A_2900 = arith.addi %xor3A_2894, %add3A_2899 : vector<20x128xi32>
    %add3A_2901 = arith.constant 3 : i32
    %add3A_2902 = vector.broadcast %add3A_2901 : i32 to vector<20x128xi32>
    %add3A_2903 = arith.addi %add3A_2900, %add3A_2902 : vector<20x128xi32>
    %add3A_2904 = arith.addi %add3A_2897, %add3A_2903 : vector<20x128xi32>
    %shift_left3A_2905 = arith.constant 17 : i32
    %shift_left3A_2906 = vector.broadcast %shift_left3A_2905 : i32 to vector<20x128xi32>
    %shift_left3A_2907 = arith.shli %add3A_2903, %shift_left3A_2906 : vector<20x128xi32>
    %shift_right_logical3A_2908 = arith.constant 15 : i32
    %shift_right_logical3A_2909 = vector.broadcast %shift_right_logical3A_2908 : i32 to vector<20x128xi32>
    %shift_right_logical3A_2910 = arith.shrui %add3A_2903, %shift_right_logical3A_2909 : vector<20x128xi32>
    %or3A_2911 = arith.ori %shift_left3A_2907, %shift_right_logical3A_2910 : vector<20x128xi32>
    %xor3A_2912 = arith.xori %add3A_2904, %or3A_2911 : vector<20x128xi32>
    %add3A_2913 = arith.addi %add3A_2904, %xor3A_2912 : vector<20x128xi32>
    %shift_left3A_2914 = arith.constant 29 : i32
    %shift_left3A_2915 = vector.broadcast %shift_left3A_2914 : i32 to vector<20x128xi32>
    %shift_left3A_2916 = arith.shli %xor3A_2912, %shift_left3A_2915 : vector<20x128xi32>
    %shift_right_logical3A_2917 = arith.constant 3 : i32
    %shift_right_logical3A_2918 = vector.broadcast %shift_right_logical3A_2917 : i32 to vector<20x128xi32>
    %shift_right_logical3A_2919 = arith.shrui %xor3A_2912, %shift_right_logical3A_2918 : vector<20x128xi32>
    %or3A_2920 = arith.ori %shift_left3A_2916, %shift_right_logical3A_2919 : vector<20x128xi32>
    %xor3A_2921 = arith.xori %add3A_2913, %or3A_2920 : vector<20x128xi32>
    %add3A_2922 = arith.addi %add3A_2913, %xor3A_2921 : vector<20x128xi32>
    %shift_left3A_2923 = arith.constant 16 : i32
    %shift_left3A_2924 = vector.broadcast %shift_left3A_2923 : i32 to vector<20x128xi32>
    %shift_left3A_2925 = arith.shli %xor3A_2921, %shift_left3A_2924 : vector<20x128xi32>
    %shift_right_logical3A_2926 = arith.constant 16 : i32
    %shift_right_logical3A_2927 = vector.broadcast %shift_right_logical3A_2926 : i32 to vector<20x128xi32>
    %shift_right_logical3A_2928 = arith.shrui %xor3A_2921, %shift_right_logical3A_2927 : vector<20x128xi32>
    %or3A_2929 = arith.ori %shift_left3A_2925, %shift_right_logical3A_2928 : vector<20x128xi32>
    %xor3A_2930 = arith.xori %add3A_2922, %or3A_2929 : vector<20x128xi32>
    %add3A_2931 = arith.addi %add3A_2922, %xor3A_2930 : vector<20x128xi32>
    %shift_left3A_2932 = arith.constant 24 : i32
    %shift_left3A_2933 = vector.broadcast %shift_left3A_2932 : i32 to vector<20x128xi32>
    %shift_left3A_2934 = arith.shli %xor3A_2930, %shift_left3A_2933 : vector<20x128xi32>
    %shift_right_logical3A_2935 = arith.constant 8 : i32
    %shift_right_logical3A_2936 = vector.broadcast %shift_right_logical3A_2935 : i32 to vector<20x128xi32>
    %shift_right_logical3A_2937 = arith.shrui %xor3A_2930, %shift_right_logical3A_2936 : vector<20x128xi32>
    %or3A_2938 = arith.ori %shift_left3A_2934, %shift_right_logical3A_2937 : vector<20x128xi32>
    %xor3A_2939 = arith.xori %add3A_2931, %or3A_2938 : vector<20x128xi32>
    %add3A_2940 = arith.constant 1 : i32
    %add3A_2941 = vector.broadcast %add3A_2940 : i32 to vector<20x128xi32>
    %add3A_2942 = arith.addi %add3A_2931, %add3A_2941 : vector<20x128xi32>
    %add3A_2943 = arith.constant 466688987 : i32
    %add3A_2944 = vector.broadcast %add3A_2943 : i32 to vector<20x128xi32>
    %add3A_2945 = arith.addi %xor3A_2939, %add3A_2944 : vector<20x128xi32>
    %add3A_2946 = arith.constant 4 : i32
    %add3A_2947 = vector.broadcast %add3A_2946 : i32 to vector<20x128xi32>
    %add3A_2948 = arith.addi %add3A_2945, %add3A_2947 : vector<20x128xi32>
    %add3A_2949 = arith.addi %add3A_2942, %add3A_2948 : vector<20x128xi32>
    %shift_left3A_2950 = arith.constant 13 : i32
    %shift_left3A_2951 = vector.broadcast %shift_left3A_2950 : i32 to vector<20x128xi32>
    %shift_left3A_2952 = arith.shli %add3A_2948, %shift_left3A_2951 : vector<20x128xi32>
    %shift_right_logical3A_2953 = arith.constant 19 : i32
    %shift_right_logical3A_2954 = vector.broadcast %shift_right_logical3A_2953 : i32 to vector<20x128xi32>
    %shift_right_logical3A_2955 = arith.shrui %add3A_2948, %shift_right_logical3A_2954 : vector<20x128xi32>
    %or3A_2956 = arith.ori %shift_left3A_2952, %shift_right_logical3A_2955 : vector<20x128xi32>
    %xor3A_2957 = arith.xori %add3A_2949, %or3A_2956 : vector<20x128xi32>
    %add3A_2958 = arith.addi %add3A_2949, %xor3A_2957 : vector<20x128xi32>
    %shift_left3A_2959 = arith.constant 15 : i32
    %shift_left3A_2960 = vector.broadcast %shift_left3A_2959 : i32 to vector<20x128xi32>
    %shift_left3A_2961 = arith.shli %xor3A_2957, %shift_left3A_2960 : vector<20x128xi32>
    %shift_right_logical3A_2962 = arith.constant 17 : i32
    %shift_right_logical3A_2963 = vector.broadcast %shift_right_logical3A_2962 : i32 to vector<20x128xi32>
    %shift_right_logical3A_2964 = arith.shrui %xor3A_2957, %shift_right_logical3A_2963 : vector<20x128xi32>
    %or3A_2965 = arith.ori %shift_left3A_2961, %shift_right_logical3A_2964 : vector<20x128xi32>
    %xor3A_2966 = arith.xori %add3A_2958, %or3A_2965 : vector<20x128xi32>
    %add3A_2967 = arith.addi %add3A_2958, %xor3A_2966 : vector<20x128xi32>
    %shift_left3A_2968 = arith.constant 26 : i32
    %shift_left3A_2969 = vector.broadcast %shift_left3A_2968 : i32 to vector<20x128xi32>
    %shift_left3A_2970 = arith.shli %xor3A_2966, %shift_left3A_2969 : vector<20x128xi32>
    %shift_right_logical3A_2971 = arith.constant 6 : i32
    %shift_right_logical3A_2972 = vector.broadcast %shift_right_logical3A_2971 : i32 to vector<20x128xi32>
    %shift_right_logical3A_2973 = arith.shrui %xor3A_2966, %shift_right_logical3A_2972 : vector<20x128xi32>
    %or3A_2974 = arith.ori %shift_left3A_2970, %shift_right_logical3A_2973 : vector<20x128xi32>
    %xor3A_2975 = arith.xori %add3A_2967, %or3A_2974 : vector<20x128xi32>
    %add3A_2976 = arith.addi %add3A_2967, %xor3A_2975 : vector<20x128xi32>
    %shift_left3A_2977 = arith.constant 6 : i32
    %shift_left3A_2978 = vector.broadcast %shift_left3A_2977 : i32 to vector<20x128xi32>
    %shift_left3A_2979 = arith.shli %xor3A_2975, %shift_left3A_2978 : vector<20x128xi32>
    %shift_right_logical3A_2980 = arith.constant 26 : i32
    %shift_right_logical3A_2981 = vector.broadcast %shift_right_logical3A_2980 : i32 to vector<20x128xi32>
    %shift_right_logical3A_2982 = arith.shrui %xor3A_2975, %shift_right_logical3A_2981 : vector<20x128xi32>
    %or3A_2983 = arith.ori %shift_left3A_2979, %shift_right_logical3A_2982 : vector<20x128xi32>
    %xor3A_2984 = arith.xori %add3A_2976, %or3A_2983 : vector<20x128xi32>
    %add3A_2985 = arith.constant 466688987 : i32
    %add3A_2986 = vector.broadcast %add3A_2985 : i32 to vector<20x128xi32>
    %add3A_2987 = arith.addi %add3A_2976, %add3A_2986 : vector<20x128xi32>
    %add3A_2988 = arith.constant 0 : i32
    %add3A_2989 = vector.broadcast %add3A_2988 : i32 to vector<20x128xi32>
    %add3A_2990 = arith.addi %xor3A_2984, %add3A_2989 : vector<20x128xi32>
    %add3A_2991 = arith.constant 5 : i32
    %add3A_2992 = vector.broadcast %add3A_2991 : i32 to vector<20x128xi32>
    %add3A_2993 = arith.addi %add3A_2990, %add3A_2992 : vector<20x128xi32>
    %xor3A_2994 = arith.xori %add3A_2987, %add3A_2993 : vector<20x128xi32>
    %shift_right_logical3A_2995 = arith.constant 9 : i32
    %shift_right_logical3A_2996 = vector.broadcast %shift_right_logical3A_2995 : i32 to vector<20x128xi32>
    %shift_right_logical3A_2997 = arith.shrui %xor3A_2994, %shift_right_logical3A_2996 : vector<20x128xi32>
    %or3A_2998 = arith.constant 1065353216 : i32
    %or3A_2999 = vector.broadcast %or3A_2998 : i32 to vector<20x128xi32>
    %or3A_3000 = arith.ori %shift_right_logical3A_2997, %or3A_2999 : vector<20x128xi32>
    %bitcast_convert_type3A_3001 = tpu.bitcast %or3A_3000 : vector<20x128xi32> -> vector<20x128xf32>
    %sub3A_3002 = arith.constant 1.000000e+00 : f32
    %sub3A_3003 = vector.broadcast %sub3A_3002 : f32 to vector<20x128xf32>
    %sub3A_3004 = arith.subf %bitcast_convert_type3A_3001, %sub3A_3003 : vector<20x128xf32>
    %add3A_3005 = arith.constant 1.17549435E-38 : f32
    %add3A_3006 = vector.broadcast %add3A_3005 : f32 to vector<20x128xf32>
    %add3A_3007 = arith.addf %sub3A_3004, %add3A_3006 : vector<20x128xf32>
    %max3A_3008 = arith.constant 1.17549435E-38 : f32
    %max3A_3009 = vector.broadcast %max3A_3008 : f32 to vector<20x128xf32>
    %max3A_3010 = arith.maximumf %max3A_3009, %add3A_3007 : vector<20x128xf32>
    %log3A_3011 = math.log %max3A_3010 : vector<20x128xf32>
    %neg3A_3012 = arith.constant 0.000000e+00 : f32
    %neg3A_3013 = vector.broadcast %neg3A_3012 : f32 to vector<20x128xf32>
    %neg3A_3014 = arith.subf %neg3A_3013, %log3A_3011 : vector<20x128xf32>
    %log3A_3015 = math.log %neg3A_3014 : vector<20x128xf32>
    %neg3A_3016 = arith.constant 0.000000e+00 : f32
    %neg3A_3017 = vector.broadcast %neg3A_3016 : f32 to vector<20x128xf32>
    %neg3A_3018 = arith.subf %neg3A_3017, %log3A_3015 : vector<20x128xf32>
    %add3A_3019 = arith.addf %log3A_2759, %neg3A_3018 : vector<20x128xf32>
    %argmax3A_3020 = tpu.reduce_index %add3A_3019 {axis = 0 : i32, kind = #tpu.reduction_kind<arg_max>} : vector<20x128xf32> -> vector<128xi32>
    %swap3A_3021 = arith.constant 9 : index
    %swap3A_3022 = arith.constant 0 : index
    %swap3A_3023 = vector.load %arg6[%swap3A_3021, %swap3A_3022] : memref<16x128xi32, #tpu.memory_space<vmem>>, vector<1x128xi32>
    %swap3A_3024 = vector.shape_cast %swap3A_3023 : vector<1x128xi32> to vector<128xi32>
    %swap3A_3025 = vector.shape_cast %argmax3A_3020 : vector<128xi32> to vector<1x128xi32>
    tpu.vector_store %arg6[%swap3A_3021, %swap3A_3022], %swap3A_3025 {strides = array<i32>} : memref<16x128xi32, #tpu.memory_space<vmem>>, vector<1x128xi32>,
    %get3A_3026 = arith.constant 10 : index
    %get3A_3027 = arith.constant 0 : index
    %get3A_3028 = vector.load %arg3[%get3A_3026, %get3A_3027] : memref<16x128xi32, #tpu.memory_space<vmem>>, vector<1x128xi32>
    %get3A_3029 = vector.shape_cast %get3A_3028 : vector<1x128xi32> to vector<128xi32>
    %broadcast_in_dim3A_3030 = vector.shape_cast %get3A_3029 : vector<128xi32> to vector<1x128xi32>
    %broadcast_in_dim3A_3031 = vector.shape_cast %broadcast_in_dim3A_3030 : vector<1x128xi32> to vector<1x128xi32>
    %broadcast_in_dim3A_3032 = vector.broadcast %broadcast_in_dim3A_3031 : vector<1x128xi32> to vector<20x128xi32>
    %get3A_3033 = arith.constant 10 : index
    %get3A_3034 = arith.constant 0 : index
    %get3A_3035 = vector.load %arg4[%get3A_3033, %get3A_3034] : memref<16x128xi32, #tpu.memory_space<vmem>>, vector<1x128xi32>
    %get3A_3036 = vector.shape_cast %get3A_3035 : vector<1x128xi32> to vector<128xi32>
    %broadcast_in_dim3A_3037 = vector.shape_cast %get3A_3036 : vector<128xi32> to vector<1x128xi32>
    %broadcast_in_dim3A_3038 = vector.shape_cast %broadcast_in_dim3A_3037 : vector<1x128xi32> to vector<1x128xi32>
    %broadcast_in_dim3A_3039 = vector.broadcast %broadcast_in_dim3A_3038 : vector<1x128xi32> to vector<20x128xi32>
    %ne3A_3040 = arith.constant 0 : i32
    %ne3A_3041 = vector.broadcast %ne3A_3040 : i32 to vector<20x128xi32>
    %ne3A_3042 = arith.cmpi ne, %broadcast_in_dim3A_3039, %ne3A_3041 : vector<20x128xi32>
    %eq3A_3043 = arith.cmpi eq, %broadcast_in_dim3A_3032, %iota3A : vector<20x128xi32>
    %broadcast_in_dim3A_3044 = vector.broadcast %add3A : f32 to vector<20x128xf32>
    %broadcast_in_dim3A_3045 = vector.broadcast %div3A_22 : f32 to vector<20x128xf32>
    %select_n3A_3046 = arith.select %eq3A_3043, %broadcast_in_dim3A_3044, %broadcast_in_dim3A_3045 : vector<20x128xi1>, vector<20x128xf32>
    %jit3A_3047 = arith.constant 1.000000e+00 : f32
    %jit3A_3048 = arith.constant 0.000000e+00 : f32
    %broadcast_in_dim3A_3049 = vector.broadcast %jit3A_3047 : f32 to vector<20x128xf32>
    %broadcast_in_dim3A_3050 = vector.broadcast %jit3A_3048 : f32 to vector<20x128xf32>
    %select_n3A_3051 = arith.select %eq3A_3043, %broadcast_in_dim3A_3049, %broadcast_in_dim3A_3050 : vector<20x128xi1>, vector<20x128xf32>
    %select_n3A_3052 = arith.select %ne3A_3042, %select_n3A_3046, %select_n3A_3051 : vector<20x128xi1>, vector<20x128xf32>
    %transpose3A_3053 = tpu.transpose %select_n3A_3052, [1, 0] : vector<20x128xf32> -> vector<128x20xf32>
    %swap3A_3054 = arith.constant 1280 : index
    %swap3A_3055 = arith.constant 0 : index
    %swap3A_3056 = vector.load %arg5[%swap3A_3054, %swap3A_3055] : memref<2048x20xf32, #tpu.memory_space<vmem>>, vector<128x20xf32>
    tpu.vector_store %arg5[%swap3A_3054, %swap3A_3055], %transpose3A_3053 {strides = array<i32>} : memref<2048x20xf32, #tpu.memory_space<vmem>>, vector<128x20xf32>,
    %add3A_3057 = arith.constant 9.99999993E-9 : f32
    %add3A_3058 = vector.broadcast %add3A_3057 : f32 to vector<20x128xf32>
    %add3A_3059 = arith.addf %select_n3A_3052, %add3A_3058 : vector<20x128xf32>
    %log3A_3060 = math.log %add3A_3059 : vector<20x128xf32>
    %add3A_3061 = arith.constant 25600 : i32
    %add3A_3062 = arith.addi %mul3A_28, %add3A_3061 : i32
    %add3A_3063 = vector.broadcast %add3A_3062 : i32 to vector<20x128xi32>
    %add3A_3064 = arith.addi %add3A_3063, %add3A_26 : vector<20x128xi32>
    %broadcast_in_dim3A_3065 = arith.constant 0 : i32
    %broadcast_in_dim3A_3066 = vector.broadcast %broadcast_in_dim3A_3065 : i32 to vector<20x128xi32>
    %add3A_3067 = arith.constant 1 : i32
    %add3A_3068 = vector.broadcast %add3A_3067 : i32 to vector<20x128xi32>
    %add3A_3069 = arith.addi %add3A_3064, %add3A_3068 : vector<20x128xi32>
    %add3A_3070 = arith.addi %broadcast_in_dim3A_3066, %add3A_3069 : vector<20x128xi32>
    %shift_left3A_3071 = arith.constant 13 : i32
    %shift_left3A_3072 = vector.broadcast %shift_left3A_3071 : i32 to vector<20x128xi32>
    %shift_left3A_3073 = arith.shli %add3A_3069, %shift_left3A_3072 : vector<20x128xi32>
    %shift_right_logical3A_3074 = arith.constant 19 : i32
    %shift_right_logical3A_3075 = vector.broadcast %shift_right_logical3A_3074 : i32 to vector<20x128xi32>
    %shift_right_logical3A_3076 = arith.shrui %add3A_3069, %shift_right_logical3A_3075 : vector<20x128xi32>
    %or3A_3077 = arith.ori %shift_left3A_3073, %shift_right_logical3A_3076 : vector<20x128xi32>
    %xor3A_3078 = arith.xori %add3A_3070, %or3A_3077 : vector<20x128xi32>
    %add3A_3079 = arith.addi %add3A_3070, %xor3A_3078 : vector<20x128xi32>
    %shift_left3A_3080 = arith.constant 15 : i32
    %shift_left3A_3081 = vector.broadcast %shift_left3A_3080 : i32 to vector<20x128xi32>
    %shift_left3A_3082 = arith.shli %xor3A_3078, %shift_left3A_3081 : vector<20x128xi32>
    %shift_right_logical3A_3083 = arith.constant 17 : i32
    %shift_right_logical3A_3084 = vector.broadcast %shift_right_logical3A_3083 : i32 to vector<20x128xi32>
    %shift_right_logical3A_3085 = arith.shrui %xor3A_3078, %shift_right_logical3A_3084 : vector<20x128xi32>
    %or3A_3086 = arith.ori %shift_left3A_3082, %shift_right_logical3A_3085 : vector<20x128xi32>
    %xor3A_3087 = arith.xori %add3A_3079, %or3A_3086 : vector<20x128xi32>
    %add3A_3088 = arith.addi %add3A_3079, %xor3A_3087 : vector<20x128xi32>
    %shift_left3A_3089 = arith.constant 26 : i32
    %shift_left3A_3090 = vector.broadcast %shift_left3A_3089 : i32 to vector<20x128xi32>
    %shift_left3A_3091 = arith.shli %xor3A_3087, %shift_left3A_3090 : vector<20x128xi32>
    %shift_right_logical3A_3092 = arith.constant 6 : i32
    %shift_right_logical3A_3093 = vector.broadcast %shift_right_logical3A_3092 : i32 to vector<20x128xi32>
    %shift_right_logical3A_3094 = arith.shrui %xor3A_3087, %shift_right_logical3A_3093 : vector<20x128xi32>
    %or3A_3095 = arith.ori %shift_left3A_3091, %shift_right_logical3A_3094 : vector<20x128xi32>
    %xor3A_3096 = arith.xori %add3A_3088, %or3A_3095 : vector<20x128xi32>
    %add3A_3097 = arith.addi %add3A_3088, %xor3A_3096 : vector<20x128xi32>
    %shift_left3A_3098 = arith.constant 6 : i32
    %shift_left3A_3099 = vector.broadcast %shift_left3A_3098 : i32 to vector<20x128xi32>
    %shift_left3A_3100 = arith.shli %xor3A_3096, %shift_left3A_3099 : vector<20x128xi32>
    %shift_right_logical3A_3101 = arith.constant 26 : i32
    %shift_right_logical3A_3102 = vector.broadcast %shift_right_logical3A_3101 : i32 to vector<20x128xi32>
    %shift_right_logical3A_3103 = arith.shrui %xor3A_3096, %shift_right_logical3A_3102 : vector<20x128xi32>
    %or3A_3104 = arith.ori %shift_left3A_3100, %shift_right_logical3A_3103 : vector<20x128xi32>
    %xor3A_3105 = arith.xori %add3A_3097, %or3A_3104 : vector<20x128xi32>
    %add3A_3106 = arith.constant 1 : i32
    %add3A_3107 = vector.broadcast %add3A_3106 : i32 to vector<20x128xi32>
    %add3A_3108 = arith.addi %add3A_3097, %add3A_3107 : vector<20x128xi32>
    %add3A_3109 = arith.constant 466688987 : i32
    %add3A_3110 = vector.broadcast %add3A_3109 : i32 to vector<20x128xi32>
    %add3A_3111 = arith.addi %xor3A_3105, %add3A_3110 : vector<20x128xi32>
    %add3A_3112 = arith.constant 1 : i32
    %add3A_3113 = vector.broadcast %add3A_3112 : i32 to vector<20x128xi32>
    %add3A_3114 = arith.addi %add3A_3111, %add3A_3113 : vector<20x128xi32>
    %add3A_3115 = arith.addi %add3A_3108, %add3A_3114 : vector<20x128xi32>
    %shift_left3A_3116 = arith.constant 17 : i32
    %shift_left3A_3117 = vector.broadcast %shift_left3A_3116 : i32 to vector<20x128xi32>
    %shift_left3A_3118 = arith.shli %add3A_3114, %shift_left3A_3117 : vector<20x128xi32>
    %shift_right_logical3A_3119 = arith.constant 15 : i32
    %shift_right_logical3A_3120 = vector.broadcast %shift_right_logical3A_3119 : i32 to vector<20x128xi32>
    %shift_right_logical3A_3121 = arith.shrui %add3A_3114, %shift_right_logical3A_3120 : vector<20x128xi32>
    %or3A_3122 = arith.ori %shift_left3A_3118, %shift_right_logical3A_3121 : vector<20x128xi32>
    %xor3A_3123 = arith.xori %add3A_3115, %or3A_3122 : vector<20x128xi32>
    %add3A_3124 = arith.addi %add3A_3115, %xor3A_3123 : vector<20x128xi32>
    %shift_left3A_3125 = arith.constant 29 : i32
    %shift_left3A_3126 = vector.broadcast %shift_left3A_3125 : i32 to vector<20x128xi32>
    %shift_left3A_3127 = arith.shli %xor3A_3123, %shift_left3A_3126 : vector<20x128xi32>
    %shift_right_logical3A_3128 = arith.constant 3 : i32
    %shift_right_logical3A_3129 = vector.broadcast %shift_right_logical3A_3128 : i32 to vector<20x128xi32>
    %shift_right_logical3A_3130 = arith.shrui %xor3A_3123, %shift_right_logical3A_3129 : vector<20x128xi32>
    %or3A_3131 = arith.ori %shift_left3A_3127, %shift_right_logical3A_3130 : vector<20x128xi32>
    %xor3A_3132 = arith.xori %add3A_3124, %or3A_3131 : vector<20x128xi32>
    %add3A_3133 = arith.addi %add3A_3124, %xor3A_3132 : vector<20x128xi32>
    %shift_left3A_3134 = arith.constant 16 : i32
    %shift_left3A_3135 = vector.broadcast %shift_left3A_3134 : i32 to vector<20x128xi32>
    %shift_left3A_3136 = arith.shli %xor3A_3132, %shift_left3A_3135 : vector<20x128xi32>
    %shift_right_logical3A_3137 = arith.constant 16 : i32
    %shift_right_logical3A_3138 = vector.broadcast %shift_right_logical3A_3137 : i32 to vector<20x128xi32>
    %shift_right_logical3A_3139 = arith.shrui %xor3A_3132, %shift_right_logical3A_3138 : vector<20x128xi32>
    %or3A_3140 = arith.ori %shift_left3A_3136, %shift_right_logical3A_3139 : vector<20x128xi32>
    %xor3A_3141 = arith.xori %add3A_3133, %or3A_3140 : vector<20x128xi32>
    %add3A_3142 = arith.addi %add3A_3133, %xor3A_3141 : vector<20x128xi32>
    %shift_left3A_3143 = arith.constant 24 : i32
    %shift_left3A_3144 = vector.broadcast %shift_left3A_3143 : i32 to vector<20x128xi32>
    %shift_left3A_3145 = arith.shli %xor3A_3141, %shift_left3A_3144 : vector<20x128xi32>
    %shift_right_logical3A_3146 = arith.constant 8 : i32
    %shift_right_logical3A_3147 = vector.broadcast %shift_right_logical3A_3146 : i32 to vector<20x128xi32>
    %shift_right_logical3A_3148 = arith.shrui %xor3A_3141, %shift_right_logical3A_3147 : vector<20x128xi32>
    %or3A_3149 = arith.ori %shift_left3A_3145, %shift_right_logical3A_3148 : vector<20x128xi32>
    %xor3A_3150 = arith.xori %add3A_3142, %or3A_3149 : vector<20x128xi32>
    %add3A_3151 = arith.constant 466688987 : i32
    %add3A_3152 = vector.broadcast %add3A_3151 : i32 to vector<20x128xi32>
    %add3A_3153 = arith.addi %add3A_3142, %add3A_3152 : vector<20x128xi32>
    %add3A_3154 = arith.constant 0 : i32
    %add3A_3155 = vector.broadcast %add3A_3154 : i32 to vector<20x128xi32>
    %add3A_3156 = arith.addi %xor3A_3150, %add3A_3155 : vector<20x128xi32>
    %add3A_3157 = arith.constant 2 : i32
    %add3A_3158 = vector.broadcast %add3A_3157 : i32 to vector<20x128xi32>
    %add3A_3159 = arith.addi %add3A_3156, %add3A_3158 : vector<20x128xi32>
    %add3A_3160 = arith.addi %add3A_3153, %add3A_3159 : vector<20x128xi32>
    %shift_left3A_3161 = arith.constant 13 : i32
    %shift_left3A_3162 = vector.broadcast %shift_left3A_3161 : i32 to vector<20x128xi32>
    %shift_left3A_3163 = arith.shli %add3A_3159, %shift_left3A_3162 : vector<20x128xi32>
    %shift_right_logical3A_3164 = arith.constant 19 : i32
    %shift_right_logical3A_3165 = vector.broadcast %shift_right_logical3A_3164 : i32 to vector<20x128xi32>
    %shift_right_logical3A_3166 = arith.shrui %add3A_3159, %shift_right_logical3A_3165 : vector<20x128xi32>
    %or3A_3167 = arith.ori %shift_left3A_3163, %shift_right_logical3A_3166 : vector<20x128xi32>
    %xor3A_3168 = arith.xori %add3A_3160, %or3A_3167 : vector<20x128xi32>
    %add3A_3169 = arith.addi %add3A_3160, %xor3A_3168 : vector<20x128xi32>
    %shift_left3A_3170 = arith.constant 15 : i32
    %shift_left3A_3171 = vector.broadcast %shift_left3A_3170 : i32 to vector<20x128xi32>
    %shift_left3A_3172 = arith.shli %xor3A_3168, %shift_left3A_3171 : vector<20x128xi32>
    %shift_right_logical3A_3173 = arith.constant 17 : i32
    %shift_right_logical3A_3174 = vector.broadcast %shift_right_logical3A_3173 : i32 to vector<20x128xi32>
    %shift_right_logical3A_3175 = arith.shrui %xor3A_3168, %shift_right_logical3A_3174 : vector<20x128xi32>
    %or3A_3176 = arith.ori %shift_left3A_3172, %shift_right_logical3A_3175 : vector<20x128xi32>
    %xor3A_3177 = arith.xori %add3A_3169, %or3A_3176 : vector<20x128xi32>
    %add3A_3178 = arith.addi %add3A_3169, %xor3A_3177 : vector<20x128xi32>
    %shift_left3A_3179 = arith.constant 26 : i32
    %shift_left3A_3180 = vector.broadcast %shift_left3A_3179 : i32 to vector<20x128xi32>
    %shift_left3A_3181 = arith.shli %xor3A_3177, %shift_left3A_3180 : vector<20x128xi32>
    %shift_right_logical3A_3182 = arith.constant 6 : i32
    %shift_right_logical3A_3183 = vector.broadcast %shift_right_logical3A_3182 : i32 to vector<20x128xi32>
    %shift_right_logical3A_3184 = arith.shrui %xor3A_3177, %shift_right_logical3A_3183 : vector<20x128xi32>
    %or3A_3185 = arith.ori %shift_left3A_3181, %shift_right_logical3A_3184 : vector<20x128xi32>
    %xor3A_3186 = arith.xori %add3A_3178, %or3A_3185 : vector<20x128xi32>
    %add3A_3187 = arith.addi %add3A_3178, %xor3A_3186 : vector<20x128xi32>
    %shift_left3A_3188 = arith.constant 6 : i32
    %shift_left3A_3189 = vector.broadcast %shift_left3A_3188 : i32 to vector<20x128xi32>
    %shift_left3A_3190 = arith.shli %xor3A_3186, %shift_left3A_3189 : vector<20x128xi32>
    %shift_right_logical3A_3191 = arith.constant 26 : i32
    %shift_right_logical3A_3192 = vector.broadcast %shift_right_logical3A_3191 : i32 to vector<20x128xi32>
    %shift_right_logical3A_3193 = arith.shrui %xor3A_3186, %shift_right_logical3A_3192 : vector<20x128xi32>
    %or3A_3194 = arith.ori %shift_left3A_3190, %shift_right_logical3A_3193 : vector<20x128xi32>
    %xor3A_3195 = arith.xori %add3A_3187, %or3A_3194 : vector<20x128xi32>
    %add3A_3196 = arith.constant 0 : i32
    %add3A_3197 = vector.broadcast %add3A_3196 : i32 to vector<20x128xi32>
    %add3A_3198 = arith.addi %add3A_3187, %add3A_3197 : vector<20x128xi32>
    %add3A_3199 = arith.constant 1 : i32
    %add3A_3200 = vector.broadcast %add3A_3199 : i32 to vector<20x128xi32>
    %add3A_3201 = arith.addi %xor3A_3195, %add3A_3200 : vector<20x128xi32>
    %add3A_3202 = arith.constant 3 : i32
    %add3A_3203 = vector.broadcast %add3A_3202 : i32 to vector<20x128xi32>
    %add3A_3204 = arith.addi %add3A_3201, %add3A_3203 : vector<20x128xi32>
    %add3A_3205 = arith.addi %add3A_3198, %add3A_3204 : vector<20x128xi32>
    %shift_left3A_3206 = arith.constant 17 : i32
    %shift_left3A_3207 = vector.broadcast %shift_left3A_3206 : i32 to vector<20x128xi32>
    %shift_left3A_3208 = arith.shli %add3A_3204, %shift_left3A_3207 : vector<20x128xi32>
    %shift_right_logical3A_3209 = arith.constant 15 : i32
    %shift_right_logical3A_3210 = vector.broadcast %shift_right_logical3A_3209 : i32 to vector<20x128xi32>
    %shift_right_logical3A_3211 = arith.shrui %add3A_3204, %shift_right_logical3A_3210 : vector<20x128xi32>
    %or3A_3212 = arith.ori %shift_left3A_3208, %shift_right_logical3A_3211 : vector<20x128xi32>
    %xor3A_3213 = arith.xori %add3A_3205, %or3A_3212 : vector<20x128xi32>
    %add3A_3214 = arith.addi %add3A_3205, %xor3A_3213 : vector<20x128xi32>
    %shift_left3A_3215 = arith.constant 29 : i32
    %shift_left3A_3216 = vector.broadcast %shift_left3A_3215 : i32 to vector<20x128xi32>
    %shift_left3A_3217 = arith.shli %xor3A_3213, %shift_left3A_3216 : vector<20x128xi32>
    %shift_right_logical3A_3218 = arith.constant 3 : i32
    %shift_right_logical3A_3219 = vector.broadcast %shift_right_logical3A_3218 : i32 to vector<20x128xi32>
    %shift_right_logical3A_3220 = arith.shrui %xor3A_3213, %shift_right_logical3A_3219 : vector<20x128xi32>
    %or3A_3221 = arith.ori %shift_left3A_3217, %shift_right_logical3A_3220 : vector<20x128xi32>
    %xor3A_3222 = arith.xori %add3A_3214, %or3A_3221 : vector<20x128xi32>
    %add3A_3223 = arith.addi %add3A_3214, %xor3A_3222 : vector<20x128xi32>
    %shift_left3A_3224 = arith.constant 16 : i32
    %shift_left3A_3225 = vector.broadcast %shift_left3A_3224 : i32 to vector<20x128xi32>
    %shift_left3A_3226 = arith.shli %xor3A_3222, %shift_left3A_3225 : vector<20x128xi32>
    %shift_right_logical3A_3227 = arith.constant 16 : i32
    %shift_right_logical3A_3228 = vector.broadcast %shift_right_logical3A_3227 : i32 to vector<20x128xi32>
    %shift_right_logical3A_3229 = arith.shrui %xor3A_3222, %shift_right_logical3A_3228 : vector<20x128xi32>
    %or3A_3230 = arith.ori %shift_left3A_3226, %shift_right_logical3A_3229 : vector<20x128xi32>
    %xor3A_3231 = arith.xori %add3A_3223, %or3A_3230 : vector<20x128xi32>
    %add3A_3232 = arith.addi %add3A_3223, %xor3A_3231 : vector<20x128xi32>
    %shift_left3A_3233 = arith.constant 24 : i32
    %shift_left3A_3234 = vector.broadcast %shift_left3A_3233 : i32 to vector<20x128xi32>
    %shift_left3A_3235 = arith.shli %xor3A_3231, %shift_left3A_3234 : vector<20x128xi32>
    %shift_right_logical3A_3236 = arith.constant 8 : i32
    %shift_right_logical3A_3237 = vector.broadcast %shift_right_logical3A_3236 : i32 to vector<20x128xi32>
    %shift_right_logical3A_3238 = arith.shrui %xor3A_3231, %shift_right_logical3A_3237 : vector<20x128xi32>
    %or3A_3239 = arith.ori %shift_left3A_3235, %shift_right_logical3A_3238 : vector<20x128xi32>
    %xor3A_3240 = arith.xori %add3A_3232, %or3A_3239 : vector<20x128xi32>
    %add3A_3241 = arith.constant 1 : i32
    %add3A_3242 = vector.broadcast %add3A_3241 : i32 to vector<20x128xi32>
    %add3A_3243 = arith.addi %add3A_3232, %add3A_3242 : vector<20x128xi32>
    %add3A_3244 = arith.constant 466688987 : i32
    %add3A_3245 = vector.broadcast %add3A_3244 : i32 to vector<20x128xi32>
    %add3A_3246 = arith.addi %xor3A_3240, %add3A_3245 : vector<20x128xi32>
    %add3A_3247 = arith.constant 4 : i32
    %add3A_3248 = vector.broadcast %add3A_3247 : i32 to vector<20x128xi32>
    %add3A_3249 = arith.addi %add3A_3246, %add3A_3248 : vector<20x128xi32>
    %add3A_3250 = arith.addi %add3A_3243, %add3A_3249 : vector<20x128xi32>
    %shift_left3A_3251 = arith.constant 13 : i32
    %shift_left3A_3252 = vector.broadcast %shift_left3A_3251 : i32 to vector<20x128xi32>
    %shift_left3A_3253 = arith.shli %add3A_3249, %shift_left3A_3252 : vector<20x128xi32>
    %shift_right_logical3A_3254 = arith.constant 19 : i32
    %shift_right_logical3A_3255 = vector.broadcast %shift_right_logical3A_3254 : i32 to vector<20x128xi32>
    %shift_right_logical3A_3256 = arith.shrui %add3A_3249, %shift_right_logical3A_3255 : vector<20x128xi32>
    %or3A_3257 = arith.ori %shift_left3A_3253, %shift_right_logical3A_3256 : vector<20x128xi32>
    %xor3A_3258 = arith.xori %add3A_3250, %or3A_3257 : vector<20x128xi32>
    %add3A_3259 = arith.addi %add3A_3250, %xor3A_3258 : vector<20x128xi32>
    %shift_left3A_3260 = arith.constant 15 : i32
    %shift_left3A_3261 = vector.broadcast %shift_left3A_3260 : i32 to vector<20x128xi32>
    %shift_left3A_3262 = arith.shli %xor3A_3258, %shift_left3A_3261 : vector<20x128xi32>
    %shift_right_logical3A_3263 = arith.constant 17 : i32
    %shift_right_logical3A_3264 = vector.broadcast %shift_right_logical3A_3263 : i32 to vector<20x128xi32>
    %shift_right_logical3A_3265 = arith.shrui %xor3A_3258, %shift_right_logical3A_3264 : vector<20x128xi32>
    %or3A_3266 = arith.ori %shift_left3A_3262, %shift_right_logical3A_3265 : vector<20x128xi32>
    %xor3A_3267 = arith.xori %add3A_3259, %or3A_3266 : vector<20x128xi32>
    %add3A_3268 = arith.addi %add3A_3259, %xor3A_3267 : vector<20x128xi32>
    %shift_left3A_3269 = arith.constant 26 : i32
    %shift_left3A_3270 = vector.broadcast %shift_left3A_3269 : i32 to vector<20x128xi32>
    %shift_left3A_3271 = arith.shli %xor3A_3267, %shift_left3A_3270 : vector<20x128xi32>
    %shift_right_logical3A_3272 = arith.constant 6 : i32
    %shift_right_logical3A_3273 = vector.broadcast %shift_right_logical3A_3272 : i32 to vector<20x128xi32>
    %shift_right_logical3A_3274 = arith.shrui %xor3A_3267, %shift_right_logical3A_3273 : vector<20x128xi32>
    %or3A_3275 = arith.ori %shift_left3A_3271, %shift_right_logical3A_3274 : vector<20x128xi32>
    %xor3A_3276 = arith.xori %add3A_3268, %or3A_3275 : vector<20x128xi32>
    %add3A_3277 = arith.addi %add3A_3268, %xor3A_3276 : vector<20x128xi32>
    %shift_left3A_3278 = arith.constant 6 : i32
    %shift_left3A_3279 = vector.broadcast %shift_left3A_3278 : i32 to vector<20x128xi32>
    %shift_left3A_3280 = arith.shli %xor3A_3276, %shift_left3A_3279 : vector<20x128xi32>
    %shift_right_logical3A_3281 = arith.constant 26 : i32
    %shift_right_logical3A_3282 = vector.broadcast %shift_right_logical3A_3281 : i32 to vector<20x128xi32>
    %shift_right_logical3A_3283 = arith.shrui %xor3A_3276, %shift_right_logical3A_3282 : vector<20x128xi32>
    %or3A_3284 = arith.ori %shift_left3A_3280, %shift_right_logical3A_3283 : vector<20x128xi32>
    %xor3A_3285 = arith.xori %add3A_3277, %or3A_3284 : vector<20x128xi32>
    %add3A_3286 = arith.constant 466688987 : i32
    %add3A_3287 = vector.broadcast %add3A_3286 : i32 to vector<20x128xi32>
    %add3A_3288 = arith.addi %add3A_3277, %add3A_3287 : vector<20x128xi32>
    %add3A_3289 = arith.constant 0 : i32
    %add3A_3290 = vector.broadcast %add3A_3289 : i32 to vector<20x128xi32>
    %add3A_3291 = arith.addi %xor3A_3285, %add3A_3290 : vector<20x128xi32>
    %add3A_3292 = arith.constant 5 : i32
    %add3A_3293 = vector.broadcast %add3A_3292 : i32 to vector<20x128xi32>
    %add3A_3294 = arith.addi %add3A_3291, %add3A_3293 : vector<20x128xi32>
    %xor3A_3295 = arith.xori %add3A_3288, %add3A_3294 : vector<20x128xi32>
    %shift_right_logical3A_3296 = arith.constant 9 : i32
    %shift_right_logical3A_3297 = vector.broadcast %shift_right_logical3A_3296 : i32 to vector<20x128xi32>
    %shift_right_logical3A_3298 = arith.shrui %xor3A_3295, %shift_right_logical3A_3297 : vector<20x128xi32>
    %or3A_3299 = arith.constant 1065353216 : i32
    %or3A_3300 = vector.broadcast %or3A_3299 : i32 to vector<20x128xi32>
    %or3A_3301 = arith.ori %shift_right_logical3A_3298, %or3A_3300 : vector<20x128xi32>
    %bitcast_convert_type3A_3302 = tpu.bitcast %or3A_3301 : vector<20x128xi32> -> vector<20x128xf32>
    %sub3A_3303 = arith.constant 1.000000e+00 : f32
    %sub3A_3304 = vector.broadcast %sub3A_3303 : f32 to vector<20x128xf32>
    %sub3A_3305 = arith.subf %bitcast_convert_type3A_3302, %sub3A_3304 : vector<20x128xf32>
    %add3A_3306 = arith.constant 1.17549435E-38 : f32
    %add3A_3307 = vector.broadcast %add3A_3306 : f32 to vector<20x128xf32>
    %add3A_3308 = arith.addf %sub3A_3305, %add3A_3307 : vector<20x128xf32>
    %max3A_3309 = arith.constant 1.17549435E-38 : f32
    %max3A_3310 = vector.broadcast %max3A_3309 : f32 to vector<20x128xf32>
    %max3A_3311 = arith.maximumf %max3A_3310, %add3A_3308 : vector<20x128xf32>
    %log3A_3312 = math.log %max3A_3311 : vector<20x128xf32>
    %neg3A_3313 = arith.constant 0.000000e+00 : f32
    %neg3A_3314 = vector.broadcast %neg3A_3313 : f32 to vector<20x128xf32>
    %neg3A_3315 = arith.subf %neg3A_3314, %log3A_3312 : vector<20x128xf32>
    %log3A_3316 = math.log %neg3A_3315 : vector<20x128xf32>
    %neg3A_3317 = arith.constant 0.000000e+00 : f32
    %neg3A_3318 = vector.broadcast %neg3A_3317 : f32 to vector<20x128xf32>
    %neg3A_3319 = arith.subf %neg3A_3318, %log3A_3316 : vector<20x128xf32>
    %add3A_3320 = arith.addf %log3A_3060, %neg3A_3319 : vector<20x128xf32>
    %argmax3A_3321 = tpu.reduce_index %add3A_3320 {axis = 0 : i32, kind = #tpu.reduction_kind<arg_max>} : vector<20x128xf32> -> vector<128xi32>
    %swap3A_3322 = arith.constant 10 : index
    %swap3A_3323 = arith.constant 0 : index
    %swap3A_3324 = vector.load %arg6[%swap3A_3322, %swap3A_3323] : memref<16x128xi32, #tpu.memory_space<vmem>>, vector<1x128xi32>
    %swap3A_3325 = vector.shape_cast %swap3A_3324 : vector<1x128xi32> to vector<128xi32>
    %swap3A_3326 = vector.shape_cast %argmax3A_3321 : vector<128xi32> to vector<1x128xi32>
    tpu.vector_store %arg6[%swap3A_3322, %swap3A_3323], %swap3A_3326 {strides = array<i32>} : memref<16x128xi32, #tpu.memory_space<vmem>>, vector<1x128xi32>,
    %get3A_3327 = arith.constant 11 : index
    %get3A_3328 = arith.constant 0 : index
    %get3A_3329 = vector.load %arg3[%get3A_3327, %get3A_3328] : memref<16x128xi32, #tpu.memory_space<vmem>>, vector<1x128xi32>
    %get3A_3330 = vector.shape_cast %get3A_3329 : vector<1x128xi32> to vector<128xi32>
    %broadcast_in_dim3A_3331 = vector.shape_cast %get3A_3330 : vector<128xi32> to vector<1x128xi32>
    %broadcast_in_dim3A_3332 = vector.shape_cast %broadcast_in_dim3A_3331 : vector<1x128xi32> to vector<1x128xi32>
    %broadcast_in_dim3A_3333 = vector.broadcast %broadcast_in_dim3A_3332 : vector<1x128xi32> to vector<20x128xi32>
    %get3A_3334 = arith.constant 11 : index
    %get3A_3335 = arith.constant 0 : index
    %get3A_3336 = vector.load %arg4[%get3A_3334, %get3A_3335] : memref<16x128xi32, #tpu.memory_space<vmem>>, vector<1x128xi32>
    %get3A_3337 = vector.shape_cast %get3A_3336 : vector<1x128xi32> to vector<128xi32>
    %broadcast_in_dim3A_3338 = vector.shape_cast %get3A_3337 : vector<128xi32> to vector<1x128xi32>
    %broadcast_in_dim3A_3339 = vector.shape_cast %broadcast_in_dim3A_3338 : vector<1x128xi32> to vector<1x128xi32>
    %broadcast_in_dim3A_3340 = vector.broadcast %broadcast_in_dim3A_3339 : vector<1x128xi32> to vector<20x128xi32>
    %ne3A_3341 = arith.constant 0 : i32
    %ne3A_3342 = vector.broadcast %ne3A_3341 : i32 to vector<20x128xi32>
    %ne3A_3343 = arith.cmpi ne, %broadcast_in_dim3A_3340, %ne3A_3342 : vector<20x128xi32>
    %eq3A_3344 = arith.cmpi eq, %broadcast_in_dim3A_3333, %iota3A : vector<20x128xi32>
    %broadcast_in_dim3A_3345 = vector.broadcast %add3A : f32 to vector<20x128xf32>
    %broadcast_in_dim3A_3346 = vector.broadcast %div3A_22 : f32 to vector<20x128xf32>
    %select_n3A_3347 = arith.select %eq3A_3344, %broadcast_in_dim3A_3345, %broadcast_in_dim3A_3346 : vector<20x128xi1>, vector<20x128xf32>
    %jit3A_3348 = arith.constant 1.000000e+00 : f32
    %jit3A_3349 = arith.constant 0.000000e+00 : f32
    %broadcast_in_dim3A_3350 = vector.broadcast %jit3A_3348 : f32 to vector<20x128xf32>
    %broadcast_in_dim3A_3351 = vector.broadcast %jit3A_3349 : f32 to vector<20x128xf32>
    %select_n3A_3352 = arith.select %eq3A_3344, %broadcast_in_dim3A_3350, %broadcast_in_dim3A_3351 : vector<20x128xi1>, vector<20x128xf32>
    %select_n3A_3353 = arith.select %ne3A_3343, %select_n3A_3347, %select_n3A_3352 : vector<20x128xi1>, vector<20x128xf32>
    %transpose3A_3354 = tpu.transpose %select_n3A_3353, [1, 0] : vector<20x128xf32> -> vector<128x20xf32>
    %swap3A_3355 = arith.constant 1408 : index
    %swap3A_3356 = arith.constant 0 : index
    %swap3A_3357 = vector.load %arg5[%swap3A_3355, %swap3A_3356] : memref<2048x20xf32, #tpu.memory_space<vmem>>, vector<128x20xf32>
    tpu.vector_store %arg5[%swap3A_3355, %swap3A_3356], %transpose3A_3354 {strides = array<i32>} : memref<2048x20xf32, #tpu.memory_space<vmem>>, vector<128x20xf32>,
    %add3A_3358 = arith.constant 9.99999993E-9 : f32
    %add3A_3359 = vector.broadcast %add3A_3358 : f32 to vector<20x128xf32>
    %add3A_3360 = arith.addf %select_n3A_3353, %add3A_3359 : vector<20x128xf32>
    %log3A_3361 = math.log %add3A_3360 : vector<20x128xf32>
    %add3A_3362 = arith.constant 28160 : i32
    %add3A_3363 = arith.addi %mul3A_28, %add3A_3362 : i32
    %add3A_3364 = vector.broadcast %add3A_3363 : i32 to vector<20x128xi32>
    %add3A_3365 = arith.addi %add3A_3364, %add3A_26 : vector<20x128xi32>
    %broadcast_in_dim3A_3366 = arith.constant 0 : i32
    %broadcast_in_dim3A_3367 = vector.broadcast %broadcast_in_dim3A_3366 : i32 to vector<20x128xi32>
    %add3A_3368 = arith.constant 1 : i32
    %add3A_3369 = vector.broadcast %add3A_3368 : i32 to vector<20x128xi32>
    %add3A_3370 = arith.addi %add3A_3365, %add3A_3369 : vector<20x128xi32>
    %add3A_3371 = arith.addi %broadcast_in_dim3A_3367, %add3A_3370 : vector<20x128xi32>
    %shift_left3A_3372 = arith.constant 13 : i32
    %shift_left3A_3373 = vector.broadcast %shift_left3A_3372 : i32 to vector<20x128xi32>
    %shift_left3A_3374 = arith.shli %add3A_3370, %shift_left3A_3373 : vector<20x128xi32>
    %shift_right_logical3A_3375 = arith.constant 19 : i32
    %shift_right_logical3A_3376 = vector.broadcast %shift_right_logical3A_3375 : i32 to vector<20x128xi32>
    %shift_right_logical3A_3377 = arith.shrui %add3A_3370, %shift_right_logical3A_3376 : vector<20x128xi32>
    %or3A_3378 = arith.ori %shift_left3A_3374, %shift_right_logical3A_3377 : vector<20x128xi32>
    %xor3A_3379 = arith.xori %add3A_3371, %or3A_3378 : vector<20x128xi32>
    %add3A_3380 = arith.addi %add3A_3371, %xor3A_3379 : vector<20x128xi32>
    %shift_left3A_3381 = arith.constant 15 : i32
    %shift_left3A_3382 = vector.broadcast %shift_left3A_3381 : i32 to vector<20x128xi32>
    %shift_left3A_3383 = arith.shli %xor3A_3379, %shift_left3A_3382 : vector<20x128xi32>
    %shift_right_logical3A_3384 = arith.constant 17 : i32
    %shift_right_logical3A_3385 = vector.broadcast %shift_right_logical3A_3384 : i32 to vector<20x128xi32>
    %shift_right_logical3A_3386 = arith.shrui %xor3A_3379, %shift_right_logical3A_3385 : vector<20x128xi32>
    %or3A_3387 = arith.ori %shift_left3A_3383, %shift_right_logical3A_3386 : vector<20x128xi32>
    %xor3A_3388 = arith.xori %add3A_3380, %or3A_3387 : vector<20x128xi32>
    %add3A_3389 = arith.addi %add3A_3380, %xor3A_3388 : vector<20x128xi32>
    %shift_left3A_3390 = arith.constant 26 : i32
    %shift_left3A_3391 = vector.broadcast %shift_left3A_3390 : i32 to vector<20x128xi32>
    %shift_left3A_3392 = arith.shli %xor3A_3388, %shift_left3A_3391 : vector<20x128xi32>
    %shift_right_logical3A_3393 = arith.constant 6 : i32
    %shift_right_logical3A_3394 = vector.broadcast %shift_right_logical3A_3393 : i32 to vector<20x128xi32>
    %shift_right_logical3A_3395 = arith.shrui %xor3A_3388, %shift_right_logical3A_3394 : vector<20x128xi32>
    %or3A_3396 = arith.ori %shift_left3A_3392, %shift_right_logical3A_3395 : vector<20x128xi32>
    %xor3A_3397 = arith.xori %add3A_3389, %or3A_3396 : vector<20x128xi32>
    %add3A_3398 = arith.addi %add3A_3389, %xor3A_3397 : vector<20x128xi32>
    %shift_left3A_3399 = arith.constant 6 : i32
    %shift_left3A_3400 = vector.broadcast %shift_left3A_3399 : i32 to vector<20x128xi32>
    %shift_left3A_3401 = arith.shli %xor3A_3397, %shift_left3A_3400 : vector<20x128xi32>
    %shift_right_logical3A_3402 = arith.constant 26 : i32
    %shift_right_logical3A_3403 = vector.broadcast %shift_right_logical3A_3402 : i32 to vector<20x128xi32>
    %shift_right_logical3A_3404 = arith.shrui %xor3A_3397, %shift_right_logical3A_3403 : vector<20x128xi32>
    %or3A_3405 = arith.ori %shift_left3A_3401, %shift_right_logical3A_3404 : vector<20x128xi32>
    %xor3A_3406 = arith.xori %add3A_3398, %or3A_3405 : vector<20x128xi32>
    %add3A_3407 = arith.constant 1 : i32
    %add3A_3408 = vector.broadcast %add3A_3407 : i32 to vector<20x128xi32>
    %add3A_3409 = arith.addi %add3A_3398, %add3A_3408 : vector<20x128xi32>
    %add3A_3410 = arith.constant 466688987 : i32
    %add3A_3411 = vector.broadcast %add3A_3410 : i32 to vector<20x128xi32>
    %add3A_3412 = arith.addi %xor3A_3406, %add3A_3411 : vector<20x128xi32>
    %add3A_3413 = arith.constant 1 : i32
    %add3A_3414 = vector.broadcast %add3A_3413 : i32 to vector<20x128xi32>
    %add3A_3415 = arith.addi %add3A_3412, %add3A_3414 : vector<20x128xi32>
    %add3A_3416 = arith.addi %add3A_3409, %add3A_3415 : vector<20x128xi32>
    %shift_left3A_3417 = arith.constant 17 : i32
    %shift_left3A_3418 = vector.broadcast %shift_left3A_3417 : i32 to vector<20x128xi32>
    %shift_left3A_3419 = arith.shli %add3A_3415, %shift_left3A_3418 : vector<20x128xi32>
    %shift_right_logical3A_3420 = arith.constant 15 : i32
    %shift_right_logical3A_3421 = vector.broadcast %shift_right_logical3A_3420 : i32 to vector<20x128xi32>
    %shift_right_logical3A_3422 = arith.shrui %add3A_3415, %shift_right_logical3A_3421 : vector<20x128xi32>
    %or3A_3423 = arith.ori %shift_left3A_3419, %shift_right_logical3A_3422 : vector<20x128xi32>
    %xor3A_3424 = arith.xori %add3A_3416, %or3A_3423 : vector<20x128xi32>
    %add3A_3425 = arith.addi %add3A_3416, %xor3A_3424 : vector<20x128xi32>
    %shift_left3A_3426 = arith.constant 29 : i32
    %shift_left3A_3427 = vector.broadcast %shift_left3A_3426 : i32 to vector<20x128xi32>
    %shift_left3A_3428 = arith.shli %xor3A_3424, %shift_left3A_3427 : vector<20x128xi32>
    %shift_right_logical3A_3429 = arith.constant 3 : i32
    %shift_right_logical3A_3430 = vector.broadcast %shift_right_logical3A_3429 : i32 to vector<20x128xi32>
    %shift_right_logical3A_3431 = arith.shrui %xor3A_3424, %shift_right_logical3A_3430 : vector<20x128xi32>
    %or3A_3432 = arith.ori %shift_left3A_3428, %shift_right_logical3A_3431 : vector<20x128xi32>
    %xor3A_3433 = arith.xori %add3A_3425, %or3A_3432 : vector<20x128xi32>
    %add3A_3434 = arith.addi %add3A_3425, %xor3A_3433 : vector<20x128xi32>
    %shift_left3A_3435 = arith.constant 16 : i32
    %shift_left3A_3436 = vector.broadcast %shift_left3A_3435 : i32 to vector<20x128xi32>
    %shift_left3A_3437 = arith.shli %xor3A_3433, %shift_left3A_3436 : vector<20x128xi32>
    %shift_right_logical3A_3438 = arith.constant 16 : i32
    %shift_right_logical3A_3439 = vector.broadcast %shift_right_logical3A_3438 : i32 to vector<20x128xi32>
    %shift_right_logical3A_3440 = arith.shrui %xor3A_3433, %shift_right_logical3A_3439 : vector<20x128xi32>
    %or3A_3441 = arith.ori %shift_left3A_3437, %shift_right_logical3A_3440 : vector<20x128xi32>
    %xor3A_3442 = arith.xori %add3A_3434, %or3A_3441 : vector<20x128xi32>
    %add3A_3443 = arith.addi %add3A_3434, %xor3A_3442 : vector<20x128xi32>
    %shift_left3A_3444 = arith.constant 24 : i32
    %shift_left3A_3445 = vector.broadcast %shift_left3A_3444 : i32 to vector<20x128xi32>
    %shift_left3A_3446 = arith.shli %xor3A_3442, %shift_left3A_3445 : vector<20x128xi32>
    %shift_right_logical3A_3447 = arith.constant 8 : i32
    %shift_right_logical3A_3448 = vector.broadcast %shift_right_logical3A_3447 : i32 to vector<20x128xi32>
    %shift_right_logical3A_3449 = arith.shrui %xor3A_3442, %shift_right_logical3A_3448 : vector<20x128xi32>
    %or3A_3450 = arith.ori %shift_left3A_3446, %shift_right_logical3A_3449 : vector<20x128xi32>
    %xor3A_3451 = arith.xori %add3A_3443, %or3A_3450 : vector<20x128xi32>
    %add3A_3452 = arith.constant 466688987 : i32
    %add3A_3453 = vector.broadcast %add3A_3452 : i32 to vector<20x128xi32>
    %add3A_3454 = arith.addi %add3A_3443, %add3A_3453 : vector<20x128xi32>
    %add3A_3455 = arith.constant 0 : i32
    %add3A_3456 = vector.broadcast %add3A_3455 : i32 to vector<20x128xi32>
    %add3A_3457 = arith.addi %xor3A_3451, %add3A_3456 : vector<20x128xi32>
    %add3A_3458 = arith.constant 2 : i32
    %add3A_3459 = vector.broadcast %add3A_3458 : i32 to vector<20x128xi32>
    %add3A_3460 = arith.addi %add3A_3457, %add3A_3459 : vector<20x128xi32>
    %add3A_3461 = arith.addi %add3A_3454, %add3A_3460 : vector<20x128xi32>
    %shift_left3A_3462 = arith.constant 13 : i32
    %shift_left3A_3463 = vector.broadcast %shift_left3A_3462 : i32 to vector<20x128xi32>
    %shift_left3A_3464 = arith.shli %add3A_3460, %shift_left3A_3463 : vector<20x128xi32>
    %shift_right_logical3A_3465 = arith.constant 19 : i32
    %shift_right_logical3A_3466 = vector.broadcast %shift_right_logical3A_3465 : i32 to vector<20x128xi32>
    %shift_right_logical3A_3467 = arith.shrui %add3A_3460, %shift_right_logical3A_3466 : vector<20x128xi32>
    %or3A_3468 = arith.ori %shift_left3A_3464, %shift_right_logical3A_3467 : vector<20x128xi32>
    %xor3A_3469 = arith.xori %add3A_3461, %or3A_3468 : vector<20x128xi32>
    %add3A_3470 = arith.addi %add3A_3461, %xor3A_3469 : vector<20x128xi32>
    %shift_left3A_3471 = arith.constant 15 : i32
    %shift_left3A_3472 = vector.broadcast %shift_left3A_3471 : i32 to vector<20x128xi32>
    %shift_left3A_3473 = arith.shli %xor3A_3469, %shift_left3A_3472 : vector<20x128xi32>
    %shift_right_logical3A_3474 = arith.constant 17 : i32
    %shift_right_logical3A_3475 = vector.broadcast %shift_right_logical3A_3474 : i32 to vector<20x128xi32>
    %shift_right_logical3A_3476 = arith.shrui %xor3A_3469, %shift_right_logical3A_3475 : vector<20x128xi32>
    %or3A_3477 = arith.ori %shift_left3A_3473, %shift_right_logical3A_3476 : vector<20x128xi32>
    %xor3A_3478 = arith.xori %add3A_3470, %or3A_3477 : vector<20x128xi32>
    %add3A_3479 = arith.addi %add3A_3470, %xor3A_3478 : vector<20x128xi32>
    %shift_left3A_3480 = arith.constant 26 : i32
    %shift_left3A_3481 = vector.broadcast %shift_left3A_3480 : i32 to vector<20x128xi32>
    %shift_left3A_3482 = arith.shli %xor3A_3478, %shift_left3A_3481 : vector<20x128xi32>
    %shift_right_logical3A_3483 = arith.constant 6 : i32
    %shift_right_logical3A_3484 = vector.broadcast %shift_right_logical3A_3483 : i32 to vector<20x128xi32>
    %shift_right_logical3A_3485 = arith.shrui %xor3A_3478, %shift_right_logical3A_3484 : vector<20x128xi32>
    %or3A_3486 = arith.ori %shift_left3A_3482, %shift_right_logical3A_3485 : vector<20x128xi32>
    %xor3A_3487 = arith.xori %add3A_3479, %or3A_3486 : vector<20x128xi32>
    %add3A_3488 = arith.addi %add3A_3479, %xor3A_3487 : vector<20x128xi32>
    %shift_left3A_3489 = arith.constant 6 : i32
    %shift_left3A_3490 = vector.broadcast %shift_left3A_3489 : i32 to vector<20x128xi32>
    %shift_left3A_3491 = arith.shli %xor3A_3487, %shift_left3A_3490 : vector<20x128xi32>
    %shift_right_logical3A_3492 = arith.constant 26 : i32
    %shift_right_logical3A_3493 = vector.broadcast %shift_right_logical3A_3492 : i32 to vector<20x128xi32>
    %shift_right_logical3A_3494 = arith.shrui %xor3A_3487, %shift_right_logical3A_3493 : vector<20x128xi32>
    %or3A_3495 = arith.ori %shift_left3A_3491, %shift_right_logical3A_3494 : vector<20x128xi32>
    %xor3A_3496 = arith.xori %add3A_3488, %or3A_3495 : vector<20x128xi32>
    %add3A_3497 = arith.constant 0 : i32
    %add3A_3498 = vector.broadcast %add3A_3497 : i32 to vector<20x128xi32>
    %add3A_3499 = arith.addi %add3A_3488, %add3A_3498 : vector<20x128xi32>
    %add3A_3500 = arith.constant 1 : i32
    %add3A_3501 = vector.broadcast %add3A_3500 : i32 to vector<20x128xi32>
    %add3A_3502 = arith.addi %xor3A_3496, %add3A_3501 : vector<20x128xi32>
    %add3A_3503 = arith.constant 3 : i32
    %add3A_3504 = vector.broadcast %add3A_3503 : i32 to vector<20x128xi32>
    %add3A_3505 = arith.addi %add3A_3502, %add3A_3504 : vector<20x128xi32>
    %add3A_3506 = arith.addi %add3A_3499, %add3A_3505 : vector<20x128xi32>
    %shift_left3A_3507 = arith.constant 17 : i32
    %shift_left3A_3508 = vector.broadcast %shift_left3A_3507 : i32 to vector<20x128xi32>
    %shift_left3A_3509 = arith.shli %add3A_3505, %shift_left3A_3508 : vector<20x128xi32>
    %shift_right_logical3A_3510 = arith.constant 15 : i32
    %shift_right_logical3A_3511 = vector.broadcast %shift_right_logical3A_3510 : i32 to vector<20x128xi32>
    %shift_right_logical3A_3512 = arith.shrui %add3A_3505, %shift_right_logical3A_3511 : vector<20x128xi32>
    %or3A_3513 = arith.ori %shift_left3A_3509, %shift_right_logical3A_3512 : vector<20x128xi32>
    %xor3A_3514 = arith.xori %add3A_3506, %or3A_3513 : vector<20x128xi32>
    %add3A_3515 = arith.addi %add3A_3506, %xor3A_3514 : vector<20x128xi32>
    %shift_left3A_3516 = arith.constant 29 : i32
    %shift_left3A_3517 = vector.broadcast %shift_left3A_3516 : i32 to vector<20x128xi32>
    %shift_left3A_3518 = arith.shli %xor3A_3514, %shift_left3A_3517 : vector<20x128xi32>
    %shift_right_logical3A_3519 = arith.constant 3 : i32
    %shift_right_logical3A_3520 = vector.broadcast %shift_right_logical3A_3519 : i32 to vector<20x128xi32>
    %shift_right_logical3A_3521 = arith.shrui %xor3A_3514, %shift_right_logical3A_3520 : vector<20x128xi32>
    %or3A_3522 = arith.ori %shift_left3A_3518, %shift_right_logical3A_3521 : vector<20x128xi32>
    %xor3A_3523 = arith.xori %add3A_3515, %or3A_3522 : vector<20x128xi32>
    %add3A_3524 = arith.addi %add3A_3515, %xor3A_3523 : vector<20x128xi32>
    %shift_left3A_3525 = arith.constant 16 : i32
    %shift_left3A_3526 = vector.broadcast %shift_left3A_3525 : i32 to vector<20x128xi32>
    %shift_left3A_3527 = arith.shli %xor3A_3523, %shift_left3A_3526 : vector<20x128xi32>
    %shift_right_logical3A_3528 = arith.constant 16 : i32
    %shift_right_logical3A_3529 = vector.broadcast %shift_right_logical3A_3528 : i32 to vector<20x128xi32>
    %shift_right_logical3A_3530 = arith.shrui %xor3A_3523, %shift_right_logical3A_3529 : vector<20x128xi32>
    %or3A_3531 = arith.ori %shift_left3A_3527, %shift_right_logical3A_3530 : vector<20x128xi32>
    %xor3A_3532 = arith.xori %add3A_3524, %or3A_3531 : vector<20x128xi32>
    %add3A_3533 = arith.addi %add3A_3524, %xor3A_3532 : vector<20x128xi32>
    %shift_left3A_3534 = arith.constant 24 : i32
    %shift_left3A_3535 = vector.broadcast %shift_left3A_3534 : i32 to vector<20x128xi32>
    %shift_left3A_3536 = arith.shli %xor3A_3532, %shift_left3A_3535 : vector<20x128xi32>
    %shift_right_logical3A_3537 = arith.constant 8 : i32
    %shift_right_logical3A_3538 = vector.broadcast %shift_right_logical3A_3537 : i32 to vector<20x128xi32>
    %shift_right_logical3A_3539 = arith.shrui %xor3A_3532, %shift_right_logical3A_3538 : vector<20x128xi32>
    %or3A_3540 = arith.ori %shift_left3A_3536, %shift_right_logical3A_3539 : vector<20x128xi32>
    %xor3A_3541 = arith.xori %add3A_3533, %or3A_3540 : vector<20x128xi32>
    %add3A_3542 = arith.constant 1 : i32
    %add3A_3543 = vector.broadcast %add3A_3542 : i32 to vector<20x128xi32>
    %add3A_3544 = arith.addi %add3A_3533, %add3A_3543 : vector<20x128xi32>
    %add3A_3545 = arith.constant 466688987 : i32
    %add3A_3546 = vector.broadcast %add3A_3545 : i32 to vector<20x128xi32>
    %add3A_3547 = arith.addi %xor3A_3541, %add3A_3546 : vector<20x128xi32>
    %add3A_3548 = arith.constant 4 : i32
    %add3A_3549 = vector.broadcast %add3A_3548 : i32 to vector<20x128xi32>
    %add3A_3550 = arith.addi %add3A_3547, %add3A_3549 : vector<20x128xi32>
    %add3A_3551 = arith.addi %add3A_3544, %add3A_3550 : vector<20x128xi32>
    %shift_left3A_3552 = arith.constant 13 : i32
    %shift_left3A_3553 = vector.broadcast %shift_left3A_3552 : i32 to vector<20x128xi32>
    %shift_left3A_3554 = arith.shli %add3A_3550, %shift_left3A_3553 : vector<20x128xi32>
    %shift_right_logical3A_3555 = arith.constant 19 : i32
    %shift_right_logical3A_3556 = vector.broadcast %shift_right_logical3A_3555 : i32 to vector<20x128xi32>
    %shift_right_logical3A_3557 = arith.shrui %add3A_3550, %shift_right_logical3A_3556 : vector<20x128xi32>
    %or3A_3558 = arith.ori %shift_left3A_3554, %shift_right_logical3A_3557 : vector<20x128xi32>
    %xor3A_3559 = arith.xori %add3A_3551, %or3A_3558 : vector<20x128xi32>
    %add3A_3560 = arith.addi %add3A_3551, %xor3A_3559 : vector<20x128xi32>
    %shift_left3A_3561 = arith.constant 15 : i32
    %shift_left3A_3562 = vector.broadcast %shift_left3A_3561 : i32 to vector<20x128xi32>
    %shift_left3A_3563 = arith.shli %xor3A_3559, %shift_left3A_3562 : vector<20x128xi32>
    %shift_right_logical3A_3564 = arith.constant 17 : i32
    %shift_right_logical3A_3565 = vector.broadcast %shift_right_logical3A_3564 : i32 to vector<20x128xi32>
    %shift_right_logical3A_3566 = arith.shrui %xor3A_3559, %shift_right_logical3A_3565 : vector<20x128xi32>
    %or3A_3567 = arith.ori %shift_left3A_3563, %shift_right_logical3A_3566 : vector<20x128xi32>
    %xor3A_3568 = arith.xori %add3A_3560, %or3A_3567 : vector<20x128xi32>
    %add3A_3569 = arith.addi %add3A_3560, %xor3A_3568 : vector<20x128xi32>
    %shift_left3A_3570 = arith.constant 26 : i32
    %shift_left3A_3571 = vector.broadcast %shift_left3A_3570 : i32 to vector<20x128xi32>
    %shift_left3A_3572 = arith.shli %xor3A_3568, %shift_left3A_3571 : vector<20x128xi32>
    %shift_right_logical3A_3573 = arith.constant 6 : i32
    %shift_right_logical3A_3574 = vector.broadcast %shift_right_logical3A_3573 : i32 to vector<20x128xi32>
    %shift_right_logical3A_3575 = arith.shrui %xor3A_3568, %shift_right_logical3A_3574 : vector<20x128xi32>
    %or3A_3576 = arith.ori %shift_left3A_3572, %shift_right_logical3A_3575 : vector<20x128xi32>
    %xor3A_3577 = arith.xori %add3A_3569, %or3A_3576 : vector<20x128xi32>
    %add3A_3578 = arith.addi %add3A_3569, %xor3A_3577 : vector<20x128xi32>
    %shift_left3A_3579 = arith.constant 6 : i32
    %shift_left3A_3580 = vector.broadcast %shift_left3A_3579 : i32 to vector<20x128xi32>
    %shift_left3A_3581 = arith.shli %xor3A_3577, %shift_left3A_3580 : vector<20x128xi32>
    %shift_right_logical3A_3582 = arith.constant 26 : i32
    %shift_right_logical3A_3583 = vector.broadcast %shift_right_logical3A_3582 : i32 to vector<20x128xi32>
    %shift_right_logical3A_3584 = arith.shrui %xor3A_3577, %shift_right_logical3A_3583 : vector<20x128xi32>
    %or3A_3585 = arith.ori %shift_left3A_3581, %shift_right_logical3A_3584 : vector<20x128xi32>
    %xor3A_3586 = arith.xori %add3A_3578, %or3A_3585 : vector<20x128xi32>
    %add3A_3587 = arith.constant 466688987 : i32
    %add3A_3588 = vector.broadcast %add3A_3587 : i32 to vector<20x128xi32>
    %add3A_3589 = arith.addi %add3A_3578, %add3A_3588 : vector<20x128xi32>
    %add3A_3590 = arith.constant 0 : i32
    %add3A_3591 = vector.broadcast %add3A_3590 : i32 to vector<20x128xi32>
    %add3A_3592 = arith.addi %xor3A_3586, %add3A_3591 : vector<20x128xi32>
    %add3A_3593 = arith.constant 5 : i32
    %add3A_3594 = vector.broadcast %add3A_3593 : i32 to vector<20x128xi32>
    %add3A_3595 = arith.addi %add3A_3592, %add3A_3594 : vector<20x128xi32>
    %xor3A_3596 = arith.xori %add3A_3589, %add3A_3595 : vector<20x128xi32>
    %shift_right_logical3A_3597 = arith.constant 9 : i32
    %shift_right_logical3A_3598 = vector.broadcast %shift_right_logical3A_3597 : i32 to vector<20x128xi32>
    %shift_right_logical3A_3599 = arith.shrui %xor3A_3596, %shift_right_logical3A_3598 : vector<20x128xi32>
    %or3A_3600 = arith.constant 1065353216 : i32
    %or3A_3601 = vector.broadcast %or3A_3600 : i32 to vector<20x128xi32>
    %or3A_3602 = arith.ori %shift_right_logical3A_3599, %or3A_3601 : vector<20x128xi32>
    %bitcast_convert_type3A_3603 = tpu.bitcast %or3A_3602 : vector<20x128xi32> -> vector<20x128xf32>
    %sub3A_3604 = arith.constant 1.000000e+00 : f32
    %sub3A_3605 = vector.broadcast %sub3A_3604 : f32 to vector<20x128xf32>
    %sub3A_3606 = arith.subf %bitcast_convert_type3A_3603, %sub3A_3605 : vector<20x128xf32>
    %add3A_3607 = arith.constant 1.17549435E-38 : f32
    %add3A_3608 = vector.broadcast %add3A_3607 : f32 to vector<20x128xf32>
    %add3A_3609 = arith.addf %sub3A_3606, %add3A_3608 : vector<20x128xf32>
    %max3A_3610 = arith.constant 1.17549435E-38 : f32
    %max3A_3611 = vector.broadcast %max3A_3610 : f32 to vector<20x128xf32>
    %max3A_3612 = arith.maximumf %max3A_3611, %add3A_3609 : vector<20x128xf32>
    %log3A_3613 = math.log %max3A_3612 : vector<20x128xf32>
    %neg3A_3614 = arith.constant 0.000000e+00 : f32
    %neg3A_3615 = vector.broadcast %neg3A_3614 : f32 to vector<20x128xf32>
    %neg3A_3616 = arith.subf %neg3A_3615, %log3A_3613 : vector<20x128xf32>
    %log3A_3617 = math.log %neg3A_3616 : vector<20x128xf32>
    %neg3A_3618 = arith.constant 0.000000e+00 : f32
    %neg3A_3619 = vector.broadcast %neg3A_3618 : f32 to vector<20x128xf32>
    %neg3A_3620 = arith.subf %neg3A_3619, %log3A_3617 : vector<20x128xf32>
    %add3A_3621 = arith.addf %log3A_3361, %neg3A_3620 : vector<20x128xf32>
    %argmax3A_3622 = tpu.reduce_index %add3A_3621 {axis = 0 : i32, kind = #tpu.reduction_kind<arg_max>} : vector<20x128xf32> -> vector<128xi32>
    %swap3A_3623 = arith.constant 11 : index
    %swap3A_3624 = arith.constant 0 : index
    %swap3A_3625 = vector.load %arg6[%swap3A_3623, %swap3A_3624] : memref<16x128xi32, #tpu.memory_space<vmem>>, vector<1x128xi32>
    %swap3A_3626 = vector.shape_cast %swap3A_3625 : vector<1x128xi32> to vector<128xi32>
    %swap3A_3627 = vector.shape_cast %argmax3A_3622 : vector<128xi32> to vector<1x128xi32>
    tpu.vector_store %arg6[%swap3A_3623, %swap3A_3624], %swap3A_3627 {strides = array<i32>} : memref<16x128xi32, #tpu.memory_space<vmem>>, vector<1x128xi32>,
    %get3A_3628 = arith.constant 12 : index
    %get3A_3629 = arith.constant 0 : index
    %get3A_3630 = vector.load %arg3[%get3A_3628, %get3A_3629] : memref<16x128xi32, #tpu.memory_space<vmem>>, vector<1x128xi32>
    %get3A_3631 = vector.shape_cast %get3A_3630 : vector<1x128xi32> to vector<128xi32>
    %broadcast_in_dim3A_3632 = vector.shape_cast %get3A_3631 : vector<128xi32> to vector<1x128xi32>
    %broadcast_in_dim3A_3633 = vector.shape_cast %broadcast_in_dim3A_3632 : vector<1x128xi32> to vector<1x128xi32>
    %broadcast_in_dim3A_3634 = vector.broadcast %broadcast_in_dim3A_3633 : vector<1x128xi32> to vector<20x128xi32>
    %get3A_3635 = arith.constant 12 : index
    %get3A_3636 = arith.constant 0 : index
    %get3A_3637 = vector.load %arg4[%get3A_3635, %get3A_3636] : memref<16x128xi32, #tpu.memory_space<vmem>>, vector<1x128xi32>
    %get3A_3638 = vector.shape_cast %get3A_3637 : vector<1x128xi32> to vector<128xi32>
    %broadcast_in_dim3A_3639 = vector.shape_cast %get3A_3638 : vector<128xi32> to vector<1x128xi32>
    %broadcast_in_dim3A_3640 = vector.shape_cast %broadcast_in_dim3A_3639 : vector<1x128xi32> to vector<1x128xi32>
    %broadcast_in_dim3A_3641 = vector.broadcast %broadcast_in_dim3A_3640 : vector<1x128xi32> to vector<20x128xi32>
    %ne3A_3642 = arith.constant 0 : i32
    %ne3A_3643 = vector.broadcast %ne3A_3642 : i32 to vector<20x128xi32>
    %ne3A_3644 = arith.cmpi ne, %broadcast_in_dim3A_3641, %ne3A_3643 : vector<20x128xi32>
    %eq3A_3645 = arith.cmpi eq, %broadcast_in_dim3A_3634, %iota3A : vector<20x128xi32>
    %broadcast_in_dim3A_3646 = vector.broadcast %add3A : f32 to vector<20x128xf32>
    %broadcast_in_dim3A_3647 = vector.broadcast %div3A_22 : f32 to vector<20x128xf32>
    %select_n3A_3648 = arith.select %eq3A_3645, %broadcast_in_dim3A_3646, %broadcast_in_dim3A_3647 : vector<20x128xi1>, vector<20x128xf32>
    %jit3A_3649 = arith.constant 1.000000e+00 : f32
    %jit3A_3650 = arith.constant 0.000000e+00 : f32
    %broadcast_in_dim3A_3651 = vector.broadcast %jit3A_3649 : f32 to vector<20x128xf32>
    %broadcast_in_dim3A_3652 = vector.broadcast %jit3A_3650 : f32 to vector<20x128xf32>
    %select_n3A_3653 = arith.select %eq3A_3645, %broadcast_in_dim3A_3651, %broadcast_in_dim3A_3652 : vector<20x128xi1>, vector<20x128xf32>
    %select_n3A_3654 = arith.select %ne3A_3644, %select_n3A_3648, %select_n3A_3653 : vector<20x128xi1>, vector<20x128xf32>
    %transpose3A_3655 = tpu.transpose %select_n3A_3654, [1, 0] : vector<20x128xf32> -> vector<128x20xf32>
    %swap3A_3656 = arith.constant 1536 : index
    %swap3A_3657 = arith.constant 0 : index
    %swap3A_3658 = vector.load %arg5[%swap3A_3656, %swap3A_3657] : memref<2048x20xf32, #tpu.memory_space<vmem>>, vector<128x20xf32>
    tpu.vector_store %arg5[%swap3A_3656, %swap3A_3657], %transpose3A_3655 {strides = array<i32>} : memref<2048x20xf32, #tpu.memory_space<vmem>>, vector<128x20xf32>,
    %add3A_3659 = arith.constant 9.99999993E-9 : f32
    %add3A_3660 = vector.broadcast %add3A_3659 : f32 to vector<20x128xf32>
    %add3A_3661 = arith.addf %select_n3A_3654, %add3A_3660 : vector<20x128xf32>
    %log3A_3662 = math.log %add3A_3661 : vector<20x128xf32>
    %add3A_3663 = arith.constant 30720 : i32
    %add3A_3664 = arith.addi %mul3A_28, %add3A_3663 : i32
    %add3A_3665 = vector.broadcast %add3A_3664 : i32 to vector<20x128xi32>
    %add3A_3666 = arith.addi %add3A_3665, %add3A_26 : vector<20x128xi32>
    %broadcast_in_dim3A_3667 = arith.constant 0 : i32
    %broadcast_in_dim3A_3668 = vector.broadcast %broadcast_in_dim3A_3667 : i32 to vector<20x128xi32>
    %add3A_3669 = arith.constant 1 : i32
    %add3A_3670 = vector.broadcast %add3A_3669 : i32 to vector<20x128xi32>
    %add3A_3671 = arith.addi %add3A_3666, %add3A_3670 : vector<20x128xi32>
    %add3A_3672 = arith.addi %broadcast_in_dim3A_3668, %add3A_3671 : vector<20x128xi32>
    %shift_left3A_3673 = arith.constant 13 : i32
    %shift_left3A_3674 = vector.broadcast %shift_left3A_3673 : i32 to vector<20x128xi32>
    %shift_left3A_3675 = arith.shli %add3A_3671, %shift_left3A_3674 : vector<20x128xi32>
    %shift_right_logical3A_3676 = arith.constant 19 : i32
    %shift_right_logical3A_3677 = vector.broadcast %shift_right_logical3A_3676 : i32 to vector<20x128xi32>
    %shift_right_logical3A_3678 = arith.shrui %add3A_3671, %shift_right_logical3A_3677 : vector<20x128xi32>
    %or3A_3679 = arith.ori %shift_left3A_3675, %shift_right_logical3A_3678 : vector<20x128xi32>
    %xor3A_3680 = arith.xori %add3A_3672, %or3A_3679 : vector<20x128xi32>
    %add3A_3681 = arith.addi %add3A_3672, %xor3A_3680 : vector<20x128xi32>
    %shift_left3A_3682 = arith.constant 15 : i32
    %shift_left3A_3683 = vector.broadcast %shift_left3A_3682 : i32 to vector<20x128xi32>
    %shift_left3A_3684 = arith.shli %xor3A_3680, %shift_left3A_3683 : vector<20x128xi32>
    %shift_right_logical3A_3685 = arith.constant 17 : i32
    %shift_right_logical3A_3686 = vector.broadcast %shift_right_logical3A_3685 : i32 to vector<20x128xi32>
    %shift_right_logical3A_3687 = arith.shrui %xor3A_3680, %shift_right_logical3A_3686 : vector<20x128xi32>
    %or3A_3688 = arith.ori %shift_left3A_3684, %shift_right_logical3A_3687 : vector<20x128xi32>
    %xor3A_3689 = arith.xori %add3A_3681, %or3A_3688 : vector<20x128xi32>
    %add3A_3690 = arith.addi %add3A_3681, %xor3A_3689 : vector<20x128xi32>
    %shift_left3A_3691 = arith.constant 26 : i32
    %shift_left3A_3692 = vector.broadcast %shift_left3A_3691 : i32 to vector<20x128xi32>
    %shift_left3A_3693 = arith.shli %xor3A_3689, %shift_left3A_3692 : vector<20x128xi32>
    %shift_right_logical3A_3694 = arith.constant 6 : i32
    %shift_right_logical3A_3695 = vector.broadcast %shift_right_logical3A_3694 : i32 to vector<20x128xi32>
    %shift_right_logical3A_3696 = arith.shrui %xor3A_3689, %shift_right_logical3A_3695 : vector<20x128xi32>
    %or3A_3697 = arith.ori %shift_left3A_3693, %shift_right_logical3A_3696 : vector<20x128xi32>
    %xor3A_3698 = arith.xori %add3A_3690, %or3A_3697 : vector<20x128xi32>
    %add3A_3699 = arith.addi %add3A_3690, %xor3A_3698 : vector<20x128xi32>
    %shift_left3A_3700 = arith.constant 6 : i32
    %shift_left3A_3701 = vector.broadcast %shift_left3A_3700 : i32 to vector<20x128xi32>
    %shift_left3A_3702 = arith.shli %xor3A_3698, %shift_left3A_3701 : vector<20x128xi32>
    %shift_right_logical3A_3703 = arith.constant 26 : i32
    %shift_right_logical3A_3704 = vector.broadcast %shift_right_logical3A_3703 : i32 to vector<20x128xi32>
    %shift_right_logical3A_3705 = arith.shrui %xor3A_3698, %shift_right_logical3A_3704 : vector<20x128xi32>
    %or3A_3706 = arith.ori %shift_left3A_3702, %shift_right_logical3A_3705 : vector<20x128xi32>
    %xor3A_3707 = arith.xori %add3A_3699, %or3A_3706 : vector<20x128xi32>
    %add3A_3708 = arith.constant 1 : i32
    %add3A_3709 = vector.broadcast %add3A_3708 : i32 to vector<20x128xi32>
    %add3A_3710 = arith.addi %add3A_3699, %add3A_3709 : vector<20x128xi32>
    %add3A_3711 = arith.constant 466688987 : i32
    %add3A_3712 = vector.broadcast %add3A_3711 : i32 to vector<20x128xi32>
    %add3A_3713 = arith.addi %xor3A_3707, %add3A_3712 : vector<20x128xi32>
    %add3A_3714 = arith.constant 1 : i32
    %add3A_3715 = vector.broadcast %add3A_3714 : i32 to vector<20x128xi32>
    %add3A_3716 = arith.addi %add3A_3713, %add3A_3715 : vector<20x128xi32>
    %add3A_3717 = arith.addi %add3A_3710, %add3A_3716 : vector<20x128xi32>
    %shift_left3A_3718 = arith.constant 17 : i32
    %shift_left3A_3719 = vector.broadcast %shift_left3A_3718 : i32 to vector<20x128xi32>
    %shift_left3A_3720 = arith.shli %add3A_3716, %shift_left3A_3719 : vector<20x128xi32>
    %shift_right_logical3A_3721 = arith.constant 15 : i32
    %shift_right_logical3A_3722 = vector.broadcast %shift_right_logical3A_3721 : i32 to vector<20x128xi32>
    %shift_right_logical3A_3723 = arith.shrui %add3A_3716, %shift_right_logical3A_3722 : vector<20x128xi32>
    %or3A_3724 = arith.ori %shift_left3A_3720, %shift_right_logical3A_3723 : vector<20x128xi32>
    %xor3A_3725 = arith.xori %add3A_3717, %or3A_3724 : vector<20x128xi32>
    %add3A_3726 = arith.addi %add3A_3717, %xor3A_3725 : vector<20x128xi32>
    %shift_left3A_3727 = arith.constant 29 : i32
    %shift_left3A_3728 = vector.broadcast %shift_left3A_3727 : i32 to vector<20x128xi32>
    %shift_left3A_3729 = arith.shli %xor3A_3725, %shift_left3A_3728 : vector<20x128xi32>
    %shift_right_logical3A_3730 = arith.constant 3 : i32
    %shift_right_logical3A_3731 = vector.broadcast %shift_right_logical3A_3730 : i32 to vector<20x128xi32>
    %shift_right_logical3A_3732 = arith.shrui %xor3A_3725, %shift_right_logical3A_3731 : vector<20x128xi32>
    %or3A_3733 = arith.ori %shift_left3A_3729, %shift_right_logical3A_3732 : vector<20x128xi32>
    %xor3A_3734 = arith.xori %add3A_3726, %or3A_3733 : vector<20x128xi32>
    %add3A_3735 = arith.addi %add3A_3726, %xor3A_3734 : vector<20x128xi32>
    %shift_left3A_3736 = arith.constant 16 : i32
    %shift_left3A_3737 = vector.broadcast %shift_left3A_3736 : i32 to vector<20x128xi32>
    %shift_left3A_3738 = arith.shli %xor3A_3734, %shift_left3A_3737 : vector<20x128xi32>
    %shift_right_logical3A_3739 = arith.constant 16 : i32
    %shift_right_logical3A_3740 = vector.broadcast %shift_right_logical3A_3739 : i32 to vector<20x128xi32>
    %shift_right_logical3A_3741 = arith.shrui %xor3A_3734, %shift_right_logical3A_3740 : vector<20x128xi32>
    %or3A_3742 = arith.ori %shift_left3A_3738, %shift_right_logical3A_3741 : vector<20x128xi32>
    %xor3A_3743 = arith.xori %add3A_3735, %or3A_3742 : vector<20x128xi32>
    %add3A_3744 = arith.addi %add3A_3735, %xor3A_3743 : vector<20x128xi32>
    %shift_left3A_3745 = arith.constant 24 : i32
    %shift_left3A_3746 = vector.broadcast %shift_left3A_3745 : i32 to vector<20x128xi32>
    %shift_left3A_3747 = arith.shli %xor3A_3743, %shift_left3A_3746 : vector<20x128xi32>
    %shift_right_logical3A_3748 = arith.constant 8 : i32
    %shift_right_logical3A_3749 = vector.broadcast %shift_right_logical3A_3748 : i32 to vector<20x128xi32>
    %shift_right_logical3A_3750 = arith.shrui %xor3A_3743, %shift_right_logical3A_3749 : vector<20x128xi32>
    %or3A_3751 = arith.ori %shift_left3A_3747, %shift_right_logical3A_3750 : vector<20x128xi32>
    %xor3A_3752 = arith.xori %add3A_3744, %or3A_3751 : vector<20x128xi32>
    %add3A_3753 = arith.constant 466688987 : i32
    %add3A_3754 = vector.broadcast %add3A_3753 : i32 to vector<20x128xi32>
    %add3A_3755 = arith.addi %add3A_3744, %add3A_3754 : vector<20x128xi32>
    %add3A_3756 = arith.constant 0 : i32
    %add3A_3757 = vector.broadcast %add3A_3756 : i32 to vector<20x128xi32>
    %add3A_3758 = arith.addi %xor3A_3752, %add3A_3757 : vector<20x128xi32>
    %add3A_3759 = arith.constant 2 : i32
    %add3A_3760 = vector.broadcast %add3A_3759 : i32 to vector<20x128xi32>
    %add3A_3761 = arith.addi %add3A_3758, %add3A_3760 : vector<20x128xi32>
    %add3A_3762 = arith.addi %add3A_3755, %add3A_3761 : vector<20x128xi32>
    %shift_left3A_3763 = arith.constant 13 : i32
    %shift_left3A_3764 = vector.broadcast %shift_left3A_3763 : i32 to vector<20x128xi32>
    %shift_left3A_3765 = arith.shli %add3A_3761, %shift_left3A_3764 : vector<20x128xi32>
    %shift_right_logical3A_3766 = arith.constant 19 : i32
    %shift_right_logical3A_3767 = vector.broadcast %shift_right_logical3A_3766 : i32 to vector<20x128xi32>
    %shift_right_logical3A_3768 = arith.shrui %add3A_3761, %shift_right_logical3A_3767 : vector<20x128xi32>
    %or3A_3769 = arith.ori %shift_left3A_3765, %shift_right_logical3A_3768 : vector<20x128xi32>
    %xor3A_3770 = arith.xori %add3A_3762, %or3A_3769 : vector<20x128xi32>
    %add3A_3771 = arith.addi %add3A_3762, %xor3A_3770 : vector<20x128xi32>
    %shift_left3A_3772 = arith.constant 15 : i32
    %shift_left3A_3773 = vector.broadcast %shift_left3A_3772 : i32 to vector<20x128xi32>
    %shift_left3A_3774 = arith.shli %xor3A_3770, %shift_left3A_3773 : vector<20x128xi32>
    %shift_right_logical3A_3775 = arith.constant 17 : i32
    %shift_right_logical3A_3776 = vector.broadcast %shift_right_logical3A_3775 : i32 to vector<20x128xi32>
    %shift_right_logical3A_3777 = arith.shrui %xor3A_3770, %shift_right_logical3A_3776 : vector<20x128xi32>
    %or3A_3778 = arith.ori %shift_left3A_3774, %shift_right_logical3A_3777 : vector<20x128xi32>
    %xor3A_3779 = arith.xori %add3A_3771, %or3A_3778 : vector<20x128xi32>
    %add3A_3780 = arith.addi %add3A_3771, %xor3A_3779 : vector<20x128xi32>
    %shift_left3A_3781 = arith.constant 26 : i32
    %shift_left3A_3782 = vector.broadcast %shift_left3A_3781 : i32 to vector<20x128xi32>
    %shift_left3A_3783 = arith.shli %xor3A_3779, %shift_left3A_3782 : vector<20x128xi32>
    %shift_right_logical3A_3784 = arith.constant 6 : i32
    %shift_right_logical3A_3785 = vector.broadcast %shift_right_logical3A_3784 : i32 to vector<20x128xi32>
    %shift_right_logical3A_3786 = arith.shrui %xor3A_3779, %shift_right_logical3A_3785 : vector<20x128xi32>
    %or3A_3787 = arith.ori %shift_left3A_3783, %shift_right_logical3A_3786 : vector<20x128xi32>
    %xor3A_3788 = arith.xori %add3A_3780, %or3A_3787 : vector<20x128xi32>
    %add3A_3789 = arith.addi %add3A_3780, %xor3A_3788 : vector<20x128xi32>
    %shift_left3A_3790 = arith.constant 6 : i32
    %shift_left3A_3791 = vector.broadcast %shift_left3A_3790 : i32 to vector<20x128xi32>
    %shift_left3A_3792 = arith.shli %xor3A_3788, %shift_left3A_3791 : vector<20x128xi32>
    %shift_right_logical3A_3793 = arith.constant 26 : i32
    %shift_right_logical3A_3794 = vector.broadcast %shift_right_logical3A_3793 : i32 to vector<20x128xi32>
    %shift_right_logical3A_3795 = arith.shrui %xor3A_3788, %shift_right_logical3A_3794 : vector<20x128xi32>
    %or3A_3796 = arith.ori %shift_left3A_3792, %shift_right_logical3A_3795 : vector<20x128xi32>
    %xor3A_3797 = arith.xori %add3A_3789, %or3A_3796 : vector<20x128xi32>
    %add3A_3798 = arith.constant 0 : i32
    %add3A_3799 = vector.broadcast %add3A_3798 : i32 to vector<20x128xi32>
    %add3A_3800 = arith.addi %add3A_3789, %add3A_3799 : vector<20x128xi32>
    %add3A_3801 = arith.constant 1 : i32
    %add3A_3802 = vector.broadcast %add3A_3801 : i32 to vector<20x128xi32>
    %add3A_3803 = arith.addi %xor3A_3797, %add3A_3802 : vector<20x128xi32>
    %add3A_3804 = arith.constant 3 : i32
    %add3A_3805 = vector.broadcast %add3A_3804 : i32 to vector<20x128xi32>
    %add3A_3806 = arith.addi %add3A_3803, %add3A_3805 : vector<20x128xi32>
    %add3A_3807 = arith.addi %add3A_3800, %add3A_3806 : vector<20x128xi32>
    %shift_left3A_3808 = arith.constant 17 : i32
    %shift_left3A_3809 = vector.broadcast %shift_left3A_3808 : i32 to vector<20x128xi32>
    %shift_left3A_3810 = arith.shli %add3A_3806, %shift_left3A_3809 : vector<20x128xi32>
    %shift_right_logical3A_3811 = arith.constant 15 : i32
    %shift_right_logical3A_3812 = vector.broadcast %shift_right_logical3A_3811 : i32 to vector<20x128xi32>
    %shift_right_logical3A_3813 = arith.shrui %add3A_3806, %shift_right_logical3A_3812 : vector<20x128xi32>
    %or3A_3814 = arith.ori %shift_left3A_3810, %shift_right_logical3A_3813 : vector<20x128xi32>
    %xor3A_3815 = arith.xori %add3A_3807, %or3A_3814 : vector<20x128xi32>
    %add3A_3816 = arith.addi %add3A_3807, %xor3A_3815 : vector<20x128xi32>
    %shift_left3A_3817 = arith.constant 29 : i32
    %shift_left3A_3818 = vector.broadcast %shift_left3A_3817 : i32 to vector<20x128xi32>
    %shift_left3A_3819 = arith.shli %xor3A_3815, %shift_left3A_3818 : vector<20x128xi32>
    %shift_right_logical3A_3820 = arith.constant 3 : i32
    %shift_right_logical3A_3821 = vector.broadcast %shift_right_logical3A_3820 : i32 to vector<20x128xi32>
    %shift_right_logical3A_3822 = arith.shrui %xor3A_3815, %shift_right_logical3A_3821 : vector<20x128xi32>
    %or3A_3823 = arith.ori %shift_left3A_3819, %shift_right_logical3A_3822 : vector<20x128xi32>
    %xor3A_3824 = arith.xori %add3A_3816, %or3A_3823 : vector<20x128xi32>
    %add3A_3825 = arith.addi %add3A_3816, %xor3A_3824 : vector<20x128xi32>
    %shift_left3A_3826 = arith.constant 16 : i32
    %shift_left3A_3827 = vector.broadcast %shift_left3A_3826 : i32 to vector<20x128xi32>
    %shift_left3A_3828 = arith.shli %xor3A_3824, %shift_left3A_3827 : vector<20x128xi32>
    %shift_right_logical3A_3829 = arith.constant 16 : i32
    %shift_right_logical3A_3830 = vector.broadcast %shift_right_logical3A_3829 : i32 to vector<20x128xi32>
    %shift_right_logical3A_3831 = arith.shrui %xor3A_3824, %shift_right_logical3A_3830 : vector<20x128xi32>
    %or3A_3832 = arith.ori %shift_left3A_3828, %shift_right_logical3A_3831 : vector<20x128xi32>
    %xor3A_3833 = arith.xori %add3A_3825, %or3A_3832 : vector<20x128xi32>
    %add3A_3834 = arith.addi %add3A_3825, %xor3A_3833 : vector<20x128xi32>
    %shift_left3A_3835 = arith.constant 24 : i32
    %shift_left3A_3836 = vector.broadcast %shift_left3A_3835 : i32 to vector<20x128xi32>
    %shift_left3A_3837 = arith.shli %xor3A_3833, %shift_left3A_3836 : vector<20x128xi32>
    %shift_right_logical3A_3838 = arith.constant 8 : i32
    %shift_right_logical3A_3839 = vector.broadcast %shift_right_logical3A_3838 : i32 to vector<20x128xi32>
    %shift_right_logical3A_3840 = arith.shrui %xor3A_3833, %shift_right_logical3A_3839 : vector<20x128xi32>
    %or3A_3841 = arith.ori %shift_left3A_3837, %shift_right_logical3A_3840 : vector<20x128xi32>
    %xor3A_3842 = arith.xori %add3A_3834, %or3A_3841 : vector<20x128xi32>
    %add3A_3843 = arith.constant 1 : i32
    %add3A_3844 = vector.broadcast %add3A_3843 : i32 to vector<20x128xi32>
    %add3A_3845 = arith.addi %add3A_3834, %add3A_3844 : vector<20x128xi32>
    %add3A_3846 = arith.constant 466688987 : i32
    %add3A_3847 = vector.broadcast %add3A_3846 : i32 to vector<20x128xi32>
    %add3A_3848 = arith.addi %xor3A_3842, %add3A_3847 : vector<20x128xi32>
    %add3A_3849 = arith.constant 4 : i32
    %add3A_3850 = vector.broadcast %add3A_3849 : i32 to vector<20x128xi32>
    %add3A_3851 = arith.addi %add3A_3848, %add3A_3850 : vector<20x128xi32>
    %add3A_3852 = arith.addi %add3A_3845, %add3A_3851 : vector<20x128xi32>
    %shift_left3A_3853 = arith.constant 13 : i32
    %shift_left3A_3854 = vector.broadcast %shift_left3A_3853 : i32 to vector<20x128xi32>
    %shift_left3A_3855 = arith.shli %add3A_3851, %shift_left3A_3854 : vector<20x128xi32>
    %shift_right_logical3A_3856 = arith.constant 19 : i32
    %shift_right_logical3A_3857 = vector.broadcast %shift_right_logical3A_3856 : i32 to vector<20x128xi32>
    %shift_right_logical3A_3858 = arith.shrui %add3A_3851, %shift_right_logical3A_3857 : vector<20x128xi32>
    %or3A_3859 = arith.ori %shift_left3A_3855, %shift_right_logical3A_3858 : vector<20x128xi32>
    %xor3A_3860 = arith.xori %add3A_3852, %or3A_3859 : vector<20x128xi32>
    %add3A_3861 = arith.addi %add3A_3852, %xor3A_3860 : vector<20x128xi32>
    %shift_left3A_3862 = arith.constant 15 : i32
    %shift_left3A_3863 = vector.broadcast %shift_left3A_3862 : i32 to vector<20x128xi32>
    %shift_left3A_3864 = arith.shli %xor3A_3860, %shift_left3A_3863 : vector<20x128xi32>
    %shift_right_logical3A_3865 = arith.constant 17 : i32
    %shift_right_logical3A_3866 = vector.broadcast %shift_right_logical3A_3865 : i32 to vector<20x128xi32>
    %shift_right_logical3A_3867 = arith.shrui %xor3A_3860, %shift_right_logical3A_3866 : vector<20x128xi32>
    %or3A_3868 = arith.ori %shift_left3A_3864, %shift_right_logical3A_3867 : vector<20x128xi32>
    %xor3A_3869 = arith.xori %add3A_3861, %or3A_3868 : vector<20x128xi32>
    %add3A_3870 = arith.addi %add3A_3861, %xor3A_3869 : vector<20x128xi32>
    %shift_left3A_3871 = arith.constant 26 : i32
    %shift_left3A_3872 = vector.broadcast %shift_left3A_3871 : i32 to vector<20x128xi32>
    %shift_left3A_3873 = arith.shli %xor3A_3869, %shift_left3A_3872 : vector<20x128xi32>
    %shift_right_logical3A_3874 = arith.constant 6 : i32
    %shift_right_logical3A_3875 = vector.broadcast %shift_right_logical3A_3874 : i32 to vector<20x128xi32>
    %shift_right_logical3A_3876 = arith.shrui %xor3A_3869, %shift_right_logical3A_3875 : vector<20x128xi32>
    %or3A_3877 = arith.ori %shift_left3A_3873, %shift_right_logical3A_3876 : vector<20x128xi32>
    %xor3A_3878 = arith.xori %add3A_3870, %or3A_3877 : vector<20x128xi32>
    %add3A_3879 = arith.addi %add3A_3870, %xor3A_3878 : vector<20x128xi32>
    %shift_left3A_3880 = arith.constant 6 : i32
    %shift_left3A_3881 = vector.broadcast %shift_left3A_3880 : i32 to vector<20x128xi32>
    %shift_left3A_3882 = arith.shli %xor3A_3878, %shift_left3A_3881 : vector<20x128xi32>
    %shift_right_logical3A_3883 = arith.constant 26 : i32
    %shift_right_logical3A_3884 = vector.broadcast %shift_right_logical3A_3883 : i32 to vector<20x128xi32>
    %shift_right_logical3A_3885 = arith.shrui %xor3A_3878, %shift_right_logical3A_3884 : vector<20x128xi32>
    %or3A_3886 = arith.ori %shift_left3A_3882, %shift_right_logical3A_3885 : vector<20x128xi32>
    %xor3A_3887 = arith.xori %add3A_3879, %or3A_3886 : vector<20x128xi32>
    %add3A_3888 = arith.constant 466688987 : i32
    %add3A_3889 = vector.broadcast %add3A_3888 : i32 to vector<20x128xi32>
    %add3A_3890 = arith.addi %add3A_3879, %add3A_3889 : vector<20x128xi32>
    %add3A_3891 = arith.constant 0 : i32
    %add3A_3892 = vector.broadcast %add3A_3891 : i32 to vector<20x128xi32>
    %add3A_3893 = arith.addi %xor3A_3887, %add3A_3892 : vector<20x128xi32>
    %add3A_3894 = arith.constant 5 : i32
    %add3A_3895 = vector.broadcast %add3A_3894 : i32 to vector<20x128xi32>
    %add3A_3896 = arith.addi %add3A_3893, %add3A_3895 : vector<20x128xi32>
    %xor3A_3897 = arith.xori %add3A_3890, %add3A_3896 : vector<20x128xi32>
    %shift_right_logical3A_3898 = arith.constant 9 : i32
    %shift_right_logical3A_3899 = vector.broadcast %shift_right_logical3A_3898 : i32 to vector<20x128xi32>
    %shift_right_logical3A_3900 = arith.shrui %xor3A_3897, %shift_right_logical3A_3899 : vector<20x128xi32>
    %or3A_3901 = arith.constant 1065353216 : i32
    %or3A_3902 = vector.broadcast %or3A_3901 : i32 to vector<20x128xi32>
    %or3A_3903 = arith.ori %shift_right_logical3A_3900, %or3A_3902 : vector<20x128xi32>
    %bitcast_convert_type3A_3904 = tpu.bitcast %or3A_3903 : vector<20x128xi32> -> vector<20x128xf32>
    %sub3A_3905 = arith.constant 1.000000e+00 : f32
    %sub3A_3906 = vector.broadcast %sub3A_3905 : f32 to vector<20x128xf32>
    %sub3A_3907 = arith.subf %bitcast_convert_type3A_3904, %sub3A_3906 : vector<20x128xf32>
    %add3A_3908 = arith.constant 1.17549435E-38 : f32
    %add3A_3909 = vector.broadcast %add3A_3908 : f32 to vector<20x128xf32>
    %add3A_3910 = arith.addf %sub3A_3907, %add3A_3909 : vector<20x128xf32>
    %max3A_3911 = arith.constant 1.17549435E-38 : f32
    %max3A_3912 = vector.broadcast %max3A_3911 : f32 to vector<20x128xf32>
    %max3A_3913 = arith.maximumf %max3A_3912, %add3A_3910 : vector<20x128xf32>
    %log3A_3914 = math.log %max3A_3913 : vector<20x128xf32>
    %neg3A_3915 = arith.constant 0.000000e+00 : f32
    %neg3A_3916 = vector.broadcast %neg3A_3915 : f32 to vector<20x128xf32>
    %neg3A_3917 = arith.subf %neg3A_3916, %log3A_3914 : vector<20x128xf32>
    %log3A_3918 = math.log %neg3A_3917 : vector<20x128xf32>
    %neg3A_3919 = arith.constant 0.000000e+00 : f32
    %neg3A_3920 = vector.broadcast %neg3A_3919 : f32 to vector<20x128xf32>
    %neg3A_3921 = arith.subf %neg3A_3920, %log3A_3918 : vector<20x128xf32>
    %add3A_3922 = arith.addf %log3A_3662, %neg3A_3921 : vector<20x128xf32>
    %argmax3A_3923 = tpu.reduce_index %add3A_3922 {axis = 0 : i32, kind = #tpu.reduction_kind<arg_max>} : vector<20x128xf32> -> vector<128xi32>
    %swap3A_3924 = arith.constant 12 : index
    %swap3A_3925 = arith.constant 0 : index
    %swap3A_3926 = vector.load %arg6[%swap3A_3924, %swap3A_3925] : memref<16x128xi32, #tpu.memory_space<vmem>>, vector<1x128xi32>
    %swap3A_3927 = vector.shape_cast %swap3A_3926 : vector<1x128xi32> to vector<128xi32>
    %swap3A_3928 = vector.shape_cast %argmax3A_3923 : vector<128xi32> to vector<1x128xi32>
    tpu.vector_store %arg6[%swap3A_3924, %swap3A_3925], %swap3A_3928 {strides = array<i32>} : memref<16x128xi32, #tpu.memory_space<vmem>>, vector<1x128xi32>,
    %get3A_3929 = arith.constant 13 : index
    %get3A_3930 = arith.constant 0 : index
    %get3A_3931 = vector.load %arg3[%get3A_3929, %get3A_3930] : memref<16x128xi32, #tpu.memory_space<vmem>>, vector<1x128xi32>
    %get3A_3932 = vector.shape_cast %get3A_3931 : vector<1x128xi32> to vector<128xi32>
    %broadcast_in_dim3A_3933 = vector.shape_cast %get3A_3932 : vector<128xi32> to vector<1x128xi32>
    %broadcast_in_dim3A_3934 = vector.shape_cast %broadcast_in_dim3A_3933 : vector<1x128xi32> to vector<1x128xi32>
    %broadcast_in_dim3A_3935 = vector.broadcast %broadcast_in_dim3A_3934 : vector<1x128xi32> to vector<20x128xi32>
    %get3A_3936 = arith.constant 13 : index
    %get3A_3937 = arith.constant 0 : index
    %get3A_3938 = vector.load %arg4[%get3A_3936, %get3A_3937] : memref<16x128xi32, #tpu.memory_space<vmem>>, vector<1x128xi32>
    %get3A_3939 = vector.shape_cast %get3A_3938 : vector<1x128xi32> to vector<128xi32>
    %broadcast_in_dim3A_3940 = vector.shape_cast %get3A_3939 : vector<128xi32> to vector<1x128xi32>
    %broadcast_in_dim3A_3941 = vector.shape_cast %broadcast_in_dim3A_3940 : vector<1x128xi32> to vector<1x128xi32>
    %broadcast_in_dim3A_3942 = vector.broadcast %broadcast_in_dim3A_3941 : vector<1x128xi32> to vector<20x128xi32>
    %ne3A_3943 = arith.constant 0 : i32
    %ne3A_3944 = vector.broadcast %ne3A_3943 : i32 to vector<20x128xi32>
    %ne3A_3945 = arith.cmpi ne, %broadcast_in_dim3A_3942, %ne3A_3944 : vector<20x128xi32>
    %eq3A_3946 = arith.cmpi eq, %broadcast_in_dim3A_3935, %iota3A : vector<20x128xi32>
    %broadcast_in_dim3A_3947 = vector.broadcast %add3A : f32 to vector<20x128xf32>
    %broadcast_in_dim3A_3948 = vector.broadcast %div3A_22 : f32 to vector<20x128xf32>
    %select_n3A_3949 = arith.select %eq3A_3946, %broadcast_in_dim3A_3947, %broadcast_in_dim3A_3948 : vector<20x128xi1>, vector<20x128xf32>
    %jit3A_3950 = arith.constant 1.000000e+00 : f32
    %jit3A_3951 = arith.constant 0.000000e+00 : f32
    %broadcast_in_dim3A_3952 = vector.broadcast %jit3A_3950 : f32 to vector<20x128xf32>
    %broadcast_in_dim3A_3953 = vector.broadcast %jit3A_3951 : f32 to vector<20x128xf32>
    %select_n3A_3954 = arith.select %eq3A_3946, %broadcast_in_dim3A_3952, %broadcast_in_dim3A_3953 : vector<20x128xi1>, vector<20x128xf32>
    %select_n3A_3955 = arith.select %ne3A_3945, %select_n3A_3949, %select_n3A_3954 : vector<20x128xi1>, vector<20x128xf32>
    %transpose3A_3956 = tpu.transpose %select_n3A_3955, [1, 0] : vector<20x128xf32> -> vector<128x20xf32>
    %swap3A_3957 = arith.constant 1664 : index
    %swap3A_3958 = arith.constant 0 : index
    %swap3A_3959 = vector.load %arg5[%swap3A_3957, %swap3A_3958] : memref<2048x20xf32, #tpu.memory_space<vmem>>, vector<128x20xf32>
    tpu.vector_store %arg5[%swap3A_3957, %swap3A_3958], %transpose3A_3956 {strides = array<i32>} : memref<2048x20xf32, #tpu.memory_space<vmem>>, vector<128x20xf32>,
    %add3A_3960 = arith.constant 9.99999993E-9 : f32
    %add3A_3961 = vector.broadcast %add3A_3960 : f32 to vector<20x128xf32>
    %add3A_3962 = arith.addf %select_n3A_3955, %add3A_3961 : vector<20x128xf32>
    %log3A_3963 = math.log %add3A_3962 : vector<20x128xf32>
    %add3A_3964 = arith.constant 33280 : i32
    %add3A_3965 = arith.addi %mul3A_28, %add3A_3964 : i32
    %add3A_3966 = vector.broadcast %add3A_3965 : i32 to vector<20x128xi32>
    %add3A_3967 = arith.addi %add3A_3966, %add3A_26 : vector<20x128xi32>
    %broadcast_in_dim3A_3968 = arith.constant 0 : i32
    %broadcast_in_dim3A_3969 = vector.broadcast %broadcast_in_dim3A_3968 : i32 to vector<20x128xi32>
    %add3A_3970 = arith.constant 1 : i32
    %add3A_3971 = vector.broadcast %add3A_3970 : i32 to vector<20x128xi32>
    %add3A_3972 = arith.addi %add3A_3967, %add3A_3971 : vector<20x128xi32>
    %add3A_3973 = arith.addi %broadcast_in_dim3A_3969, %add3A_3972 : vector<20x128xi32>
    %shift_left3A_3974 = arith.constant 13 : i32
    %shift_left3A_3975 = vector.broadcast %shift_left3A_3974 : i32 to vector<20x128xi32>
    %shift_left3A_3976 = arith.shli %add3A_3972, %shift_left3A_3975 : vector<20x128xi32>
    %shift_right_logical3A_3977 = arith.constant 19 : i32
    %shift_right_logical3A_3978 = vector.broadcast %shift_right_logical3A_3977 : i32 to vector<20x128xi32>
    %shift_right_logical3A_3979 = arith.shrui %add3A_3972, %shift_right_logical3A_3978 : vector<20x128xi32>
    %or3A_3980 = arith.ori %shift_left3A_3976, %shift_right_logical3A_3979 : vector<20x128xi32>
    %xor3A_3981 = arith.xori %add3A_3973, %or3A_3980 : vector<20x128xi32>
    %add3A_3982 = arith.addi %add3A_3973, %xor3A_3981 : vector<20x128xi32>
    %shift_left3A_3983 = arith.constant 15 : i32
    %shift_left3A_3984 = vector.broadcast %shift_left3A_3983 : i32 to vector<20x128xi32>
    %shift_left3A_3985 = arith.shli %xor3A_3981, %shift_left3A_3984 : vector<20x128xi32>
    %shift_right_logical3A_3986 = arith.constant 17 : i32
    %shift_right_logical3A_3987 = vector.broadcast %shift_right_logical3A_3986 : i32 to vector<20x128xi32>
    %shift_right_logical3A_3988 = arith.shrui %xor3A_3981, %shift_right_logical3A_3987 : vector<20x128xi32>
    %or3A_3989 = arith.ori %shift_left3A_3985, %shift_right_logical3A_3988 : vector<20x128xi32>
    %xor3A_3990 = arith.xori %add3A_3982, %or3A_3989 : vector<20x128xi32>
    %add3A_3991 = arith.addi %add3A_3982, %xor3A_3990 : vector<20x128xi32>
    %shift_left3A_3992 = arith.constant 26 : i32
    %shift_left3A_3993 = vector.broadcast %shift_left3A_3992 : i32 to vector<20x128xi32>
    %shift_left3A_3994 = arith.shli %xor3A_3990, %shift_left3A_3993 : vector<20x128xi32>
    %shift_right_logical3A_3995 = arith.constant 6 : i32
    %shift_right_logical3A_3996 = vector.broadcast %shift_right_logical3A_3995 : i32 to vector<20x128xi32>
    %shift_right_logical3A_3997 = arith.shrui %xor3A_3990, %shift_right_logical3A_3996 : vector<20x128xi32>
    %or3A_3998 = arith.ori %shift_left3A_3994, %shift_right_logical3A_3997 : vector<20x128xi32>
    %xor3A_3999 = arith.xori %add3A_3991, %or3A_3998 : vector<20x128xi32>
    %add3A_4000 = arith.addi %add3A_3991, %xor3A_3999 : vector<20x128xi32>
    %shift_left3A_4001 = arith.constant 6 : i32
    %shift_left3A_4002 = vector.broadcast %shift_left3A_4001 : i32 to vector<20x128xi32>
    %shift_left3A_4003 = arith.shli %xor3A_3999, %shift_left3A_4002 : vector<20x128xi32>
    %shift_right_logical3A_4004 = arith.constant 26 : i32
    %shift_right_logical3A_4005 = vector.broadcast %shift_right_logical3A_4004 : i32 to vector<20x128xi32>
    %shift_right_logical3A_4006 = arith.shrui %xor3A_3999, %shift_right_logical3A_4005 : vector<20x128xi32>
    %or3A_4007 = arith.ori %shift_left3A_4003, %shift_right_logical3A_4006 : vector<20x128xi32>
    %xor3A_4008 = arith.xori %add3A_4000, %or3A_4007 : vector<20x128xi32>
    %add3A_4009 = arith.constant 1 : i32
    %add3A_4010 = vector.broadcast %add3A_4009 : i32 to vector<20x128xi32>
    %add3A_4011 = arith.addi %add3A_4000, %add3A_4010 : vector<20x128xi32>
    %add3A_4012 = arith.constant 466688987 : i32
    %add3A_4013 = vector.broadcast %add3A_4012 : i32 to vector<20x128xi32>
    %add3A_4014 = arith.addi %xor3A_4008, %add3A_4013 : vector<20x128xi32>
    %add3A_4015 = arith.constant 1 : i32
    %add3A_4016 = vector.broadcast %add3A_4015 : i32 to vector<20x128xi32>
    %add3A_4017 = arith.addi %add3A_4014, %add3A_4016 : vector<20x128xi32>
    %add3A_4018 = arith.addi %add3A_4011, %add3A_4017 : vector<20x128xi32>
    %shift_left3A_4019 = arith.constant 17 : i32
    %shift_left3A_4020 = vector.broadcast %shift_left3A_4019 : i32 to vector<20x128xi32>
    %shift_left3A_4021 = arith.shli %add3A_4017, %shift_left3A_4020 : vector<20x128xi32>
    %shift_right_logical3A_4022 = arith.constant 15 : i32
    %shift_right_logical3A_4023 = vector.broadcast %shift_right_logical3A_4022 : i32 to vector<20x128xi32>
    %shift_right_logical3A_4024 = arith.shrui %add3A_4017, %shift_right_logical3A_4023 : vector<20x128xi32>
    %or3A_4025 = arith.ori %shift_left3A_4021, %shift_right_logical3A_4024 : vector<20x128xi32>
    %xor3A_4026 = arith.xori %add3A_4018, %or3A_4025 : vector<20x128xi32>
    %add3A_4027 = arith.addi %add3A_4018, %xor3A_4026 : vector<20x128xi32>
    %shift_left3A_4028 = arith.constant 29 : i32
    %shift_left3A_4029 = vector.broadcast %shift_left3A_4028 : i32 to vector<20x128xi32>
    %shift_left3A_4030 = arith.shli %xor3A_4026, %shift_left3A_4029 : vector<20x128xi32>
    %shift_right_logical3A_4031 = arith.constant 3 : i32
    %shift_right_logical3A_4032 = vector.broadcast %shift_right_logical3A_4031 : i32 to vector<20x128xi32>
    %shift_right_logical3A_4033 = arith.shrui %xor3A_4026, %shift_right_logical3A_4032 : vector<20x128xi32>
    %or3A_4034 = arith.ori %shift_left3A_4030, %shift_right_logical3A_4033 : vector<20x128xi32>
    %xor3A_4035 = arith.xori %add3A_4027, %or3A_4034 : vector<20x128xi32>
    %add3A_4036 = arith.addi %add3A_4027, %xor3A_4035 : vector<20x128xi32>
    %shift_left3A_4037 = arith.constant 16 : i32
    %shift_left3A_4038 = vector.broadcast %shift_left3A_4037 : i32 to vector<20x128xi32>
    %shift_left3A_4039 = arith.shli %xor3A_4035, %shift_left3A_4038 : vector<20x128xi32>
    %shift_right_logical3A_4040 = arith.constant 16 : i32
    %shift_right_logical3A_4041 = vector.broadcast %shift_right_logical3A_4040 : i32 to vector<20x128xi32>
    %shift_right_logical3A_4042 = arith.shrui %xor3A_4035, %shift_right_logical3A_4041 : vector<20x128xi32>
    %or3A_4043 = arith.ori %shift_left3A_4039, %shift_right_logical3A_4042 : vector<20x128xi32>
    %xor3A_4044 = arith.xori %add3A_4036, %or3A_4043 : vector<20x128xi32>
    %add3A_4045 = arith.addi %add3A_4036, %xor3A_4044 : vector<20x128xi32>
    %shift_left3A_4046 = arith.constant 24 : i32
    %shift_left3A_4047 = vector.broadcast %shift_left3A_4046 : i32 to vector<20x128xi32>
    %shift_left3A_4048 = arith.shli %xor3A_4044, %shift_left3A_4047 : vector<20x128xi32>
    %shift_right_logical3A_4049 = arith.constant 8 : i32
    %shift_right_logical3A_4050 = vector.broadcast %shift_right_logical3A_4049 : i32 to vector<20x128xi32>
    %shift_right_logical3A_4051 = arith.shrui %xor3A_4044, %shift_right_logical3A_4050 : vector<20x128xi32>
    %or3A_4052 = arith.ori %shift_left3A_4048, %shift_right_logical3A_4051 : vector<20x128xi32>
    %xor3A_4053 = arith.xori %add3A_4045, %or3A_4052 : vector<20x128xi32>
    %add3A_4054 = arith.constant 466688987 : i32
    %add3A_4055 = vector.broadcast %add3A_4054 : i32 to vector<20x128xi32>
    %add3A_4056 = arith.addi %add3A_4045, %add3A_4055 : vector<20x128xi32>
    %add3A_4057 = arith.constant 0 : i32
    %add3A_4058 = vector.broadcast %add3A_4057 : i32 to vector<20x128xi32>
    %add3A_4059 = arith.addi %xor3A_4053, %add3A_4058 : vector<20x128xi32>
    %add3A_4060 = arith.constant 2 : i32
    %add3A_4061 = vector.broadcast %add3A_4060 : i32 to vector<20x128xi32>
    %add3A_4062 = arith.addi %add3A_4059, %add3A_4061 : vector<20x128xi32>
    %add3A_4063 = arith.addi %add3A_4056, %add3A_4062 : vector<20x128xi32>
    %shift_left3A_4064 = arith.constant 13 : i32
    %shift_left3A_4065 = vector.broadcast %shift_left3A_4064 : i32 to vector<20x128xi32>
    %shift_left3A_4066 = arith.shli %add3A_4062, %shift_left3A_4065 : vector<20x128xi32>
    %shift_right_logical3A_4067 = arith.constant 19 : i32
    %shift_right_logical3A_4068 = vector.broadcast %shift_right_logical3A_4067 : i32 to vector<20x128xi32>
    %shift_right_logical3A_4069 = arith.shrui %add3A_4062, %shift_right_logical3A_4068 : vector<20x128xi32>
    %or3A_4070 = arith.ori %shift_left3A_4066, %shift_right_logical3A_4069 : vector<20x128xi32>
    %xor3A_4071 = arith.xori %add3A_4063, %or3A_4070 : vector<20x128xi32>
    %add3A_4072 = arith.addi %add3A_4063, %xor3A_4071 : vector<20x128xi32>
    %shift_left3A_4073 = arith.constant 15 : i32
    %shift_left3A_4074 = vector.broadcast %shift_left3A_4073 : i32 to vector<20x128xi32>
    %shift_left3A_4075 = arith.shli %xor3A_4071, %shift_left3A_4074 : vector<20x128xi32>
    %shift_right_logical3A_4076 = arith.constant 17 : i32
    %shift_right_logical3A_4077 = vector.broadcast %shift_right_logical3A_4076 : i32 to vector<20x128xi32>
    %shift_right_logical3A_4078 = arith.shrui %xor3A_4071, %shift_right_logical3A_4077 : vector<20x128xi32>
    %or3A_4079 = arith.ori %shift_left3A_4075, %shift_right_logical3A_4078 : vector<20x128xi32>
    %xor3A_4080 = arith.xori %add3A_4072, %or3A_4079 : vector<20x128xi32>
    %add3A_4081 = arith.addi %add3A_4072, %xor3A_4080 : vector<20x128xi32>
    %shift_left3A_4082 = arith.constant 26 : i32
    %shift_left3A_4083 = vector.broadcast %shift_left3A_4082 : i32 to vector<20x128xi32>
    %shift_left3A_4084 = arith.shli %xor3A_4080, %shift_left3A_4083 : vector<20x128xi32>
    %shift_right_logical3A_4085 = arith.constant 6 : i32
    %shift_right_logical3A_4086 = vector.broadcast %shift_right_logical3A_4085 : i32 to vector<20x128xi32>
    %shift_right_logical3A_4087 = arith.shrui %xor3A_4080, %shift_right_logical3A_4086 : vector<20x128xi32>
    %or3A_4088 = arith.ori %shift_left3A_4084, %shift_right_logical3A_4087 : vector<20x128xi32>
    %xor3A_4089 = arith.xori %add3A_4081, %or3A_4088 : vector<20x128xi32>
    %add3A_4090 = arith.addi %add3A_4081, %xor3A_4089 : vector<20x128xi32>
    %shift_left3A_4091 = arith.constant 6 : i32
    %shift_left3A_4092 = vector.broadcast %shift_left3A_4091 : i32 to vector<20x128xi32>
    %shift_left3A_4093 = arith.shli %xor3A_4089, %shift_left3A_4092 : vector<20x128xi32>
    %shift_right_logical3A_4094 = arith.constant 26 : i32
    %shift_right_logical3A_4095 = vector.broadcast %shift_right_logical3A_4094 : i32 to vector<20x128xi32>
    %shift_right_logical3A_4096 = arith.shrui %xor3A_4089, %shift_right_logical3A_4095 : vector<20x128xi32>
    %or3A_4097 = arith.ori %shift_left3A_4093, %shift_right_logical3A_4096 : vector<20x128xi32>
    %xor3A_4098 = arith.xori %add3A_4090, %or3A_4097 : vector<20x128xi32>
    %add3A_4099 = arith.constant 0 : i32
    %add3A_4100 = vector.broadcast %add3A_4099 : i32 to vector<20x128xi32>
    %add3A_4101 = arith.addi %add3A_4090, %add3A_4100 : vector<20x128xi32>
    %add3A_4102 = arith.constant 1 : i32
    %add3A_4103 = vector.broadcast %add3A_4102 : i32 to vector<20x128xi32>
    %add3A_4104 = arith.addi %xor3A_4098, %add3A_4103 : vector<20x128xi32>
    %add3A_4105 = arith.constant 3 : i32
    %add3A_4106 = vector.broadcast %add3A_4105 : i32 to vector<20x128xi32>
    %add3A_4107 = arith.addi %add3A_4104, %add3A_4106 : vector<20x128xi32>
    %add3A_4108 = arith.addi %add3A_4101, %add3A_4107 : vector<20x128xi32>
    %shift_left3A_4109 = arith.constant 17 : i32
    %shift_left3A_4110 = vector.broadcast %shift_left3A_4109 : i32 to vector<20x128xi32>
    %shift_left3A_4111 = arith.shli %add3A_4107, %shift_left3A_4110 : vector<20x128xi32>
    %shift_right_logical3A_4112 = arith.constant 15 : i32
    %shift_right_logical3A_4113 = vector.broadcast %shift_right_logical3A_4112 : i32 to vector<20x128xi32>
    %shift_right_logical3A_4114 = arith.shrui %add3A_4107, %shift_right_logical3A_4113 : vector<20x128xi32>
    %or3A_4115 = arith.ori %shift_left3A_4111, %shift_right_logical3A_4114 : vector<20x128xi32>
    %xor3A_4116 = arith.xori %add3A_4108, %or3A_4115 : vector<20x128xi32>
    %add3A_4117 = arith.addi %add3A_4108, %xor3A_4116 : vector<20x128xi32>
    %shift_left3A_4118 = arith.constant 29 : i32
    %shift_left3A_4119 = vector.broadcast %shift_left3A_4118 : i32 to vector<20x128xi32>
    %shift_left3A_4120 = arith.shli %xor3A_4116, %shift_left3A_4119 : vector<20x128xi32>
    %shift_right_logical3A_4121 = arith.constant 3 : i32
    %shift_right_logical3A_4122 = vector.broadcast %shift_right_logical3A_4121 : i32 to vector<20x128xi32>
    %shift_right_logical3A_4123 = arith.shrui %xor3A_4116, %shift_right_logical3A_4122 : vector<20x128xi32>
    %or3A_4124 = arith.ori %shift_left3A_4120, %shift_right_logical3A_4123 : vector<20x128xi32>
    %xor3A_4125 = arith.xori %add3A_4117, %or3A_4124 : vector<20x128xi32>
    %add3A_4126 = arith.addi %add3A_4117, %xor3A_4125 : vector<20x128xi32>
    %shift_left3A_4127 = arith.constant 16 : i32
    %shift_left3A_4128 = vector.broadcast %shift_left3A_4127 : i32 to vector<20x128xi32>
    %shift_left3A_4129 = arith.shli %xor3A_4125, %shift_left3A_4128 : vector<20x128xi32>
    %shift_right_logical3A_4130 = arith.constant 16 : i32
    %shift_right_logical3A_4131 = vector.broadcast %shift_right_logical3A_4130 : i32 to vector<20x128xi32>
    %shift_right_logical3A_4132 = arith.shrui %xor3A_4125, %shift_right_logical3A_4131 : vector<20x128xi32>
    %or3A_4133 = arith.ori %shift_left3A_4129, %shift_right_logical3A_4132 : vector<20x128xi32>
    %xor3A_4134 = arith.xori %add3A_4126, %or3A_4133 : vector<20x128xi32>
    %add3A_4135 = arith.addi %add3A_4126, %xor3A_4134 : vector<20x128xi32>
    %shift_left3A_4136 = arith.constant 24 : i32
    %shift_left3A_4137 = vector.broadcast %shift_left3A_4136 : i32 to vector<20x128xi32>
    %shift_left3A_4138 = arith.shli %xor3A_4134, %shift_left3A_4137 : vector<20x128xi32>
    %shift_right_logical3A_4139 = arith.constant 8 : i32
    %shift_right_logical3A_4140 = vector.broadcast %shift_right_logical3A_4139 : i32 to vector<20x128xi32>
    %shift_right_logical3A_4141 = arith.shrui %xor3A_4134, %shift_right_logical3A_4140 : vector<20x128xi32>
    %or3A_4142 = arith.ori %shift_left3A_4138, %shift_right_logical3A_4141 : vector<20x128xi32>
    %xor3A_4143 = arith.xori %add3A_4135, %or3A_4142 : vector<20x128xi32>
    %add3A_4144 = arith.constant 1 : i32
    %add3A_4145 = vector.broadcast %add3A_4144 : i32 to vector<20x128xi32>
    %add3A_4146 = arith.addi %add3A_4135, %add3A_4145 : vector<20x128xi32>
    %add3A_4147 = arith.constant 466688987 : i32
    %add3A_4148 = vector.broadcast %add3A_4147 : i32 to vector<20x128xi32>
    %add3A_4149 = arith.addi %xor3A_4143, %add3A_4148 : vector<20x128xi32>
    %add3A_4150 = arith.constant 4 : i32
    %add3A_4151 = vector.broadcast %add3A_4150 : i32 to vector<20x128xi32>
    %add3A_4152 = arith.addi %add3A_4149, %add3A_4151 : vector<20x128xi32>
    %add3A_4153 = arith.addi %add3A_4146, %add3A_4152 : vector<20x128xi32>
    %shift_left3A_4154 = arith.constant 13 : i32
    %shift_left3A_4155 = vector.broadcast %shift_left3A_4154 : i32 to vector<20x128xi32>
    %shift_left3A_4156 = arith.shli %add3A_4152, %shift_left3A_4155 : vector<20x128xi32>
    %shift_right_logical3A_4157 = arith.constant 19 : i32
    %shift_right_logical3A_4158 = vector.broadcast %shift_right_logical3A_4157 : i32 to vector<20x128xi32>
    %shift_right_logical3A_4159 = arith.shrui %add3A_4152, %shift_right_logical3A_4158 : vector<20x128xi32>
    %or3A_4160 = arith.ori %shift_left3A_4156, %shift_right_logical3A_4159 : vector<20x128xi32>
    %xor3A_4161 = arith.xori %add3A_4153, %or3A_4160 : vector<20x128xi32>
    %add3A_4162 = arith.addi %add3A_4153, %xor3A_4161 : vector<20x128xi32>
    %shift_left3A_4163 = arith.constant 15 : i32
    %shift_left3A_4164 = vector.broadcast %shift_left3A_4163 : i32 to vector<20x128xi32>
    %shift_left3A_4165 = arith.shli %xor3A_4161, %shift_left3A_4164 : vector<20x128xi32>
    %shift_right_logical3A_4166 = arith.constant 17 : i32
    %shift_right_logical3A_4167 = vector.broadcast %shift_right_logical3A_4166 : i32 to vector<20x128xi32>
    %shift_right_logical3A_4168 = arith.shrui %xor3A_4161, %shift_right_logical3A_4167 : vector<20x128xi32>
    %or3A_4169 = arith.ori %shift_left3A_4165, %shift_right_logical3A_4168 : vector<20x128xi32>
    %xor3A_4170 = arith.xori %add3A_4162, %or3A_4169 : vector<20x128xi32>
    %add3A_4171 = arith.addi %add3A_4162, %xor3A_4170 : vector<20x128xi32>
    %shift_left3A_4172 = arith.constant 26 : i32
    %shift_left3A_4173 = vector.broadcast %shift_left3A_4172 : i32 to vector<20x128xi32>
    %shift_left3A_4174 = arith.shli %xor3A_4170, %shift_left3A_4173 : vector<20x128xi32>
    %shift_right_logical3A_4175 = arith.constant 6 : i32
    %shift_right_logical3A_4176 = vector.broadcast %shift_right_logical3A_4175 : i32 to vector<20x128xi32>
    %shift_right_logical3A_4177 = arith.shrui %xor3A_4170, %shift_right_logical3A_4176 : vector<20x128xi32>
    %or3A_4178 = arith.ori %shift_left3A_4174, %shift_right_logical3A_4177 : vector<20x128xi32>
    %xor3A_4179 = arith.xori %add3A_4171, %or3A_4178 : vector<20x128xi32>
    %add3A_4180 = arith.addi %add3A_4171, %xor3A_4179 : vector<20x128xi32>
    %shift_left3A_4181 = arith.constant 6 : i32
    %shift_left3A_4182 = vector.broadcast %shift_left3A_4181 : i32 to vector<20x128xi32>
    %shift_left3A_4183 = arith.shli %xor3A_4179, %shift_left3A_4182 : vector<20x128xi32>
    %shift_right_logical3A_4184 = arith.constant 26 : i32
    %shift_right_logical3A_4185 = vector.broadcast %shift_right_logical3A_4184 : i32 to vector<20x128xi32>
    %shift_right_logical3A_4186 = arith.shrui %xor3A_4179, %shift_right_logical3A_4185 : vector<20x128xi32>
    %or3A_4187 = arith.ori %shift_left3A_4183, %shift_right_logical3A_4186 : vector<20x128xi32>
    %xor3A_4188 = arith.xori %add3A_4180, %or3A_4187 : vector<20x128xi32>
    %add3A_4189 = arith.constant 466688987 : i32
    %add3A_4190 = vector.broadcast %add3A_4189 : i32 to vector<20x128xi32>
    %add3A_4191 = arith.addi %add3A_4180, %add3A_4190 : vector<20x128xi32>
    %add3A_4192 = arith.constant 0 : i32
    %add3A_4193 = vector.broadcast %add3A_4192 : i32 to vector<20x128xi32>
    %add3A_4194 = arith.addi %xor3A_4188, %add3A_4193 : vector<20x128xi32>
    %add3A_4195 = arith.constant 5 : i32
    %add3A_4196 = vector.broadcast %add3A_4195 : i32 to vector<20x128xi32>
    %add3A_4197 = arith.addi %add3A_4194, %add3A_4196 : vector<20x128xi32>
    %xor3A_4198 = arith.xori %add3A_4191, %add3A_4197 : vector<20x128xi32>
    %shift_right_logical3A_4199 = arith.constant 9 : i32
    %shift_right_logical3A_4200 = vector.broadcast %shift_right_logical3A_4199 : i32 to vector<20x128xi32>
    %shift_right_logical3A_4201 = arith.shrui %xor3A_4198, %shift_right_logical3A_4200 : vector<20x128xi32>
    %or3A_4202 = arith.constant 1065353216 : i32
    %or3A_4203 = vector.broadcast %or3A_4202 : i32 to vector<20x128xi32>
    %or3A_4204 = arith.ori %shift_right_logical3A_4201, %or3A_4203 : vector<20x128xi32>
    %bitcast_convert_type3A_4205 = tpu.bitcast %or3A_4204 : vector<20x128xi32> -> vector<20x128xf32>
    %sub3A_4206 = arith.constant 1.000000e+00 : f32
    %sub3A_4207 = vector.broadcast %sub3A_4206 : f32 to vector<20x128xf32>
    %sub3A_4208 = arith.subf %bitcast_convert_type3A_4205, %sub3A_4207 : vector<20x128xf32>
    %add3A_4209 = arith.constant 1.17549435E-38 : f32
    %add3A_4210 = vector.broadcast %add3A_4209 : f32 to vector<20x128xf32>
    %add3A_4211 = arith.addf %sub3A_4208, %add3A_4210 : vector<20x128xf32>
    %max3A_4212 = arith.constant 1.17549435E-38 : f32
    %max3A_4213 = vector.broadcast %max3A_4212 : f32 to vector<20x128xf32>
    %max3A_4214 = arith.maximumf %max3A_4213, %add3A_4211 : vector<20x128xf32>
    %log3A_4215 = math.log %max3A_4214 : vector<20x128xf32>
    %neg3A_4216 = arith.constant 0.000000e+00 : f32
    %neg3A_4217 = vector.broadcast %neg3A_4216 : f32 to vector<20x128xf32>
    %neg3A_4218 = arith.subf %neg3A_4217, %log3A_4215 : vector<20x128xf32>
    %log3A_4219 = math.log %neg3A_4218 : vector<20x128xf32>
    %neg3A_4220 = arith.constant 0.000000e+00 : f32
    %neg3A_4221 = vector.broadcast %neg3A_4220 : f32 to vector<20x128xf32>
    %neg3A_4222 = arith.subf %neg3A_4221, %log3A_4219 : vector<20x128xf32>
    %add3A_4223 = arith.addf %log3A_3963, %neg3A_4222 : vector<20x128xf32>
    %argmax3A_4224 = tpu.reduce_index %add3A_4223 {axis = 0 : i32, kind = #tpu.reduction_kind<arg_max>} : vector<20x128xf32> -> vector<128xi32>
    %swap3A_4225 = arith.constant 13 : index
    %swap3A_4226 = arith.constant 0 : index
    %swap3A_4227 = vector.load %arg6[%swap3A_4225, %swap3A_4226] : memref<16x128xi32, #tpu.memory_space<vmem>>, vector<1x128xi32>
    %swap3A_4228 = vector.shape_cast %swap3A_4227 : vector<1x128xi32> to vector<128xi32>
    %swap3A_4229 = vector.shape_cast %argmax3A_4224 : vector<128xi32> to vector<1x128xi32>
    tpu.vector_store %arg6[%swap3A_4225, %swap3A_4226], %swap3A_4229 {strides = array<i32>} : memref<16x128xi32, #tpu.memory_space<vmem>>, vector<1x128xi32>,
    %get3A_4230 = arith.constant 14 : index
    %get3A_4231 = arith.constant 0 : index
    %get3A_4232 = vector.load %arg3[%get3A_4230, %get3A_4231] : memref<16x128xi32, #tpu.memory_space<vmem>>, vector<1x128xi32>
    %get3A_4233 = vector.shape_cast %get3A_4232 : vector<1x128xi32> to vector<128xi32>
    %broadcast_in_dim3A_4234 = vector.shape_cast %get3A_4233 : vector<128xi32> to vector<1x128xi32>
    %broadcast_in_dim3A_4235 = vector.shape_cast %broadcast_in_dim3A_4234 : vector<1x128xi32> to vector<1x128xi32>
    %broadcast_in_dim3A_4236 = vector.broadcast %broadcast_in_dim3A_4235 : vector<1x128xi32> to vector<20x128xi32>
    %get3A_4237 = arith.constant 14 : index
    %get3A_4238 = arith.constant 0 : index
    %get3A_4239 = vector.load %arg4[%get3A_4237, %get3A_4238] : memref<16x128xi32, #tpu.memory_space<vmem>>, vector<1x128xi32>
    %get3A_4240 = vector.shape_cast %get3A_4239 : vector<1x128xi32> to vector<128xi32>
    %broadcast_in_dim3A_4241 = vector.shape_cast %get3A_4240 : vector<128xi32> to vector<1x128xi32>
    %broadcast_in_dim3A_4242 = vector.shape_cast %broadcast_in_dim3A_4241 : vector<1x128xi32> to vector<1x128xi32>
    %broadcast_in_dim3A_4243 = vector.broadcast %broadcast_in_dim3A_4242 : vector<1x128xi32> to vector<20x128xi32>
    %ne3A_4244 = arith.constant 0 : i32
    %ne3A_4245 = vector.broadcast %ne3A_4244 : i32 to vector<20x128xi32>
    %ne3A_4246 = arith.cmpi ne, %broadcast_in_dim3A_4243, %ne3A_4245 : vector<20x128xi32>
    %eq3A_4247 = arith.cmpi eq, %broadcast_in_dim3A_4236, %iota3A : vector<20x128xi32>
    %broadcast_in_dim3A_4248 = vector.broadcast %add3A : f32 to vector<20x128xf32>
    %broadcast_in_dim3A_4249 = vector.broadcast %div3A_22 : f32 to vector<20x128xf32>
    %select_n3A_4250 = arith.select %eq3A_4247, %broadcast_in_dim3A_4248, %broadcast_in_dim3A_4249 : vector<20x128xi1>, vector<20x128xf32>
    %jit3A_4251 = arith.constant 1.000000e+00 : f32
    %jit3A_4252 = arith.constant 0.000000e+00 : f32
    %broadcast_in_dim3A_4253 = vector.broadcast %jit3A_4251 : f32 to vector<20x128xf32>
    %broadcast_in_dim3A_4254 = vector.broadcast %jit3A_4252 : f32 to vector<20x128xf32>
    %select_n3A_4255 = arith.select %eq3A_4247, %broadcast_in_dim3A_4253, %broadcast_in_dim3A_4254 : vector<20x128xi1>, vector<20x128xf32>
    %select_n3A_4256 = arith.select %ne3A_4246, %select_n3A_4250, %select_n3A_4255 : vector<20x128xi1>, vector<20x128xf32>
    %transpose3A_4257 = tpu.transpose %select_n3A_4256, [1, 0] : vector<20x128xf32> -> vector<128x20xf32>
    %swap3A_4258 = arith.constant 1792 : index
    %swap3A_4259 = arith.constant 0 : index
    %swap3A_4260 = vector.load %arg5[%swap3A_4258, %swap3A_4259] : memref<2048x20xf32, #tpu.memory_space<vmem>>, vector<128x20xf32>
    tpu.vector_store %arg5[%swap3A_4258, %swap3A_4259], %transpose3A_4257 {strides = array<i32>} : memref<2048x20xf32, #tpu.memory_space<vmem>>, vector<128x20xf32>,
    %add3A_4261 = arith.constant 9.99999993E-9 : f32
    %add3A_4262 = vector.broadcast %add3A_4261 : f32 to vector<20x128xf32>
    %add3A_4263 = arith.addf %select_n3A_4256, %add3A_4262 : vector<20x128xf32>
    %log3A_4264 = math.log %add3A_4263 : vector<20x128xf32>
    %add3A_4265 = arith.constant 35840 : i32
    %add3A_4266 = arith.addi %mul3A_28, %add3A_4265 : i32
    %add3A_4267 = vector.broadcast %add3A_4266 : i32 to vector<20x128xi32>
    %add3A_4268 = arith.addi %add3A_4267, %add3A_26 : vector<20x128xi32>
    %broadcast_in_dim3A_4269 = arith.constant 0 : i32
    %broadcast_in_dim3A_4270 = vector.broadcast %broadcast_in_dim3A_4269 : i32 to vector<20x128xi32>
    %add3A_4271 = arith.constant 1 : i32
    %add3A_4272 = vector.broadcast %add3A_4271 : i32 to vector<20x128xi32>
    %add3A_4273 = arith.addi %add3A_4268, %add3A_4272 : vector<20x128xi32>
    %add3A_4274 = arith.addi %broadcast_in_dim3A_4270, %add3A_4273 : vector<20x128xi32>
    %shift_left3A_4275 = arith.constant 13 : i32
    %shift_left3A_4276 = vector.broadcast %shift_left3A_4275 : i32 to vector<20x128xi32>
    %shift_left3A_4277 = arith.shli %add3A_4273, %shift_left3A_4276 : vector<20x128xi32>
    %shift_right_logical3A_4278 = arith.constant 19 : i32
    %shift_right_logical3A_4279 = vector.broadcast %shift_right_logical3A_4278 : i32 to vector<20x128xi32>
    %shift_right_logical3A_4280 = arith.shrui %add3A_4273, %shift_right_logical3A_4279 : vector<20x128xi32>
    %or3A_4281 = arith.ori %shift_left3A_4277, %shift_right_logical3A_4280 : vector<20x128xi32>
    %xor3A_4282 = arith.xori %add3A_4274, %or3A_4281 : vector<20x128xi32>
    %add3A_4283 = arith.addi %add3A_4274, %xor3A_4282 : vector<20x128xi32>
    %shift_left3A_4284 = arith.constant 15 : i32
    %shift_left3A_4285 = vector.broadcast %shift_left3A_4284 : i32 to vector<20x128xi32>
    %shift_left3A_4286 = arith.shli %xor3A_4282, %shift_left3A_4285 : vector<20x128xi32>
    %shift_right_logical3A_4287 = arith.constant 17 : i32
    %shift_right_logical3A_4288 = vector.broadcast %shift_right_logical3A_4287 : i32 to vector<20x128xi32>
    %shift_right_logical3A_4289 = arith.shrui %xor3A_4282, %shift_right_logical3A_4288 : vector<20x128xi32>
    %or3A_4290 = arith.ori %shift_left3A_4286, %shift_right_logical3A_4289 : vector<20x128xi32>
    %xor3A_4291 = arith.xori %add3A_4283, %or3A_4290 : vector<20x128xi32>
    %add3A_4292 = arith.addi %add3A_4283, %xor3A_4291 : vector<20x128xi32>
    %shift_left3A_4293 = arith.constant 26 : i32
    %shift_left3A_4294 = vector.broadcast %shift_left3A_4293 : i32 to vector<20x128xi32>
    %shift_left3A_4295 = arith.shli %xor3A_4291, %shift_left3A_4294 : vector<20x128xi32>
    %shift_right_logical3A_4296 = arith.constant 6 : i32
    %shift_right_logical3A_4297 = vector.broadcast %shift_right_logical3A_4296 : i32 to vector<20x128xi32>
    %shift_right_logical3A_4298 = arith.shrui %xor3A_4291, %shift_right_logical3A_4297 : vector<20x128xi32>
    %or3A_4299 = arith.ori %shift_left3A_4295, %shift_right_logical3A_4298 : vector<20x128xi32>
    %xor3A_4300 = arith.xori %add3A_4292, %or3A_4299 : vector<20x128xi32>
    %add3A_4301 = arith.addi %add3A_4292, %xor3A_4300 : vector<20x128xi32>
    %shift_left3A_4302 = arith.constant 6 : i32
    %shift_left3A_4303 = vector.broadcast %shift_left3A_4302 : i32 to vector<20x128xi32>
    %shift_left3A_4304 = arith.shli %xor3A_4300, %shift_left3A_4303 : vector<20x128xi32>
    %shift_right_logical3A_4305 = arith.constant 26 : i32
    %shift_right_logical3A_4306 = vector.broadcast %shift_right_logical3A_4305 : i32 to vector<20x128xi32>
    %shift_right_logical3A_4307 = arith.shrui %xor3A_4300, %shift_right_logical3A_4306 : vector<20x128xi32>
    %or3A_4308 = arith.ori %shift_left3A_4304, %shift_right_logical3A_4307 : vector<20x128xi32>
    %xor3A_4309 = arith.xori %add3A_4301, %or3A_4308 : vector<20x128xi32>
    %add3A_4310 = arith.constant 1 : i32
    %add3A_4311 = vector.broadcast %add3A_4310 : i32 to vector<20x128xi32>
    %add3A_4312 = arith.addi %add3A_4301, %add3A_4311 : vector<20x128xi32>
    %add3A_4313 = arith.constant 466688987 : i32
    %add3A_4314 = vector.broadcast %add3A_4313 : i32 to vector<20x128xi32>
    %add3A_4315 = arith.addi %xor3A_4309, %add3A_4314 : vector<20x128xi32>
    %add3A_4316 = arith.constant 1 : i32
    %add3A_4317 = vector.broadcast %add3A_4316 : i32 to vector<20x128xi32>
    %add3A_4318 = arith.addi %add3A_4315, %add3A_4317 : vector<20x128xi32>
    %add3A_4319 = arith.addi %add3A_4312, %add3A_4318 : vector<20x128xi32>
    %shift_left3A_4320 = arith.constant 17 : i32
    %shift_left3A_4321 = vector.broadcast %shift_left3A_4320 : i32 to vector<20x128xi32>
    %shift_left3A_4322 = arith.shli %add3A_4318, %shift_left3A_4321 : vector<20x128xi32>
    %shift_right_logical3A_4323 = arith.constant 15 : i32
    %shift_right_logical3A_4324 = vector.broadcast %shift_right_logical3A_4323 : i32 to vector<20x128xi32>
    %shift_right_logical3A_4325 = arith.shrui %add3A_4318, %shift_right_logical3A_4324 : vector<20x128xi32>
    %or3A_4326 = arith.ori %shift_left3A_4322, %shift_right_logical3A_4325 : vector<20x128xi32>
    %xor3A_4327 = arith.xori %add3A_4319, %or3A_4326 : vector<20x128xi32>
    %add3A_4328 = arith.addi %add3A_4319, %xor3A_4327 : vector<20x128xi32>
    %shift_left3A_4329 = arith.constant 29 : i32
    %shift_left3A_4330 = vector.broadcast %shift_left3A_4329 : i32 to vector<20x128xi32>
    %shift_left3A_4331 = arith.shli %xor3A_4327, %shift_left3A_4330 : vector<20x128xi32>
    %shift_right_logical3A_4332 = arith.constant 3 : i32
    %shift_right_logical3A_4333 = vector.broadcast %shift_right_logical3A_4332 : i32 to vector<20x128xi32>
    %shift_right_logical3A_4334 = arith.shrui %xor3A_4327, %shift_right_logical3A_4333 : vector<20x128xi32>
    %or3A_4335 = arith.ori %shift_left3A_4331, %shift_right_logical3A_4334 : vector<20x128xi32>
    %xor3A_4336 = arith.xori %add3A_4328, %or3A_4335 : vector<20x128xi32>
    %add3A_4337 = arith.addi %add3A_4328, %xor3A_4336 : vector<20x128xi32>
    %shift_left3A_4338 = arith.constant 16 : i32
    %shift_left3A_4339 = vector.broadcast %shift_left3A_4338 : i32 to vector<20x128xi32>
    %shift_left3A_4340 = arith.shli %xor3A_4336, %shift_left3A_4339 : vector<20x128xi32>
    %shift_right_logical3A_4341 = arith.constant 16 : i32
    %shift_right_logical3A_4342 = vector.broadcast %shift_right_logical3A_4341 : i32 to vector<20x128xi32>
    %shift_right_logical3A_4343 = arith.shrui %xor3A_4336, %shift_right_logical3A_4342 : vector<20x128xi32>
    %or3A_4344 = arith.ori %shift_left3A_4340, %shift_right_logical3A_4343 : vector<20x128xi32>
    %xor3A_4345 = arith.xori %add3A_4337, %or3A_4344 : vector<20x128xi32>
    %add3A_4346 = arith.addi %add3A_4337, %xor3A_4345 : vector<20x128xi32>
    %shift_left3A_4347 = arith.constant 24 : i32
    %shift_left3A_4348 = vector.broadcast %shift_left3A_4347 : i32 to vector<20x128xi32>
    %shift_left3A_4349 = arith.shli %xor3A_4345, %shift_left3A_4348 : vector<20x128xi32>
    %shift_right_logical3A_4350 = arith.constant 8 : i32
    %shift_right_logical3A_4351 = vector.broadcast %shift_right_logical3A_4350 : i32 to vector<20x128xi32>
    %shift_right_logical3A_4352 = arith.shrui %xor3A_4345, %shift_right_logical3A_4351 : vector<20x128xi32>
    %or3A_4353 = arith.ori %shift_left3A_4349, %shift_right_logical3A_4352 : vector<20x128xi32>
    %xor3A_4354 = arith.xori %add3A_4346, %or3A_4353 : vector<20x128xi32>
    %add3A_4355 = arith.constant 466688987 : i32
    %add3A_4356 = vector.broadcast %add3A_4355 : i32 to vector<20x128xi32>
    %add3A_4357 = arith.addi %add3A_4346, %add3A_4356 : vector<20x128xi32>
    %add3A_4358 = arith.constant 0 : i32
    %add3A_4359 = vector.broadcast %add3A_4358 : i32 to vector<20x128xi32>
    %add3A_4360 = arith.addi %xor3A_4354, %add3A_4359 : vector<20x128xi32>
    %add3A_4361 = arith.constant 2 : i32
    %add3A_4362 = vector.broadcast %add3A_4361 : i32 to vector<20x128xi32>
    %add3A_4363 = arith.addi %add3A_4360, %add3A_4362 : vector<20x128xi32>
    %add3A_4364 = arith.addi %add3A_4357, %add3A_4363 : vector<20x128xi32>
    %shift_left3A_4365 = arith.constant 13 : i32
    %shift_left3A_4366 = vector.broadcast %shift_left3A_4365 : i32 to vector<20x128xi32>
    %shift_left3A_4367 = arith.shli %add3A_4363, %shift_left3A_4366 : vector<20x128xi32>
    %shift_right_logical3A_4368 = arith.constant 19 : i32
    %shift_right_logical3A_4369 = vector.broadcast %shift_right_logical3A_4368 : i32 to vector<20x128xi32>
    %shift_right_logical3A_4370 = arith.shrui %add3A_4363, %shift_right_logical3A_4369 : vector<20x128xi32>
    %or3A_4371 = arith.ori %shift_left3A_4367, %shift_right_logical3A_4370 : vector<20x128xi32>
    %xor3A_4372 = arith.xori %add3A_4364, %or3A_4371 : vector<20x128xi32>
    %add3A_4373 = arith.addi %add3A_4364, %xor3A_4372 : vector<20x128xi32>
    %shift_left3A_4374 = arith.constant 15 : i32
    %shift_left3A_4375 = vector.broadcast %shift_left3A_4374 : i32 to vector<20x128xi32>
    %shift_left3A_4376 = arith.shli %xor3A_4372, %shift_left3A_4375 : vector<20x128xi32>
    %shift_right_logical3A_4377 = arith.constant 17 : i32
    %shift_right_logical3A_4378 = vector.broadcast %shift_right_logical3A_4377 : i32 to vector<20x128xi32>
    %shift_right_logical3A_4379 = arith.shrui %xor3A_4372, %shift_right_logical3A_4378 : vector<20x128xi32>
    %or3A_4380 = arith.ori %shift_left3A_4376, %shift_right_logical3A_4379 : vector<20x128xi32>
    %xor3A_4381 = arith.xori %add3A_4373, %or3A_4380 : vector<20x128xi32>
    %add3A_4382 = arith.addi %add3A_4373, %xor3A_4381 : vector<20x128xi32>
    %shift_left3A_4383 = arith.constant 26 : i32
    %shift_left3A_4384 = vector.broadcast %shift_left3A_4383 : i32 to vector<20x128xi32>
    %shift_left3A_4385 = arith.shli %xor3A_4381, %shift_left3A_4384 : vector<20x128xi32>
    %shift_right_logical3A_4386 = arith.constant 6 : i32
    %shift_right_logical3A_4387 = vector.broadcast %shift_right_logical3A_4386 : i32 to vector<20x128xi32>
    %shift_right_logical3A_4388 = arith.shrui %xor3A_4381, %shift_right_logical3A_4387 : vector<20x128xi32>
    %or3A_4389 = arith.ori %shift_left3A_4385, %shift_right_logical3A_4388 : vector<20x128xi32>
    %xor3A_4390 = arith.xori %add3A_4382, %or3A_4389 : vector<20x128xi32>
    %add3A_4391 = arith.addi %add3A_4382, %xor3A_4390 : vector<20x128xi32>
    %shift_left3A_4392 = arith.constant 6 : i32
    %shift_left3A_4393 = vector.broadcast %shift_left3A_4392 : i32 to vector<20x128xi32>
    %shift_left3A_4394 = arith.shli %xor3A_4390, %shift_left3A_4393 : vector<20x128xi32>
    %shift_right_logical3A_4395 = arith.constant 26 : i32
    %shift_right_logical3A_4396 = vector.broadcast %shift_right_logical3A_4395 : i32 to vector<20x128xi32>
    %shift_right_logical3A_4397 = arith.shrui %xor3A_4390, %shift_right_logical3A_4396 : vector<20x128xi32>
    %or3A_4398 = arith.ori %shift_left3A_4394, %shift_right_logical3A_4397 : vector<20x128xi32>
    %xor3A_4399 = arith.xori %add3A_4391, %or3A_4398 : vector<20x128xi32>
    %add3A_4400 = arith.constant 0 : i32
    %add3A_4401 = vector.broadcast %add3A_4400 : i32 to vector<20x128xi32>
    %add3A_4402 = arith.addi %add3A_4391, %add3A_4401 : vector<20x128xi32>
    %add3A_4403 = arith.constant 1 : i32
    %add3A_4404 = vector.broadcast %add3A_4403 : i32 to vector<20x128xi32>
    %add3A_4405 = arith.addi %xor3A_4399, %add3A_4404 : vector<20x128xi32>
    %add3A_4406 = arith.constant 3 : i32
    %add3A_4407 = vector.broadcast %add3A_4406 : i32 to vector<20x128xi32>
    %add3A_4408 = arith.addi %add3A_4405, %add3A_4407 : vector<20x128xi32>
    %add3A_4409 = arith.addi %add3A_4402, %add3A_4408 : vector<20x128xi32>
    %shift_left3A_4410 = arith.constant 17 : i32
    %shift_left3A_4411 = vector.broadcast %shift_left3A_4410 : i32 to vector<20x128xi32>
    %shift_left3A_4412 = arith.shli %add3A_4408, %shift_left3A_4411 : vector<20x128xi32>
    %shift_right_logical3A_4413 = arith.constant 15 : i32
    %shift_right_logical3A_4414 = vector.broadcast %shift_right_logical3A_4413 : i32 to vector<20x128xi32>
    %shift_right_logical3A_4415 = arith.shrui %add3A_4408, %shift_right_logical3A_4414 : vector<20x128xi32>
    %or3A_4416 = arith.ori %shift_left3A_4412, %shift_right_logical3A_4415 : vector<20x128xi32>
    %xor3A_4417 = arith.xori %add3A_4409, %or3A_4416 : vector<20x128xi32>
    %add3A_4418 = arith.addi %add3A_4409, %xor3A_4417 : vector<20x128xi32>
    %shift_left3A_4419 = arith.constant 29 : i32
    %shift_left3A_4420 = vector.broadcast %shift_left3A_4419 : i32 to vector<20x128xi32>
    %shift_left3A_4421 = arith.shli %xor3A_4417, %shift_left3A_4420 : vector<20x128xi32>
    %shift_right_logical3A_4422 = arith.constant 3 : i32
    %shift_right_logical3A_4423 = vector.broadcast %shift_right_logical3A_4422 : i32 to vector<20x128xi32>
    %shift_right_logical3A_4424 = arith.shrui %xor3A_4417, %shift_right_logical3A_4423 : vector<20x128xi32>
    %or3A_4425 = arith.ori %shift_left3A_4421, %shift_right_logical3A_4424 : vector<20x128xi32>
    %xor3A_4426 = arith.xori %add3A_4418, %or3A_4425 : vector<20x128xi32>
    %add3A_4427 = arith.addi %add3A_4418, %xor3A_4426 : vector<20x128xi32>
    %shift_left3A_4428 = arith.constant 16 : i32
    %shift_left3A_4429 = vector.broadcast %shift_left3A_4428 : i32 to vector<20x128xi32>
    %shift_left3A_4430 = arith.shli %xor3A_4426, %shift_left3A_4429 : vector<20x128xi32>
    %shift_right_logical3A_4431 = arith.constant 16 : i32
    %shift_right_logical3A_4432 = vector.broadcast %shift_right_logical3A_4431 : i32 to vector<20x128xi32>
    %shift_right_logical3A_4433 = arith.shrui %xor3A_4426, %shift_right_logical3A_4432 : vector<20x128xi32>
    %or3A_4434 = arith.ori %shift_left3A_4430, %shift_right_logical3A_4433 : vector<20x128xi32>
    %xor3A_4435 = arith.xori %add3A_4427, %or3A_4434 : vector<20x128xi32>
    %add3A_4436 = arith.addi %add3A_4427, %xor3A_4435 : vector<20x128xi32>
    %shift_left3A_4437 = arith.constant 24 : i32
    %shift_left3A_4438 = vector.broadcast %shift_left3A_4437 : i32 to vector<20x128xi32>
    %shift_left3A_4439 = arith.shli %xor3A_4435, %shift_left3A_4438 : vector<20x128xi32>
    %shift_right_logical3A_4440 = arith.constant 8 : i32
    %shift_right_logical3A_4441 = vector.broadcast %shift_right_logical3A_4440 : i32 to vector<20x128xi32>
    %shift_right_logical3A_4442 = arith.shrui %xor3A_4435, %shift_right_logical3A_4441 : vector<20x128xi32>
    %or3A_4443 = arith.ori %shift_left3A_4439, %shift_right_logical3A_4442 : vector<20x128xi32>
    %xor3A_4444 = arith.xori %add3A_4436, %or3A_4443 : vector<20x128xi32>
    %add3A_4445 = arith.constant 1 : i32
    %add3A_4446 = vector.broadcast %add3A_4445 : i32 to vector<20x128xi32>
    %add3A_4447 = arith.addi %add3A_4436, %add3A_4446 : vector<20x128xi32>
    %add3A_4448 = arith.constant 466688987 : i32
    %add3A_4449 = vector.broadcast %add3A_4448 : i32 to vector<20x128xi32>
    %add3A_4450 = arith.addi %xor3A_4444, %add3A_4449 : vector<20x128xi32>
    %add3A_4451 = arith.constant 4 : i32
    %add3A_4452 = vector.broadcast %add3A_4451 : i32 to vector<20x128xi32>
    %add3A_4453 = arith.addi %add3A_4450, %add3A_4452 : vector<20x128xi32>
    %add3A_4454 = arith.addi %add3A_4447, %add3A_4453 : vector<20x128xi32>
    %shift_left3A_4455 = arith.constant 13 : i32
    %shift_left3A_4456 = vector.broadcast %shift_left3A_4455 : i32 to vector<20x128xi32>
    %shift_left3A_4457 = arith.shli %add3A_4453, %shift_left3A_4456 : vector<20x128xi32>
    %shift_right_logical3A_4458 = arith.constant 19 : i32
    %shift_right_logical3A_4459 = vector.broadcast %shift_right_logical3A_4458 : i32 to vector<20x128xi32>
    %shift_right_logical3A_4460 = arith.shrui %add3A_4453, %shift_right_logical3A_4459 : vector<20x128xi32>
    %or3A_4461 = arith.ori %shift_left3A_4457, %shift_right_logical3A_4460 : vector<20x128xi32>
    %xor3A_4462 = arith.xori %add3A_4454, %or3A_4461 : vector<20x128xi32>
    %add3A_4463 = arith.addi %add3A_4454, %xor3A_4462 : vector<20x128xi32>
    %shift_left3A_4464 = arith.constant 15 : i32
    %shift_left3A_4465 = vector.broadcast %shift_left3A_4464 : i32 to vector<20x128xi32>
    %shift_left3A_4466 = arith.shli %xor3A_4462, %shift_left3A_4465 : vector<20x128xi32>
    %shift_right_logical3A_4467 = arith.constant 17 : i32
    %shift_right_logical3A_4468 = vector.broadcast %shift_right_logical3A_4467 : i32 to vector<20x128xi32>
    %shift_right_logical3A_4469 = arith.shrui %xor3A_4462, %shift_right_logical3A_4468 : vector<20x128xi32>
    %or3A_4470 = arith.ori %shift_left3A_4466, %shift_right_logical3A_4469 : vector<20x128xi32>
    %xor3A_4471 = arith.xori %add3A_4463, %or3A_4470 : vector<20x128xi32>
    %add3A_4472 = arith.addi %add3A_4463, %xor3A_4471 : vector<20x128xi32>
    %shift_left3A_4473 = arith.constant 26 : i32
    %shift_left3A_4474 = vector.broadcast %shift_left3A_4473 : i32 to vector<20x128xi32>
    %shift_left3A_4475 = arith.shli %xor3A_4471, %shift_left3A_4474 : vector<20x128xi32>
    %shift_right_logical3A_4476 = arith.constant 6 : i32
    %shift_right_logical3A_4477 = vector.broadcast %shift_right_logical3A_4476 : i32 to vector<20x128xi32>
    %shift_right_logical3A_4478 = arith.shrui %xor3A_4471, %shift_right_logical3A_4477 : vector<20x128xi32>
    %or3A_4479 = arith.ori %shift_left3A_4475, %shift_right_logical3A_4478 : vector<20x128xi32>
    %xor3A_4480 = arith.xori %add3A_4472, %or3A_4479 : vector<20x128xi32>
    %add3A_4481 = arith.addi %add3A_4472, %xor3A_4480 : vector<20x128xi32>
    %shift_left3A_4482 = arith.constant 6 : i32
    %shift_left3A_4483 = vector.broadcast %shift_left3A_4482 : i32 to vector<20x128xi32>
    %shift_left3A_4484 = arith.shli %xor3A_4480, %shift_left3A_4483 : vector<20x128xi32>
    %shift_right_logical3A_4485 = arith.constant 26 : i32
    %shift_right_logical3A_4486 = vector.broadcast %shift_right_logical3A_4485 : i32 to vector<20x128xi32>
    %shift_right_logical3A_4487 = arith.shrui %xor3A_4480, %shift_right_logical3A_4486 : vector<20x128xi32>
    %or3A_4488 = arith.ori %shift_left3A_4484, %shift_right_logical3A_4487 : vector<20x128xi32>
    %xor3A_4489 = arith.xori %add3A_4481, %or3A_4488 : vector<20x128xi32>
    %add3A_4490 = arith.constant 466688987 : i32
    %add3A_4491 = vector.broadcast %add3A_4490 : i32 to vector<20x128xi32>
    %add3A_4492 = arith.addi %add3A_4481, %add3A_4491 : vector<20x128xi32>
    %add3A_4493 = arith.constant 0 : i32
    %add3A_4494 = vector.broadcast %add3A_4493 : i32 to vector<20x128xi32>
    %add3A_4495 = arith.addi %xor3A_4489, %add3A_4494 : vector<20x128xi32>
    %add3A_4496 = arith.constant 5 : i32
    %add3A_4497 = vector.broadcast %add3A_4496 : i32 to vector<20x128xi32>
    %add3A_4498 = arith.addi %add3A_4495, %add3A_4497 : vector<20x128xi32>
    %xor3A_4499 = arith.xori %add3A_4492, %add3A_4498 : vector<20x128xi32>
    %shift_right_logical3A_4500 = arith.constant 9 : i32
    %shift_right_logical3A_4501 = vector.broadcast %shift_right_logical3A_4500 : i32 to vector<20x128xi32>
    %shift_right_logical3A_4502 = arith.shrui %xor3A_4499, %shift_right_logical3A_4501 : vector<20x128xi32>
    %or3A_4503 = arith.constant 1065353216 : i32
    %or3A_4504 = vector.broadcast %or3A_4503 : i32 to vector<20x128xi32>
    %or3A_4505 = arith.ori %shift_right_logical3A_4502, %or3A_4504 : vector<20x128xi32>
    %bitcast_convert_type3A_4506 = tpu.bitcast %or3A_4505 : vector<20x128xi32> -> vector<20x128xf32>
    %sub3A_4507 = arith.constant 1.000000e+00 : f32
    %sub3A_4508 = vector.broadcast %sub3A_4507 : f32 to vector<20x128xf32>
    %sub3A_4509 = arith.subf %bitcast_convert_type3A_4506, %sub3A_4508 : vector<20x128xf32>
    %add3A_4510 = arith.constant 1.17549435E-38 : f32
    %add3A_4511 = vector.broadcast %add3A_4510 : f32 to vector<20x128xf32>
    %add3A_4512 = arith.addf %sub3A_4509, %add3A_4511 : vector<20x128xf32>
    %max3A_4513 = arith.constant 1.17549435E-38 : f32
    %max3A_4514 = vector.broadcast %max3A_4513 : f32 to vector<20x128xf32>
    %max3A_4515 = arith.maximumf %max3A_4514, %add3A_4512 : vector<20x128xf32>
    %log3A_4516 = math.log %max3A_4515 : vector<20x128xf32>
    %neg3A_4517 = arith.constant 0.000000e+00 : f32
    %neg3A_4518 = vector.broadcast %neg3A_4517 : f32 to vector<20x128xf32>
    %neg3A_4519 = arith.subf %neg3A_4518, %log3A_4516 : vector<20x128xf32>
    %log3A_4520 = math.log %neg3A_4519 : vector<20x128xf32>
    %neg3A_4521 = arith.constant 0.000000e+00 : f32
    %neg3A_4522 = vector.broadcast %neg3A_4521 : f32 to vector<20x128xf32>
    %neg3A_4523 = arith.subf %neg3A_4522, %log3A_4520 : vector<20x128xf32>
    %add3A_4524 = arith.addf %log3A_4264, %neg3A_4523 : vector<20x128xf32>
    %argmax3A_4525 = tpu.reduce_index %add3A_4524 {axis = 0 : i32, kind = #tpu.reduction_kind<arg_max>} : vector<20x128xf32> -> vector<128xi32>
    %swap3A_4526 = arith.constant 14 : index
    %swap3A_4527 = arith.constant 0 : index
    %swap3A_4528 = vector.load %arg6[%swap3A_4526, %swap3A_4527] : memref<16x128xi32, #tpu.memory_space<vmem>>, vector<1x128xi32>
    %swap3A_4529 = vector.shape_cast %swap3A_4528 : vector<1x128xi32> to vector<128xi32>
    %swap3A_4530 = vector.shape_cast %argmax3A_4525 : vector<128xi32> to vector<1x128xi32>
    tpu.vector_store %arg6[%swap3A_4526, %swap3A_4527], %swap3A_4530 {strides = array<i32>} : memref<16x128xi32, #tpu.memory_space<vmem>>, vector<1x128xi32>,
    %get3A_4531 = arith.constant 15 : index
    %get3A_4532 = arith.constant 0 : index
    %get3A_4533 = vector.load %arg3[%get3A_4531, %get3A_4532] : memref<16x128xi32, #tpu.memory_space<vmem>>, vector<1x128xi32>
    %get3A_4534 = vector.shape_cast %get3A_4533 : vector<1x128xi32> to vector<128xi32>
    %broadcast_in_dim3A_4535 = vector.shape_cast %get3A_4534 : vector<128xi32> to vector<1x128xi32>
    %broadcast_in_dim3A_4536 = vector.shape_cast %broadcast_in_dim3A_4535 : vector<1x128xi32> to vector<1x128xi32>
    %broadcast_in_dim3A_4537 = vector.broadcast %broadcast_in_dim3A_4536 : vector<1x128xi32> to vector<20x128xi32>
    %get3A_4538 = arith.constant 15 : index
    %get3A_4539 = arith.constant 0 : index
    %get3A_4540 = vector.load %arg4[%get3A_4538, %get3A_4539] : memref<16x128xi32, #tpu.memory_space<vmem>>, vector<1x128xi32>
    %get3A_4541 = vector.shape_cast %get3A_4540 : vector<1x128xi32> to vector<128xi32>
    %broadcast_in_dim3A_4542 = vector.shape_cast %get3A_4541 : vector<128xi32> to vector<1x128xi32>
    %broadcast_in_dim3A_4543 = vector.shape_cast %broadcast_in_dim3A_4542 : vector<1x128xi32> to vector<1x128xi32>
    %broadcast_in_dim3A_4544 = vector.broadcast %broadcast_in_dim3A_4543 : vector<1x128xi32> to vector<20x128xi32>
    %ne3A_4545 = arith.constant 0 : i32
    %ne3A_4546 = vector.broadcast %ne3A_4545 : i32 to vector<20x128xi32>
    %ne3A_4547 = arith.cmpi ne, %broadcast_in_dim3A_4544, %ne3A_4546 : vector<20x128xi32>
    %eq3A_4548 = arith.cmpi eq, %broadcast_in_dim3A_4537, %iota3A : vector<20x128xi32>
    %broadcast_in_dim3A_4549 = vector.broadcast %add3A : f32 to vector<20x128xf32>
    %broadcast_in_dim3A_4550 = vector.broadcast %div3A_22 : f32 to vector<20x128xf32>
    %select_n3A_4551 = arith.select %eq3A_4548, %broadcast_in_dim3A_4549, %broadcast_in_dim3A_4550 : vector<20x128xi1>, vector<20x128xf32>
    %jit3A_4552 = arith.constant 1.000000e+00 : f32
    %jit3A_4553 = arith.constant 0.000000e+00 : f32
    %broadcast_in_dim3A_4554 = vector.broadcast %jit3A_4552 : f32 to vector<20x128xf32>
    %broadcast_in_dim3A_4555 = vector.broadcast %jit3A_4553 : f32 to vector<20x128xf32>
    %select_n3A_4556 = arith.select %eq3A_4548, %broadcast_in_dim3A_4554, %broadcast_in_dim3A_4555 : vector<20x128xi1>, vector<20x128xf32>
    %select_n3A_4557 = arith.select %ne3A_4547, %select_n3A_4551, %select_n3A_4556 : vector<20x128xi1>, vector<20x128xf32>
    %transpose3A_4558 = tpu.transpose %select_n3A_4557, [1, 0] : vector<20x128xf32> -> vector<128x20xf32>
    %swap3A_4559 = arith.constant 1920 : index
    %swap3A_4560 = arith.constant 0 : index
    %swap3A_4561 = vector.load %arg5[%swap3A_4559, %swap3A_4560] : memref<2048x20xf32, #tpu.memory_space<vmem>>, vector<128x20xf32>
    tpu.vector_store %arg5[%swap3A_4559, %swap3A_4560], %transpose3A_4558 {strides = array<i32>} : memref<2048x20xf32, #tpu.memory_space<vmem>>, vector<128x20xf32>,
    %add3A_4562 = arith.constant 9.99999993E-9 : f32
    %add3A_4563 = vector.broadcast %add3A_4562 : f32 to vector<20x128xf32>
    %add3A_4564 = arith.addf %select_n3A_4557, %add3A_4563 : vector<20x128xf32>
    %log3A_4565 = math.log %add3A_4564 : vector<20x128xf32>
    %add3A_4566 = arith.constant 38400 : i32
    %add3A_4567 = arith.addi %mul3A_28, %add3A_4566 : i32
    %add3A_4568 = vector.broadcast %add3A_4567 : i32 to vector<20x128xi32>
    %add3A_4569 = arith.addi %add3A_4568, %add3A_26 : vector<20x128xi32>
    %broadcast_in_dim3A_4570 = arith.constant 0 : i32
    %broadcast_in_dim3A_4571 = vector.broadcast %broadcast_in_dim3A_4570 : i32 to vector<20x128xi32>
    %add3A_4572 = arith.constant 1 : i32
    %add3A_4573 = vector.broadcast %add3A_4572 : i32 to vector<20x128xi32>
    %add3A_4574 = arith.addi %add3A_4569, %add3A_4573 : vector<20x128xi32>
    %add3A_4575 = arith.addi %broadcast_in_dim3A_4571, %add3A_4574 : vector<20x128xi32>
    %shift_left3A_4576 = arith.constant 13 : i32
    %shift_left3A_4577 = vector.broadcast %shift_left3A_4576 : i32 to vector<20x128xi32>
    %shift_left3A_4578 = arith.shli %add3A_4574, %shift_left3A_4577 : vector<20x128xi32>
    %shift_right_logical3A_4579 = arith.constant 19 : i32
    %shift_right_logical3A_4580 = vector.broadcast %shift_right_logical3A_4579 : i32 to vector<20x128xi32>
    %shift_right_logical3A_4581 = arith.shrui %add3A_4574, %shift_right_logical3A_4580 : vector<20x128xi32>
    %or3A_4582 = arith.ori %shift_left3A_4578, %shift_right_logical3A_4581 : vector<20x128xi32>
    %xor3A_4583 = arith.xori %add3A_4575, %or3A_4582 : vector<20x128xi32>
    %add3A_4584 = arith.addi %add3A_4575, %xor3A_4583 : vector<20x128xi32>
    %shift_left3A_4585 = arith.constant 15 : i32
    %shift_left3A_4586 = vector.broadcast %shift_left3A_4585 : i32 to vector<20x128xi32>
    %shift_left3A_4587 = arith.shli %xor3A_4583, %shift_left3A_4586 : vector<20x128xi32>
    %shift_right_logical3A_4588 = arith.constant 17 : i32
    %shift_right_logical3A_4589 = vector.broadcast %shift_right_logical3A_4588 : i32 to vector<20x128xi32>
    %shift_right_logical3A_4590 = arith.shrui %xor3A_4583, %shift_right_logical3A_4589 : vector<20x128xi32>
    %or3A_4591 = arith.ori %shift_left3A_4587, %shift_right_logical3A_4590 : vector<20x128xi32>
    %xor3A_4592 = arith.xori %add3A_4584, %or3A_4591 : vector<20x128xi32>
    %add3A_4593 = arith.addi %add3A_4584, %xor3A_4592 : vector<20x128xi32>
    %shift_left3A_4594 = arith.constant 26 : i32
    %shift_left3A_4595 = vector.broadcast %shift_left3A_4594 : i32 to vector<20x128xi32>
    %shift_left3A_4596 = arith.shli %xor3A_4592, %shift_left3A_4595 : vector<20x128xi32>
    %shift_right_logical3A_4597 = arith.constant 6 : i32
    %shift_right_logical3A_4598 = vector.broadcast %shift_right_logical3A_4597 : i32 to vector<20x128xi32>
    %shift_right_logical3A_4599 = arith.shrui %xor3A_4592, %shift_right_logical3A_4598 : vector<20x128xi32>
    %or3A_4600 = arith.ori %shift_left3A_4596, %shift_right_logical3A_4599 : vector<20x128xi32>
    %xor3A_4601 = arith.xori %add3A_4593, %or3A_4600 : vector<20x128xi32>
    %add3A_4602 = arith.addi %add3A_4593, %xor3A_4601 : vector<20x128xi32>
    %shift_left3A_4603 = arith.constant 6 : i32
    %shift_left3A_4604 = vector.broadcast %shift_left3A_4603 : i32 to vector<20x128xi32>
    %shift_left3A_4605 = arith.shli %xor3A_4601, %shift_left3A_4604 : vector<20x128xi32>
    %shift_right_logical3A_4606 = arith.constant 26 : i32
    %shift_right_logical3A_4607 = vector.broadcast %shift_right_logical3A_4606 : i32 to vector<20x128xi32>
    %shift_right_logical3A_4608 = arith.shrui %xor3A_4601, %shift_right_logical3A_4607 : vector<20x128xi32>
    %or3A_4609 = arith.ori %shift_left3A_4605, %shift_right_logical3A_4608 : vector<20x128xi32>
    %xor3A_4610 = arith.xori %add3A_4602, %or3A_4609 : vector<20x128xi32>
    %add3A_4611 = arith.constant 1 : i32
    %add3A_4612 = vector.broadcast %add3A_4611 : i32 to vector<20x128xi32>
    %add3A_4613 = arith.addi %add3A_4602, %add3A_4612 : vector<20x128xi32>
    %add3A_4614 = arith.constant 466688987 : i32
    %add3A_4615 = vector.broadcast %add3A_4614 : i32 to vector<20x128xi32>
    %add3A_4616 = arith.addi %xor3A_4610, %add3A_4615 : vector<20x128xi32>
    %add3A_4617 = arith.constant 1 : i32
    %add3A_4618 = vector.broadcast %add3A_4617 : i32 to vector<20x128xi32>
    %add3A_4619 = arith.addi %add3A_4616, %add3A_4618 : vector<20x128xi32>
    %add3A_4620 = arith.addi %add3A_4613, %add3A_4619 : vector<20x128xi32>
    %shift_left3A_4621 = arith.constant 17 : i32
    %shift_left3A_4622 = vector.broadcast %shift_left3A_4621 : i32 to vector<20x128xi32>
    %shift_left3A_4623 = arith.shli %add3A_4619, %shift_left3A_4622 : vector<20x128xi32>
    %shift_right_logical3A_4624 = arith.constant 15 : i32
    %shift_right_logical3A_4625 = vector.broadcast %shift_right_logical3A_4624 : i32 to vector<20x128xi32>
    %shift_right_logical3A_4626 = arith.shrui %add3A_4619, %shift_right_logical3A_4625 : vector<20x128xi32>
    %or3A_4627 = arith.ori %shift_left3A_4623, %shift_right_logical3A_4626 : vector<20x128xi32>
    %xor3A_4628 = arith.xori %add3A_4620, %or3A_4627 : vector<20x128xi32>
    %add3A_4629 = arith.addi %add3A_4620, %xor3A_4628 : vector<20x128xi32>
    %shift_left3A_4630 = arith.constant 29 : i32
    %shift_left3A_4631 = vector.broadcast %shift_left3A_4630 : i32 to vector<20x128xi32>
    %shift_left3A_4632 = arith.shli %xor3A_4628, %shift_left3A_4631 : vector<20x128xi32>
    %shift_right_logical3A_4633 = arith.constant 3 : i32
    %shift_right_logical3A_4634 = vector.broadcast %shift_right_logical3A_4633 : i32 to vector<20x128xi32>
    %shift_right_logical3A_4635 = arith.shrui %xor3A_4628, %shift_right_logical3A_4634 : vector<20x128xi32>
    %or3A_4636 = arith.ori %shift_left3A_4632, %shift_right_logical3A_4635 : vector<20x128xi32>
    %xor3A_4637 = arith.xori %add3A_4629, %or3A_4636 : vector<20x128xi32>
    %add3A_4638 = arith.addi %add3A_4629, %xor3A_4637 : vector<20x128xi32>
    %shift_left3A_4639 = arith.constant 16 : i32
    %shift_left3A_4640 = vector.broadcast %shift_left3A_4639 : i32 to vector<20x128xi32>
    %shift_left3A_4641 = arith.shli %xor3A_4637, %shift_left3A_4640 : vector<20x128xi32>
    %shift_right_logical3A_4642 = arith.constant 16 : i32
    %shift_right_logical3A_4643 = vector.broadcast %shift_right_logical3A_4642 : i32 to vector<20x128xi32>
    %shift_right_logical3A_4644 = arith.shrui %xor3A_4637, %shift_right_logical3A_4643 : vector<20x128xi32>
    %or3A_4645 = arith.ori %shift_left3A_4641, %shift_right_logical3A_4644 : vector<20x128xi32>
    %xor3A_4646 = arith.xori %add3A_4638, %or3A_4645 : vector<20x128xi32>
    %add3A_4647 = arith.addi %add3A_4638, %xor3A_4646 : vector<20x128xi32>
    %shift_left3A_4648 = arith.constant 24 : i32
    %shift_left3A_4649 = vector.broadcast %shift_left3A_4648 : i32 to vector<20x128xi32>
    %shift_left3A_4650 = arith.shli %xor3A_4646, %shift_left3A_4649 : vector<20x128xi32>
    %shift_right_logical3A_4651 = arith.constant 8 : i32
    %shift_right_logical3A_4652 = vector.broadcast %shift_right_logical3A_4651 : i32 to vector<20x128xi32>
    %shift_right_logical3A_4653 = arith.shrui %xor3A_4646, %shift_right_logical3A_4652 : vector<20x128xi32>
    %or3A_4654 = arith.ori %shift_left3A_4650, %shift_right_logical3A_4653 : vector<20x128xi32>
    %xor3A_4655 = arith.xori %add3A_4647, %or3A_4654 : vector<20x128xi32>
    %add3A_4656 = arith.constant 466688987 : i32
    %add3A_4657 = vector.broadcast %add3A_4656 : i32 to vector<20x128xi32>
    %add3A_4658 = arith.addi %add3A_4647, %add3A_4657 : vector<20x128xi32>
    %add3A_4659 = arith.constant 0 : i32
    %add3A_4660 = vector.broadcast %add3A_4659 : i32 to vector<20x128xi32>
    %add3A_4661 = arith.addi %xor3A_4655, %add3A_4660 : vector<20x128xi32>
    %add3A_4662 = arith.constant 2 : i32
    %add3A_4663 = vector.broadcast %add3A_4662 : i32 to vector<20x128xi32>
    %add3A_4664 = arith.addi %add3A_4661, %add3A_4663 : vector<20x128xi32>
    %add3A_4665 = arith.addi %add3A_4658, %add3A_4664 : vector<20x128xi32>
    %shift_left3A_4666 = arith.constant 13 : i32
    %shift_left3A_4667 = vector.broadcast %shift_left3A_4666 : i32 to vector<20x128xi32>
    %shift_left3A_4668 = arith.shli %add3A_4664, %shift_left3A_4667 : vector<20x128xi32>
    %shift_right_logical3A_4669 = arith.constant 19 : i32
    %shift_right_logical3A_4670 = vector.broadcast %shift_right_logical3A_4669 : i32 to vector<20x128xi32>
    %shift_right_logical3A_4671 = arith.shrui %add3A_4664, %shift_right_logical3A_4670 : vector<20x128xi32>
    %or3A_4672 = arith.ori %shift_left3A_4668, %shift_right_logical3A_4671 : vector<20x128xi32>
    %xor3A_4673 = arith.xori %add3A_4665, %or3A_4672 : vector<20x128xi32>
    %add3A_4674 = arith.addi %add3A_4665, %xor3A_4673 : vector<20x128xi32>
    %shift_left3A_4675 = arith.constant 15 : i32
    %shift_left3A_4676 = vector.broadcast %shift_left3A_4675 : i32 to vector<20x128xi32>
    %shift_left3A_4677 = arith.shli %xor3A_4673, %shift_left3A_4676 : vector<20x128xi32>
    %shift_right_logical3A_4678 = arith.constant 17 : i32
    %shift_right_logical3A_4679 = vector.broadcast %shift_right_logical3A_4678 : i32 to vector<20x128xi32>
    %shift_right_logical3A_4680 = arith.shrui %xor3A_4673, %shift_right_logical3A_4679 : vector<20x128xi32>
    %or3A_4681 = arith.ori %shift_left3A_4677, %shift_right_logical3A_4680 : vector<20x128xi32>
    %xor3A_4682 = arith.xori %add3A_4674, %or3A_4681 : vector<20x128xi32>
    %add3A_4683 = arith.addi %add3A_4674, %xor3A_4682 : vector<20x128xi32>
    %shift_left3A_4684 = arith.constant 26 : i32
    %shift_left3A_4685 = vector.broadcast %shift_left3A_4684 : i32 to vector<20x128xi32>
    %shift_left3A_4686 = arith.shli %xor3A_4682, %shift_left3A_4685 : vector<20x128xi32>
    %shift_right_logical3A_4687 = arith.constant 6 : i32
    %shift_right_logical3A_4688 = vector.broadcast %shift_right_logical3A_4687 : i32 to vector<20x128xi32>
    %shift_right_logical3A_4689 = arith.shrui %xor3A_4682, %shift_right_logical3A_4688 : vector<20x128xi32>
    %or3A_4690 = arith.ori %shift_left3A_4686, %shift_right_logical3A_4689 : vector<20x128xi32>
    %xor3A_4691 = arith.xori %add3A_4683, %or3A_4690 : vector<20x128xi32>
    %add3A_4692 = arith.addi %add3A_4683, %xor3A_4691 : vector<20x128xi32>
    %shift_left3A_4693 = arith.constant 6 : i32
    %shift_left3A_4694 = vector.broadcast %shift_left3A_4693 : i32 to vector<20x128xi32>
    %shift_left3A_4695 = arith.shli %xor3A_4691, %shift_left3A_4694 : vector<20x128xi32>
    %shift_right_logical3A_4696 = arith.constant 26 : i32
    %shift_right_logical3A_4697 = vector.broadcast %shift_right_logical3A_4696 : i32 to vector<20x128xi32>
    %shift_right_logical3A_4698 = arith.shrui %xor3A_4691, %shift_right_logical3A_4697 : vector<20x128xi32>
    %or3A_4699 = arith.ori %shift_left3A_4695, %shift_right_logical3A_4698 : vector<20x128xi32>
    %xor3A_4700 = arith.xori %add3A_4692, %or3A_4699 : vector<20x128xi32>
    %add3A_4701 = arith.constant 0 : i32
    %add3A_4702 = vector.broadcast %add3A_4701 : i32 to vector<20x128xi32>
    %add3A_4703 = arith.addi %add3A_4692, %add3A_4702 : vector<20x128xi32>
    %add3A_4704 = arith.constant 1 : i32
    %add3A_4705 = vector.broadcast %add3A_4704 : i32 to vector<20x128xi32>
    %add3A_4706 = arith.addi %xor3A_4700, %add3A_4705 : vector<20x128xi32>
    %add3A_4707 = arith.constant 3 : i32
    %add3A_4708 = vector.broadcast %add3A_4707 : i32 to vector<20x128xi32>
    %add3A_4709 = arith.addi %add3A_4706, %add3A_4708 : vector<20x128xi32>
    %add3A_4710 = arith.addi %add3A_4703, %add3A_4709 : vector<20x128xi32>
    %shift_left3A_4711 = arith.constant 17 : i32
    %shift_left3A_4712 = vector.broadcast %shift_left3A_4711 : i32 to vector<20x128xi32>
    %shift_left3A_4713 = arith.shli %add3A_4709, %shift_left3A_4712 : vector<20x128xi32>
    %shift_right_logical3A_4714 = arith.constant 15 : i32
    %shift_right_logical3A_4715 = vector.broadcast %shift_right_logical3A_4714 : i32 to vector<20x128xi32>
    %shift_right_logical3A_4716 = arith.shrui %add3A_4709, %shift_right_logical3A_4715 : vector<20x128xi32>
    %or3A_4717 = arith.ori %shift_left3A_4713, %shift_right_logical3A_4716 : vector<20x128xi32>
    %xor3A_4718 = arith.xori %add3A_4710, %or3A_4717 : vector<20x128xi32>
    %add3A_4719 = arith.addi %add3A_4710, %xor3A_4718 : vector<20x128xi32>
    %shift_left3A_4720 = arith.constant 29 : i32
    %shift_left3A_4721 = vector.broadcast %shift_left3A_4720 : i32 to vector<20x128xi32>
    %shift_left3A_4722 = arith.shli %xor3A_4718, %shift_left3A_4721 : vector<20x128xi32>
    %shift_right_logical3A_4723 = arith.constant 3 : i32
    %shift_right_logical3A_4724 = vector.broadcast %shift_right_logical3A_4723 : i32 to vector<20x128xi32>
    %shift_right_logical3A_4725 = arith.shrui %xor3A_4718, %shift_right_logical3A_4724 : vector<20x128xi32>
    %or3A_4726 = arith.ori %shift_left3A_4722, %shift_right_logical3A_4725 : vector<20x128xi32>
    %xor3A_4727 = arith.xori %add3A_4719, %or3A_4726 : vector<20x128xi32>
    %add3A_4728 = arith.addi %add3A_4719, %xor3A_4727 : vector<20x128xi32>
    %shift_left3A_4729 = arith.constant 16 : i32
    %shift_left3A_4730 = vector.broadcast %shift_left3A_4729 : i32 to vector<20x128xi32>
    %shift_left3A_4731 = arith.shli %xor3A_4727, %shift_left3A_4730 : vector<20x128xi32>
    %shift_right_logical3A_4732 = arith.constant 16 : i32
    %shift_right_logical3A_4733 = vector.broadcast %shift_right_logical3A_4732 : i32 to vector<20x128xi32>
    %shift_right_logical3A_4734 = arith.shrui %xor3A_4727, %shift_right_logical3A_4733 : vector<20x128xi32>
    %or3A_4735 = arith.ori %shift_left3A_4731, %shift_right_logical3A_4734 : vector<20x128xi32>
    %xor3A_4736 = arith.xori %add3A_4728, %or3A_4735 : vector<20x128xi32>
    %add3A_4737 = arith.addi %add3A_4728, %xor3A_4736 : vector<20x128xi32>
    %shift_left3A_4738 = arith.constant 24 : i32
    %shift_left3A_4739 = vector.broadcast %shift_left3A_4738 : i32 to vector<20x128xi32>
    %shift_left3A_4740 = arith.shli %xor3A_4736, %shift_left3A_4739 : vector<20x128xi32>
    %shift_right_logical3A_4741 = arith.constant 8 : i32
    %shift_right_logical3A_4742 = vector.broadcast %shift_right_logical3A_4741 : i32 to vector<20x128xi32>
    %shift_right_logical3A_4743 = arith.shrui %xor3A_4736, %shift_right_logical3A_4742 : vector<20x128xi32>
    %or3A_4744 = arith.ori %shift_left3A_4740, %shift_right_logical3A_4743 : vector<20x128xi32>
    %xor3A_4745 = arith.xori %add3A_4737, %or3A_4744 : vector<20x128xi32>
    %add3A_4746 = arith.constant 1 : i32
    %add3A_4747 = vector.broadcast %add3A_4746 : i32 to vector<20x128xi32>
    %add3A_4748 = arith.addi %add3A_4737, %add3A_4747 : vector<20x128xi32>
    %add3A_4749 = arith.constant 466688987 : i32
    %add3A_4750 = vector.broadcast %add3A_4749 : i32 to vector<20x128xi32>
    %add3A_4751 = arith.addi %xor3A_4745, %add3A_4750 : vector<20x128xi32>
    %add3A_4752 = arith.constant 4 : i32
    %add3A_4753 = vector.broadcast %add3A_4752 : i32 to vector<20x128xi32>
    %add3A_4754 = arith.addi %add3A_4751, %add3A_4753 : vector<20x128xi32>
    %add3A_4755 = arith.addi %add3A_4748, %add3A_4754 : vector<20x128xi32>
    %shift_left3A_4756 = arith.constant 13 : i32
    %shift_left3A_4757 = vector.broadcast %shift_left3A_4756 : i32 to vector<20x128xi32>
    %shift_left3A_4758 = arith.shli %add3A_4754, %shift_left3A_4757 : vector<20x128xi32>
    %shift_right_logical3A_4759 = arith.constant 19 : i32
    %shift_right_logical3A_4760 = vector.broadcast %shift_right_logical3A_4759 : i32 to vector<20x128xi32>
    %shift_right_logical3A_4761 = arith.shrui %add3A_4754, %shift_right_logical3A_4760 : vector<20x128xi32>
    %or3A_4762 = arith.ori %shift_left3A_4758, %shift_right_logical3A_4761 : vector<20x128xi32>
    %xor3A_4763 = arith.xori %add3A_4755, %or3A_4762 : vector<20x128xi32>
    %add3A_4764 = arith.addi %add3A_4755, %xor3A_4763 : vector<20x128xi32>
    %shift_left3A_4765 = arith.constant 15 : i32
    %shift_left3A_4766 = vector.broadcast %shift_left3A_4765 : i32 to vector<20x128xi32>
    %shift_left3A_4767 = arith.shli %xor3A_4763, %shift_left3A_4766 : vector<20x128xi32>
    %shift_right_logical3A_4768 = arith.constant 17 : i32
    %shift_right_logical3A_4769 = vector.broadcast %shift_right_logical3A_4768 : i32 to vector<20x128xi32>
    %shift_right_logical3A_4770 = arith.shrui %xor3A_4763, %shift_right_logical3A_4769 : vector<20x128xi32>
    %or3A_4771 = arith.ori %shift_left3A_4767, %shift_right_logical3A_4770 : vector<20x128xi32>
    %xor3A_4772 = arith.xori %add3A_4764, %or3A_4771 : vector<20x128xi32>
    %add3A_4773 = arith.addi %add3A_4764, %xor3A_4772 : vector<20x128xi32>
    %shift_left3A_4774 = arith.constant 26 : i32
    %shift_left3A_4775 = vector.broadcast %shift_left3A_4774 : i32 to vector<20x128xi32>
    %shift_left3A_4776 = arith.shli %xor3A_4772, %shift_left3A_4775 : vector<20x128xi32>
    %shift_right_logical3A_4777 = arith.constant 6 : i32
    %shift_right_logical3A_4778 = vector.broadcast %shift_right_logical3A_4777 : i32 to vector<20x128xi32>
    %shift_right_logical3A_4779 = arith.shrui %xor3A_4772, %shift_right_logical3A_4778 : vector<20x128xi32>
    %or3A_4780 = arith.ori %shift_left3A_4776, %shift_right_logical3A_4779 : vector<20x128xi32>
    %xor3A_4781 = arith.xori %add3A_4773, %or3A_4780 : vector<20x128xi32>
    %add3A_4782 = arith.addi %add3A_4773, %xor3A_4781 : vector<20x128xi32>
    %shift_left3A_4783 = arith.constant 6 : i32
    %shift_left3A_4784 = vector.broadcast %shift_left3A_4783 : i32 to vector<20x128xi32>
    %shift_left3A_4785 = arith.shli %xor3A_4781, %shift_left3A_4784 : vector<20x128xi32>
    %shift_right_logical3A_4786 = arith.constant 26 : i32
    %shift_right_logical3A_4787 = vector.broadcast %shift_right_logical3A_4786 : i32 to vector<20x128xi32>
    %shift_right_logical3A_4788 = arith.shrui %xor3A_4781, %shift_right_logical3A_4787 : vector<20x128xi32>
    %or3A_4789 = arith.ori %shift_left3A_4785, %shift_right_logical3A_4788 : vector<20x128xi32>
    %xor3A_4790 = arith.xori %add3A_4782, %or3A_4789 : vector<20x128xi32>
    %add3A_4791 = arith.constant 466688987 : i32
    %add3A_4792 = vector.broadcast %add3A_4791 : i32 to vector<20x128xi32>
    %add3A_4793 = arith.addi %add3A_4782, %add3A_4792 : vector<20x128xi32>
    %add3A_4794 = arith.constant 0 : i32
    %add3A_4795 = vector.broadcast %add3A_4794 : i32 to vector<20x128xi32>
    %add3A_4796 = arith.addi %xor3A_4790, %add3A_4795 : vector<20x128xi32>
    %add3A_4797 = arith.constant 5 : i32
    %add3A_4798 = vector.broadcast %add3A_4797 : i32 to vector<20x128xi32>
    %add3A_4799 = arith.addi %add3A_4796, %add3A_4798 : vector<20x128xi32>
    %xor3A_4800 = arith.xori %add3A_4793, %add3A_4799 : vector<20x128xi32>
    %shift_right_logical3A_4801 = arith.constant 9 : i32
    %shift_right_logical3A_4802 = vector.broadcast %shift_right_logical3A_4801 : i32 to vector<20x128xi32>
    %shift_right_logical3A_4803 = arith.shrui %xor3A_4800, %shift_right_logical3A_4802 : vector<20x128xi32>
    %or3A_4804 = arith.constant 1065353216 : i32
    %or3A_4805 = vector.broadcast %or3A_4804 : i32 to vector<20x128xi32>
    %or3A_4806 = arith.ori %shift_right_logical3A_4803, %or3A_4805 : vector<20x128xi32>
    %bitcast_convert_type3A_4807 = tpu.bitcast %or3A_4806 : vector<20x128xi32> -> vector<20x128xf32>
    %sub3A_4808 = arith.constant 1.000000e+00 : f32
    %sub3A_4809 = vector.broadcast %sub3A_4808 : f32 to vector<20x128xf32>
    %sub3A_4810 = arith.subf %bitcast_convert_type3A_4807, %sub3A_4809 : vector<20x128xf32>
    %add3A_4811 = arith.constant 1.17549435E-38 : f32
    %add3A_4812 = vector.broadcast %add3A_4811 : f32 to vector<20x128xf32>
    %add3A_4813 = arith.addf %sub3A_4810, %add3A_4812 : vector<20x128xf32>
    %max3A_4814 = arith.constant 1.17549435E-38 : f32
    %max3A_4815 = vector.broadcast %max3A_4814 : f32 to vector<20x128xf32>
    %max3A_4816 = arith.maximumf %max3A_4815, %add3A_4813 : vector<20x128xf32>
    %log3A_4817 = math.log %max3A_4816 : vector<20x128xf32>
    %neg3A_4818 = arith.constant 0.000000e+00 : f32
    %neg3A_4819 = vector.broadcast %neg3A_4818 : f32 to vector<20x128xf32>
    %neg3A_4820 = arith.subf %neg3A_4819, %log3A_4817 : vector<20x128xf32>
    %log3A_4821 = math.log %neg3A_4820 : vector<20x128xf32>
    %neg3A_4822 = arith.constant 0.000000e+00 : f32
    %neg3A_4823 = vector.broadcast %neg3A_4822 : f32 to vector<20x128xf32>
    %neg3A_4824 = arith.subf %neg3A_4823, %log3A_4821 : vector<20x128xf32>
    %add3A_4825 = arith.addf %log3A_4565, %neg3A_4824 : vector<20x128xf32>
    %argmax3A_4826 = tpu.reduce_index %add3A_4825 {axis = 0 : i32, kind = #tpu.reduction_kind<arg_max>} : vector<20x128xf32> -> vector<128xi32>
    %swap3A_4827 = arith.constant 15 : index
    %swap3A_4828 = arith.constant 0 : index
    %swap3A_4829 = vector.load %arg6[%swap3A_4827, %swap3A_4828] : memref<16x128xi32, #tpu.memory_space<vmem>>, vector<1x128xi32>
    %swap3A_4830 = vector.shape_cast %swap3A_4829 : vector<1x128xi32> to vector<128xi32>
    %swap3A_4831 = vector.shape_cast %argmax3A_4826 : vector<128xi32> to vector<1x128xi32>
    tpu.vector_store %arg6[%swap3A_4827, %swap3A_4828], %swap3A_4831 {strides = array<i32>} : memref<16x128xi32, #tpu.memory_space<vmem>>, vector<1x128xi32>,
    return
  }
  func.func @transform_0(%arg0: i32) -> i32 {
    %c0_i32 = arith.constant 0 : i32
    %c0_i32_0 = arith.constant 0 : i32
    return %c0_i32 : i32
  }
  func.func @transform_1(%arg0: i32) -> i32 {
    %c0_i32 = arith.constant 0 : i32
    %c0_i32_0 = arith.constant 0 : i32
    return %c0_i32 : i32
  }
  func.func @transform_2(%arg0: i32) -> (i32, i32) {
    %c0_i32 = arith.constant 0 : i32
    %c0_i32_0 = arith.constant 0 : i32
    return %arg0, %c0_i32 : i32, i32
  }
  func.func @transform_3(%arg0: i32) -> (i32, i32) {
    %c0_i32 = arith.constant 0 : i32
    %c0_i32_0 = arith.constant 0 : i32
    return %arg0, %c0_i32 : i32, i32
  }
  func.func @transform_4(%arg0: i32) -> (i32, i32) {
    %c0_i32 = arith.constant 0 : i32
    %c0_i32_0 = arith.constant 0 : i32
    return %arg0, %c0_i32 : i32, i32
  }
  func.func @transform_5(%arg0: i32) -> (i32, i32) {
    %c0_i32 = arith.constant 0 : i32
    %c0_i32_0 = arith.constant 0 : i32
    return %arg0, %c0_i32 : i32, i32
  }
}

</mosaic_0001>

<sc_bundles>
// kernel: sparse-core-data-format-call.cloned.1.call-start
scs
called_computation_lowered:
.L_overlay_start_0:
0x0: {  	s2 =	sld [smem:$0x3FD9]  }
0x1: {  	s3 =	sld [smem:$0x3FFE];
	_ =	sdelay $0x1  }
0x2: {  	s1 =	srdreg.scid  }
0x3: {  	s0 =	sand.u32 $0x1, s1  }
0x4: {  	s15 =	sshll.u32 s0, $0xA;
	s2 =	sadd.s32 s3, s2  }
0x5: {  	s2 =	sadd.s32 s2, s15  }
0x6: {  	[smem:$0x3FC4] =	sst s2  }
0x7: {  	_ = 	snop  }
0x8: {  	s2 =	sld [smem:$0x3FD0];
	_ =	sdelay $0x2  }
0x9: {  	s16 =	simm.s32 $0xA;
	s4 =	simm.s32 $0x10  }
0xa: {  	[smem:s4], [sflag:s16] =	dma.local [hbm:s2], $0x1  }
0xb: {  	_ =	swait.eq [sflag:s16], $0x1  }
0xc: {  	[sflag:s16] =	ssyncset.done $0x0  }
0xd: {  	[sflag:s16] =	ssyncadd.s32 $0xFFFFFFFF  }
0xe: {  	s17 =	sld [smem:$0x10];
	(tm) =	ssettm $0x1  }
0xf: {  	s18 =	sld [smem:$0x3FFB];
	_ =	sdelay $0x3  }
0x10: {  	_ =	strace s18  }
0x11: {  	s3 =	sld [smem:$0x3FFC];
	_ =	sdelay $0x3  }
0x12: {  	_ =	strace s3  }
0x13: {  	s3 =	sld [smem:$0x3FFD];
	_ =	sdelay $0x3  }
0x14: {  	_ =	strace s3  }
0x15: {  	_ =	strace $0x8FFFFFFF  }
0x16: {  	s19 =	sld [smem:$0x3FDB];
	_ =	sdelay $0x1  }
0x17: {  	s20 =	simm.s32 $_scs_section_size  }
0x18: {  	s5 =	simm.s32 $_size__tile_overlayer_lowered;
	s6 =	simm.s32 $_tile_overlayer_lowered  }
0x19: {  	s23 =	simm.s32 $0x1BFF;
	s22 =	sshll.u32 s6, $0x1;
	s3 =	sadd.s32 s20, s19  }
0x1a: {  	s7 =	simm.s32 $0x0;
	s21 =	sshll.u32 s5, $0x1;
	s5 =	sadd.s32 s22, s3  }
0x1b: {  	[timem:s7], [sflag:s23] =	dma.local [hbm:s5], s21  }
0x1c: {  	_ =	swait.ge [sflag:s23], s21  }
0x1d: {  	s4 =	ssub.s32 $0x0, s21;
	[sflag:s23] =	ssyncset.done $0x0  }
0x1e: {  	[sflag:s23] =	ssyncadd.s32 s4;
	_ =	sdelay $0x1  }
0x1f: {  	s24 =	simm.s32 $0x1B8B  }
0x20: {  	_ =	swait.ge [sflag:s24], $0x1  }
0x21: {  	[sflag:s24] =	ssyncset.done $0x0  }
0x22: {  	s26 =	simm.s32 $0x1B8E;
	s25 =	sld [smem:$0x3FFE];
	[sflag:s24] =	ssyncadd.s32 $0xFFFFFFFF  }
0x23: {  	s27 =	simm.s32 $execute0_lowered;
	[smem:$0x3FD2] =	sst s26  }
0x24: {  	s5 =	sshll.u32 s27, $0x1;
	_ =	strace $0x80000046;
	[dreg:$0x1] =	wrdreg $0xFFFFFFFF  }
0x25: {  	s28 =	simm.s32 $_size_execute0_lowered;
	s3 =	sadd.s32 s3, s5;
	[dreg:$0x0] =	wrdreg $0x0  }
0x26: {  	s5 =	sshll.u32 s28, $0x1;
	[dreg:$0x2] =	wrdreg s3  }
0x27: {  	[dreg:$0x3] =	wrdreg s5  }
0x28: {  	[dreg:$0x4] =	wrdreg $0xC0  }
0x29: {  	_ =	task [dreg:s7], $0x5FFFF  }
0x2a: {  	[dreg:$0x1] =	wrdreg $0xFFFFFFFF  }
0x2b: {  	[dreg:$0x0] =	wrdreg $0x60  }
0x2c: {  	[dreg:$0x2] =	wrdreg s25  }
0x2d: {  	[dreg:$0x3] =	wrdreg s17  }
0x2e: {  	[dreg:$0x4] =	wrdreg $0x9  }
0x2f: {  	_ =	task.clear_ibuf [dreg:s7], $0x5FFFF;
	_ =	strace $0x90000046  }
0x30: {  	s29 =	simm.s32 $0x9;
	_ =	strace $0x80000048  }
0x31: {  	_ =	swait.ge [sflag:s29], $0x1  }
0x32: {  	[sflag:s29] =	ssyncadd.s32 $0xFFFFFFFF  }
0x33: {  	_ =	strace $0x90000048  }
0x34: {  	_ =	sfence  }
0x35: {  	s30 =	sld [smem:$0x0];
	_ =	sdelay $0x2  }
0x36: {  	s31 =	sshll.u32 s1, $0xD;
	s1 =	sshrl.u32 s1, $0x2  }
0x37: {  	s3 =	sand.u32 $0x4000, s31;
	s1 =	sadd.s32 s1, s30  }
0x38: {  	s0 =	sor.u32 s3, s0;
	s1 =	sshll.u32 s1, $0x11  }
0x39: {  	s0 =	sor.u32 s1, s0  }
0x3a: {  	s0 =	sadd.s32 $0x8F2B, s0  }
0x3b: {  	[sflag:s0] =	ssyncadd.remote.s32 $0x1  }
0x3c: {  	_ =	sfence.sel $0xFFFF  }
0x3d: {  	[dreg:$0x0] =	wrdreg $0xFFFFFFFF;
	(pc) =	sbr.abs _section_cstart, $3  }
0x3e: {  	[dreg:$0x1] =	wrdreg $0xFFFFFFFF  }
0x3f: {  	_ =	task.clear_ibuf [dreg:s7], $0x2FFFF;
	_ =	strace $0x9FFFFFFF  }
0x40: {  	(tm) =	ssettm $0x7FFFFFFF  }
0x41: {  	_ =	shalt  }
tec
execute0_lowered:
.L_overlay_start_1:
0x0: {  	(tag) =	ssettag $0x1  }
0x1: {  	s9 =	rddreg [dreg:$0x0]  }
0x2: {  	s0 =	srdreg.scid;
	s3 =	rddreg [dreg:$0x1];
	s6 =	simm.s32 $0x1  }
0x3: {  	s7 =	simm.s32 $0x2;
	s17 =	simm.s32 $0x0;
	s1 =	sshll.u32 s0, $0x4  }
0x4: {  	s11 =	simm.s32 $0x100000;
	s0 =	stileid.u32;
	s1 =	sand.u32 $0x10, s1  }
0x5: {  	s18 =	simm.s32 $0x0;
	s12 =	simm.s32 $0x0;
	s1 =	sor.u32 s0, s1  }
0x6: {  	s13 =	simm.s32 $0x0;
	s14 =	simm.s32 $0x0;
	s2 =	sshll.u32 s1, $0x2  }
0x7: {  	s16 =	simm.s32 $0x0;
	s8 =	sadd.s32 $0x40E00, s9;
	s5 =	ssub.s32 $0x80, s2  }
0x8: {  	s1 =	rddreg [dreg:$0x2];
	_ =	strace $0x80000047;
	s4 =	sand.u32 $0x7C, s5  }
.Ltmp0:
0x9: {  	s15 =	smov.u32 s2;
	p0 =	sne.s32 s4, $0x0;
	(pc) =	sbr.rel .LBB1_1-.Ltmp0, $4  }
0xa: {  	s5 =	sshrl.u32 s5, $0x7;
	s4 =	simm.s32 $0x1;
	s6 =	simm.s32 @!p0 $0x0  }
0xb: {  	[sflag:s4] =	ssyncpa.u1 $0x0;
	p0 =	por $0x0, $0x0;
	s6 =	sadd.s32 s6, s5  }
0xc: {  	s5 =	sadd.s32 $0xE00, s9;
	[sflag:s7] =	ssyncpa.u1 $0x0;
	s6 =	sshll.u32 s6, $0x6  }
0xd: {  	s7 =	sadd.s32 $0x20E00, s9;
	s9 =	sadd.s32 $0x60E00, s9;
	s10 =	sor.u32 $0x1, s6  }
.LBB1_7:
0xe: {  	p1 =	slt.u32 s16, $0x2  }
0xf: {  	s20 =	smov.u32 s18;
	p2 =	sgt.s32 @!p1 s18, $0x7C;
	s19 =	sshra.s32 @!p1 s18, $0x1F  }
0x10: {  	p3 =	sgt.s32 @!p1 s17, $0x1F80;
	s21 =	sshra.s32 @!p1 s17, $0x1F;
	p2 =	por !p2, p1  }
0x11: {  	s18 =	sand.u32 @!p1 s19, s18;
	p3 =	por !p3, p1;
	s19 =	smov.u32 s17  }
0x12: {  	s17 =	sand.u32 @!p1 s21, s17;
	s20 =	simm.s32 @p2 $0x7C;
	s19 =	simm.s32 @p3 $0x1F80  }
0x13: {  	s21 =	smov.u32 s15;
	s18 =	ssub.s32 @!p1 s20, s18;
	s17 =	ssub.s32 @!p1 s19, s17  }
0x14: {  	s19 =	sadd.s32 @!p1 $0xFFFFFF84, s18;
	s18 =	ssub.s32 @!p1 $0x80, s18;
	s20 =	sadd.s32 @!p1 $0xFFFFE080, s17  }
0x15: {  	p2 =	sgt.s32 @!p1 s19, $0x3;
	s18 =	smul.u32 @!p1 $0x14, s18;
	p3 =	sgt.s32 @!p1 s20, $0x7F  }
0x16: {  	s17 =	ssub.s32 @!p1 $0x2000, s17;
	p2 =	por !p2, p1;
	p3 =	por !p3, p1  }
0x17: {  	s19 =	sadd.s32 $0x80, s14;
	s18 =	simm.s32 @!p2 $0x0;
	s17 =	simm.s32 @!p3 $0x0  }
0x18: {  	p2 =	sgt.s32 s19, $0x1FFF;
	s17 =	smul.u32 @!p1 s17, s18;
	s18 =	sadd.s32 $0x80, s15  }
0x19: {  	s21 =	smov.u32 @p2 s18  }
0x1a: {  	s19 =	simm.s32 @p2 $0x0;
	p2 =	sgt.s32 s21, $0x7F  }
0x1b: {  	s21 =	smov.u32 @p2 s2;
	p2 =	sne.s32 s16, s10  }
.Ltmp1:
0x1c: {  	p0 =	por !p0, !p0;
	s20 =	simm.s32 @!p1 $0x2;
	(pc) =	sbr.rel @!p2 .LBB1_8-.Ltmp1, $4  }
0x1d: {  	s18 =	smov.u32 s13;
	s13 =	smov.u32 s15;
	s17 =	sand.u32 @!p1 $0x3FFFFFFC, s17  }
0x1e: {  	_ =	swait.ge @!p1 [sflag:s20], s17;
	s22 =	ssub.s32 @!p1 $0x0, s17;
	s17 =	smov.u32 s12  }
0x1f: {  	s16 =	sadd.s32 $0x1, s16;
	s12 =	smov.u32 s14;
	[sflag:s20] =	ssyncset.done @!p1 $0x0  }
0x20: {  	s14 =	smov.u32 s19;
	s15 =	smov.u32 s21;
	[sflag:s20] =	ssyncadd.s32 @!p1 s22  }
.LBB1_1:
0x21: {  	p1 =	sge.u32 s16, s6  }
0x22: {  	s19 =	sxor.u32 @!p1 $0xFFFFFFFF, s16  }
0x23: {  	s20 =	sshll.u32 @!p1 s15, $0x11;
	s21 =	sshll.u32 @!p1 s14, $0x4;
	s23 =	simm.s32 @!p1 $0x20  }
0x24: {  	s19 =	sshll.u32 @!p1 s19, $0xE;
	s21 =	sand.u32 @!p1 $0x1FFF0, s21;
	s22 =	sadd.s32 @!p1 s5, s20  }
0x25: {  	s24 =	simm.s32 @!p1 $0x80;
	s19 =	sand.u32 @!p1 $0x4000, s19;
	s22 =	sadd.s32 @!p1 s21, s22  }
0x26: {  	[tilespmem:s19], [sflag:$0x1] =	stream.strided.gather @!p1 [hbm4b:s22+s23], $0x1000, s24, s23, $0x38;
	[tilespmem:$0x10100] =	vst v63  }
0x27: {  	s22 =	sadd.s32 @!p1 s20, s7  }
0x28: {  	s25 =	sor.u32 @!p1 $0x1000, s19;
	s22 =	sadd.s32 @!p1 s21, s22  }
0x29: {  	[tilespmem:s25], [sflag:$0x1] =	stream.strided.gather @!p1 [hbm4b:s22+s23], $0x1000, s24, s23, $0x38;
	[tilespmem:$0x10100] =	vst v63  }
0x2a: {  	s22 =	sadd.s32 @!p1 s20, s8  }
0x2b: {  	s25 =	sor.u32 @!p1 $0x2000, s19;
	s20 =	sadd.s32 @!p1 s20, s9;
	s22 =	sadd.s32 @!p1 s21, s22  }
0x2c: {  	[tilespmem:s25], [sflag:$0x1] =	stream.strided.gather @!p1 [hbm4b:s22+s23], $0x1000, s24, s23, $0x38;
	[tilespmem:$0x10100] =	vst v63  }
0x2d: {  	s31 =	sadd.s32 $0xFFFFFFFF, s16;
	s19 =	sor.u32 @!p1 $0x3000, s19;
	s20 =	sadd.s32 @!p1 s21, s20  }
0x2e: {  	[tilespmem:s19], [sflag:$0x1] =	stream.strided.gather @!p1 [hbm4b:s20+s23], $0x1000, s24, s23, $0x38;
	[tilespmem:$0x10100] =	vst v63  }
0x2f: {  	p1 =	sge.u32 s31, s6  }
.Ltmp2:
0x30: {  	_ = 	snop;
	(pc) =	sbr.rel @p1 .LBB1_7-.Ltmp2, $1  }
0x31: {  	_ =	sdelay $0x3  }
0x32: {  	s19 =	simm.s32 $0x1;
	s21 =	sand.u32 $0x1, s16  }
0x33: {  	_ =	swait.ge [sflag:s4], $0x4000;
	s19 =	simm.s32 @!p0 $0x0;
	s22 =	smul.u32 $0x10200, s21  }
0x34: {  	[sflag:s4] =	ssyncset.done $0x0;
	s20 =	smul.u32 $0x10200, s19  }
0x35: {  	s19 =	sshll.u32 s19, $0xE;
	[sflag:s4] =	ssyncadd.s32 $0xFFFFC000  }
0x36: {  	s21 =	sor.u32 $0x10, s19;
	s31 =	sshrl.u32 s22, $0x2;
	s20 =	sshrl.u32 s20, $0x2  }
0x37: {  	s22 =	simm.s32 $0x0;
	s19 =	sor.u32 $0x8000, s31;
	s20 =	sor.u32 $0x8000, s20  }
.LBB1_3:
0x38: {  	v1 =	vld [tilespmem:s21+$0x0]  }
0x39: {  	v0 =	vld [tilespmem:s21+$0xFFFFFFF0];
	_ =	sdelay $0x2  }
0x3a: {  	s25 =	sadd.s32 $0x0, s20  }
0x3b: {  	s23 =	simm.s32 $0x4;
	s24 =	sadd.s32 $0x20, s21;
	[tilespmem:s25+$0x2040 ss:$0x204] =	vst.msk $0xffff, v1  }
.LBB1_4:
0x3c: {  	v1 =	vld [tilespmem:s24+$0x0];
	p1 =	sne.s32 s23, $0x1FC;
	[tilespmem:s25+$0x0 ss:$0x204] =	vst.msk $0xffff, v0;
	s25 =	smov.u32 s23;
	s23 =	sadd.s32 $0x4, s23  }
.Ltmp3:
0x3d: {  	v0 =	vld [tilespmem:s24+$0xFFFFFFF0];
	(pc) =	sbr.rel @p1 .LBB1_4-.Ltmp3, $4  }
0x3e: {  	_ = 	snop  }
0x3f: {  	s25 =	sshra.s32 s25, $0x2  }
0x40: {  	s25 =	sadd.s32 s25, s20  }
0x41: {  	s24 =	sadd.s32 $0x20, s24;
	[tilespmem:s25+$0x2040 ss:$0x204] =	vst.msk $0xffff, v1  }
0x42: {  	s22 =	sadd.s32 $0x1, s22  }
0x43: {  	p1 =	sne.s32 s22, $0x4  }
.Ltmp4:
0x44: {  	_ = 	snop;
	(pc) =	sbr.rel @p1 .LBB1_3-.Ltmp4, $2  }
0x45: {  	_ =	sdelay $0x2  }
0x46: {  	[tilespmem:s25+$0x0 ss:$0x204] =	vst.msk $0xffff, v0;
	s20 =	sadd.s32 $0x81, s20;
	s21 =	sadd.s32 $0x1000, s21  }
0x47: {  	s20 =	sand.u32 $0x78, s12;
	p1 =	sgt.s32 s13, $0x7C;
	s21 =	smov.u32 s13  }
0x48: {  	s22 =	sshra.s32 s13, $0x1F;
	s23 =	sshll.u32 s13, $0xD;
	s24 =	sshll.u32 s12, $0x3  }
0x49: {  	s30 =	sshra.s32 s12, $0x1F;
	s26 =	sshll.u32 s13, $0x7;
	s21 =	simm.s32 @!p1 $0x7C  }
0x4a: {  	s22 =	sand.u32 s22, s13;
	s23 =	sand.u32 $0xF0000, s23;
	p1 =	sgt.s32 s12, $0x1F80  }
0x4b: {  	s26 =	sand.u32 $0x380, s26;
	s21 =	ssub.s32 s21, s22;
	s22 =	smov.u32 s12  }
0x4c: {  	s23 =	sadd.s32 s23, s24;
	s25 =	sadd.s32 $0xFFFFFF84, s21;
	s22 =	simm.s32 @!p1 $0x1F80  }
0x4d: {  	s21 =	ssub.s32 $0x80, s21;
	p1 =	sgt.s32 s25, $0x3;
	s25 =	sand.u32 s30, s12  }
0x4e: {  	s24 =	sand.u32 $0x1C00, s24;
	s21 =	smul.u32 $0x14, s21;
	s22 =	ssub.s32 s22, s25  }
0x4f: {  	s20 =	sor.u32 s26, s20;
	s23 =	sand.u32 $0xFE000, s23;
	s25 =	sadd.s32 $0xFFFFE080, s22  }
0x50: {  	s21 =	simm.s32 @p1 $0x0;
	s22 =	ssub.s32 $0x2000, s22;
	p1 =	sgt.s32 s25, $0x7F  }
.Ltmp5:
0x51: {  	s20 =	sor.u32 s24, s20;
	s22 =	simm.s32 @p1 $0x0;
	(pc) =	sbr.rel .LBB1_7-.Ltmp5, $4  }
0x52: {  	s31 =	sand.u32 $0x7, s12;
	s20 =	sor.u32 s23, s20;
	s21 =	smul.u32 s22, s21  }
0x53: {  	s20 =	sshrl.u32 s20, $0x3;
	s22 =	sshll.u32 s31, $0x12  }
0x54: {  	s20 =	sadd.s32 s3, s20;
	s22 =	sor.u32 $0x200, s22;
	s21 =	sand.u32 $0x3FFFFFFC, s21  }
0x55: {  	[hbm4b:s20+s22] =	stream.strided.scatter [tilespmem:s19], [sflag:$0x2], s21, s11, s22, $0x20;
	[tilespmem:$0x10100] =	vst v63  }
.LBB1_8:
0x56: {  	_ =	sfence.sel $0x180000  }
0x57: {  	s2 =	simm.s32 $0x1;
	[bflag:$0x0] =	sbarrier.arrive $0xFFFF  }
0x58: {  	s31 =	simm.s32 $0x2;
	[sflag:s2] =	ssyncpa.u1 $0x1  }
0x59: {  	[sflag:s31] =	ssyncpa.u1 $0x1  }
0x5a: {  	p0 =	sne.s32 s0, $0x0;
	_ =	strace $0x90000047  }
0x5b: {  	s0 =	sadd.s32 @!p0 $0x100000, s1;
	[bflag:$0x2] =	sbarrier.arrive $0xFFFF  }
0x5c: {  	[sflag:s0] =	ssyncadd.tile.s32 @!p0 $0x1;
	_ =	shalt  }
.Lfunc_end1:
_tile_overlayer_lowered:
.L_overlay_start_2:
0x5d: {  	(tag) =	ssettag $0x2  }
0x5e: {  	s0 =	rddreg [dreg:$0x0];
	s2 =	stileid.u32  }
0x5f: {  	s1 =	rddreg [dreg:$0x1];
	p0 =	sne.s32 s2, $0x0  }
0x60: {  	s3 =	rddreg [dreg:$0x2];
	[bflag:$0x3] =	sbarrier.arrive $0xFFFF;
	s2 =	simm.s32 @!p0 $0x1C01  }
0x61: {  	[timem:s3], [sflag:s2] =	dma.local @!p0 [hbm:s0], s1  }
0x62: {  	s0 =	simm.s32 @!p0 $0x1  }
0x63: {  	_ =	swait.ge @!p0 [sflag:s0], s1  }
0x64: {  	s1 =	ssub.s32 @!p0 $0x0, s1;
	[sflag:s0] =	ssyncset.done @!p0 $0x0  }
0x65: {  	[sflag:s0] =	ssyncadd.s32 @!p0 s1  }
0x66: {  	[bflag:$0x3] =	sbarrier.arrive $0xFFFF  }
0x67: {  	_ =	shalt  }

</sc_bundles>
